<compile_context>
chip_gen: v7x
topology: tpu7x:2x2x1
jax: 0.10.2.dev20260603
libtpu: 0.0.44.dev20260713+nightly
codegen_flags: <defaults>
</compile_context>

<pallas_src>
import functools

import jax
import jax.numpy as jnp
from jax import lax
from jax.experimental import pallas as pl
from jax.experimental.pallas import tpu as pltpu
from jax.experimental.pallas import tpu_sc as plsc

NC = 2
NS = 16
DW = 16
CH = 128


def _mesh():
    return plsc.VectorSubcoreMesh(core_axis_name="c", subcore_axis_name="s")


def _pad_rows(n):
    m = 8 * NS
    return ((n + m - 1) // m) * m


def _sc_degrees(ei, n, d):
    e = ei.shape[1]
    ncht = e // CH
    nfull = ncht // NS
    extra = ncht - nfull * NS
    nmain = (nfull // 8) * 8
    np_ = _pad_rows(n)
    rpt = np_ // NS

    @functools.partial(
        pl.kernel,
        out_type=(
            jax.ShapeDtypeStruct((np_, d), jnp.float32),
            jax.ShapeDtypeStruct((np_, d), jnp.float32),
        ),
        mesh=_mesh(),
        scratch_types=[
            pltpu.VMEM((8, 1, CH), jnp.int32),
            pltpu.VMEM((CH, d), jnp.float32),
            pltpu.VMEM_SHARED((np_, d), jnp.float32),
            [pltpu.SemaphoreType.DMA] * 8,
            [pltpu.SemaphoreType.DMA] * 8,
        ],
    )
    def deg_kernel(ei_h, ones_h, zero_h, dego_h, degi_h,
                   ei_v, ones_v, acc, isems, ssems):
        c = lax.axis_index("c")
        s = lax.axis_index("s")
        pltpu.sync_copy(ones_h, ones_v)
        sl = pl.ds(s * rpt, rpt)
        pltpu.sync_copy(zero_h.at[sl], acc.at[sl])
        plsc.subcore_barrier()

        def run(row):
            def fetch(chunk, b):
                pltpu.async_copy(
                    ei_h.at[row:row + 1, pl.ds(chunk * CH, CH)],
                    ei_v.at[b], isems[b])

            def wait_fetch(b):
                pltpu.make_async_copy(
                    ei_h.at[row:row + 1, pl.ds(0, CH)],
                    ei_v.at[b], isems[b]).wait()

            def start_scatter(b):
                pltpu.async_copy(ones_v, acc.at[ei_v.at[b, 0]], ssems[b],
                                 add=True)

            def wait_scatter(b):
                pltpu.make_async_copy(ones_v, acc.at[ei_v.at[b, 0]],
                                      ssems[b]).wait()

            for b in range(4):
                fetch((b * NS + s), b)

            def body(jj, carry):
                for b8 in range(8):
                    j = 8 * jj + b8
                    wait_fetch(b8)
                    start_scatter(b8)
                    b4 = (b8 + 4) % 8

                    @pl.when(j >= 4)
                    def _():
                        wait_scatter(b4)

                    @pl.when(j + 4 < nmain)
                    def _():
                        fetch((j + 4) * NS + s, b4)
                return carry
            lax.fori_loop(0, nmain // 8, body, 0)
            for t in range(4):
                wait_scatter((nmain - 4 + t) % 8)
            for j in range(nmain, nfull):
                fetch(j * NS + s, 0)
                wait_fetch(0)
                start_scatter(0)
                wait_scatter(0)
            if extra:
                @pl.when(s < extra)
                def _():
                    fetch(nfull * NS + s, 0)
                    wait_fetch(0)
                    start_scatter(0)
                    wait_scatter(0)

        @pl.when(c == 0)
        def _():
            run(0)

        @pl.when(c == 1)
        def _():
            run(1)
        plsc.subcore_barrier()

        @pl.when(c == 0)
        def _():
            pltpu.sync_copy(acc.at[sl], dego_h.at[sl])

        @pl.when(c == 1)
        def _():
            pltpu.sync_copy(acc.at[sl], degi_h.at[sl])

    zeros = jnp.zeros((np_, d), jnp.float32)
    ones = jnp.ones((CH, d), jnp.float32)
    return deg_kernel(ei, ones, zeros)


def _sc_aggregate(h, ei):
    n, d = h.shape
    e = ei.shape[1]
    nw = NC * NS
    ncht = e // CH
    nfull = ncht // nw
    extra = ncht - nfull * nw
    np_ = _pad_rows(n)
    rpt = np_ // NS

    @functools.partial(
        pl.kernel,
        out_type=jax.ShapeDtypeStruct((NC, np_, d), jnp.float32),
        mesh=_mesh(),
        scratch_types=[
            pltpu.VMEM((2, 2, CH), jnp.int32),
            pltpu.VMEM((2, CH, d), jnp.float32),
            pltpu.VMEM_SHARED((np_, d), jnp.float32),
            pltpu.SemaphoreType.DMA,
            pltpu.SemaphoreType.DMA,
        ],
    )
    def agg_kernel(h_h, ei_h, zero_h, out_h, ei_v, rows, acc, sem0, sem1):
        c = lax.axis_index("c")
        s = lax.axis_index("s")
        sems = (sem0, sem1)
        sl = pl.ds(s * rpt, rpt)
        pltpu.sync_copy(zero_h.at[sl], acc.at[sl])
        plsc.subcore_barrier()
        w = c * NS + s

        def fetch(chunk, b):
            pltpu.sync_copy(ei_h.at[:, pl.ds(chunk * CH, CH)], ei_v.at[b])
            pltpu.async_copy(h_h.at[ei_v.at[b, 0]], rows.at[b], sems[b])

        def drain(b):
            pltpu.make_async_copy(h_h.at[ei_v.at[b, 0]], rows.at[b],
                                  sems[b]).wait()
            pltpu.sync_copy(rows.at[b], acc.at[ei_v.at[b, 1]], add=True)

        for b in range(2):
            fetch(b * nw + w, b)

        def body(j2, carry):
            for b in range(2):
                j = 2 * j2 + b
                drain(b)

                @pl.when(j + 2 < nfull)
                def _():
                    fetch((j + 2) * nw + w, b)
            return carry
        lax.fori_loop(0, nfull // 2, body, 0)
        if nfull % 2:
            drain(0)
        if extra:
            @pl.when(w < extra)
            def _():
                fetch(nfull * nw + w, 0)
                drain(0)
        plsc.subcore_barrier()
        pltpu.sync_copy(acc.at[sl], out_h.at[c, sl])

    zeros = jnp.zeros((np_, d), jnp.float32)
    return agg_kernel(h, ei, zeros)


_BLK = 1000


def _norm_from(deg_ref, clip_lo=1.0):
    return lax.rsqrt(jnp.maximum(deg_ref[:, 0:1], clip_lo))


def _tc_scale(x, dego_p):
    n, d = x.shape

    def body(x_ref, dego_ref, o_ref):
        o_ref[...] = x_ref[...] * _norm_from(dego_ref)

    return pl.pallas_call(
        body,
        grid=(n // _BLK,),
        in_specs=[
            pl.BlockSpec((_BLK, d), lambda i: (i, 0)),
            pl.BlockSpec((_BLK, d), lambda i: (i, 0)),
        ],
        out_specs=pl.BlockSpec((_BLK, d), lambda i: (i, 0)),
        out_shape=jax.ShapeDtypeStruct((n, d), jnp.float32),
    )(x, dego_p)


def _tc_layer1(agg_p, degi_p, dego_p, W1, b1, W2, n):
    d = agg_p.shape[2]

    def body(p_ref, degi_ref, dego_ref, w1_ref, b1_ref, w2_ref, o_ref):
        a = (p_ref[0] + p_ref[1]) * _norm_from(degi_ref)
        h1 = jnp.maximum(
            jnp.dot(a, w1_ref[...], preferred_element_type=jnp.float32)
            + b1_ref[...][None, :], 0.0)
        g = h1 * _norm_from(dego_ref)
        o_ref[...] = jnp.dot(g, w2_ref[...], preferred_element_type=jnp.float32)

    return pl.pallas_call(
        body,
        grid=(n // _BLK,),
        in_specs=[
            pl.BlockSpec((NC, _BLK, d), lambda i: (0, i, 0)),
            pl.BlockSpec((_BLK, d), lambda i: (i, 0)),
            pl.BlockSpec((_BLK, d), lambda i: (i, 0)),
            pl.BlockSpec(W1.shape, lambda i: (0, 0)),
            pl.BlockSpec(b1.shape, lambda i: (0,)),
            pl.BlockSpec(W2.shape, lambda i: (0, 0)),
        ],
        out_specs=pl.BlockSpec((_BLK, W2.shape[1]), lambda i: (i, 0)),
        out_shape=jax.ShapeDtypeStruct((n, W2.shape[1]), jnp.float32),
    )(agg_p, degi_p, dego_p, W1, b1, W2)


def _tc_final(agg_p, degi_p, b2, Wm1, bm1, Wm2, bm2, n):
    d = agg_p.shape[2]

    def body(q_ref, degi_ref, b2_ref, wm1_ref, bm1_ref, wm2_ref, bm2_ref,
             out_ref, h2_ref):
        h2 = jnp.maximum(
            (q_ref[0] + q_ref[1]) * _norm_from(degi_ref)
            + b2_ref[...][None, :], 0.0)
        h2_ref[...] = h2
        t = jnp.maximum(
            jnp.dot(h2, wm1_ref[...], preferred_element_type=jnp.float32)
            + bm1_ref[...][None, :], 0.0)
        out_ref[...] = (
            jnp.dot(t, wm2_ref[...], preferred_element_type=jnp.float32)
            + bm2_ref[...][None, :])

    return pl.pallas_call(
        body,
        grid=(n // _BLK,),
        in_specs=[
            pl.BlockSpec((NC, _BLK, d), lambda i: (0, i, 0)),
            pl.BlockSpec((_BLK, d), lambda i: (i, 0)),
            pl.BlockSpec(b2.shape, lambda i: (0,)),
            pl.BlockSpec(Wm1.shape, lambda i: (0, 0)),
            pl.BlockSpec(bm1.shape, lambda i: (0,)),
            pl.BlockSpec(Wm2.shape, lambda i: (0, 0)),
            pl.BlockSpec(bm2.shape, lambda i: (0,)),
        ],
        out_specs=(
            pl.BlockSpec((_BLK, Wm2.shape[1]), lambda i: (i, 0)),
            pl.BlockSpec((_BLK, d), lambda i: (i, 0)),
        ),
        out_shape=(
            jax.ShapeDtypeStruct((n, Wm2.shape[1]), jnp.float32),
            jax.ShapeDtypeStruct((n, d), jnp.float32),
        ),
    )(agg_p, degi_p, b2, Wm1, bm1, Wm2, bm2)


def kernel(x, edge_index, W1, b1, W2, b2, Wm1, bm1, Wm2, bm2):
    n = x.shape[0]
    dego_p, degi_p = _sc_degrees(edge_index, n, x.shape[1])
    xs = _tc_scale(x, dego_p)
    agg1_p = _sc_aggregate(xs, edge_index)
    g = _tc_layer1(agg1_p, degi_p, dego_p, W1, b1, W2, n)
    agg2_p = _sc_aggregate(g, edge_index)
    out, h2 = _tc_final(agg2_p, degi_p, b2, Wm1, bm1, Wm2, bm2, n)
    return (out, h2)

# --- scband reference (transcript-rebuilt; emitter-appended) ---
"""Pipeline reference for scband-gat-76012331205027 (READ-ONLY COPY).

The authoritative reference and input builder live on the scoring server;
editing this copy changes nothing except your own understanding.
"""

import jax, jax.numpy as jnp
import numpy as np

N = 10000
E = 320000
D_IN = 128
HID = 128
D_OUT = 128


def _graph_conv(x, src, dst, W, b, n):
    # DGL GraphConv with norm='both': D^{-1/2} A D^{-1/2} X W + b
    deg_out = jnp.zeros((n,), jnp.float32).at[src].add(1.0)
    deg_in = jnp.zeros((n,), jnp.float32).at[dst].add(1.0)
    norm_src = jax.lax.rsqrt(jnp.clip(deg_out, 1.0))
    norm_dst = jax.lax.rsqrt(jnp.clip(deg_in, 1.0))
    h = x * norm_src[:, None]
    msg = jnp.take(h, src, axis=0)
    agg = jnp.zeros_like(h).at[dst].add(msg)
    agg = agg * norm_dst[:, None]
    return agg @ W + b


def setup_inputs(seed: int = 0):
    key = jax.random.key(seed)
    ks = jax.random.split(key, 10)
    x = jax.random.normal(ks[0], (N, D_IN), dtype=jnp.float32)
    edge_index = jax.random.randint(ks[1], (2, E), 0, N, dtype=jnp.int32)
    W1 = jax.random.normal(ks[2], (D_IN, 2 * HID), dtype=jnp.float32) * (1.0 / np.sqrt(D_IN))
    b1 = jnp.zeros((2 * HID,), jnp.float32)
    W2 = jax.random.normal(ks[3], (2 * HID, HID), dtype=jnp.float32) * (1.0 / np.sqrt(2 * HID))
    b2 = jnp.zeros((HID,), jnp.float32)
    Wm1 = jax.random.normal(ks[4], (HID, HID // 2), dtype=jnp.float32) * (1.0 / np.sqrt(HID))
    bm1 = jnp.zeros((HID // 2,), jnp.float32)
    Wm2 = jax.random.normal(ks[5], (HID // 2, D_OUT), dtype=jnp.float32) * (1.0 / np.sqrt(HID // 2))
    bm2 = jnp.zeros((D_OUT,), jnp.float32)
    return {"x": x, "edge_index": edge_index, "W1": W1, "b1": b1, "W2": W2, "b2": b2, "Wm1": Wm1, "bm1": bm1, "Wm2": Wm2, "bm2": bm2}


def reference(x, edge_index, W1, b1, W2, b2, Wm1, bm1, Wm2, bm2):
    # eval-mode: dropout layers are identity
    src = edge_index[0]
    dst = edge_index[1]
    n = x.shape[0]
    h = jax.nn.relu(_graph_conv(x, src, dst, W1, b1, n))
    h = jax.nn.relu(_graph_conv(h, src, dst, W2, b2, n))
    h_last = h
    out = jax.nn.relu(h_last @ Wm1 + bm1) @ Wm2 + bm2
    return (out, h_last)

if __name__ == "__main__":
    import jax
    _d = setup_inputs()
    print(jax.jit(kernel)(*tuple(_d.values())))

</pallas_src>

<mosaic_0001>
#map = affine_map<(d0, d1) -> (0, 0)>
module attributes {stable_mosaic.version = 14 : i64} {
  func.func @deg_kernel(%arg0: i32, %arg1: i32, %arg2: memref<2x320000xi32, #tpu.memory_space<hbm>>, %arg3: memref<128x128xf32, #tpu.memory_space<hbm>>, %arg4: memref<10112x128xf32, #tpu.memory_space<hbm>>, %arg5: memref<10112x128xf32, #tpu.memory_space<hbm>>, %arg6: memref<10112x128xf32, #tpu.memory_space<hbm>>, %arg7: memref<8x1x128xi32, #tpu.memory_space<vmem>>, %arg8: memref<128x128xf32, #tpu.memory_space<vmem>>, %arg9: memref<10112x128xf32, #tpu.memory_space<vmem_shared>>, %arg10: memref<!tpu.dma_semaphore, #tpu.memory_space<semaphore_mem>>, %arg11: memref<!tpu.dma_semaphore, #tpu.memory_space<semaphore_mem>>, %arg12: memref<!tpu.dma_semaphore, #tpu.memory_space<semaphore_mem>>, %arg13: memref<!tpu.dma_semaphore, #tpu.memory_space<semaphore_mem>>, %arg14: memref<!tpu.dma_semaphore, #tpu.memory_space<semaphore_mem>>, %arg15: memref<!tpu.dma_semaphore, #tpu.memory_space<semaphore_mem>>, %arg16: memref<!tpu.dma_semaphore, #tpu.memory_space<semaphore_mem>>, %arg17: memref<!tpu.dma_semaphore, #tpu.memory_space<semaphore_mem>>, %arg18: memref<!tpu.dma_semaphore, #tpu.memory_space<semaphore_mem>>, %arg19: memref<!tpu.dma_semaphore, #tpu.memory_space<semaphore_mem>>, %arg20: memref<!tpu.dma_semaphore, #tpu.memory_space<semaphore_mem>>, %arg21: memref<!tpu.dma_semaphore, #tpu.memory_space<semaphore_mem>>, %arg22: memref<!tpu.dma_semaphore, #tpu.memory_space<semaphore_mem>>, %arg23: memref<!tpu.dma_semaphore, #tpu.memory_space<semaphore_mem>>, %arg24: memref<!tpu.dma_semaphore, #tpu.memory_space<semaphore_mem>>, %arg25: memref<!tpu.dma_semaphore, #tpu.memory_space<semaphore_mem>>) attributes {dimension_semantics = [#tpu.dimension_semantics<core_parallel>, #tpu.dimension_semantics<subcore_parallel>], iteration_bounds = array<i64: 2, 16>, scalar_prefetch = 0 : i64, scratch_operands = 19 : i64, tpu.core_type = #tpu.core_type<sc_vector_subcore>, window_params = [{transform_indices = #map}, {transform_indices = #map}, {transform_indices = #map}, {transform_indices = #map}, {transform_indices = #map}]} {
    "tpu.region"() ({
      %run_scoped3A = tpu.sem_alloc : memref<!tpu.dma_semaphore, #tpu.memory_space<semaphore_mem>>
      tpu.enqueue_dma source(%arg3 : memref<128x128xf32, #tpu.memory_space<hbm>>) target(%arg8 : memref<128x128xf32, #tpu.memory_space<vmem>>) target_semaphore(%run_scoped3A : memref<!tpu.dma_semaphore, #tpu.memory_space<semaphore_mem>>)
      tpu.wait_dma2 semaphore(%run_scoped3A : memref<!tpu.dma_semaphore, #tpu.memory_space<semaphore_mem>>) src(%arg3 : memref<128x128xf32, #tpu.memory_space<hbm>>) dst(%arg8 : memref<128x128xf32, #tpu.memory_space<vmem>>)
      tpu.yield
    }) : () -> ()
    %mul3A = arith.constant 632 : i32
    %mul3A_0 = arith.muli %arg1, %mul3A : i32
    "tpu.region"() ({
      %run_scoped3A = tpu.sem_alloc : memref<!tpu.dma_semaphore, #tpu.memory_space<semaphore_mem>>
      %dma_start3A = arith.constant 0 : i32
      %dma_start3A_19 = tpu.memref_slice %arg9[%mul3A_0, %dma_start3A] : memref<10112x128xf32, #tpu.memory_space<vmem_shared>> -> memref<632x128xf32, #tpu.memory_space<vmem_shared>>
      %dma_start3A_20 = arith.constant 0 : i32
      %dma_start3A_21 = tpu.memref_slice %arg4[%mul3A_0, %dma_start3A_20] : memref<10112x128xf32, #tpu.memory_space<hbm>> -> memref<632x128xf32, #tpu.memory_space<hbm>>
      tpu.enqueue_dma source(%dma_start3A_21 : memref<632x128xf32, #tpu.memory_space<hbm>>) target(%dma_start3A_19 : memref<632x128xf32, #tpu.memory_space<vmem_shared>>) target_semaphore(%run_scoped3A : memref<!tpu.dma_semaphore, #tpu.memory_space<semaphore_mem>>)
      %dma_wait3A = arith.constant 0 : i32
      %dma_wait3A_22 = tpu.memref_slice %arg9[%mul3A_0, %dma_wait3A] : memref<10112x128xf32, #tpu.memory_space<vmem_shared>> -> memref<632x128xf32, #tpu.memory_space<vmem_shared>>
      %dma_wait3A_23 = arith.constant 0 : i32
      %dma_wait3A_24 = tpu.memref_slice %arg4[%mul3A_0, %dma_wait3A_23] : memref<10112x128xf32, #tpu.memory_space<hbm>> -> memref<632x128xf32, #tpu.memory_space<hbm>>
      tpu.wait_dma2 semaphore(%run_scoped3A : memref<!tpu.dma_semaphore, #tpu.memory_space<semaphore_mem>>) src(%dma_wait3A_24 : memref<632x128xf32, #tpu.memory_space<hbm>>) dst(%dma_wait3A_22 : memref<632x128xf32, #tpu.memory_space<vmem_shared>>)
      tpu.yield
    }) : () -> ()
    %barrier3A = arith.constant 0 : index
    tpu.barrier barrier_id(%barrier3A)
    %eq3A = arith.constant 0 : i32
    %eq3A_1 = arith.cmpi eq, %arg0, %eq3A : i32
    %convert_element_type3A = arith.extui %eq3A_1 : i1 to i32
    %cond3A = arith.constant 0 : i32
    %cond3A_2 = arith.cmpi ne, %convert_element_type3A, %cond3A : i32
    scf.if %cond3A_2 {
      %add3A = arith.constant 0 : i32
      %add3A_19 = arith.addi %add3A, %arg1 : i32
      %mul3A_20 = arith.constant 128 : i32
      %mul3A_21 = arith.muli %add3A_19, %mul3A_20 : i32
      %dma_start3A = arith.constant 0 : i32
      %dma_start3A_22 = arith.constant 0 : i32
      %dma_start3A_23 = arith.constant 0 : i32
      %dma_start3A_24 = tpu.memref_slice %arg7[%dma_start3A, %dma_start3A_22, %dma_start3A_23] : memref<8x1x128xi32, #tpu.memory_space<vmem>> -> memref<1x1x128xi32, #tpu.memory_space<vmem>>
      %dma_start3A_25 = tpu.memref_squeeze %dma_start3A_24 : memref<1x1x128xi32, #tpu.memory_space<vmem>> -> memref<1x128xi32, #tpu.memory_space<vmem>>
      %dma_start3A_26 = arith.constant 0 : i32
      %dma_start3A_27 = tpu.memref_slice %arg2[%dma_start3A_26, %mul3A_21] : memref<2x320000xi32, #tpu.memory_space<hbm>> -> memref<1x128xi32, #tpu.memory_space<hbm>>
      %dma_start3A_28 = arith.constant 0 : i32
      %dma_start3A_29 = arith.constant 0 : i32
      %dma_start3A_30 = tpu.memref_slice %arg7[%dma_start3A, %dma_start3A_28, %dma_start3A_29] : memref<8x1x128xi32, #tpu.memory_space<vmem>> -> memref<1x1x128xi32, #tpu.memory_space<vmem>>
      %dma_start3A_31 = tpu.memref_squeeze %dma_start3A_30 : memref<1x1x128xi32, #tpu.memory_space<vmem>> -> memref<1x128xi32, #tpu.memory_space<vmem>>
      %dma_start3A_32 = arith.constant 0 : i32
      %dma_start3A_33 = tpu.memref_slice %arg2[%dma_start3A_32, %mul3A_21] : memref<2x320000xi32, #tpu.memory_space<hbm>> -> memref<1x128xi32, #tpu.memory_space<hbm>>
      tpu.enqueue_dma source(%dma_start3A_33 : memref<1x128xi32, #tpu.memory_space<hbm>>) target(%dma_start3A_31 : memref<1x128xi32, #tpu.memory_space<vmem>>) target_semaphore(%arg10 : memref<!tpu.dma_semaphore, #tpu.memory_space<semaphore_mem>>)
      %add3A_34 = arith.constant 16 : i32
      %add3A_35 = arith.addi %add3A_34, %arg1 : i32
      %mul3A_36 = arith.constant 128 : i32
      %mul3A_37 = arith.muli %add3A_35, %mul3A_36 : i32
      %dma_start3A_38 = arith.constant 1 : i32
      %dma_start3A_39 = arith.constant 0 : i32
      %dma_start3A_40 = arith.constant 0 : i32
      %dma_start3A_41 = tpu.memref_slice %arg7[%dma_start3A_38, %dma_start3A_39, %dma_start3A_40] : memref<8x1x128xi32, #tpu.memory_space<vmem>> -> memref<1x1x128xi32, #tpu.memory_space<vmem>>
      %dma_start3A_42 = tpu.memref_squeeze %dma_start3A_41 : memref<1x1x128xi32, #tpu.memory_space<vmem>> -> memref<1x128xi32, #tpu.memory_space<vmem>>
      %dma_start3A_43 = arith.constant 0 : i32
      %dma_start3A_44 = tpu.memref_slice %arg2[%dma_start3A_43, %mul3A_37] : memref<2x320000xi32, #tpu.memory_space<hbm>> -> memref<1x128xi32, #tpu.memory_space<hbm>>
      %dma_start3A_45 = arith.constant 0 : i32
      %dma_start3A_46 = arith.constant 0 : i32
      %dma_start3A_47 = tpu.memref_slice %arg7[%dma_start3A_38, %dma_start3A_45, %dma_start3A_46] : memref<8x1x128xi32, #tpu.memory_space<vmem>> -> memref<1x1x128xi32, #tpu.memory_space<vmem>>
      %dma_start3A_48 = tpu.memref_squeeze %dma_start3A_47 : memref<1x1x128xi32, #tpu.memory_space<vmem>> -> memref<1x128xi32, #tpu.memory_space<vmem>>
      %dma_start3A_49 = arith.constant 0 : i32
      %dma_start3A_50 = tpu.memref_slice %arg2[%dma_start3A_49, %mul3A_37] : memref<2x320000xi32, #tpu.memory_space<hbm>> -> memref<1x128xi32, #tpu.memory_space<hbm>>
      tpu.enqueue_dma source(%dma_start3A_50 : memref<1x128xi32, #tpu.memory_space<hbm>>) target(%dma_start3A_48 : memref<1x128xi32, #tpu.memory_space<vmem>>) target_semaphore(%arg11 : memref<!tpu.dma_semaphore, #tpu.memory_space<semaphore_mem>>)
      %add3A_51 = arith.constant 32 : i32
      %add3A_52 = arith.addi %add3A_51, %arg1 : i32
      %mul3A_53 = arith.constant 128 : i32
      %mul3A_54 = arith.muli %add3A_52, %mul3A_53 : i32
      %dma_start3A_55 = arith.constant 2 : i32
      %dma_start3A_56 = arith.constant 0 : i32
      %dma_start3A_57 = arith.constant 0 : i32
      %dma_start3A_58 = tpu.memref_slice %arg7[%dma_start3A_55, %dma_start3A_56, %dma_start3A_57] : memref<8x1x128xi32, #tpu.memory_space<vmem>> -> memref<1x1x128xi32, #tpu.memory_space<vmem>>
      %dma_start3A_59 = tpu.memref_squeeze %dma_start3A_58 : memref<1x1x128xi32, #tpu.memory_space<vmem>> -> memref<1x128xi32, #tpu.memory_space<vmem>>
      %dma_start3A_60 = arith.constant 0 : i32
      %dma_start3A_61 = tpu.memref_slice %arg2[%dma_start3A_60, %mul3A_54] : memref<2x320000xi32, #tpu.memory_space<hbm>> -> memref<1x128xi32, #tpu.memory_space<hbm>>
      %dma_start3A_62 = arith.constant 0 : i32
      %dma_start3A_63 = arith.constant 0 : i32
      %dma_start3A_64 = tpu.memref_slice %arg7[%dma_start3A_55, %dma_start3A_62, %dma_start3A_63] : memref<8x1x128xi32, #tpu.memory_space<vmem>> -> memref<1x1x128xi32, #tpu.memory_space<vmem>>
      %dma_start3A_65 = tpu.memref_squeeze %dma_start3A_64 : memref<1x1x128xi32, #tpu.memory_space<vmem>> -> memref<1x128xi32, #tpu.memory_space<vmem>>
      %dma_start3A_66 = arith.constant 0 : i32
      %dma_start3A_67 = tpu.memref_slice %arg2[%dma_start3A_66, %mul3A_54] : memref<2x320000xi32, #tpu.memory_space<hbm>> -> memref<1x128xi32, #tpu.memory_space<hbm>>
      tpu.enqueue_dma source(%dma_start3A_67 : memref<1x128xi32, #tpu.memory_space<hbm>>) target(%dma_start3A_65 : memref<1x128xi32, #tpu.memory_space<vmem>>) target_semaphore(%arg12 : memref<!tpu.dma_semaphore, #tpu.memory_space<semaphore_mem>>)
      %add3A_68 = arith.constant 48 : i32
      %add3A_69 = arith.addi %add3A_68, %arg1 : i32
      %mul3A_70 = arith.constant 128 : i32
      %mul3A_71 = arith.muli %add3A_69, %mul3A_70 : i32
      %dma_start3A_72 = arith.constant 3 : i32
      %dma_start3A_73 = arith.constant 0 : i32
      %dma_start3A_74 = arith.constant 0 : i32
      %dma_start3A_75 = tpu.memref_slice %arg7[%dma_start3A_72, %dma_start3A_73, %dma_start3A_74] : memref<8x1x128xi32, #tpu.memory_space<vmem>> -> memref<1x1x128xi32, #tpu.memory_space<vmem>>
      %dma_start3A_76 = tpu.memref_squeeze %dma_start3A_75 : memref<1x1x128xi32, #tpu.memory_space<vmem>> -> memref<1x128xi32, #tpu.memory_space<vmem>>
      %dma_start3A_77 = arith.constant 0 : i32
      %dma_start3A_78 = tpu.memref_slice %arg2[%dma_start3A_77, %mul3A_71] : memref<2x320000xi32, #tpu.memory_space<hbm>> -> memref<1x128xi32, #tpu.memory_space<hbm>>
      %dma_start3A_79 = arith.constant 0 : i32
      %dma_start3A_80 = arith.constant 0 : i32
      %dma_start3A_81 = tpu.memref_slice %arg7[%dma_start3A_72, %dma_start3A_79, %dma_start3A_80] : memref<8x1x128xi32, #tpu.memory_space<vmem>> -> memref<1x1x128xi32, #tpu.memory_space<vmem>>
      %dma_start3A_82 = tpu.memref_squeeze %dma_start3A_81 : memref<1x1x128xi32, #tpu.memory_space<vmem>> -> memref<1x128xi32, #tpu.memory_space<vmem>>
      %dma_start3A_83 = arith.constant 0 : i32
      %dma_start3A_84 = tpu.memref_slice %arg2[%dma_start3A_83, %mul3A_71] : memref<2x320000xi32, #tpu.memory_space<hbm>> -> memref<1x128xi32, #tpu.memory_space<hbm>>
      tpu.enqueue_dma source(%dma_start3A_84 : memref<1x128xi32, #tpu.memory_space<hbm>>) target(%dma_start3A_82 : memref<1x128xi32, #tpu.memory_space<vmem>>) target_semaphore(%arg13 : memref<!tpu.dma_semaphore, #tpu.memory_space<semaphore_mem>>)
      %scan3A = arith.constant 0 : i32
      %scan3A_85 = arith.constant 0 : i32
      %scan3A_86 = arith.constant 19 : i32
      %scan3A_87 = arith.addi %scan3A_85, %scan3A_86 : i32
      %scan3A_88 = arith.constant 1 : i32
      scf.for %scan3A_317 = %scan3A_85 to %scan3A_87 step %scan3A_88  : i32 {
        %mul3A_318 = arith.constant 8 : i32
        %mul3A_319 = arith.muli %mul3A_318, %scan3A_317 : i32
        %add3A_320 = arith.constant 0 : i32
        %add3A_321 = arith.addi %mul3A_319, %add3A_320 : i32
        %dma_wait3A_322 = arith.constant 0 : i32
        %dma_wait3A_323 = arith.constant 0 : i32
        %dma_wait3A_324 = arith.constant 0 : i32
        %dma_wait3A_325 = tpu.memref_slice %arg7[%dma_wait3A_322, %dma_wait3A_323, %dma_wait3A_324] : memref<8x1x128xi32, #tpu.memory_space<vmem>> -> memref<1x1x128xi32, #tpu.memory_space<vmem>>
        %dma_wait3A_326 = tpu.memref_squeeze %dma_wait3A_325 : memref<1x1x128xi32, #tpu.memory_space<vmem>> -> memref<1x128xi32, #tpu.memory_space<vmem>>
        %dma_wait3A_327 = arith.constant 0 : i32
        %dma_wait3A_328 = arith.constant 0 : i32
        %dma_wait3A_329 = tpu.memref_slice %arg2[%dma_wait3A_327, %dma_wait3A_328] : memref<2x320000xi32, #tpu.memory_space<hbm>> -> memref<1x128xi32, #tpu.memory_space<hbm>>
        %dma_wait3A_330 = arith.constant 0 : i32
        %dma_wait3A_331 = arith.constant 0 : i32
        %dma_wait3A_332 = tpu.memref_slice %arg7[%dma_wait3A_322, %dma_wait3A_330, %dma_wait3A_331] : memref<8x1x128xi32, #tpu.memory_space<vmem>> -> memref<1x1x128xi32, #tpu.memory_space<vmem>>
        %dma_wait3A_333 = tpu.memref_squeeze %dma_wait3A_332 : memref<1x1x128xi32, #tpu.memory_space<vmem>> -> memref<1x128xi32, #tpu.memory_space<vmem>>
        %dma_wait3A_334 = arith.constant 0 : i32
        %dma_wait3A_335 = arith.constant 0 : i32
        %dma_wait3A_336 = tpu.memref_slice %arg2[%dma_wait3A_334, %dma_wait3A_335] : memref<2x320000xi32, #tpu.memory_space<hbm>> -> memref<1x128xi32, #tpu.memory_space<hbm>>
        tpu.wait_dma2 semaphore(%arg10 : memref<!tpu.dma_semaphore, #tpu.memory_space<semaphore_mem>>) src(%dma_wait3A_336 : memref<1x128xi32, #tpu.memory_space<hbm>>) dst(%dma_wait3A_333 : memref<1x128xi32, #tpu.memory_space<vmem>>)
        %dma_start3A_337 = arith.constant 0 : i32
        %dma_start3A_338 = arith.constant 0 : i32
        %dma_start3A_339 = arith.constant 0 : i32
        %dma_start3A_340 = tpu.memref_slice %arg7[%dma_start3A_337, %dma_start3A_338, %dma_start3A_339] : memref<8x1x128xi32, #tpu.memory_space<vmem>> -> memref<1x1x128xi32, #tpu.memory_space<vmem>>
        %dma_start3A_341 = tpu.memref_squeeze %dma_start3A_340 : memref<1x1x128xi32, #tpu.memory_space<vmem>> -> memref<128xi32, #tpu.memory_space<vmem>>
        %dma_start3A_342 = arith.constant 0 : i32
        %dma_start3A_343 = arith.constant 0 : i32
        %dma_start3A_344 = tpu.memref_slice %arg9[%dma_start3A_342, %dma_start3A_343] : memref<10112x128xf32, #tpu.memory_space<vmem_shared>> -> memref<10112x128xf32, #tpu.memory_space<vmem_shared>>
        tpu.enqueue_indirect_dma source(%arg8 : memref<128x128xf32, #tpu.memory_space<vmem>>) target(%dma_start3A_344 : memref<10112x128xf32, #tpu.memory_space<vmem_shared>>) offsets(%dma_start3A_341 : memref<128xi32, #tpu.memory_space<vmem>>) semaphore(%arg18 : memref<!tpu.dma_semaphore, #tpu.memory_space<semaphore_mem>>) {add = true}
        %ge3A = arith.constant 4 : i32
        %ge3A_345 = arith.cmpi sge, %add3A_321, %ge3A : i32
        %convert_element_type3A_346 = arith.extui %ge3A_345 : i1 to i32
        %cond3A_347 = arith.constant 0 : i32
        %cond3A_348 = arith.cmpi ne, %convert_element_type3A_346, %cond3A_347 : i32
        scf.if %cond3A_348 {
          %dma_wait3A_629 = arith.constant 4 : i32
          %dma_wait3A_630 = arith.constant 0 : i32
          %dma_wait3A_631 = arith.constant 0 : i32
          %dma_wait3A_632 = tpu.memref_slice %arg7[%dma_wait3A_629, %dma_wait3A_630, %dma_wait3A_631] : memref<8x1x128xi32, #tpu.memory_space<vmem>> -> memref<1x1x128xi32, #tpu.memory_space<vmem>>
          %dma_wait3A_633 = tpu.memref_squeeze %dma_wait3A_632 : memref<1x1x128xi32, #tpu.memory_space<vmem>> -> memref<128xi32, #tpu.memory_space<vmem>>
          %dma_wait3A_634 = arith.constant 0 : i32
          %dma_wait3A_635 = arith.constant 0 : i32
          %dma_wait3A_636 = tpu.memref_slice %arg9[%dma_wait3A_634, %dma_wait3A_635] : memref<10112x128xf32, #tpu.memory_space<vmem_shared>> -> memref<10112x128xf32, #tpu.memory_space<vmem_shared>>
          tpu.wait_indirect_dma semaphore(%arg22 : memref<!tpu.dma_semaphore, #tpu.memory_space<semaphore_mem>>) src(%arg8 : memref<128x128xf32, #tpu.memory_space<vmem>>) dst(%dma_wait3A_636 : memref<10112x128xf32, #tpu.memory_space<vmem_shared>>)
        } else {
        }
        %add3A_349 = arith.constant 4 : i32
        %add3A_350 = arith.addi %add3A_321, %add3A_349 : i32
        %lt3A_351 = arith.constant 152 : i32
        %lt3A_352 = arith.cmpi slt, %add3A_350, %lt3A_351 : i32
        %convert_element_type3A_353 = arith.extui %lt3A_352 : i1 to i32
        %cond3A_354 = arith.constant 0 : i32
        %cond3A_355 = arith.cmpi ne, %convert_element_type3A_353, %cond3A_354 : i32
        scf.if %cond3A_355 {
          %add3A_629 = arith.constant 4 : i32
          %add3A_630 = arith.addi %add3A_321, %add3A_629 : i32
          %mul3A_631 = arith.constant 16 : i32
          %mul3A_632 = arith.muli %add3A_630, %mul3A_631 : i32
          %add3A_633 = arith.addi %mul3A_632, %arg1 : i32
          %mul3A_634 = arith.constant 128 : i32
          %mul3A_635 = arith.muli %add3A_633, %mul3A_634 : i32
          %dma_start3A_636 = arith.constant 4 : i32
          %dma_start3A_637 = arith.constant 0 : i32
          %dma_start3A_638 = arith.constant 0 : i32
          %dma_start3A_639 = tpu.memref_slice %arg7[%dma_start3A_636, %dma_start3A_637, %dma_start3A_638] : memref<8x1x128xi32, #tpu.memory_space<vmem>> -> memref<1x1x128xi32, #tpu.memory_space<vmem>>
          %dma_start3A_640 = tpu.memref_squeeze %dma_start3A_639 : memref<1x1x128xi32, #tpu.memory_space<vmem>> -> memref<1x128xi32, #tpu.memory_space<vmem>>
          %dma_start3A_641 = arith.constant 0 : i32
          %dma_start3A_642 = tpu.memref_slice %arg2[%dma_start3A_641, %mul3A_635] : memref<2x320000xi32, #tpu.memory_space<hbm>> -> memref<1x128xi32, #tpu.memory_space<hbm>>
          %dma_start3A_643 = arith.constant 0 : i32
          %dma_start3A_644 = arith.constant 0 : i32
          %dma_start3A_645 = tpu.memref_slice %arg7[%dma_start3A_636, %dma_start3A_643, %dma_start3A_644] : memref<8x1x128xi32, #tpu.memory_space<vmem>> -> memref<1x1x128xi32, #tpu.memory_space<vmem>>
          %dma_start3A_646 = tpu.memref_squeeze %dma_start3A_645 : memref<1x1x128xi32, #tpu.memory_space<vmem>> -> memref<1x128xi32, #tpu.memory_space<vmem>>
          %dma_start3A_647 = arith.constant 0 : i32
          %dma_start3A_648 = tpu.memref_slice %arg2[%dma_start3A_647, %mul3A_635] : memref<2x320000xi32, #tpu.memory_space<hbm>> -> memref<1x128xi32, #tpu.memory_space<hbm>>
          tpu.enqueue_dma source(%dma_start3A_648 : memref<1x128xi32, #tpu.memory_space<hbm>>) target(%dma_start3A_646 : memref<1x128xi32, #tpu.memory_space<vmem>>) target_semaphore(%arg14 : memref<!tpu.dma_semaphore, #tpu.memory_space<semaphore_mem>>)
        } else {
        }
        %mul3A_356 = arith.constant 8 : i32
        %mul3A_357 = arith.muli %mul3A_356, %scan3A_317 : i32
        %add3A_358 = arith.constant 1 : i32
        %add3A_359 = arith.addi %mul3A_357, %add3A_358 : i32
        %dma_wait3A_360 = arith.constant 1 : i32
        %dma_wait3A_361 = arith.constant 0 : i32
        %dma_wait3A_362 = arith.constant 0 : i32
        %dma_wait3A_363 = tpu.memref_slice %arg7[%dma_wait3A_360, %dma_wait3A_361, %dma_wait3A_362] : memref<8x1x128xi32, #tpu.memory_space<vmem>> -> memref<1x1x128xi32, #tpu.memory_space<vmem>>
        %dma_wait3A_364 = tpu.memref_squeeze %dma_wait3A_363 : memref<1x1x128xi32, #tpu.memory_space<vmem>> -> memref<1x128xi32, #tpu.memory_space<vmem>>
        %dma_wait3A_365 = arith.constant 0 : i32
        %dma_wait3A_366 = arith.constant 0 : i32
        %dma_wait3A_367 = tpu.memref_slice %arg2[%dma_wait3A_365, %dma_wait3A_366] : memref<2x320000xi32, #tpu.memory_space<hbm>> -> memref<1x128xi32, #tpu.memory_space<hbm>>
        %dma_wait3A_368 = arith.constant 0 : i32
        %dma_wait3A_369 = arith.constant 0 : i32
        %dma_wait3A_370 = tpu.memref_slice %arg7[%dma_wait3A_360, %dma_wait3A_368, %dma_wait3A_369] : memref<8x1x128xi32, #tpu.memory_space<vmem>> -> memref<1x1x128xi32, #tpu.memory_space<vmem>>
        %dma_wait3A_371 = tpu.memref_squeeze %dma_wait3A_370 : memref<1x1x128xi32, #tpu.memory_space<vmem>> -> memref<1x128xi32, #tpu.memory_space<vmem>>
        %dma_wait3A_372 = arith.constant 0 : i32
        %dma_wait3A_373 = arith.constant 0 : i32
        %dma_wait3A_374 = tpu.memref_slice %arg2[%dma_wait3A_372, %dma_wait3A_373] : memref<2x320000xi32, #tpu.memory_space<hbm>> -> memref<1x128xi32, #tpu.memory_space<hbm>>
        tpu.wait_dma2 semaphore(%arg11 : memref<!tpu.dma_semaphore, #tpu.memory_space<semaphore_mem>>) src(%dma_wait3A_374 : memref<1x128xi32, #tpu.memory_space<hbm>>) dst(%dma_wait3A_371 : memref<1x128xi32, #tpu.memory_space<vmem>>)
        %dma_start3A_375 = arith.constant 1 : i32
        %dma_start3A_376 = arith.constant 0 : i32
        %dma_start3A_377 = arith.constant 0 : i32
        %dma_start3A_378 = tpu.memref_slice %arg7[%dma_start3A_375, %dma_start3A_376, %dma_start3A_377] : memref<8x1x128xi32, #tpu.memory_space<vmem>> -> memref<1x1x128xi32, #tpu.memory_space<vmem>>
        %dma_start3A_379 = tpu.memref_squeeze %dma_start3A_378 : memref<1x1x128xi32, #tpu.memory_space<vmem>> -> memref<128xi32, #tpu.memory_space<vmem>>
        %dma_start3A_380 = arith.constant 0 : i32
        %dma_start3A_381 = arith.constant 0 : i32
        %dma_start3A_382 = tpu.memref_slice %arg9[%dma_start3A_380, %dma_start3A_381] : memref<10112x128xf32, #tpu.memory_space<vmem_shared>> -> memref<10112x128xf32, #tpu.memory_space<vmem_shared>>
        tpu.enqueue_indirect_dma source(%arg8 : memref<128x128xf32, #tpu.memory_space<vmem>>) target(%dma_start3A_382 : memref<10112x128xf32, #tpu.memory_space<vmem_shared>>) offsets(%dma_start3A_379 : memref<128xi32, #tpu.memory_space<vmem>>) semaphore(%arg19 : memref<!tpu.dma_semaphore, #tpu.memory_space<semaphore_mem>>) {add = true}
        %ge3A_383 = arith.constant 4 : i32
        %ge3A_384 = arith.cmpi sge, %add3A_359, %ge3A_383 : i32
        %convert_element_type3A_385 = arith.extui %ge3A_384 : i1 to i32
        %cond3A_386 = arith.constant 0 : i32
        %cond3A_387 = arith.cmpi ne, %convert_element_type3A_385, %cond3A_386 : i32
        scf.if %cond3A_387 {
          %dma_wait3A_629 = arith.constant 5 : i32
          %dma_wait3A_630 = arith.constant 0 : i32
          %dma_wait3A_631 = arith.constant 0 : i32
          %dma_wait3A_632 = tpu.memref_slice %arg7[%dma_wait3A_629, %dma_wait3A_630, %dma_wait3A_631] : memref<8x1x128xi32, #tpu.memory_space<vmem>> -> memref<1x1x128xi32, #tpu.memory_space<vmem>>
          %dma_wait3A_633 = tpu.memref_squeeze %dma_wait3A_632 : memref<1x1x128xi32, #tpu.memory_space<vmem>> -> memref<128xi32, #tpu.memory_space<vmem>>
          %dma_wait3A_634 = arith.constant 0 : i32
          %dma_wait3A_635 = arith.constant 0 : i32
          %dma_wait3A_636 = tpu.memref_slice %arg9[%dma_wait3A_634, %dma_wait3A_635] : memref<10112x128xf32, #tpu.memory_space<vmem_shared>> -> memref<10112x128xf32, #tpu.memory_space<vmem_shared>>
          tpu.wait_indirect_dma semaphore(%arg23 : memref<!tpu.dma_semaphore, #tpu.memory_space<semaphore_mem>>) src(%arg8 : memref<128x128xf32, #tpu.memory_space<vmem>>) dst(%dma_wait3A_636 : memref<10112x128xf32, #tpu.memory_space<vmem_shared>>)
        } else {
        }
        %add3A_388 = arith.constant 4 : i32
        %add3A_389 = arith.addi %add3A_359, %add3A_388 : i32
        %lt3A_390 = arith.constant 152 : i32
        %lt3A_391 = arith.cmpi slt, %add3A_389, %lt3A_390 : i32
        %convert_element_type3A_392 = arith.extui %lt3A_391 : i1 to i32
        %cond3A_393 = arith.constant 0 : i32
        %cond3A_394 = arith.cmpi ne, %convert_element_type3A_392, %cond3A_393 : i32
        scf.if %cond3A_394 {
          %add3A_629 = arith.constant 4 : i32
          %add3A_630 = arith.addi %add3A_359, %add3A_629 : i32
          %mul3A_631 = arith.constant 16 : i32
          %mul3A_632 = arith.muli %add3A_630, %mul3A_631 : i32
          %add3A_633 = arith.addi %mul3A_632, %arg1 : i32
          %mul3A_634 = arith.constant 128 : i32
          %mul3A_635 = arith.muli %add3A_633, %mul3A_634 : i32
          %dma_start3A_636 = arith.constant 5 : i32
          %dma_start3A_637 = arith.constant 0 : i32
          %dma_start3A_638 = arith.constant 0 : i32
          %dma_start3A_639 = tpu.memref_slice %arg7[%dma_start3A_636, %dma_start3A_637, %dma_start3A_638] : memref<8x1x128xi32, #tpu.memory_space<vmem>> -> memref<1x1x128xi32, #tpu.memory_space<vmem>>
          %dma_start3A_640 = tpu.memref_squeeze %dma_start3A_639 : memref<1x1x128xi32, #tpu.memory_space<vmem>> -> memref<1x128xi32, #tpu.memory_space<vmem>>
          %dma_start3A_641 = arith.constant 0 : i32
          %dma_start3A_642 = tpu.memref_slice %arg2[%dma_start3A_641, %mul3A_635] : memref<2x320000xi32, #tpu.memory_space<hbm>> -> memref<1x128xi32, #tpu.memory_space<hbm>>
          %dma_start3A_643 = arith.constant 0 : i32
          %dma_start3A_644 = arith.constant 0 : i32
          %dma_start3A_645 = tpu.memref_slice %arg7[%dma_start3A_636, %dma_start3A_643, %dma_start3A_644] : memref<8x1x128xi32, #tpu.memory_space<vmem>> -> memref<1x1x128xi32, #tpu.memory_space<vmem>>
          %dma_start3A_646 = tpu.memref_squeeze %dma_start3A_645 : memref<1x1x128xi32, #tpu.memory_space<vmem>> -> memref<1x128xi32, #tpu.memory_space<vmem>>
          %dma_start3A_647 = arith.constant 0 : i32
          %dma_start3A_648 = tpu.memref_slice %arg2[%dma_start3A_647, %mul3A_635] : memref<2x320000xi32, #tpu.memory_space<hbm>> -> memref<1x128xi32, #tpu.memory_space<hbm>>
          tpu.enqueue_dma source(%dma_start3A_648 : memref<1x128xi32, #tpu.memory_space<hbm>>) target(%dma_start3A_646 : memref<1x128xi32, #tpu.memory_space<vmem>>) target_semaphore(%arg15 : memref<!tpu.dma_semaphore, #tpu.memory_space<semaphore_mem>>)
        } else {
        }
        %mul3A_395 = arith.constant 8 : i32
        %mul3A_396 = arith.muli %mul3A_395, %scan3A_317 : i32
        %add3A_397 = arith.constant 2 : i32
        %add3A_398 = arith.addi %mul3A_396, %add3A_397 : i32
        %dma_wait3A_399 = arith.constant 2 : i32
        %dma_wait3A_400 = arith.constant 0 : i32
        %dma_wait3A_401 = arith.constant 0 : i32
        %dma_wait3A_402 = tpu.memref_slice %arg7[%dma_wait3A_399, %dma_wait3A_400, %dma_wait3A_401] : memref<8x1x128xi32, #tpu.memory_space<vmem>> -> memref<1x1x128xi32, #tpu.memory_space<vmem>>
        %dma_wait3A_403 = tpu.memref_squeeze %dma_wait3A_402 : memref<1x1x128xi32, #tpu.memory_space<vmem>> -> memref<1x128xi32, #tpu.memory_space<vmem>>
        %dma_wait3A_404 = arith.constant 0 : i32
        %dma_wait3A_405 = arith.constant 0 : i32
        %dma_wait3A_406 = tpu.memref_slice %arg2[%dma_wait3A_404, %dma_wait3A_405] : memref<2x320000xi32, #tpu.memory_space<hbm>> -> memref<1x128xi32, #tpu.memory_space<hbm>>
        %dma_wait3A_407 = arith.constant 0 : i32
        %dma_wait3A_408 = arith.constant 0 : i32
        %dma_wait3A_409 = tpu.memref_slice %arg7[%dma_wait3A_399, %dma_wait3A_407, %dma_wait3A_408] : memref<8x1x128xi32, #tpu.memory_space<vmem>> -> memref<1x1x128xi32, #tpu.memory_space<vmem>>
        %dma_wait3A_410 = tpu.memref_squeeze %dma_wait3A_409 : memref<1x1x128xi32, #tpu.memory_space<vmem>> -> memref<1x128xi32, #tpu.memory_space<vmem>>
        %dma_wait3A_411 = arith.constant 0 : i32
        %dma_wait3A_412 = arith.constant 0 : i32
        %dma_wait3A_413 = tpu.memref_slice %arg2[%dma_wait3A_411, %dma_wait3A_412] : memref<2x320000xi32, #tpu.memory_space<hbm>> -> memref<1x128xi32, #tpu.memory_space<hbm>>
        tpu.wait_dma2 semaphore(%arg12 : memref<!tpu.dma_semaphore, #tpu.memory_space<semaphore_mem>>) src(%dma_wait3A_413 : memref<1x128xi32, #tpu.memory_space<hbm>>) dst(%dma_wait3A_410 : memref<1x128xi32, #tpu.memory_space<vmem>>)
        %dma_start3A_414 = arith.constant 2 : i32
        %dma_start3A_415 = arith.constant 0 : i32
        %dma_start3A_416 = arith.constant 0 : i32
        %dma_start3A_417 = tpu.memref_slice %arg7[%dma_start3A_414, %dma_start3A_415, %dma_start3A_416] : memref<8x1x128xi32, #tpu.memory_space<vmem>> -> memref<1x1x128xi32, #tpu.memory_space<vmem>>
        %dma_start3A_418 = tpu.memref_squeeze %dma_start3A_417 : memref<1x1x128xi32, #tpu.memory_space<vmem>> -> memref<128xi32, #tpu.memory_space<vmem>>
        %dma_start3A_419 = arith.constant 0 : i32
        %dma_start3A_420 = arith.constant 0 : i32
        %dma_start3A_421 = tpu.memref_slice %arg9[%dma_start3A_419, %dma_start3A_420] : memref<10112x128xf32, #tpu.memory_space<vmem_shared>> -> memref<10112x128xf32, #tpu.memory_space<vmem_shared>>
        tpu.enqueue_indirect_dma source(%arg8 : memref<128x128xf32, #tpu.memory_space<vmem>>) target(%dma_start3A_421 : memref<10112x128xf32, #tpu.memory_space<vmem_shared>>) offsets(%dma_start3A_418 : memref<128xi32, #tpu.memory_space<vmem>>) semaphore(%arg20 : memref<!tpu.dma_semaphore, #tpu.memory_space<semaphore_mem>>) {add = true}
        %ge3A_422 = arith.constant 4 : i32
        %ge3A_423 = arith.cmpi sge, %add3A_398, %ge3A_422 : i32
        %convert_element_type3A_424 = arith.extui %ge3A_423 : i1 to i32
        %cond3A_425 = arith.constant 0 : i32
        %cond3A_426 = arith.cmpi ne, %convert_element_type3A_424, %cond3A_425 : i32
        scf.if %cond3A_426 {
          %dma_wait3A_629 = arith.constant 6 : i32
          %dma_wait3A_630 = arith.constant 0 : i32
          %dma_wait3A_631 = arith.constant 0 : i32
          %dma_wait3A_632 = tpu.memref_slice %arg7[%dma_wait3A_629, %dma_wait3A_630, %dma_wait3A_631] : memref<8x1x128xi32, #tpu.memory_space<vmem>> -> memref<1x1x128xi32, #tpu.memory_space<vmem>>
          %dma_wait3A_633 = tpu.memref_squeeze %dma_wait3A_632 : memref<1x1x128xi32, #tpu.memory_space<vmem>> -> memref<128xi32, #tpu.memory_space<vmem>>
          %dma_wait3A_634 = arith.constant 0 : i32
          %dma_wait3A_635 = arith.constant 0 : i32
          %dma_wait3A_636 = tpu.memref_slice %arg9[%dma_wait3A_634, %dma_wait3A_635] : memref<10112x128xf32, #tpu.memory_space<vmem_shared>> -> memref<10112x128xf32, #tpu.memory_space<vmem_shared>>
          tpu.wait_indirect_dma semaphore(%arg24 : memref<!tpu.dma_semaphore, #tpu.memory_space<semaphore_mem>>) src(%arg8 : memref<128x128xf32, #tpu.memory_space<vmem>>) dst(%dma_wait3A_636 : memref<10112x128xf32, #tpu.memory_space<vmem_shared>>)
        } else {
        }
        %add3A_427 = arith.constant 4 : i32
        %add3A_428 = arith.addi %add3A_398, %add3A_427 : i32
        %lt3A_429 = arith.constant 152 : i32
        %lt3A_430 = arith.cmpi slt, %add3A_428, %lt3A_429 : i32
        %convert_element_type3A_431 = arith.extui %lt3A_430 : i1 to i32
        %cond3A_432 = arith.constant 0 : i32
        %cond3A_433 = arith.cmpi ne, %convert_element_type3A_431, %cond3A_432 : i32
        scf.if %cond3A_433 {
          %add3A_629 = arith.constant 4 : i32
          %add3A_630 = arith.addi %add3A_398, %add3A_629 : i32
          %mul3A_631 = arith.constant 16 : i32
          %mul3A_632 = arith.muli %add3A_630, %mul3A_631 : i32
          %add3A_633 = arith.addi %mul3A_632, %arg1 : i32
          %mul3A_634 = arith.constant 128 : i32
          %mul3A_635 = arith.muli %add3A_633, %mul3A_634 : i32
          %dma_start3A_636 = arith.constant 6 : i32
          %dma_start3A_637 = arith.constant 0 : i32
          %dma_start3A_638 = arith.constant 0 : i32
          %dma_start3A_639 = tpu.memref_slice %arg7[%dma_start3A_636, %dma_start3A_637, %dma_start3A_638] : memref<8x1x128xi32, #tpu.memory_space<vmem>> -> memref<1x1x128xi32, #tpu.memory_space<vmem>>
          %dma_start3A_640 = tpu.memref_squeeze %dma_start3A_639 : memref<1x1x128xi32, #tpu.memory_space<vmem>> -> memref<1x128xi32, #tpu.memory_space<vmem>>
          %dma_start3A_641 = arith.constant 0 : i32
          %dma_start3A_642 = tpu.memref_slice %arg2[%dma_start3A_641, %mul3A_635] : memref<2x320000xi32, #tpu.memory_space<hbm>> -> memref<1x128xi32, #tpu.memory_space<hbm>>
          %dma_start3A_643 = arith.constant 0 : i32
          %dma_start3A_644 = arith.constant 0 : i32
          %dma_start3A_645 = tpu.memref_slice %arg7[%dma_start3A_636, %dma_start3A_643, %dma_start3A_644] : memref<8x1x128xi32, #tpu.memory_space<vmem>> -> memref<1x1x128xi32, #tpu.memory_space<vmem>>
          %dma_start3A_646 = tpu.memref_squeeze %dma_start3A_645 : memref<1x1x128xi32, #tpu.memory_space<vmem>> -> memref<1x128xi32, #tpu.memory_space<vmem>>
          %dma_start3A_647 = arith.constant 0 : i32
          %dma_start3A_648 = tpu.memref_slice %arg2[%dma_start3A_647, %mul3A_635] : memref<2x320000xi32, #tpu.memory_space<hbm>> -> memref<1x128xi32, #tpu.memory_space<hbm>>
          tpu.enqueue_dma source(%dma_start3A_648 : memref<1x128xi32, #tpu.memory_space<hbm>>) target(%dma_start3A_646 : memref<1x128xi32, #tpu.memory_space<vmem>>) target_semaphore(%arg16 : memref<!tpu.dma_semaphore, #tpu.memory_space<semaphore_mem>>)
        } else {
        }
        %mul3A_434 = arith.constant 8 : i32
        %mul3A_435 = arith.muli %mul3A_434, %scan3A_317 : i32
        %add3A_436 = arith.constant 3 : i32
        %add3A_437 = arith.addi %mul3A_435, %add3A_436 : i32
        %dma_wait3A_438 = arith.constant 3 : i32
        %dma_wait3A_439 = arith.constant 0 : i32
        %dma_wait3A_440 = arith.constant 0 : i32
        %dma_wait3A_441 = tpu.memref_slice %arg7[%dma_wait3A_438, %dma_wait3A_439, %dma_wait3A_440] : memref<8x1x128xi32, #tpu.memory_space<vmem>> -> memref<1x1x128xi32, #tpu.memory_space<vmem>>
        %dma_wait3A_442 = tpu.memref_squeeze %dma_wait3A_441 : memref<1x1x128xi32, #tpu.memory_space<vmem>> -> memref<1x128xi32, #tpu.memory_space<vmem>>
        %dma_wait3A_443 = arith.constant 0 : i32
        %dma_wait3A_444 = arith.constant 0 : i32
        %dma_wait3A_445 = tpu.memref_slice %arg2[%dma_wait3A_443, %dma_wait3A_444] : memref<2x320000xi32, #tpu.memory_space<hbm>> -> memref<1x128xi32, #tpu.memory_space<hbm>>
        %dma_wait3A_446 = arith.constant 0 : i32
        %dma_wait3A_447 = arith.constant 0 : i32
        %dma_wait3A_448 = tpu.memref_slice %arg7[%dma_wait3A_438, %dma_wait3A_446, %dma_wait3A_447] : memref<8x1x128xi32, #tpu.memory_space<vmem>> -> memref<1x1x128xi32, #tpu.memory_space<vmem>>
        %dma_wait3A_449 = tpu.memref_squeeze %dma_wait3A_448 : memref<1x1x128xi32, #tpu.memory_space<vmem>> -> memref<1x128xi32, #tpu.memory_space<vmem>>
        %dma_wait3A_450 = arith.constant 0 : i32
        %dma_wait3A_451 = arith.constant 0 : i32
        %dma_wait3A_452 = tpu.memref_slice %arg2[%dma_wait3A_450, %dma_wait3A_451] : memref<2x320000xi32, #tpu.memory_space<hbm>> -> memref<1x128xi32, #tpu.memory_space<hbm>>
        tpu.wait_dma2 semaphore(%arg13 : memref<!tpu.dma_semaphore, #tpu.memory_space<semaphore_mem>>) src(%dma_wait3A_452 : memref<1x128xi32, #tpu.memory_space<hbm>>) dst(%dma_wait3A_449 : memref<1x128xi32, #tpu.memory_space<vmem>>)
        %dma_start3A_453 = arith.constant 3 : i32
        %dma_start3A_454 = arith.constant 0 : i32
        %dma_start3A_455 = arith.constant 0 : i32
        %dma_start3A_456 = tpu.memref_slice %arg7[%dma_start3A_453, %dma_start3A_454, %dma_start3A_455] : memref<8x1x128xi32, #tpu.memory_space<vmem>> -> memref<1x1x128xi32, #tpu.memory_space<vmem>>
        %dma_start3A_457 = tpu.memref_squeeze %dma_start3A_456 : memref<1x1x128xi32, #tpu.memory_space<vmem>> -> memref<128xi32, #tpu.memory_space<vmem>>
        %dma_start3A_458 = arith.constant 0 : i32
        %dma_start3A_459 = arith.constant 0 : i32
        %dma_start3A_460 = tpu.memref_slice %arg9[%dma_start3A_458, %dma_start3A_459] : memref<10112x128xf32, #tpu.memory_space<vmem_shared>> -> memref<10112x128xf32, #tpu.memory_space<vmem_shared>>
        tpu.enqueue_indirect_dma source(%arg8 : memref<128x128xf32, #tpu.memory_space<vmem>>) target(%dma_start3A_460 : memref<10112x128xf32, #tpu.memory_space<vmem_shared>>) offsets(%dma_start3A_457 : memref<128xi32, #tpu.memory_space<vmem>>) semaphore(%arg21 : memref<!tpu.dma_semaphore, #tpu.memory_space<semaphore_mem>>) {add = true}
        %ge3A_461 = arith.constant 4 : i32
        %ge3A_462 = arith.cmpi sge, %add3A_437, %ge3A_461 : i32
        %convert_element_type3A_463 = arith.extui %ge3A_462 : i1 to i32
        %cond3A_464 = arith.constant 0 : i32
        %cond3A_465 = arith.cmpi ne, %convert_element_type3A_463, %cond3A_464 : i32
        scf.if %cond3A_465 {
          %dma_wait3A_629 = arith.constant 7 : i32
          %dma_wait3A_630 = arith.constant 0 : i32
          %dma_wait3A_631 = arith.constant 0 : i32
          %dma_wait3A_632 = tpu.memref_slice %arg7[%dma_wait3A_629, %dma_wait3A_630, %dma_wait3A_631] : memref<8x1x128xi32, #tpu.memory_space<vmem>> -> memref<1x1x128xi32, #tpu.memory_space<vmem>>
          %dma_wait3A_633 = tpu.memref_squeeze %dma_wait3A_632 : memref<1x1x128xi32, #tpu.memory_space<vmem>> -> memref<128xi32, #tpu.memory_space<vmem>>
          %dma_wait3A_634 = arith.constant 0 : i32
          %dma_wait3A_635 = arith.constant 0 : i32
          %dma_wait3A_636 = tpu.memref_slice %arg9[%dma_wait3A_634, %dma_wait3A_635] : memref<10112x128xf32, #tpu.memory_space<vmem_shared>> -> memref<10112x128xf32, #tpu.memory_space<vmem_shared>>
          tpu.wait_indirect_dma semaphore(%arg25 : memref<!tpu.dma_semaphore, #tpu.memory_space<semaphore_mem>>) src(%arg8 : memref<128x128xf32, #tpu.memory_space<vmem>>) dst(%dma_wait3A_636 : memref<10112x128xf32, #tpu.memory_space<vmem_shared>>)
        } else {
        }
        %add3A_466 = arith.constant 4 : i32
        %add3A_467 = arith.addi %add3A_437, %add3A_466 : i32
        %lt3A_468 = arith.constant 152 : i32
        %lt3A_469 = arith.cmpi slt, %add3A_467, %lt3A_468 : i32
        %convert_element_type3A_470 = arith.extui %lt3A_469 : i1 to i32
        %cond3A_471 = arith.constant 0 : i32
        %cond3A_472 = arith.cmpi ne, %convert_element_type3A_470, %cond3A_471 : i32
        scf.if %cond3A_472 {
          %add3A_629 = arith.constant 4 : i32
          %add3A_630 = arith.addi %add3A_437, %add3A_629 : i32
          %mul3A_631 = arith.constant 16 : i32
          %mul3A_632 = arith.muli %add3A_630, %mul3A_631 : i32
          %add3A_633 = arith.addi %mul3A_632, %arg1 : i32
          %mul3A_634 = arith.constant 128 : i32
          %mul3A_635 = arith.muli %add3A_633, %mul3A_634 : i32
          %dma_start3A_636 = arith.constant 7 : i32
          %dma_start3A_637 = arith.constant 0 : i32
          %dma_start3A_638 = arith.constant 0 : i32
          %dma_start3A_639 = tpu.memref_slice %arg7[%dma_start3A_636, %dma_start3A_637, %dma_start3A_638] : memref<8x1x128xi32, #tpu.memory_space<vmem>> -> memref<1x1x128xi32, #tpu.memory_space<vmem>>
          %dma_start3A_640 = tpu.memref_squeeze %dma_start3A_639 : memref<1x1x128xi32, #tpu.memory_space<vmem>> -> memref<1x128xi32, #tpu.memory_space<vmem>>
          %dma_start3A_641 = arith.constant 0 : i32
          %dma_start3A_642 = tpu.memref_slice %arg2[%dma_start3A_641, %mul3A_635] : memref<2x320000xi32, #tpu.memory_space<hbm>> -> memref<1x128xi32, #tpu.memory_space<hbm>>
          %dma_start3A_643 = arith.constant 0 : i32
          %dma_start3A_644 = arith.constant 0 : i32
          %dma_start3A_645 = tpu.memref_slice %arg7[%dma_start3A_636, %dma_start3A_643, %dma_start3A_644] : memref<8x1x128xi32, #tpu.memory_space<vmem>> -> memref<1x1x128xi32, #tpu.memory_space<vmem>>
          %dma_start3A_646 = tpu.memref_squeeze %dma_start3A_645 : memref<1x1x128xi32, #tpu.memory_space<vmem>> -> memref<1x128xi32, #tpu.memory_space<vmem>>
          %dma_start3A_647 = arith.constant 0 : i32
          %dma_start3A_648 = tpu.memref_slice %arg2[%dma_start3A_647, %mul3A_635] : memref<2x320000xi32, #tpu.memory_space<hbm>> -> memref<1x128xi32, #tpu.memory_space<hbm>>
          tpu.enqueue_dma source(%dma_start3A_648 : memref<1x128xi32, #tpu.memory_space<hbm>>) target(%dma_start3A_646 : memref<1x128xi32, #tpu.memory_space<vmem>>) target_semaphore(%arg17 : memref<!tpu.dma_semaphore, #tpu.memory_space<semaphore_mem>>)
        } else {
        }
        %mul3A_473 = arith.constant 8 : i32
        %mul3A_474 = arith.muli %mul3A_473, %scan3A_317 : i32
        %add3A_475 = arith.constant 4 : i32
        %add3A_476 = arith.addi %mul3A_474, %add3A_475 : i32
        %dma_wait3A_477 = arith.constant 4 : i32
        %dma_wait3A_478 = arith.constant 0 : i32
        %dma_wait3A_479 = arith.constant 0 : i32
        %dma_wait3A_480 = tpu.memref_slice %arg7[%dma_wait3A_477, %dma_wait3A_478, %dma_wait3A_479] : memref<8x1x128xi32, #tpu.memory_space<vmem>> -> memref<1x1x128xi32, #tpu.memory_space<vmem>>
        %dma_wait3A_481 = tpu.memref_squeeze %dma_wait3A_480 : memref<1x1x128xi32, #tpu.memory_space<vmem>> -> memref<1x128xi32, #tpu.memory_space<vmem>>
        %dma_wait3A_482 = arith.constant 0 : i32
        %dma_wait3A_483 = arith.constant 0 : i32
        %dma_wait3A_484 = tpu.memref_slice %arg2[%dma_wait3A_482, %dma_wait3A_483] : memref<2x320000xi32, #tpu.memory_space<hbm>> -> memref<1x128xi32, #tpu.memory_space<hbm>>
        %dma_wait3A_485 = arith.constant 0 : i32
        %dma_wait3A_486 = arith.constant 0 : i32
        %dma_wait3A_487 = tpu.memref_slice %arg7[%dma_wait3A_477, %dma_wait3A_485, %dma_wait3A_486] : memref<8x1x128xi32, #tpu.memory_space<vmem>> -> memref<1x1x128xi32, #tpu.memory_space<vmem>>
        %dma_wait3A_488 = tpu.memref_squeeze %dma_wait3A_487 : memref<1x1x128xi32, #tpu.memory_space<vmem>> -> memref<1x128xi32, #tpu.memory_space<vmem>>
        %dma_wait3A_489 = arith.constant 0 : i32
        %dma_wait3A_490 = arith.constant 0 : i32
        %dma_wait3A_491 = tpu.memref_slice %arg2[%dma_wait3A_489, %dma_wait3A_490] : memref<2x320000xi32, #tpu.memory_space<hbm>> -> memref<1x128xi32, #tpu.memory_space<hbm>>
        tpu.wait_dma2 semaphore(%arg14 : memref<!tpu.dma_semaphore, #tpu.memory_space<semaphore_mem>>) src(%dma_wait3A_491 : memref<1x128xi32, #tpu.memory_space<hbm>>) dst(%dma_wait3A_488 : memref<1x128xi32, #tpu.memory_space<vmem>>)
        %dma_start3A_492 = arith.constant 4 : i32
        %dma_start3A_493 = arith.constant 0 : i32
        %dma_start3A_494 = arith.constant 0 : i32
        %dma_start3A_495 = tpu.memref_slice %arg7[%dma_start3A_492, %dma_start3A_493, %dma_start3A_494] : memref<8x1x128xi32, #tpu.memory_space<vmem>> -> memref<1x1x128xi32, #tpu.memory_space<vmem>>
        %dma_start3A_496 = tpu.memref_squeeze %dma_start3A_495 : memref<1x1x128xi32, #tpu.memory_space<vmem>> -> memref<128xi32, #tpu.memory_space<vmem>>
        %dma_start3A_497 = arith.constant 0 : i32
        %dma_start3A_498 = arith.constant 0 : i32
        %dma_start3A_499 = tpu.memref_slice %arg9[%dma_start3A_497, %dma_start3A_498] : memref<10112x128xf32, #tpu.memory_space<vmem_shared>> -> memref<10112x128xf32, #tpu.memory_space<vmem_shared>>
        tpu.enqueue_indirect_dma source(%arg8 : memref<128x128xf32, #tpu.memory_space<vmem>>) target(%dma_start3A_499 : memref<10112x128xf32, #tpu.memory_space<vmem_shared>>) offsets(%dma_start3A_496 : memref<128xi32, #tpu.memory_space<vmem>>) semaphore(%arg22 : memref<!tpu.dma_semaphore, #tpu.memory_space<semaphore_mem>>) {add = true}
        %ge3A_500 = arith.constant 4 : i32
        %ge3A_501 = arith.cmpi sge, %add3A_476, %ge3A_500 : i32
        %convert_element_type3A_502 = arith.extui %ge3A_501 : i1 to i32
        %cond3A_503 = arith.constant 0 : i32
        %cond3A_504 = arith.cmpi ne, %convert_element_type3A_502, %cond3A_503 : i32
        scf.if %cond3A_504 {
          %dma_wait3A_629 = arith.constant 0 : i32
          %dma_wait3A_630 = arith.constant 0 : i32
          %dma_wait3A_631 = arith.constant 0 : i32
          %dma_wait3A_632 = tpu.memref_slice %arg7[%dma_wait3A_629, %dma_wait3A_630, %dma_wait3A_631] : memref<8x1x128xi32, #tpu.memory_space<vmem>> -> memref<1x1x128xi32, #tpu.memory_space<vmem>>
          %dma_wait3A_633 = tpu.memref_squeeze %dma_wait3A_632 : memref<1x1x128xi32, #tpu.memory_space<vmem>> -> memref<128xi32, #tpu.memory_space<vmem>>
          %dma_wait3A_634 = arith.constant 0 : i32
          %dma_wait3A_635 = arith.constant 0 : i32
          %dma_wait3A_636 = tpu.memref_slice %arg9[%dma_wait3A_634, %dma_wait3A_635] : memref<10112x128xf32, #tpu.memory_space<vmem_shared>> -> memref<10112x128xf32, #tpu.memory_space<vmem_shared>>
          tpu.wait_indirect_dma semaphore(%arg18 : memref<!tpu.dma_semaphore, #tpu.memory_space<semaphore_mem>>) src(%arg8 : memref<128x128xf32, #tpu.memory_space<vmem>>) dst(%dma_wait3A_636 : memref<10112x128xf32, #tpu.memory_space<vmem_shared>>)
        } else {
        }
        %add3A_505 = arith.constant 4 : i32
        %add3A_506 = arith.addi %add3A_476, %add3A_505 : i32
        %lt3A_507 = arith.constant 152 : i32
        %lt3A_508 = arith.cmpi slt, %add3A_506, %lt3A_507 : i32
        %convert_element_type3A_509 = arith.extui %lt3A_508 : i1 to i32
        %cond3A_510 = arith.constant 0 : i32
        %cond3A_511 = arith.cmpi ne, %convert_element_type3A_509, %cond3A_510 : i32
        scf.if %cond3A_511 {
          %add3A_629 = arith.constant 4 : i32
          %add3A_630 = arith.addi %add3A_476, %add3A_629 : i32
          %mul3A_631 = arith.constant 16 : i32
          %mul3A_632 = arith.muli %add3A_630, %mul3A_631 : i32
          %add3A_633 = arith.addi %mul3A_632, %arg1 : i32
          %mul3A_634 = arith.constant 128 : i32
          %mul3A_635 = arith.muli %add3A_633, %mul3A_634 : i32
          %dma_start3A_636 = arith.constant 0 : i32
          %dma_start3A_637 = arith.constant 0 : i32
          %dma_start3A_638 = arith.constant 0 : i32
          %dma_start3A_639 = tpu.memref_slice %arg7[%dma_start3A_636, %dma_start3A_637, %dma_start3A_638] : memref<8x1x128xi32, #tpu.memory_space<vmem>> -> memref<1x1x128xi32, #tpu.memory_space<vmem>>
          %dma_start3A_640 = tpu.memref_squeeze %dma_start3A_639 : memref<1x1x128xi32, #tpu.memory_space<vmem>> -> memref<1x128xi32, #tpu.memory_space<vmem>>
          %dma_start3A_641 = arith.constant 0 : i32
          %dma_start3A_642 = tpu.memref_slice %arg2[%dma_start3A_641, %mul3A_635] : memref<2x320000xi32, #tpu.memory_space<hbm>> -> memref<1x128xi32, #tpu.memory_space<hbm>>
          %dma_start3A_643 = arith.constant 0 : i32
          %dma_start3A_644 = arith.constant 0 : i32
          %dma_start3A_645 = tpu.memref_slice %arg7[%dma_start3A_636, %dma_start3A_643, %dma_start3A_644] : memref<8x1x128xi32, #tpu.memory_space<vmem>> -> memref<1x1x128xi32, #tpu.memory_space<vmem>>
          %dma_start3A_646 = tpu.memref_squeeze %dma_start3A_645 : memref<1x1x128xi32, #tpu.memory_space<vmem>> -> memref<1x128xi32, #tpu.memory_space<vmem>>
          %dma_start3A_647 = arith.constant 0 : i32
          %dma_start3A_648 = tpu.memref_slice %arg2[%dma_start3A_647, %mul3A_635] : memref<2x320000xi32, #tpu.memory_space<hbm>> -> memref<1x128xi32, #tpu.memory_space<hbm>>
          tpu.enqueue_dma source(%dma_start3A_648 : memref<1x128xi32, #tpu.memory_space<hbm>>) target(%dma_start3A_646 : memref<1x128xi32, #tpu.memory_space<vmem>>) target_semaphore(%arg10 : memref<!tpu.dma_semaphore, #tpu.memory_space<semaphore_mem>>)
        } else {
        }
        %mul3A_512 = arith.constant 8 : i32
        %mul3A_513 = arith.muli %mul3A_512, %scan3A_317 : i32
        %add3A_514 = arith.constant 5 : i32
        %add3A_515 = arith.addi %mul3A_513, %add3A_514 : i32
        %dma_wait3A_516 = arith.constant 5 : i32
        %dma_wait3A_517 = arith.constant 0 : i32
        %dma_wait3A_518 = arith.constant 0 : i32
        %dma_wait3A_519 = tpu.memref_slice %arg7[%dma_wait3A_516, %dma_wait3A_517, %dma_wait3A_518] : memref<8x1x128xi32, #tpu.memory_space<vmem>> -> memref<1x1x128xi32, #tpu.memory_space<vmem>>
        %dma_wait3A_520 = tpu.memref_squeeze %dma_wait3A_519 : memref<1x1x128xi32, #tpu.memory_space<vmem>> -> memref<1x128xi32, #tpu.memory_space<vmem>>
        %dma_wait3A_521 = arith.constant 0 : i32
        %dma_wait3A_522 = arith.constant 0 : i32
        %dma_wait3A_523 = tpu.memref_slice %arg2[%dma_wait3A_521, %dma_wait3A_522] : memref<2x320000xi32, #tpu.memory_space<hbm>> -> memref<1x128xi32, #tpu.memory_space<hbm>>
        %dma_wait3A_524 = arith.constant 0 : i32
        %dma_wait3A_525 = arith.constant 0 : i32
        %dma_wait3A_526 = tpu.memref_slice %arg7[%dma_wait3A_516, %dma_wait3A_524, %dma_wait3A_525] : memref<8x1x128xi32, #tpu.memory_space<vmem>> -> memref<1x1x128xi32, #tpu.memory_space<vmem>>
        %dma_wait3A_527 = tpu.memref_squeeze %dma_wait3A_526 : memref<1x1x128xi32, #tpu.memory_space<vmem>> -> memref<1x128xi32, #tpu.memory_space<vmem>>
        %dma_wait3A_528 = arith.constant 0 : i32
        %dma_wait3A_529 = arith.constant 0 : i32
        %dma_wait3A_530 = tpu.memref_slice %arg2[%dma_wait3A_528, %dma_wait3A_529] : memref<2x320000xi32, #tpu.memory_space<hbm>> -> memref<1x128xi32, #tpu.memory_space<hbm>>
        tpu.wait_dma2 semaphore(%arg15 : memref<!tpu.dma_semaphore, #tpu.memory_space<semaphore_mem>>) src(%dma_wait3A_530 : memref<1x128xi32, #tpu.memory_space<hbm>>) dst(%dma_wait3A_527 : memref<1x128xi32, #tpu.memory_space<vmem>>)
        %dma_start3A_531 = arith.constant 5 : i32
        %dma_start3A_532 = arith.constant 0 : i32
        %dma_start3A_533 = arith.constant 0 : i32
        %dma_start3A_534 = tpu.memref_slice %arg7[%dma_start3A_531, %dma_start3A_532, %dma_start3A_533] : memref<8x1x128xi32, #tpu.memory_space<vmem>> -> memref<1x1x128xi32, #tpu.memory_space<vmem>>
        %dma_start3A_535 = tpu.memref_squeeze %dma_start3A_534 : memref<1x1x128xi32, #tpu.memory_space<vmem>> -> memref<128xi32, #tpu.memory_space<vmem>>
        %dma_start3A_536 = arith.constant 0 : i32
        %dma_start3A_537 = arith.constant 0 : i32
        %dma_start3A_538 = tpu.memref_slice %arg9[%dma_start3A_536, %dma_start3A_537] : memref<10112x128xf32, #tpu.memory_space<vmem_shared>> -> memref<10112x128xf32, #tpu.memory_space<vmem_shared>>
        tpu.enqueue_indirect_dma source(%arg8 : memref<128x128xf32, #tpu.memory_space<vmem>>) target(%dma_start3A_538 : memref<10112x128xf32, #tpu.memory_space<vmem_shared>>) offsets(%dma_start3A_535 : memref<128xi32, #tpu.memory_space<vmem>>) semaphore(%arg23 : memref<!tpu.dma_semaphore, #tpu.memory_space<semaphore_mem>>) {add = true}
        %ge3A_539 = arith.constant 4 : i32
        %ge3A_540 = arith.cmpi sge, %add3A_515, %ge3A_539 : i32
        %convert_element_type3A_541 = arith.extui %ge3A_540 : i1 to i32
        %cond3A_542 = arith.constant 0 : i32
        %cond3A_543 = arith.cmpi ne, %convert_element_type3A_541, %cond3A_542 : i32
        scf.if %cond3A_543 {
          %dma_wait3A_629 = arith.constant 1 : i32
          %dma_wait3A_630 = arith.constant 0 : i32
          %dma_wait3A_631 = arith.constant 0 : i32
          %dma_wait3A_632 = tpu.memref_slice %arg7[%dma_wait3A_629, %dma_wait3A_630, %dma_wait3A_631] : memref<8x1x128xi32, #tpu.memory_space<vmem>> -> memref<1x1x128xi32, #tpu.memory_space<vmem>>
          %dma_wait3A_633 = tpu.memref_squeeze %dma_wait3A_632 : memref<1x1x128xi32, #tpu.memory_space<vmem>> -> memref<128xi32, #tpu.memory_space<vmem>>
          %dma_wait3A_634 = arith.constant 0 : i32
          %dma_wait3A_635 = arith.constant 0 : i32
          %dma_wait3A_636 = tpu.memref_slice %arg9[%dma_wait3A_634, %dma_wait3A_635] : memref<10112x128xf32, #tpu.memory_space<vmem_shared>> -> memref<10112x128xf32, #tpu.memory_space<vmem_shared>>
          tpu.wait_indirect_dma semaphore(%arg19 : memref<!tpu.dma_semaphore, #tpu.memory_space<semaphore_mem>>) src(%arg8 : memref<128x128xf32, #tpu.memory_space<vmem>>) dst(%dma_wait3A_636 : memref<10112x128xf32, #tpu.memory_space<vmem_shared>>)
        } else {
        }
        %add3A_544 = arith.constant 4 : i32
        %add3A_545 = arith.addi %add3A_515, %add3A_544 : i32
        %lt3A_546 = arith.constant 152 : i32
        %lt3A_547 = arith.cmpi slt, %add3A_545, %lt3A_546 : i32
        %convert_element_type3A_548 = arith.extui %lt3A_547 : i1 to i32
        %cond3A_549 = arith.constant 0 : i32
        %cond3A_550 = arith.cmpi ne, %convert_element_type3A_548, %cond3A_549 : i32
        scf.if %cond3A_550 {
          %add3A_629 = arith.constant 4 : i32
          %add3A_630 = arith.addi %add3A_515, %add3A_629 : i32
          %mul3A_631 = arith.constant 16 : i32
          %mul3A_632 = arith.muli %add3A_630, %mul3A_631 : i32
          %add3A_633 = arith.addi %mul3A_632, %arg1 : i32
          %mul3A_634 = arith.constant 128 : i32
          %mul3A_635 = arith.muli %add3A_633, %mul3A_634 : i32
          %dma_start3A_636 = arith.constant 1 : i32
          %dma_start3A_637 = arith.constant 0 : i32
          %dma_start3A_638 = arith.constant 0 : i32
          %dma_start3A_639 = tpu.memref_slice %arg7[%dma_start3A_636, %dma_start3A_637, %dma_start3A_638] : memref<8x1x128xi32, #tpu.memory_space<vmem>> -> memref<1x1x128xi32, #tpu.memory_space<vmem>>
          %dma_start3A_640 = tpu.memref_squeeze %dma_start3A_639 : memref<1x1x128xi32, #tpu.memory_space<vmem>> -> memref<1x128xi32, #tpu.memory_space<vmem>>
          %dma_start3A_641 = arith.constant 0 : i32
          %dma_start3A_642 = tpu.memref_slice %arg2[%dma_start3A_641, %mul3A_635] : memref<2x320000xi32, #tpu.memory_space<hbm>> -> memref<1x128xi32, #tpu.memory_space<hbm>>
          %dma_start3A_643 = arith.constant 0 : i32
          %dma_start3A_644 = arith.constant 0 : i32
          %dma_start3A_645 = tpu.memref_slice %arg7[%dma_start3A_636, %dma_start3A_643, %dma_start3A_644] : memref<8x1x128xi32, #tpu.memory_space<vmem>> -> memref<1x1x128xi32, #tpu.memory_space<vmem>>
          %dma_start3A_646 = tpu.memref_squeeze %dma_start3A_645 : memref<1x1x128xi32, #tpu.memory_space<vmem>> -> memref<1x128xi32, #tpu.memory_space<vmem>>
          %dma_start3A_647 = arith.constant 0 : i32
          %dma_start3A_648 = tpu.memref_slice %arg2[%dma_start3A_647, %mul3A_635] : memref<2x320000xi32, #tpu.memory_space<hbm>> -> memref<1x128xi32, #tpu.memory_space<hbm>>
          tpu.enqueue_dma source(%dma_start3A_648 : memref<1x128xi32, #tpu.memory_space<hbm>>) target(%dma_start3A_646 : memref<1x128xi32, #tpu.memory_space<vmem>>) target_semaphore(%arg11 : memref<!tpu.dma_semaphore, #tpu.memory_space<semaphore_mem>>)
        } else {
        }
        %mul3A_551 = arith.constant 8 : i32
        %mul3A_552 = arith.muli %mul3A_551, %scan3A_317 : i32
        %add3A_553 = arith.constant 6 : i32
        %add3A_554 = arith.addi %mul3A_552, %add3A_553 : i32
        %dma_wait3A_555 = arith.constant 6 : i32
        %dma_wait3A_556 = arith.constant 0 : i32
        %dma_wait3A_557 = arith.constant 0 : i32
        %dma_wait3A_558 = tpu.memref_slice %arg7[%dma_wait3A_555, %dma_wait3A_556, %dma_wait3A_557] : memref<8x1x128xi32, #tpu.memory_space<vmem>> -> memref<1x1x128xi32, #tpu.memory_space<vmem>>
        %dma_wait3A_559 = tpu.memref_squeeze %dma_wait3A_558 : memref<1x1x128xi32, #tpu.memory_space<vmem>> -> memref<1x128xi32, #tpu.memory_space<vmem>>
        %dma_wait3A_560 = arith.constant 0 : i32
        %dma_wait3A_561 = arith.constant 0 : i32
        %dma_wait3A_562 = tpu.memref_slice %arg2[%dma_wait3A_560, %dma_wait3A_561] : memref<2x320000xi32, #tpu.memory_space<hbm>> -> memref<1x128xi32, #tpu.memory_space<hbm>>
        %dma_wait3A_563 = arith.constant 0 : i32
        %dma_wait3A_564 = arith.constant 0 : i32
        %dma_wait3A_565 = tpu.memref_slice %arg7[%dma_wait3A_555, %dma_wait3A_563, %dma_wait3A_564] : memref<8x1x128xi32, #tpu.memory_space<vmem>> -> memref<1x1x128xi32, #tpu.memory_space<vmem>>
        %dma_wait3A_566 = tpu.memref_squeeze %dma_wait3A_565 : memref<1x1x128xi32, #tpu.memory_space<vmem>> -> memref<1x128xi32, #tpu.memory_space<vmem>>
        %dma_wait3A_567 = arith.constant 0 : i32
        %dma_wait3A_568 = arith.constant 0 : i32
        %dma_wait3A_569 = tpu.memref_slice %arg2[%dma_wait3A_567, %dma_wait3A_568] : memref<2x320000xi32, #tpu.memory_space<hbm>> -> memref<1x128xi32, #tpu.memory_space<hbm>>
        tpu.wait_dma2 semaphore(%arg16 : memref<!tpu.dma_semaphore, #tpu.memory_space<semaphore_mem>>) src(%dma_wait3A_569 : memref<1x128xi32, #tpu.memory_space<hbm>>) dst(%dma_wait3A_566 : memref<1x128xi32, #tpu.memory_space<vmem>>)
        %dma_start3A_570 = arith.constant 6 : i32
        %dma_start3A_571 = arith.constant 0 : i32
        %dma_start3A_572 = arith.constant 0 : i32
        %dma_start3A_573 = tpu.memref_slice %arg7[%dma_start3A_570, %dma_start3A_571, %dma_start3A_572] : memref<8x1x128xi32, #tpu.memory_space<vmem>> -> memref<1x1x128xi32, #tpu.memory_space<vmem>>
        %dma_start3A_574 = tpu.memref_squeeze %dma_start3A_573 : memref<1x1x128xi32, #tpu.memory_space<vmem>> -> memref<128xi32, #tpu.memory_space<vmem>>
        %dma_start3A_575 = arith.constant 0 : i32
        %dma_start3A_576 = arith.constant 0 : i32
        %dma_start3A_577 = tpu.memref_slice %arg9[%dma_start3A_575, %dma_start3A_576] : memref<10112x128xf32, #tpu.memory_space<vmem_shared>> -> memref<10112x128xf32, #tpu.memory_space<vmem_shared>>
        tpu.enqueue_indirect_dma source(%arg8 : memref<128x128xf32, #tpu.memory_space<vmem>>) target(%dma_start3A_577 : memref<10112x128xf32, #tpu.memory_space<vmem_shared>>) offsets(%dma_start3A_574 : memref<128xi32, #tpu.memory_space<vmem>>) semaphore(%arg24 : memref<!tpu.dma_semaphore, #tpu.memory_space<semaphore_mem>>) {add = true}
        %ge3A_578 = arith.constant 4 : i32
        %ge3A_579 = arith.cmpi sge, %add3A_554, %ge3A_578 : i32
        %convert_element_type3A_580 = arith.extui %ge3A_579 : i1 to i32
        %cond3A_581 = arith.constant 0 : i32
        %cond3A_582 = arith.cmpi ne, %convert_element_type3A_580, %cond3A_581 : i32
        scf.if %cond3A_582 {
          %dma_wait3A_629 = arith.constant 2 : i32
          %dma_wait3A_630 = arith.constant 0 : i32
          %dma_wait3A_631 = arith.constant 0 : i32
          %dma_wait3A_632 = tpu.memref_slice %arg7[%dma_wait3A_629, %dma_wait3A_630, %dma_wait3A_631] : memref<8x1x128xi32, #tpu.memory_space<vmem>> -> memref<1x1x128xi32, #tpu.memory_space<vmem>>
          %dma_wait3A_633 = tpu.memref_squeeze %dma_wait3A_632 : memref<1x1x128xi32, #tpu.memory_space<vmem>> -> memref<128xi32, #tpu.memory_space<vmem>>
          %dma_wait3A_634 = arith.constant 0 : i32
          %dma_wait3A_635 = arith.constant 0 : i32
          %dma_wait3A_636 = tpu.memref_slice %arg9[%dma_wait3A_634, %dma_wait3A_635] : memref<10112x128xf32, #tpu.memory_space<vmem_shared>> -> memref<10112x128xf32, #tpu.memory_space<vmem_shared>>
          tpu.wait_indirect_dma semaphore(%arg20 : memref<!tpu.dma_semaphore, #tpu.memory_space<semaphore_mem>>) src(%arg8 : memref<128x128xf32, #tpu.memory_space<vmem>>) dst(%dma_wait3A_636 : memref<10112x128xf32, #tpu.memory_space<vmem_shared>>)
        } else {
        }
        %add3A_583 = arith.constant 4 : i32
        %add3A_584 = arith.addi %add3A_554, %add3A_583 : i32
        %lt3A_585 = arith.constant 152 : i32
        %lt3A_586 = arith.cmpi slt, %add3A_584, %lt3A_585 : i32
        %convert_element_type3A_587 = arith.extui %lt3A_586 : i1 to i32
        %cond3A_588 = arith.constant 0 : i32
        %cond3A_589 = arith.cmpi ne, %convert_element_type3A_587, %cond3A_588 : i32
        scf.if %cond3A_589 {
          %add3A_629 = arith.constant 4 : i32
          %add3A_630 = arith.addi %add3A_554, %add3A_629 : i32
          %mul3A_631 = arith.constant 16 : i32
          %mul3A_632 = arith.muli %add3A_630, %mul3A_631 : i32
          %add3A_633 = arith.addi %mul3A_632, %arg1 : i32
          %mul3A_634 = arith.constant 128 : i32
          %mul3A_635 = arith.muli %add3A_633, %mul3A_634 : i32
          %dma_start3A_636 = arith.constant 2 : i32
          %dma_start3A_637 = arith.constant 0 : i32
          %dma_start3A_638 = arith.constant 0 : i32
          %dma_start3A_639 = tpu.memref_slice %arg7[%dma_start3A_636, %dma_start3A_637, %dma_start3A_638] : memref<8x1x128xi32, #tpu.memory_space<vmem>> -> memref<1x1x128xi32, #tpu.memory_space<vmem>>
          %dma_start3A_640 = tpu.memref_squeeze %dma_start3A_639 : memref<1x1x128xi32, #tpu.memory_space<vmem>> -> memref<1x128xi32, #tpu.memory_space<vmem>>
          %dma_start3A_641 = arith.constant 0 : i32
          %dma_start3A_642 = tpu.memref_slice %arg2[%dma_start3A_641, %mul3A_635] : memref<2x320000xi32, #tpu.memory_space<hbm>> -> memref<1x128xi32, #tpu.memory_space<hbm>>
          %dma_start3A_643 = arith.constant 0 : i32
          %dma_start3A_644 = arith.constant 0 : i32
          %dma_start3A_645 = tpu.memref_slice %arg7[%dma_start3A_636, %dma_start3A_643, %dma_start3A_644] : memref<8x1x128xi32, #tpu.memory_space<vmem>> -> memref<1x1x128xi32, #tpu.memory_space<vmem>>
          %dma_start3A_646 = tpu.memref_squeeze %dma_start3A_645 : memref<1x1x128xi32, #tpu.memory_space<vmem>> -> memref<1x128xi32, #tpu.memory_space<vmem>>
          %dma_start3A_647 = arith.constant 0 : i32
          %dma_start3A_648 = tpu.memref_slice %arg2[%dma_start3A_647, %mul3A_635] : memref<2x320000xi32, #tpu.memory_space<hbm>> -> memref<1x128xi32, #tpu.memory_space<hbm>>
          tpu.enqueue_dma source(%dma_start3A_648 : memref<1x128xi32, #tpu.memory_space<hbm>>) target(%dma_start3A_646 : memref<1x128xi32, #tpu.memory_space<vmem>>) target_semaphore(%arg12 : memref<!tpu.dma_semaphore, #tpu.memory_space<semaphore_mem>>)
        } else {
        }
        %mul3A_590 = arith.constant 8 : i32
        %mul3A_591 = arith.muli %mul3A_590, %scan3A_317 : i32
        %add3A_592 = arith.constant 7 : i32
        %add3A_593 = arith.addi %mul3A_591, %add3A_592 : i32
        %dma_wait3A_594 = arith.constant 7 : i32
        %dma_wait3A_595 = arith.constant 0 : i32
        %dma_wait3A_596 = arith.constant 0 : i32
        %dma_wait3A_597 = tpu.memref_slice %arg7[%dma_wait3A_594, %dma_wait3A_595, %dma_wait3A_596] : memref<8x1x128xi32, #tpu.memory_space<vmem>> -> memref<1x1x128xi32, #tpu.memory_space<vmem>>
        %dma_wait3A_598 = tpu.memref_squeeze %dma_wait3A_597 : memref<1x1x128xi32, #tpu.memory_space<vmem>> -> memref<1x128xi32, #tpu.memory_space<vmem>>
        %dma_wait3A_599 = arith.constant 0 : i32
        %dma_wait3A_600 = arith.constant 0 : i32
        %dma_wait3A_601 = tpu.memref_slice %arg2[%dma_wait3A_599, %dma_wait3A_600] : memref<2x320000xi32, #tpu.memory_space<hbm>> -> memref<1x128xi32, #tpu.memory_space<hbm>>
        %dma_wait3A_602 = arith.constant 0 : i32
        %dma_wait3A_603 = arith.constant 0 : i32
        %dma_wait3A_604 = tpu.memref_slice %arg7[%dma_wait3A_594, %dma_wait3A_602, %dma_wait3A_603] : memref<8x1x128xi32, #tpu.memory_space<vmem>> -> memref<1x1x128xi32, #tpu.memory_space<vmem>>
        %dma_wait3A_605 = tpu.memref_squeeze %dma_wait3A_604 : memref<1x1x128xi32, #tpu.memory_space<vmem>> -> memref<1x128xi32, #tpu.memory_space<vmem>>
        %dma_wait3A_606 = arith.constant 0 : i32
        %dma_wait3A_607 = arith.constant 0 : i32
        %dma_wait3A_608 = tpu.memref_slice %arg2[%dma_wait3A_606, %dma_wait3A_607] : memref<2x320000xi32, #tpu.memory_space<hbm>> -> memref<1x128xi32, #tpu.memory_space<hbm>>
        tpu.wait_dma2 semaphore(%arg17 : memref<!tpu.dma_semaphore, #tpu.memory_space<semaphore_mem>>) src(%dma_wait3A_608 : memref<1x128xi32, #tpu.memory_space<hbm>>) dst(%dma_wait3A_605 : memref<1x128xi32, #tpu.memory_space<vmem>>)
        %dma_start3A_609 = arith.constant 7 : i32
        %dma_start3A_610 = arith.constant 0 : i32
        %dma_start3A_611 = arith.constant 0 : i32
        %dma_start3A_612 = tpu.memref_slice %arg7[%dma_start3A_609, %dma_start3A_610, %dma_start3A_611] : memref<8x1x128xi32, #tpu.memory_space<vmem>> -> memref<1x1x128xi32, #tpu.memory_space<vmem>>
        %dma_start3A_613 = tpu.memref_squeeze %dma_start3A_612 : memref<1x1x128xi32, #tpu.memory_space<vmem>> -> memref<128xi32, #tpu.memory_space<vmem>>
        %dma_start3A_614 = arith.constant 0 : i32
        %dma_start3A_615 = arith.constant 0 : i32
        %dma_start3A_616 = tpu.memref_slice %arg9[%dma_start3A_614, %dma_start3A_615] : memref<10112x128xf32, #tpu.memory_space<vmem_shared>> -> memref<10112x128xf32, #tpu.memory_space<vmem_shared>>
        tpu.enqueue_indirect_dma source(%arg8 : memref<128x128xf32, #tpu.memory_space<vmem>>) target(%dma_start3A_616 : memref<10112x128xf32, #tpu.memory_space<vmem_shared>>) offsets(%dma_start3A_613 : memref<128xi32, #tpu.memory_space<vmem>>) semaphore(%arg25 : memref<!tpu.dma_semaphore, #tpu.memory_space<semaphore_mem>>) {add = true}
        %ge3A_617 = arith.constant 4 : i32
        %ge3A_618 = arith.cmpi sge, %add3A_593, %ge3A_617 : i32
        %convert_element_type3A_619 = arith.extui %ge3A_618 : i1 to i32
        %cond3A_620 = arith.constant 0 : i32
        %cond3A_621 = arith.cmpi ne, %convert_element_type3A_619, %cond3A_620 : i32
        scf.if %cond3A_621 {
          %dma_wait3A_629 = arith.constant 3 : i32
          %dma_wait3A_630 = arith.constant 0 : i32
          %dma_wait3A_631 = arith.constant 0 : i32
          %dma_wait3A_632 = tpu.memref_slice %arg7[%dma_wait3A_629, %dma_wait3A_630, %dma_wait3A_631] : memref<8x1x128xi32, #tpu.memory_space<vmem>> -> memref<1x1x128xi32, #tpu.memory_space<vmem>>
          %dma_wait3A_633 = tpu.memref_squeeze %dma_wait3A_632 : memref<1x1x128xi32, #tpu.memory_space<vmem>> -> memref<128xi32, #tpu.memory_space<vmem>>
          %dma_wait3A_634 = arith.constant 0 : i32
          %dma_wait3A_635 = arith.constant 0 : i32
          %dma_wait3A_636 = tpu.memref_slice %arg9[%dma_wait3A_634, %dma_wait3A_635] : memref<10112x128xf32, #tpu.memory_space<vmem_shared>> -> memref<10112x128xf32, #tpu.memory_space<vmem_shared>>
          tpu.wait_indirect_dma semaphore(%arg21 : memref<!tpu.dma_semaphore, #tpu.memory_space<semaphore_mem>>) src(%arg8 : memref<128x128xf32, #tpu.memory_space<vmem>>) dst(%dma_wait3A_636 : memref<10112x128xf32, #tpu.memory_space<vmem_shared>>)
        } else {
        }
        %add3A_622 = arith.constant 4 : i32
        %add3A_623 = arith.addi %add3A_593, %add3A_622 : i32
        %lt3A_624 = arith.constant 152 : i32
        %lt3A_625 = arith.cmpi slt, %add3A_623, %lt3A_624 : i32
        %convert_element_type3A_626 = arith.extui %lt3A_625 : i1 to i32
        %cond3A_627 = arith.constant 0 : i32
        %cond3A_628 = arith.cmpi ne, %convert_element_type3A_626, %cond3A_627 : i32
        scf.if %cond3A_628 {
          %add3A_629 = arith.constant 4 : i32
          %add3A_630 = arith.addi %add3A_593, %add3A_629 : i32
          %mul3A_631 = arith.constant 16 : i32
          %mul3A_632 = arith.muli %add3A_630, %mul3A_631 : i32
          %add3A_633 = arith.addi %mul3A_632, %arg1 : i32
          %mul3A_634 = arith.constant 128 : i32
          %mul3A_635 = arith.muli %add3A_633, %mul3A_634 : i32
          %dma_start3A_636 = arith.constant 3 : i32
          %dma_start3A_637 = arith.constant 0 : i32
          %dma_start3A_638 = arith.constant 0 : i32
          %dma_start3A_639 = tpu.memref_slice %arg7[%dma_start3A_636, %dma_start3A_637, %dma_start3A_638] : memref<8x1x128xi32, #tpu.memory_space<vmem>> -> memref<1x1x128xi32, #tpu.memory_space<vmem>>
          %dma_start3A_640 = tpu.memref_squeeze %dma_start3A_639 : memref<1x1x128xi32, #tpu.memory_space<vmem>> -> memref<1x128xi32, #tpu.memory_space<vmem>>
          %dma_start3A_641 = arith.constant 0 : i32
          %dma_start3A_642 = tpu.memref_slice %arg2[%dma_start3A_641, %mul3A_635] : memref<2x320000xi32, #tpu.memory_space<hbm>> -> memref<1x128xi32, #tpu.memory_space<hbm>>
          %dma_start3A_643 = arith.constant 0 : i32
          %dma_start3A_644 = arith.constant 0 : i32
          %dma_start3A_645 = tpu.memref_slice %arg7[%dma_start3A_636, %dma_start3A_643, %dma_start3A_644] : memref<8x1x128xi32, #tpu.memory_space<vmem>> -> memref<1x1x128xi32, #tpu.memory_space<vmem>>
          %dma_start3A_646 = tpu.memref_squeeze %dma_start3A_645 : memref<1x1x128xi32, #tpu.memory_space<vmem>> -> memref<1x128xi32, #tpu.memory_space<vmem>>
          %dma_start3A_647 = arith.constant 0 : i32
          %dma_start3A_648 = tpu.memref_slice %arg2[%dma_start3A_647, %mul3A_635] : memref<2x320000xi32, #tpu.memory_space<hbm>> -> memref<1x128xi32, #tpu.memory_space<hbm>>
          tpu.enqueue_dma source(%dma_start3A_648 : memref<1x128xi32, #tpu.memory_space<hbm>>) target(%dma_start3A_646 : memref<1x128xi32, #tpu.memory_space<vmem>>) target_semaphore(%arg13 : memref<!tpu.dma_semaphore, #tpu.memory_space<semaphore_mem>>)
        } else {
        }
      }
      %scan3A_89 = arith.constant 19 : i32
      %dma_wait3A = arith.constant 4 : i32
      %dma_wait3A_90 = arith.constant 0 : i32
      %dma_wait3A_91 = arith.constant 0 : i32
      %dma_wait3A_92 = tpu.memref_slice %arg7[%dma_wait3A, %dma_wait3A_90, %dma_wait3A_91] : memref<8x1x128xi32, #tpu.memory_space<vmem>> -> memref<1x1x128xi32, #tpu.memory_space<vmem>>
      %dma_wait3A_93 = tpu.memref_squeeze %dma_wait3A_92 : memref<1x1x128xi32, #tpu.memory_space<vmem>> -> memref<128xi32, #tpu.memory_space<vmem>>
      %dma_wait3A_94 = arith.constant 0 : i32
      %dma_wait3A_95 = arith.constant 0 : i32
      %dma_wait3A_96 = tpu.memref_slice %arg9[%dma_wait3A_94, %dma_wait3A_95] : memref<10112x128xf32, #tpu.memory_space<vmem_shared>> -> memref<10112x128xf32, #tpu.memory_space<vmem_shared>>
      tpu.wait_indirect_dma semaphore(%arg22 : memref<!tpu.dma_semaphore, #tpu.memory_space<semaphore_mem>>) src(%arg8 : memref<128x128xf32, #tpu.memory_space<vmem>>) dst(%dma_wait3A_96 : memref<10112x128xf32, #tpu.memory_space<vmem_shared>>)
      %dma_wait3A_97 = arith.constant 5 : i32
      %dma_wait3A_98 = arith.constant 0 : i32
      %dma_wait3A_99 = arith.constant 0 : i32
      %dma_wait3A_100 = tpu.memref_slice %arg7[%dma_wait3A_97, %dma_wait3A_98, %dma_wait3A_99] : memref<8x1x128xi32, #tpu.memory_space<vmem>> -> memref<1x1x128xi32, #tpu.memory_space<vmem>>
      %dma_wait3A_101 = tpu.memref_squeeze %dma_wait3A_100 : memref<1x1x128xi32, #tpu.memory_space<vmem>> -> memref<128xi32, #tpu.memory_space<vmem>>
      %dma_wait3A_102 = arith.constant 0 : i32
      %dma_wait3A_103 = arith.constant 0 : i32
      %dma_wait3A_104 = tpu.memref_slice %arg9[%dma_wait3A_102, %dma_wait3A_103] : memref<10112x128xf32, #tpu.memory_space<vmem_shared>> -> memref<10112x128xf32, #tpu.memory_space<vmem_shared>>
      tpu.wait_indirect_dma semaphore(%arg23 : memref<!tpu.dma_semaphore, #tpu.memory_space<semaphore_mem>>) src(%arg8 : memref<128x128xf32, #tpu.memory_space<vmem>>) dst(%dma_wait3A_104 : memref<10112x128xf32, #tpu.memory_space<vmem_shared>>)
      %dma_wait3A_105 = arith.constant 6 : i32
      %dma_wait3A_106 = arith.constant 0 : i32
      %dma_wait3A_107 = arith.constant 0 : i32
      %dma_wait3A_108 = tpu.memref_slice %arg7[%dma_wait3A_105, %dma_wait3A_106, %dma_wait3A_107] : memref<8x1x128xi32, #tpu.memory_space<vmem>> -> memref<1x1x128xi32, #tpu.memory_space<vmem>>
      %dma_wait3A_109 = tpu.memref_squeeze %dma_wait3A_108 : memref<1x1x128xi32, #tpu.memory_space<vmem>> -> memref<128xi32, #tpu.memory_space<vmem>>
      %dma_wait3A_110 = arith.constant 0 : i32
      %dma_wait3A_111 = arith.constant 0 : i32
      %dma_wait3A_112 = tpu.memref_slice %arg9[%dma_wait3A_110, %dma_wait3A_111] : memref<10112x128xf32, #tpu.memory_space<vmem_shared>> -> memref<10112x128xf32, #tpu.memory_space<vmem_shared>>
      tpu.wait_indirect_dma semaphore(%arg24 : memref<!tpu.dma_semaphore, #tpu.memory_space<semaphore_mem>>) src(%arg8 : memref<128x128xf32, #tpu.memory_space<vmem>>) dst(%dma_wait3A_112 : memref<10112x128xf32, #tpu.memory_space<vmem_shared>>)
      %dma_wait3A_113 = arith.constant 7 : i32
      %dma_wait3A_114 = arith.constant 0 : i32
      %dma_wait3A_115 = arith.constant 0 : i32
      %dma_wait3A_116 = tpu.memref_slice %arg7[%dma_wait3A_113, %dma_wait3A_114, %dma_wait3A_115] : memref<8x1x128xi32, #tpu.memory_space<vmem>> -> memref<1x1x128xi32, #tpu.memory_space<vmem>>
      %dma_wait3A_117 = tpu.memref_squeeze %dma_wait3A_116 : memref<1x1x128xi32, #tpu.memory_space<vmem>> -> memref<128xi32, #tpu.memory_space<vmem>>
      %dma_wait3A_118 = arith.constant 0 : i32
      %dma_wait3A_119 = arith.constant 0 : i32
      %dma_wait3A_120 = tpu.memref_slice %arg9[%dma_wait3A_118, %dma_wait3A_119] : memref<10112x128xf32, #tpu.memory_space<vmem_shared>> -> memref<10112x128xf32, #tpu.memory_space<vmem_shared>>
      tpu.wait_indirect_dma semaphore(%arg25 : memref<!tpu.dma_semaphore, #tpu.memory_space<semaphore_mem>>) src(%arg8 : memref<128x128xf32, #tpu.memory_space<vmem>>) dst(%dma_wait3A_120 : memref<10112x128xf32, #tpu.memory_space<vmem_shared>>)
      %add3A_121 = arith.constant 2432 : i32
      %add3A_122 = arith.addi %add3A_121, %arg1 : i32
      %mul3A_123 = arith.constant 128 : i32
      %mul3A_124 = arith.muli %add3A_122, %mul3A_123 : i32
      %dma_start3A_125 = arith.constant 0 : i32
      %dma_start3A_126 = arith.constant 0 : i32
      %dma_start3A_127 = arith.constant 0 : i32
      %dma_start3A_128 = tpu.memref_slice %arg7[%dma_start3A_125, %dma_start3A_126, %dma_start3A_127] : memref<8x1x128xi32, #tpu.memory_space<vmem>> -> memref<1x1x128xi32, #tpu.memory_space<vmem>>
      %dma_start3A_129 = tpu.memref_squeeze %dma_start3A_128 : memref<1x1x128xi32, #tpu.memory_space<vmem>> -> memref<1x128xi32, #tpu.memory_space<vmem>>
      %dma_start3A_130 = arith.constant 0 : i32
      %dma_start3A_131 = tpu.memref_slice %arg2[%dma_start3A_130, %mul3A_124] : memref<2x320000xi32, #tpu.memory_space<hbm>> -> memref<1x128xi32, #tpu.memory_space<hbm>>
      %dma_start3A_132 = arith.constant 0 : i32
      %dma_start3A_133 = arith.constant 0 : i32
      %dma_start3A_134 = tpu.memref_slice %arg7[%dma_start3A_125, %dma_start3A_132, %dma_start3A_133] : memref<8x1x128xi32, #tpu.memory_space<vmem>> -> memref<1x1x128xi32, #tpu.memory_space<vmem>>
      %dma_start3A_135 = tpu.memref_squeeze %dma_start3A_134 : memref<1x1x128xi32, #tpu.memory_space<vmem>> -> memref<1x128xi32, #tpu.memory_space<vmem>>
      %dma_start3A_136 = arith.constant 0 : i32
      %dma_start3A_137 = tpu.memref_slice %arg2[%dma_start3A_136, %mul3A_124] : memref<2x320000xi32, #tpu.memory_space<hbm>> -> memref<1x128xi32, #tpu.memory_space<hbm>>
      tpu.enqueue_dma source(%dma_start3A_137 : memref<1x128xi32, #tpu.memory_space<hbm>>) target(%dma_start3A_135 : memref<1x128xi32, #tpu.memory_space<vmem>>) target_semaphore(%arg10 : memref<!tpu.dma_semaphore, #tpu.memory_space<semaphore_mem>>)
      %dma_wait3A_138 = arith.constant 0 : i32
      %dma_wait3A_139 = arith.constant 0 : i32
      %dma_wait3A_140 = arith.constant 0 : i32
      %dma_wait3A_141 = tpu.memref_slice %arg7[%dma_wait3A_138, %dma_wait3A_139, %dma_wait3A_140] : memref<8x1x128xi32, #tpu.memory_space<vmem>> -> memref<1x1x128xi32, #tpu.memory_space<vmem>>
      %dma_wait3A_142 = tpu.memref_squeeze %dma_wait3A_141 : memref<1x1x128xi32, #tpu.memory_space<vmem>> -> memref<1x128xi32, #tpu.memory_space<vmem>>
      %dma_wait3A_143 = arith.constant 0 : i32
      %dma_wait3A_144 = arith.constant 0 : i32
      %dma_wait3A_145 = tpu.memref_slice %arg2[%dma_wait3A_143, %dma_wait3A_144] : memref<2x320000xi32, #tpu.memory_space<hbm>> -> memref<1x128xi32, #tpu.memory_space<hbm>>
      %dma_wait3A_146 = arith.constant 0 : i32
      %dma_wait3A_147 = arith.constant 0 : i32
      %dma_wait3A_148 = tpu.memref_slice %arg7[%dma_wait3A_138, %dma_wait3A_146, %dma_wait3A_147] : memref<8x1x128xi32, #tpu.memory_space<vmem>> -> memref<1x1x128xi32, #tpu.memory_space<vmem>>
      %dma_wait3A_149 = tpu.memref_squeeze %dma_wait3A_148 : memref<1x1x128xi32, #tpu.memory_space<vmem>> -> memref<1x128xi32, #tpu.memory_space<vmem>>
      %dma_wait3A_150 = arith.constant 0 : i32
      %dma_wait3A_151 = arith.constant 0 : i32
      %dma_wait3A_152 = tpu.memref_slice %arg2[%dma_wait3A_150, %dma_wait3A_151] : memref<2x320000xi32, #tpu.memory_space<hbm>> -> memref<1x128xi32, #tpu.memory_space<hbm>>
      tpu.wait_dma2 semaphore(%arg10 : memref<!tpu.dma_semaphore, #tpu.memory_space<semaphore_mem>>) src(%dma_wait3A_152 : memref<1x128xi32, #tpu.memory_space<hbm>>) dst(%dma_wait3A_149 : memref<1x128xi32, #tpu.memory_space<vmem>>)
      %dma_start3A_153 = arith.constant 0 : i32
      %dma_start3A_154 = arith.constant 0 : i32
      %dma_start3A_155 = arith.constant 0 : i32
      %dma_start3A_156 = tpu.memref_slice %arg7[%dma_start3A_153, %dma_start3A_154, %dma_start3A_155] : memref<8x1x128xi32, #tpu.memory_space<vmem>> -> memref<1x1x128xi32, #tpu.memory_space<vmem>>
      %dma_start3A_157 = tpu.memref_squeeze %dma_start3A_156 : memref<1x1x128xi32, #tpu.memory_space<vmem>> -> memref<128xi32, #tpu.memory_space<vmem>>
      %dma_start3A_158 = arith.constant 0 : i32
      %dma_start3A_159 = arith.constant 0 : i32
      %dma_start3A_160 = tpu.memref_slice %arg9[%dma_start3A_158, %dma_start3A_159] : memref<10112x128xf32, #tpu.memory_space<vmem_shared>> -> memref<10112x128xf32, #tpu.memory_space<vmem_shared>>
      tpu.enqueue_indirect_dma source(%arg8 : memref<128x128xf32, #tpu.memory_space<vmem>>) target(%dma_start3A_160 : memref<10112x128xf32, #tpu.memory_space<vmem_shared>>) offsets(%dma_start3A_157 : memref<128xi32, #tpu.memory_space<vmem>>) semaphore(%arg18 : memref<!tpu.dma_semaphore, #tpu.memory_space<semaphore_mem>>) {add = true}
      %dma_wait3A_161 = arith.constant 0 : i32
      %dma_wait3A_162 = arith.constant 0 : i32
      %dma_wait3A_163 = arith.constant 0 : i32
      %dma_wait3A_164 = tpu.memref_slice %arg7[%dma_wait3A_161, %dma_wait3A_162, %dma_wait3A_163] : memref<8x1x128xi32, #tpu.memory_space<vmem>> -> memref<1x1x128xi32, #tpu.memory_space<vmem>>
      %dma_wait3A_165 = tpu.memref_squeeze %dma_wait3A_164 : memref<1x1x128xi32, #tpu.memory_space<vmem>> -> memref<128xi32, #tpu.memory_space<vmem>>
      %dma_wait3A_166 = arith.constant 0 : i32
      %dma_wait3A_167 = arith.constant 0 : i32
      %dma_wait3A_168 = tpu.memref_slice %arg9[%dma_wait3A_166, %dma_wait3A_167] : memref<10112x128xf32, #tpu.memory_space<vmem_shared>> -> memref<10112x128xf32, #tpu.memory_space<vmem_shared>>
      tpu.wait_indirect_dma semaphore(%arg18 : memref<!tpu.dma_semaphore, #tpu.memory_space<semaphore_mem>>) src(%arg8 : memref<128x128xf32, #tpu.memory_space<vmem>>) dst(%dma_wait3A_168 : memref<10112x128xf32, #tpu.memory_space<vmem_shared>>)
      %add3A_169 = arith.constant 2448 : i32
      %add3A_170 = arith.addi %add3A_169, %arg1 : i32
      %mul3A_171 = arith.constant 128 : i32
      %mul3A_172 = arith.muli %add3A_170, %mul3A_171 : i32
      %dma_start3A_173 = arith.constant 0 : i32
      %dma_start3A_174 = arith.constant 0 : i32
      %dma_start3A_175 = arith.constant 0 : i32
      %dma_start3A_176 = tpu.memref_slice %arg7[%dma_start3A_173, %dma_start3A_174, %dma_start3A_175] : memref<8x1x128xi32, #tpu.memory_space<vmem>> -> memref<1x1x128xi32, #tpu.memory_space<vmem>>
      %dma_start3A_177 = tpu.memref_squeeze %dma_start3A_176 : memref<1x1x128xi32, #tpu.memory_space<vmem>> -> memref<1x128xi32, #tpu.memory_space<vmem>>
      %dma_start3A_178 = arith.constant 0 : i32
      %dma_start3A_179 = tpu.memref_slice %arg2[%dma_start3A_178, %mul3A_172] : memref<2x320000xi32, #tpu.memory_space<hbm>> -> memref<1x128xi32, #tpu.memory_space<hbm>>
      %dma_start3A_180 = arith.constant 0 : i32
      %dma_start3A_181 = arith.constant 0 : i32
      %dma_start3A_182 = tpu.memref_slice %arg7[%dma_start3A_173, %dma_start3A_180, %dma_start3A_181] : memref<8x1x128xi32, #tpu.memory_space<vmem>> -> memref<1x1x128xi32, #tpu.memory_space<vmem>>
      %dma_start3A_183 = tpu.memref_squeeze %dma_start3A_182 : memref<1x1x128xi32, #tpu.memory_space<vmem>> -> memref<1x128xi32, #tpu.memory_space<vmem>>
      %dma_start3A_184 = arith.constant 0 : i32
      %dma_start3A_185 = tpu.memref_slice %arg2[%dma_start3A_184, %mul3A_172] : memref<2x320000xi32, #tpu.memory_space<hbm>> -> memref<1x128xi32, #tpu.memory_space<hbm>>
      tpu.enqueue_dma source(%dma_start3A_185 : memref<1x128xi32, #tpu.memory_space<hbm>>) target(%dma_start3A_183 : memref<1x128xi32, #tpu.memory_space<vmem>>) target_semaphore(%arg10 : memref<!tpu.dma_semaphore, #tpu.memory_space<semaphore_mem>>)
      %dma_wait3A_186 = arith.constant 0 : i32
      %dma_wait3A_187 = arith.constant 0 : i32
      %dma_wait3A_188 = arith.constant 0 : i32
      %dma_wait3A_189 = tpu.memref_slice %arg7[%dma_wait3A_186, %dma_wait3A_187, %dma_wait3A_188] : memref<8x1x128xi32, #tpu.memory_space<vmem>> -> memref<1x1x128xi32, #tpu.memory_space<vmem>>
      %dma_wait3A_190 = tpu.memref_squeeze %dma_wait3A_189 : memref<1x1x128xi32, #tpu.memory_space<vmem>> -> memref<1x128xi32, #tpu.memory_space<vmem>>
      %dma_wait3A_191 = arith.constant 0 : i32
      %dma_wait3A_192 = arith.constant 0 : i32
      %dma_wait3A_193 = tpu.memref_slice %arg2[%dma_wait3A_191, %dma_wait3A_192] : memref<2x320000xi32, #tpu.memory_space<hbm>> -> memref<1x128xi32, #tpu.memory_space<hbm>>
      %dma_wait3A_194 = arith.constant 0 : i32
      %dma_wait3A_195 = arith.constant 0 : i32
      %dma_wait3A_196 = tpu.memref_slice %arg7[%dma_wait3A_186, %dma_wait3A_194, %dma_wait3A_195] : memref<8x1x128xi32, #tpu.memory_space<vmem>> -> memref<1x1x128xi32, #tpu.memory_space<vmem>>
      %dma_wait3A_197 = tpu.memref_squeeze %dma_wait3A_196 : memref<1x1x128xi32, #tpu.memory_space<vmem>> -> memref<1x128xi32, #tpu.memory_space<vmem>>
      %dma_wait3A_198 = arith.constant 0 : i32
      %dma_wait3A_199 = arith.constant 0 : i32
      %dma_wait3A_200 = tpu.memref_slice %arg2[%dma_wait3A_198, %dma_wait3A_199] : memref<2x320000xi32, #tpu.memory_space<hbm>> -> memref<1x128xi32, #tpu.memory_space<hbm>>
      tpu.wait_dma2 semaphore(%arg10 : memref<!tpu.dma_semaphore, #tpu.memory_space<semaphore_mem>>) src(%dma_wait3A_200 : memref<1x128xi32, #tpu.memory_space<hbm>>) dst(%dma_wait3A_197 : memref<1x128xi32, #tpu.memory_space<vmem>>)
      %dma_start3A_201 = arith.constant 0 : i32
      %dma_start3A_202 = arith.constant 0 : i32
      %dma_start3A_203 = arith.constant 0 : i32
      %dma_start3A_204 = tpu.memref_slice %arg7[%dma_start3A_201, %dma_start3A_202, %dma_start3A_203] : memref<8x1x128xi32, #tpu.memory_space<vmem>> -> memref<1x1x128xi32, #tpu.memory_space<vmem>>
      %dma_start3A_205 = tpu.memref_squeeze %dma_start3A_204 : memref<1x1x128xi32, #tpu.memory_space<vmem>> -> memref<128xi32, #tpu.memory_space<vmem>>
      %dma_start3A_206 = arith.constant 0 : i32
      %dma_start3A_207 = arith.constant 0 : i32
      %dma_start3A_208 = tpu.memref_slice %arg9[%dma_start3A_206, %dma_start3A_207] : memref<10112x128xf32, #tpu.memory_space<vmem_shared>> -> memref<10112x128xf32, #tpu.memory_space<vmem_shared>>
      tpu.enqueue_indirect_dma source(%arg8 : memref<128x128xf32, #tpu.memory_space<vmem>>) target(%dma_start3A_208 : memref<10112x128xf32, #tpu.memory_space<vmem_shared>>) offsets(%dma_start3A_205 : memref<128xi32, #tpu.memory_space<vmem>>) semaphore(%arg18 : memref<!tpu.dma_semaphore, #tpu.memory_space<semaphore_mem>>) {add = true}
      %dma_wait3A_209 = arith.constant 0 : i32
      %dma_wait3A_210 = arith.constant 0 : i32
      %dma_wait3A_211 = arith.constant 0 : i32
      %dma_wait3A_212 = tpu.memref_slice %arg7[%dma_wait3A_209, %dma_wait3A_210, %dma_wait3A_211] : memref<8x1x128xi32, #tpu.memory_space<vmem>> -> memref<1x1x128xi32, #tpu.memory_space<vmem>>
      %dma_wait3A_213 = tpu.memref_squeeze %dma_wait3A_212 : memref<1x1x128xi32, #tpu.memory_space<vmem>> -> memref<128xi32, #tpu.memory_space<vmem>>
      %dma_wait3A_214 = arith.constant 0 : i32
      %dma_wait3A_215 = arith.constant 0 : i32
      %dma_wait3A_216 = tpu.memref_slice %arg9[%dma_wait3A_214, %dma_wait3A_215] : memref<10112x128xf32, #tpu.memory_space<vmem_shared>> -> memref<10112x128xf32, #tpu.memory_space<vmem_shared>>
      tpu.wait_indirect_dma semaphore(%arg18 : memref<!tpu.dma_semaphore, #tpu.memory_space<semaphore_mem>>) src(%arg8 : memref<128x128xf32, #tpu.memory_space<vmem>>) dst(%dma_wait3A_216 : memref<10112x128xf32, #tpu.memory_space<vmem_shared>>)
      %add3A_217 = arith.constant 2464 : i32
      %add3A_218 = arith.addi %add3A_217, %arg1 : i32
      %mul3A_219 = arith.constant 128 : i32
      %mul3A_220 = arith.muli %add3A_218, %mul3A_219 : i32
      %dma_start3A_221 = arith.constant 0 : i32
      %dma_start3A_222 = arith.constant 0 : i32
      %dma_start3A_223 = arith.constant 0 : i32
      %dma_start3A_224 = tpu.memref_slice %arg7[%dma_start3A_221, %dma_start3A_222, %dma_start3A_223] : memref<8x1x128xi32, #tpu.memory_space<vmem>> -> memref<1x1x128xi32, #tpu.memory_space<vmem>>
      %dma_start3A_225 = tpu.memref_squeeze %dma_start3A_224 : memref<1x1x128xi32, #tpu.memory_space<vmem>> -> memref<1x128xi32, #tpu.memory_space<vmem>>
      %dma_start3A_226 = arith.constant 0 : i32
      %dma_start3A_227 = tpu.memref_slice %arg2[%dma_start3A_226, %mul3A_220] : memref<2x320000xi32, #tpu.memory_space<hbm>> -> memref<1x128xi32, #tpu.memory_space<hbm>>
      %dma_start3A_228 = arith.constant 0 : i32
      %dma_start3A_229 = arith.constant 0 : i32
      %dma_start3A_230 = tpu.memref_slice %arg7[%dma_start3A_221, %dma_start3A_228, %dma_start3A_229] : memref<8x1x128xi32, #tpu.memory_space<vmem>> -> memref<1x1x128xi32, #tpu.memory_space<vmem>>
      %dma_start3A_231 = tpu.memref_squeeze %dma_start3A_230 : memref<1x1x128xi32, #tpu.memory_space<vmem>> -> memref<1x128xi32, #tpu.memory_space<vmem>>
      %dma_start3A_232 = arith.constant 0 : i32
      %dma_start3A_233 = tpu.memref_slice %arg2[%dma_start3A_232, %mul3A_220] : memref<2x320000xi32, #tpu.memory_space<hbm>> -> memref<1x128xi32, #tpu.memory_space<hbm>>
      tpu.enqueue_dma source(%dma_start3A_233 : memref<1x128xi32, #tpu.memory_space<hbm>>) target(%dma_start3A_231 : memref<1x128xi32, #tpu.memory_space<vmem>>) target_semaphore(%arg10 : memref<!tpu.dma_semaphore, #tpu.memory_space<semaphore_mem>>)
      %dma_wait3A_234 = arith.constant 0 : i32
      %dma_wait3A_235 = arith.constant 0 : i32
      %dma_wait3A_236 = arith.constant 0 : i32
      %dma_wait3A_237 = tpu.memref_slice %arg7[%dma_wait3A_234, %dma_wait3A_235, %dma_wait3A_236] : memref<8x1x128xi32, #tpu.memory_space<vmem>> -> memref<1x1x128xi32, #tpu.memory_space<vmem>>
      %dma_wait3A_238 = tpu.memref_squeeze %dma_wait3A_237 : memref<1x1x128xi32, #tpu.memory_space<vmem>> -> memref<1x128xi32, #tpu.memory_space<vmem>>
      %dma_wait3A_239 = arith.constant 0 : i32
      %dma_wait3A_240 = arith.constant 0 : i32
      %dma_wait3A_241 = tpu.memref_slice %arg2[%dma_wait3A_239, %dma_wait3A_240] : memref<2x320000xi32, #tpu.memory_space<hbm>> -> memref<1x128xi32, #tpu.memory_space<hbm>>
      %dma_wait3A_242 = arith.constant 0 : i32
      %dma_wait3A_243 = arith.constant 0 : i32
      %dma_wait3A_244 = tpu.memref_slice %arg7[%dma_wait3A_234, %dma_wait3A_242, %dma_wait3A_243] : memref<8x1x128xi32, #tpu.memory_space<vmem>> -> memref<1x1x128xi32, #tpu.memory_space<vmem>>
      %dma_wait3A_245 = tpu.memref_squeeze %dma_wait3A_244 : memref<1x1x128xi32, #tpu.memory_space<vmem>> -> memref<1x128xi32, #tpu.memory_space<vmem>>
      %dma_wait3A_246 = arith.constant 0 : i32
      %dma_wait3A_247 = arith.constant 0 : i32
      %dma_wait3A_248 = tpu.memref_slice %arg2[%dma_wait3A_246, %dma_wait3A_247] : memref<2x320000xi32, #tpu.memory_space<hbm>> -> memref<1x128xi32, #tpu.memory_space<hbm>>
      tpu.wait_dma2 semaphore(%arg10 : memref<!tpu.dma_semaphore, #tpu.memory_space<semaphore_mem>>) src(%dma_wait3A_248 : memref<1x128xi32, #tpu.memory_space<hbm>>) dst(%dma_wait3A_245 : memref<1x128xi32, #tpu.memory_space<vmem>>)
      %dma_start3A_249 = arith.constant 0 : i32
      %dma_start3A_250 = arith.constant 0 : i32
      %dma_start3A_251 = arith.constant 0 : i32
      %dma_start3A_252 = tpu.memref_slice %arg7[%dma_start3A_249, %dma_start3A_250, %dma_start3A_251] : memref<8x1x128xi32, #tpu.memory_space<vmem>> -> memref<1x1x128xi32, #tpu.memory_space<vmem>>
      %dma_start3A_253 = tpu.memref_squeeze %dma_start3A_252 : memref<1x1x128xi32, #tpu.memory_space<vmem>> -> memref<128xi32, #tpu.memory_space<vmem>>
      %dma_start3A_254 = arith.constant 0 : i32
      %dma_start3A_255 = arith.constant 0 : i32
      %dma_start3A_256 = tpu.memref_slice %arg9[%dma_start3A_254, %dma_start3A_255] : memref<10112x128xf32, #tpu.memory_space<vmem_shared>> -> memref<10112x128xf32, #tpu.memory_space<vmem_shared>>
      tpu.enqueue_indirect_dma source(%arg8 : memref<128x128xf32, #tpu.memory_space<vmem>>) target(%dma_start3A_256 : memref<10112x128xf32, #tpu.memory_space<vmem_shared>>) offsets(%dma_start3A_253 : memref<128xi32, #tpu.memory_space<vmem>>) semaphore(%arg18 : memref<!tpu.dma_semaphore, #tpu.memory_space<semaphore_mem>>) {add = true}
      %dma_wait3A_257 = arith.constant 0 : i32
      %dma_wait3A_258 = arith.constant 0 : i32
      %dma_wait3A_259 = arith.constant 0 : i32
      %dma_wait3A_260 = tpu.memref_slice %arg7[%dma_wait3A_257, %dma_wait3A_258, %dma_wait3A_259] : memref<8x1x128xi32, #tpu.memory_space<vmem>> -> memref<1x1x128xi32, #tpu.memory_space<vmem>>
      %dma_wait3A_261 = tpu.memref_squeeze %dma_wait3A_260 : memref<1x1x128xi32, #tpu.memory_space<vmem>> -> memref<128xi32, #tpu.memory_space<vmem>>
      %dma_wait3A_262 = arith.constant 0 : i32
      %dma_wait3A_263 = arith.constant 0 : i32
      %dma_wait3A_264 = tpu.memref_slice %arg9[%dma_wait3A_262, %dma_wait3A_263] : memref<10112x128xf32, #tpu.memory_space<vmem_shared>> -> memref<10112x128xf32, #tpu.memory_space<vmem_shared>>
      tpu.wait_indirect_dma semaphore(%arg18 : memref<!tpu.dma_semaphore, #tpu.memory_space<semaphore_mem>>) src(%arg8 : memref<128x128xf32, #tpu.memory_space<vmem>>) dst(%dma_wait3A_264 : memref<10112x128xf32, #tpu.memory_space<vmem_shared>>)
      %add3A_265 = arith.constant 2480 : i32
      %add3A_266 = arith.addi %add3A_265, %arg1 : i32
      %mul3A_267 = arith.constant 128 : i32
      %mul3A_268 = arith.muli %add3A_266, %mul3A_267 : i32
      %dma_start3A_269 = arith.constant 0 : i32
      %dma_start3A_270 = arith.constant 0 : i32
      %dma_start3A_271 = arith.constant 0 : i32
      %dma_start3A_272 = tpu.memref_slice %arg7[%dma_start3A_269, %dma_start3A_270, %dma_start3A_271] : memref<8x1x128xi32, #tpu.memory_space<vmem>> -> memref<1x1x128xi32, #tpu.memory_space<vmem>>
      %dma_start3A_273 = tpu.memref_squeeze %dma_start3A_272 : memref<1x1x128xi32, #tpu.memory_space<vmem>> -> memref<1x128xi32, #tpu.memory_space<vmem>>
      %dma_start3A_274 = arith.constant 0 : i32
      %dma_start3A_275 = tpu.memref_slice %arg2[%dma_start3A_274, %mul3A_268] : memref<2x320000xi32, #tpu.memory_space<hbm>> -> memref<1x128xi32, #tpu.memory_space<hbm>>
      %dma_start3A_276 = arith.constant 0 : i32
      %dma_start3A_277 = arith.constant 0 : i32
      %dma_start3A_278 = tpu.memref_slice %arg7[%dma_start3A_269, %dma_start3A_276, %dma_start3A_277] : memref<8x1x128xi32, #tpu.memory_space<vmem>> -> memref<1x1x128xi32, #tpu.memory_space<vmem>>
      %dma_start3A_279 = tpu.memref_squeeze %dma_start3A_278 : memref<1x1x128xi32, #tpu.memory_space<vmem>> -> memref<1x128xi32, #tpu.memory_space<vmem>>
      %dma_start3A_280 = arith.constant 0 : i32
      %dma_start3A_281 = tpu.memref_slice %arg2[%dma_start3A_280, %mul3A_268] : memref<2x320000xi32, #tpu.memory_space<hbm>> -> memref<1x128xi32, #tpu.memory_space<hbm>>
      tpu.enqueue_dma source(%dma_start3A_281 : memref<1x128xi32, #tpu.memory_space<hbm>>) target(%dma_start3A_279 : memref<1x128xi32, #tpu.memory_space<vmem>>) target_semaphore(%arg10 : memref<!tpu.dma_semaphore, #tpu.memory_space<semaphore_mem>>)
      %dma_wait3A_282 = arith.constant 0 : i32
      %dma_wait3A_283 = arith.constant 0 : i32
      %dma_wait3A_284 = arith.constant 0 : i32
      %dma_wait3A_285 = tpu.memref_slice %arg7[%dma_wait3A_282, %dma_wait3A_283, %dma_wait3A_284] : memref<8x1x128xi32, #tpu.memory_space<vmem>> -> memref<1x1x128xi32, #tpu.memory_space<vmem>>
      %dma_wait3A_286 = tpu.memref_squeeze %dma_wait3A_285 : memref<1x1x128xi32, #tpu.memory_space<vmem>> -> memref<1x128xi32, #tpu.memory_space<vmem>>
      %dma_wait3A_287 = arith.constant 0 : i32
      %dma_wait3A_288 = arith.constant 0 : i32
      %dma_wait3A_289 = tpu.memref_slice %arg2[%dma_wait3A_287, %dma_wait3A_288] : memref<2x320000xi32, #tpu.memory_space<hbm>> -> memref<1x128xi32, #tpu.memory_space<hbm>>
      %dma_wait3A_290 = arith.constant 0 : i32
      %dma_wait3A_291 = arith.constant 0 : i32
      %dma_wait3A_292 = tpu.memref_slice %arg7[%dma_wait3A_282, %dma_wait3A_290, %dma_wait3A_291] : memref<8x1x128xi32, #tpu.memory_space<vmem>> -> memref<1x1x128xi32, #tpu.memory_space<vmem>>
      %dma_wait3A_293 = tpu.memref_squeeze %dma_wait3A_292 : memref<1x1x128xi32, #tpu.memory_space<vmem>> -> memref<1x128xi32, #tpu.memory_space<vmem>>
      %dma_wait3A_294 = arith.constant 0 : i32
      %dma_wait3A_295 = arith.constant 0 : i32
      %dma_wait3A_296 = tpu.memref_slice %arg2[%dma_wait3A_294, %dma_wait3A_295] : memref<2x320000xi32, #tpu.memory_space<hbm>> -> memref<1x128xi32, #tpu.memory_space<hbm>>
      tpu.wait_dma2 semaphore(%arg10 : memref<!tpu.dma_semaphore, #tpu.memory_space<semaphore_mem>>) src(%dma_wait3A_296 : memref<1x128xi32, #tpu.memory_space<hbm>>) dst(%dma_wait3A_293 : memref<1x128xi32, #tpu.memory_space<vmem>>)
      %dma_start3A_297 = arith.constant 0 : i32
      %dma_start3A_298 = arith.constant 0 : i32
      %dma_start3A_299 = arith.constant 0 : i32
      %dma_start3A_300 = tpu.memref_slice %arg7[%dma_start3A_297, %dma_start3A_298, %dma_start3A_299] : memref<8x1x128xi32, #tpu.memory_space<vmem>> -> memref<1x1x128xi32, #tpu.memory_space<vmem>>
      %dma_start3A_301 = tpu.memref_squeeze %dma_start3A_300 : memref<1x1x128xi32, #tpu.memory_space<vmem>> -> memref<128xi32, #tpu.memory_space<vmem>>
      %dma_start3A_302 = arith.constant 0 : i32
      %dma_start3A_303 = arith.constant 0 : i32
      %dma_start3A_304 = tpu.memref_slice %arg9[%dma_start3A_302, %dma_start3A_303] : memref<10112x128xf32, #tpu.memory_space<vmem_shared>> -> memref<10112x128xf32, #tpu.memory_space<vmem_shared>>
      tpu.enqueue_indirect_dma source(%arg8 : memref<128x128xf32, #tpu.memory_space<vmem>>) target(%dma_start3A_304 : memref<10112x128xf32, #tpu.memory_space<vmem_shared>>) offsets(%dma_start3A_301 : memref<128xi32, #tpu.memory_space<vmem>>) semaphore(%arg18 : memref<!tpu.dma_semaphore, #tpu.memory_space<semaphore_mem>>) {add = true}
      %dma_wait3A_305 = arith.constant 0 : i32
      %dma_wait3A_306 = arith.constant 0 : i32
      %dma_wait3A_307 = arith.constant 0 : i32
      %dma_wait3A_308 = tpu.memref_slice %arg7[%dma_wait3A_305, %dma_wait3A_306, %dma_wait3A_307] : memref<8x1x128xi32, #tpu.memory_space<vmem>> -> memref<1x1x128xi32, #tpu.memory_space<vmem>>
      %dma_wait3A_309 = tpu.memref_squeeze %dma_wait3A_308 : memref<1x1x128xi32, #tpu.memory_space<vmem>> -> memref<128xi32, #tpu.memory_space<vmem>>
      %dma_wait3A_310 = arith.constant 0 : i32
      %dma_wait3A_311 = arith.constant 0 : i32
      %dma_wait3A_312 = tpu.memref_slice %arg9[%dma_wait3A_310, %dma_wait3A_311] : memref<10112x128xf32, #tpu.memory_space<vmem_shared>> -> memref<10112x128xf32, #tpu.memory_space<vmem_shared>>
      tpu.wait_indirect_dma semaphore(%arg18 : memref<!tpu.dma_semaphore, #tpu.memory_space<semaphore_mem>>) src(%arg8 : memref<128x128xf32, #tpu.memory_space<vmem>>) dst(%dma_wait3A_312 : memref<10112x128xf32, #tpu.memory_space<vmem_shared>>)
      %lt3A = arith.constant 4 : i32
      %lt3A_313 = arith.cmpi slt, %arg1, %lt3A : i32
      %convert_element_type3A_314 = arith.extui %lt3A_313 : i1 to i32
      %cond3A_315 = arith.constant 0 : i32
      %cond3A_316 = arith.cmpi ne, %convert_element_type3A_314, %cond3A_315 : i32
      scf.if %cond3A_316 {
        %add3A_317 = arith.constant 2496 : i32
        %add3A_318 = arith.addi %add3A_317, %arg1 : i32
        %mul3A_319 = arith.constant 128 : i32
        %mul3A_320 = arith.muli %add3A_318, %mul3A_319 : i32
        %dma_start3A_321 = arith.constant 0 : i32
        %dma_start3A_322 = arith.constant 0 : i32
        %dma_start3A_323 = arith.constant 0 : i32
        %dma_start3A_324 = tpu.memref_slice %arg7[%dma_start3A_321, %dma_start3A_322, %dma_start3A_323] : memref<8x1x128xi32, #tpu.memory_space<vmem>> -> memref<1x1x128xi32, #tpu.memory_space<vmem>>
        %dma_start3A_325 = tpu.memref_squeeze %dma_start3A_324 : memref<1x1x128xi32, #tpu.memory_space<vmem>> -> memref<1x128xi32, #tpu.memory_space<vmem>>
        %dma_start3A_326 = arith.constant 0 : i32
        %dma_start3A_327 = tpu.memref_slice %arg2[%dma_start3A_326, %mul3A_320] : memref<2x320000xi32, #tpu.memory_space<hbm>> -> memref<1x128xi32, #tpu.memory_space<hbm>>
        %dma_start3A_328 = arith.constant 0 : i32
        %dma_start3A_329 = arith.constant 0 : i32
        %dma_start3A_330 = tpu.memref_slice %arg7[%dma_start3A_321, %dma_start3A_328, %dma_start3A_329] : memref<8x1x128xi32, #tpu.memory_space<vmem>> -> memref<1x1x128xi32, #tpu.memory_space<vmem>>
        %dma_start3A_331 = tpu.memref_squeeze %dma_start3A_330 : memref<1x1x128xi32, #tpu.memory_space<vmem>> -> memref<1x128xi32, #tpu.memory_space<vmem>>
        %dma_start3A_332 = arith.constant 0 : i32
        %dma_start3A_333 = tpu.memref_slice %arg2[%dma_start3A_332, %mul3A_320] : memref<2x320000xi32, #tpu.memory_space<hbm>> -> memref<1x128xi32, #tpu.memory_space<hbm>>
        tpu.enqueue_dma source(%dma_start3A_333 : memref<1x128xi32, #tpu.memory_space<hbm>>) target(%dma_start3A_331 : memref<1x128xi32, #tpu.memory_space<vmem>>) target_semaphore(%arg10 : memref<!tpu.dma_semaphore, #tpu.memory_space<semaphore_mem>>)
        %dma_wait3A_334 = arith.constant 0 : i32
        %dma_wait3A_335 = arith.constant 0 : i32
        %dma_wait3A_336 = arith.constant 0 : i32
        %dma_wait3A_337 = tpu.memref_slice %arg7[%dma_wait3A_334, %dma_wait3A_335, %dma_wait3A_336] : memref<8x1x128xi32, #tpu.memory_space<vmem>> -> memref<1x1x128xi32, #tpu.memory_space<vmem>>
        %dma_wait3A_338 = tpu.memref_squeeze %dma_wait3A_337 : memref<1x1x128xi32, #tpu.memory_space<vmem>> -> memref<1x128xi32, #tpu.memory_space<vmem>>
        %dma_wait3A_339 = arith.constant 0 : i32
        %dma_wait3A_340 = arith.constant 0 : i32
        %dma_wait3A_341 = tpu.memref_slice %arg2[%dma_wait3A_339, %dma_wait3A_340] : memref<2x320000xi32, #tpu.memory_space<hbm>> -> memref<1x128xi32, #tpu.memory_space<hbm>>
        %dma_wait3A_342 = arith.constant 0 : i32
        %dma_wait3A_343 = arith.constant 0 : i32
        %dma_wait3A_344 = tpu.memref_slice %arg7[%dma_wait3A_334, %dma_wait3A_342, %dma_wait3A_343] : memref<8x1x128xi32, #tpu.memory_space<vmem>> -> memref<1x1x128xi32, #tpu.memory_space<vmem>>
        %dma_wait3A_345 = tpu.memref_squeeze %dma_wait3A_344 : memref<1x1x128xi32, #tpu.memory_space<vmem>> -> memref<1x128xi32, #tpu.memory_space<vmem>>
        %dma_wait3A_346 = arith.constant 0 : i32
        %dma_wait3A_347 = arith.constant 0 : i32
        %dma_wait3A_348 = tpu.memref_slice %arg2[%dma_wait3A_346, %dma_wait3A_347] : memref<2x320000xi32, #tpu.memory_space<hbm>> -> memref<1x128xi32, #tpu.memory_space<hbm>>
        tpu.wait_dma2 semaphore(%arg10 : memref<!tpu.dma_semaphore, #tpu.memory_space<semaphore_mem>>) src(%dma_wait3A_348 : memref<1x128xi32, #tpu.memory_space<hbm>>) dst(%dma_wait3A_345 : memref<1x128xi32, #tpu.memory_space<vmem>>)
        %dma_start3A_349 = arith.constant 0 : i32
        %dma_start3A_350 = arith.constant 0 : i32
        %dma_start3A_351 = arith.constant 0 : i32
        %dma_start3A_352 = tpu.memref_slice %arg7[%dma_start3A_349, %dma_start3A_350, %dma_start3A_351] : memref<8x1x128xi32, #tpu.memory_space<vmem>> -> memref<1x1x128xi32, #tpu.memory_space<vmem>>
        %dma_start3A_353 = tpu.memref_squeeze %dma_start3A_352 : memref<1x1x128xi32, #tpu.memory_space<vmem>> -> memref<128xi32, #tpu.memory_space<vmem>>
        %dma_start3A_354 = arith.constant 0 : i32
        %dma_start3A_355 = arith.constant 0 : i32
        %dma_start3A_356 = tpu.memref_slice %arg9[%dma_start3A_354, %dma_start3A_355] : memref<10112x128xf32, #tpu.memory_space<vmem_shared>> -> memref<10112x128xf32, #tpu.memory_space<vmem_shared>>
        tpu.enqueue_indirect_dma source(%arg8 : memref<128x128xf32, #tpu.memory_space<vmem>>) target(%dma_start3A_356 : memref<10112x128xf32, #tpu.memory_space<vmem_shared>>) offsets(%dma_start3A_353 : memref<128xi32, #tpu.memory_space<vmem>>) semaphore(%arg18 : memref<!tpu.dma_semaphore, #tpu.memory_space<semaphore_mem>>) {add = true}
        %dma_wait3A_357 = arith.constant 0 : i32
        %dma_wait3A_358 = arith.constant 0 : i32
        %dma_wait3A_359 = arith.constant 0 : i32
        %dma_wait3A_360 = tpu.memref_slice %arg7[%dma_wait3A_357, %dma_wait3A_358, %dma_wait3A_359] : memref<8x1x128xi32, #tpu.memory_space<vmem>> -> memref<1x1x128xi32, #tpu.memory_space<vmem>>
        %dma_wait3A_361 = tpu.memref_squeeze %dma_wait3A_360 : memref<1x1x128xi32, #tpu.memory_space<vmem>> -> memref<128xi32, #tpu.memory_space<vmem>>
        %dma_wait3A_362 = arith.constant 0 : i32
        %dma_wait3A_363 = arith.constant 0 : i32
        %dma_wait3A_364 = tpu.memref_slice %arg9[%dma_wait3A_362, %dma_wait3A_363] : memref<10112x128xf32, #tpu.memory_space<vmem_shared>> -> memref<10112x128xf32, #tpu.memory_space<vmem_shared>>
        tpu.wait_indirect_dma semaphore(%arg18 : memref<!tpu.dma_semaphore, #tpu.memory_space<semaphore_mem>>) src(%arg8 : memref<128x128xf32, #tpu.memory_space<vmem>>) dst(%dma_wait3A_364 : memref<10112x128xf32, #tpu.memory_space<vmem_shared>>)
      } else {
      }
    } else {
    }
    %eq3A_3 = arith.constant 1 : i32
    %eq3A_4 = arith.cmpi eq, %arg0, %eq3A_3 : i32
    %convert_element_type3A_5 = arith.extui %eq3A_4 : i1 to i32
    %cond3A_6 = arith.constant 0 : i32
    %cond3A_7 = arith.cmpi ne, %convert_element_type3A_5, %cond3A_6 : i32
    scf.if %cond3A_7 {
      %add3A = arith.constant 0 : i32
      %add3A_19 = arith.addi %add3A, %arg1 : i32
      %mul3A_20 = arith.constant 128 : i32
      %mul3A_21 = arith.muli %add3A_19, %mul3A_20 : i32
      %dma_start3A = arith.constant 0 : i32
      %dma_start3A_22 = arith.constant 0 : i32
      %dma_start3A_23 = arith.constant 0 : i32
      %dma_start3A_24 = tpu.memref_slice %arg7[%dma_start3A, %dma_start3A_22, %dma_start3A_23] : memref<8x1x128xi32, #tpu.memory_space<vmem>> -> memref<1x1x128xi32, #tpu.memory_space<vmem>>
      %dma_start3A_25 = tpu.memref_squeeze %dma_start3A_24 : memref<1x1x128xi32, #tpu.memory_space<vmem>> -> memref<1x128xi32, #tpu.memory_space<vmem>>
      %dma_start3A_26 = arith.constant 1 : i32
      %dma_start3A_27 = tpu.memref_slice %arg2[%dma_start3A_26, %mul3A_21] : memref<2x320000xi32, #tpu.memory_space<hbm>> -> memref<1x128xi32, #tpu.memory_space<hbm>>
      %dma_start3A_28 = arith.constant 0 : i32
      %dma_start3A_29 = arith.constant 0 : i32
      %dma_start3A_30 = tpu.memref_slice %arg7[%dma_start3A, %dma_start3A_28, %dma_start3A_29] : memref<8x1x128xi32, #tpu.memory_space<vmem>> -> memref<1x1x128xi32, #tpu.memory_space<vmem>>
      %dma_start3A_31 = tpu.memref_squeeze %dma_start3A_30 : memref<1x1x128xi32, #tpu.memory_space<vmem>> -> memref<1x128xi32, #tpu.memory_space<vmem>>
      %dma_start3A_32 = arith.constant 1 : i32
      %dma_start3A_33 = tpu.memref_slice %arg2[%dma_start3A_32, %mul3A_21] : memref<2x320000xi32, #tpu.memory_space<hbm>> -> memref<1x128xi32, #tpu.memory_space<hbm>>
      tpu.enqueue_dma source(%dma_start3A_33 : memref<1x128xi32, #tpu.memory_space<hbm>>) target(%dma_start3A_31 : memref<1x128xi32, #tpu.memory_space<vmem>>) target_semaphore(%arg10 : memref<!tpu.dma_semaphore, #tpu.memory_space<semaphore_mem>>)
      %add3A_34 = arith.constant 16 : i32
      %add3A_35 = arith.addi %add3A_34, %arg1 : i32
      %mul3A_36 = arith.constant 128 : i32
      %mul3A_37 = arith.muli %add3A_35, %mul3A_36 : i32
      %dma_start3A_38 = arith.constant 1 : i32
      %dma_start3A_39 = arith.constant 0 : i32
      %dma_start3A_40 = arith.constant 0 : i32
      %dma_start3A_41 = tpu.memref_slice %arg7[%dma_start3A_38, %dma_start3A_39, %dma_start3A_40] : memref<8x1x128xi32, #tpu.memory_space<vmem>> -> memref<1x1x128xi32, #tpu.memory_space<vmem>>
      %dma_start3A_42 = tpu.memref_squeeze %dma_start3A_41 : memref<1x1x128xi32, #tpu.memory_space<vmem>> -> memref<1x128xi32, #tpu.memory_space<vmem>>
      %dma_start3A_43 = arith.constant 1 : i32
      %dma_start3A_44 = tpu.memref_slice %arg2[%dma_start3A_43, %mul3A_37] : memref<2x320000xi32, #tpu.memory_space<hbm>> -> memref<1x128xi32, #tpu.memory_space<hbm>>
      %dma_start3A_45 = arith.constant 0 : i32
      %dma_start3A_46 = arith.constant 0 : i32
      %dma_start3A_47 = tpu.memref_slice %arg7[%dma_start3A_38, %dma_start3A_45, %dma_start3A_46] : memref<8x1x128xi32, #tpu.memory_space<vmem>> -> memref<1x1x128xi32, #tpu.memory_space<vmem>>
      %dma_start3A_48 = tpu.memref_squeeze %dma_start3A_47 : memref<1x1x128xi32, #tpu.memory_space<vmem>> -> memref<1x128xi32, #tpu.memory_space<vmem>>
      %dma_start3A_49 = arith.constant 1 : i32
      %dma_start3A_50 = tpu.memref_slice %arg2[%dma_start3A_49, %mul3A_37] : memref<2x320000xi32, #tpu.memory_space<hbm>> -> memref<1x128xi32, #tpu.memory_space<hbm>>
      tpu.enqueue_dma source(%dma_start3A_50 : memref<1x128xi32, #tpu.memory_space<hbm>>) target(%dma_start3A_48 : memref<1x128xi32, #tpu.memory_space<vmem>>) target_semaphore(%arg11 : memref<!tpu.dma_semaphore, #tpu.memory_space<semaphore_mem>>)
      %add3A_51 = arith.constant 32 : i32
      %add3A_52 = arith.addi %add3A_51, %arg1 : i32
      %mul3A_53 = arith.constant 128 : i32
      %mul3A_54 = arith.muli %add3A_52, %mul3A_53 : i32
      %dma_start3A_55 = arith.constant 2 : i32
      %dma_start3A_56 = arith.constant 0 : i32
      %dma_start3A_57 = arith.constant 0 : i32
      %dma_start3A_58 = tpu.memref_slice %arg7[%dma_start3A_55, %dma_start3A_56, %dma_start3A_57] : memref<8x1x128xi32, #tpu.memory_space<vmem>> -> memref<1x1x128xi32, #tpu.memory_space<vmem>>
      %dma_start3A_59 = tpu.memref_squeeze %dma_start3A_58 : memref<1x1x128xi32, #tpu.memory_space<vmem>> -> memref<1x128xi32, #tpu.memory_space<vmem>>
      %dma_start3A_60 = arith.constant 1 : i32
      %dma_start3A_61 = tpu.memref_slice %arg2[%dma_start3A_60, %mul3A_54] : memref<2x320000xi32, #tpu.memory_space<hbm>> -> memref<1x128xi32, #tpu.memory_space<hbm>>
      %dma_start3A_62 = arith.constant 0 : i32
      %dma_start3A_63 = arith.constant 0 : i32
      %dma_start3A_64 = tpu.memref_slice %arg7[%dma_start3A_55, %dma_start3A_62, %dma_start3A_63] : memref<8x1x128xi32, #tpu.memory_space<vmem>> -> memref<1x1x128xi32, #tpu.memory_space<vmem>>
      %dma_start3A_65 = tpu.memref_squeeze %dma_start3A_64 : memref<1x1x128xi32, #tpu.memory_space<vmem>> -> memref<1x128xi32, #tpu.memory_space<vmem>>
      %dma_start3A_66 = arith.constant 1 : i32
      %dma_start3A_67 = tpu.memref_slice %arg2[%dma_start3A_66, %mul3A_54] : memref<2x320000xi32, #tpu.memory_space<hbm>> -> memref<1x128xi32, #tpu.memory_space<hbm>>
      tpu.enqueue_dma source(%dma_start3A_67 : memref<1x128xi32, #tpu.memory_space<hbm>>) target(%dma_start3A_65 : memref<1x128xi32, #tpu.memory_space<vmem>>) target_semaphore(%arg12 : memref<!tpu.dma_semaphore, #tpu.memory_space<semaphore_mem>>)
      %add3A_68 = arith.constant 48 : i32
      %add3A_69 = arith.addi %add3A_68, %arg1 : i32
      %mul3A_70 = arith.constant 128 : i32
      %mul3A_71 = arith.muli %add3A_69, %mul3A_70 : i32
      %dma_start3A_72 = arith.constant 3 : i32
      %dma_start3A_73 = arith.constant 0 : i32
      %dma_start3A_74 = arith.constant 0 : i32
      %dma_start3A_75 = tpu.memref_slice %arg7[%dma_start3A_72, %dma_start3A_73, %dma_start3A_74] : memref<8x1x128xi32, #tpu.memory_space<vmem>> -> memref<1x1x128xi32, #tpu.memory_space<vmem>>
      %dma_start3A_76 = tpu.memref_squeeze %dma_start3A_75 : memref<1x1x128xi32, #tpu.memory_space<vmem>> -> memref<1x128xi32, #tpu.memory_space<vmem>>
      %dma_start3A_77 = arith.constant 1 : i32
      %dma_start3A_78 = tpu.memref_slice %arg2[%dma_start3A_77, %mul3A_71] : memref<2x320000xi32, #tpu.memory_space<hbm>> -> memref<1x128xi32, #tpu.memory_space<hbm>>
      %dma_start3A_79 = arith.constant 0 : i32
      %dma_start3A_80 = arith.constant 0 : i32
      %dma_start3A_81 = tpu.memref_slice %arg7[%dma_start3A_72, %dma_start3A_79, %dma_start3A_80] : memref<8x1x128xi32, #tpu.memory_space<vmem>> -> memref<1x1x128xi32, #tpu.memory_space<vmem>>
      %dma_start3A_82 = tpu.memref_squeeze %dma_start3A_81 : memref<1x1x128xi32, #tpu.memory_space<vmem>> -> memref<1x128xi32, #tpu.memory_space<vmem>>
      %dma_start3A_83 = arith.constant 1 : i32
      %dma_start3A_84 = tpu.memref_slice %arg2[%dma_start3A_83, %mul3A_71] : memref<2x320000xi32, #tpu.memory_space<hbm>> -> memref<1x128xi32, #tpu.memory_space<hbm>>
      tpu.enqueue_dma source(%dma_start3A_84 : memref<1x128xi32, #tpu.memory_space<hbm>>) target(%dma_start3A_82 : memref<1x128xi32, #tpu.memory_space<vmem>>) target_semaphore(%arg13 : memref<!tpu.dma_semaphore, #tpu.memory_space<semaphore_mem>>)
      %scan3A = arith.constant 0 : i32
      %scan3A_85 = arith.constant 0 : i32
      %scan3A_86 = arith.constant 19 : i32
      %scan3A_87 = arith.addi %scan3A_85, %scan3A_86 : i32
      %scan3A_88 = arith.constant 1 : i32
      scf.for %scan3A_317 = %scan3A_85 to %scan3A_87 step %scan3A_88  : i32 {
        %mul3A_318 = arith.constant 8 : i32
        %mul3A_319 = arith.muli %mul3A_318, %scan3A_317 : i32
        %add3A_320 = arith.constant 0 : i32
        %add3A_321 = arith.addi %mul3A_319, %add3A_320 : i32
        %dma_wait3A_322 = arith.constant 0 : i32
        %dma_wait3A_323 = arith.constant 0 : i32
        %dma_wait3A_324 = arith.constant 0 : i32
        %dma_wait3A_325 = tpu.memref_slice %arg7[%dma_wait3A_322, %dma_wait3A_323, %dma_wait3A_324] : memref<8x1x128xi32, #tpu.memory_space<vmem>> -> memref<1x1x128xi32, #tpu.memory_space<vmem>>
        %dma_wait3A_326 = tpu.memref_squeeze %dma_wait3A_325 : memref<1x1x128xi32, #tpu.memory_space<vmem>> -> memref<1x128xi32, #tpu.memory_space<vmem>>
        %dma_wait3A_327 = arith.constant 1 : i32
        %dma_wait3A_328 = arith.constant 0 : i32
        %dma_wait3A_329 = tpu.memref_slice %arg2[%dma_wait3A_327, %dma_wait3A_328] : memref<2x320000xi32, #tpu.memory_space<hbm>> -> memref<1x128xi32, #tpu.memory_space<hbm>>
        %dma_wait3A_330 = arith.constant 0 : i32
        %dma_wait3A_331 = arith.constant 0 : i32
        %dma_wait3A_332 = tpu.memref_slice %arg7[%dma_wait3A_322, %dma_wait3A_330, %dma_wait3A_331] : memref<8x1x128xi32, #tpu.memory_space<vmem>> -> memref<1x1x128xi32, #tpu.memory_space<vmem>>
        %dma_wait3A_333 = tpu.memref_squeeze %dma_wait3A_332 : memref<1x1x128xi32, #tpu.memory_space<vmem>> -> memref<1x128xi32, #tpu.memory_space<vmem>>
        %dma_wait3A_334 = arith.constant 1 : i32
        %dma_wait3A_335 = arith.constant 0 : i32
        %dma_wait3A_336 = tpu.memref_slice %arg2[%dma_wait3A_334, %dma_wait3A_335] : memref<2x320000xi32, #tpu.memory_space<hbm>> -> memref<1x128xi32, #tpu.memory_space<hbm>>
        tpu.wait_dma2 semaphore(%arg10 : memref<!tpu.dma_semaphore, #tpu.memory_space<semaphore_mem>>) src(%dma_wait3A_336 : memref<1x128xi32, #tpu.memory_space<hbm>>) dst(%dma_wait3A_333 : memref<1x128xi32, #tpu.memory_space<vmem>>)
        %dma_start3A_337 = arith.constant 0 : i32
        %dma_start3A_338 = arith.constant 0 : i32
        %dma_start3A_339 = arith.constant 0 : i32
        %dma_start3A_340 = tpu.memref_slice %arg7[%dma_start3A_337, %dma_start3A_338, %dma_start3A_339] : memref<8x1x128xi32, #tpu.memory_space<vmem>> -> memref<1x1x128xi32, #tpu.memory_space<vmem>>
        %dma_start3A_341 = tpu.memref_squeeze %dma_start3A_340 : memref<1x1x128xi32, #tpu.memory_space<vmem>> -> memref<128xi32, #tpu.memory_space<vmem>>
        %dma_start3A_342 = arith.constant 0 : i32
        %dma_start3A_343 = arith.constant 0 : i32
        %dma_start3A_344 = tpu.memref_slice %arg9[%dma_start3A_342, %dma_start3A_343] : memref<10112x128xf32, #tpu.memory_space<vmem_shared>> -> memref<10112x128xf32, #tpu.memory_space<vmem_shared>>
        tpu.enqueue_indirect_dma source(%arg8 : memref<128x128xf32, #tpu.memory_space<vmem>>) target(%dma_start3A_344 : memref<10112x128xf32, #tpu.memory_space<vmem_shared>>) offsets(%dma_start3A_341 : memref<128xi32, #tpu.memory_space<vmem>>) semaphore(%arg18 : memref<!tpu.dma_semaphore, #tpu.memory_space<semaphore_mem>>) {add = true}
        %ge3A = arith.constant 4 : i32
        %ge3A_345 = arith.cmpi sge, %add3A_321, %ge3A : i32
        %convert_element_type3A_346 = arith.extui %ge3A_345 : i1 to i32
        %cond3A_347 = arith.constant 0 : i32
        %cond3A_348 = arith.cmpi ne, %convert_element_type3A_346, %cond3A_347 : i32
        scf.if %cond3A_348 {
          %dma_wait3A_629 = arith.constant 4 : i32
          %dma_wait3A_630 = arith.constant 0 : i32
          %dma_wait3A_631 = arith.constant 0 : i32
          %dma_wait3A_632 = tpu.memref_slice %arg7[%dma_wait3A_629, %dma_wait3A_630, %dma_wait3A_631] : memref<8x1x128xi32, #tpu.memory_space<vmem>> -> memref<1x1x128xi32, #tpu.memory_space<vmem>>
          %dma_wait3A_633 = tpu.memref_squeeze %dma_wait3A_632 : memref<1x1x128xi32, #tpu.memory_space<vmem>> -> memref<128xi32, #tpu.memory_space<vmem>>
          %dma_wait3A_634 = arith.constant 0 : i32
          %dma_wait3A_635 = arith.constant 0 : i32
          %dma_wait3A_636 = tpu.memref_slice %arg9[%dma_wait3A_634, %dma_wait3A_635] : memref<10112x128xf32, #tpu.memory_space<vmem_shared>> -> memref<10112x128xf32, #tpu.memory_space<vmem_shared>>
          tpu.wait_indirect_dma semaphore(%arg22 : memref<!tpu.dma_semaphore, #tpu.memory_space<semaphore_mem>>) src(%arg8 : memref<128x128xf32, #tpu.memory_space<vmem>>) dst(%dma_wait3A_636 : memref<10112x128xf32, #tpu.memory_space<vmem_shared>>)
        } else {
        }
        %add3A_349 = arith.constant 4 : i32
        %add3A_350 = arith.addi %add3A_321, %add3A_349 : i32
        %lt3A_351 = arith.constant 152 : i32
        %lt3A_352 = arith.cmpi slt, %add3A_350, %lt3A_351 : i32
        %convert_element_type3A_353 = arith.extui %lt3A_352 : i1 to i32
        %cond3A_354 = arith.constant 0 : i32
        %cond3A_355 = arith.cmpi ne, %convert_element_type3A_353, %cond3A_354 : i32
        scf.if %cond3A_355 {
          %add3A_629 = arith.constant 4 : i32
          %add3A_630 = arith.addi %add3A_321, %add3A_629 : i32
          %mul3A_631 = arith.constant 16 : i32
          %mul3A_632 = arith.muli %add3A_630, %mul3A_631 : i32
          %add3A_633 = arith.addi %mul3A_632, %arg1 : i32
          %mul3A_634 = arith.constant 128 : i32
          %mul3A_635 = arith.muli %add3A_633, %mul3A_634 : i32
          %dma_start3A_636 = arith.constant 4 : i32
          %dma_start3A_637 = arith.constant 0 : i32
          %dma_start3A_638 = arith.constant 0 : i32
          %dma_start3A_639 = tpu.memref_slice %arg7[%dma_start3A_636, %dma_start3A_637, %dma_start3A_638] : memref<8x1x128xi32, #tpu.memory_space<vmem>> -> memref<1x1x128xi32, #tpu.memory_space<vmem>>
          %dma_start3A_640 = tpu.memref_squeeze %dma_start3A_639 : memref<1x1x128xi32, #tpu.memory_space<vmem>> -> memref<1x128xi32, #tpu.memory_space<vmem>>
          %dma_start3A_641 = arith.constant 1 : i32
          %dma_start3A_642 = tpu.memref_slice %arg2[%dma_start3A_641, %mul3A_635] : memref<2x320000xi32, #tpu.memory_space<hbm>> -> memref<1x128xi32, #tpu.memory_space<hbm>>
          %dma_start3A_643 = arith.constant 0 : i32
          %dma_start3A_644 = arith.constant 0 : i32
          %dma_start3A_645 = tpu.memref_slice %arg7[%dma_start3A_636, %dma_start3A_643, %dma_start3A_644] : memref<8x1x128xi32, #tpu.memory_space<vmem>> -> memref<1x1x128xi32, #tpu.memory_space<vmem>>
          %dma_start3A_646 = tpu.memref_squeeze %dma_start3A_645 : memref<1x1x128xi32, #tpu.memory_space<vmem>> -> memref<1x128xi32, #tpu.memory_space<vmem>>
          %dma_start3A_647 = arith.constant 1 : i32
          %dma_start3A_648 = tpu.memref_slice %arg2[%dma_start3A_647, %mul3A_635] : memref<2x320000xi32, #tpu.memory_space<hbm>> -> memref<1x128xi32, #tpu.memory_space<hbm>>
          tpu.enqueue_dma source(%dma_start3A_648 : memref<1x128xi32, #tpu.memory_space<hbm>>) target(%dma_start3A_646 : memref<1x128xi32, #tpu.memory_space<vmem>>) target_semaphore(%arg14 : memref<!tpu.dma_semaphore, #tpu.memory_space<semaphore_mem>>)
        } else {
        }
        %mul3A_356 = arith.constant 8 : i32
        %mul3A_357 = arith.muli %mul3A_356, %scan3A_317 : i32
        %add3A_358 = arith.constant 1 : i32
        %add3A_359 = arith.addi %mul3A_357, %add3A_358 : i32
        %dma_wait3A_360 = arith.constant 1 : i32
        %dma_wait3A_361 = arith.constant 0 : i32
        %dma_wait3A_362 = arith.constant 0 : i32
        %dma_wait3A_363 = tpu.memref_slice %arg7[%dma_wait3A_360, %dma_wait3A_361, %dma_wait3A_362] : memref<8x1x128xi32, #tpu.memory_space<vmem>> -> memref<1x1x128xi32, #tpu.memory_space<vmem>>
        %dma_wait3A_364 = tpu.memref_squeeze %dma_wait3A_363 : memref<1x1x128xi32, #tpu.memory_space<vmem>> -> memref<1x128xi32, #tpu.memory_space<vmem>>
        %dma_wait3A_365 = arith.constant 1 : i32
        %dma_wait3A_366 = arith.constant 0 : i32
        %dma_wait3A_367 = tpu.memref_slice %arg2[%dma_wait3A_365, %dma_wait3A_366] : memref<2x320000xi32, #tpu.memory_space<hbm>> -> memref<1x128xi32, #tpu.memory_space<hbm>>
        %dma_wait3A_368 = arith.constant 0 : i32
        %dma_wait3A_369 = arith.constant 0 : i32
        %dma_wait3A_370 = tpu.memref_slice %arg7[%dma_wait3A_360, %dma_wait3A_368, %dma_wait3A_369] : memref<8x1x128xi32, #tpu.memory_space<vmem>> -> memref<1x1x128xi32, #tpu.memory_space<vmem>>
        %dma_wait3A_371 = tpu.memref_squeeze %dma_wait3A_370 : memref<1x1x128xi32, #tpu.memory_space<vmem>> -> memref<1x128xi32, #tpu.memory_space<vmem>>
        %dma_wait3A_372 = arith.constant 1 : i32
        %dma_wait3A_373 = arith.constant 0 : i32
        %dma_wait3A_374 = tpu.memref_slice %arg2[%dma_wait3A_372, %dma_wait3A_373] : memref<2x320000xi32, #tpu.memory_space<hbm>> -> memref<1x128xi32, #tpu.memory_space<hbm>>
        tpu.wait_dma2 semaphore(%arg11 : memref<!tpu.dma_semaphore, #tpu.memory_space<semaphore_mem>>) src(%dma_wait3A_374 : memref<1x128xi32, #tpu.memory_space<hbm>>) dst(%dma_wait3A_371 : memref<1x128xi32, #tpu.memory_space<vmem>>)
        %dma_start3A_375 = arith.constant 1 : i32
        %dma_start3A_376 = arith.constant 0 : i32
        %dma_start3A_377 = arith.constant 0 : i32
        %dma_start3A_378 = tpu.memref_slice %arg7[%dma_start3A_375, %dma_start3A_376, %dma_start3A_377] : memref<8x1x128xi32, #tpu.memory_space<vmem>> -> memref<1x1x128xi32, #tpu.memory_space<vmem>>
        %dma_start3A_379 = tpu.memref_squeeze %dma_start3A_378 : memref<1x1x128xi32, #tpu.memory_space<vmem>> -> memref<128xi32, #tpu.memory_space<vmem>>
        %dma_start3A_380 = arith.constant 0 : i32
        %dma_start3A_381 = arith.constant 0 : i32
        %dma_start3A_382 = tpu.memref_slice %arg9[%dma_start3A_380, %dma_start3A_381] : memref<10112x128xf32, #tpu.memory_space<vmem_shared>> -> memref<10112x128xf32, #tpu.memory_space<vmem_shared>>
        tpu.enqueue_indirect_dma source(%arg8 : memref<128x128xf32, #tpu.memory_space<vmem>>) target(%dma_start3A_382 : memref<10112x128xf32, #tpu.memory_space<vmem_shared>>) offsets(%dma_start3A_379 : memref<128xi32, #tpu.memory_space<vmem>>) semaphore(%arg19 : memref<!tpu.dma_semaphore, #tpu.memory_space<semaphore_mem>>) {add = true}
        %ge3A_383 = arith.constant 4 : i32
        %ge3A_384 = arith.cmpi sge, %add3A_359, %ge3A_383 : i32
        %convert_element_type3A_385 = arith.extui %ge3A_384 : i1 to i32
        %cond3A_386 = arith.constant 0 : i32
        %cond3A_387 = arith.cmpi ne, %convert_element_type3A_385, %cond3A_386 : i32
        scf.if %cond3A_387 {
          %dma_wait3A_629 = arith.constant 5 : i32
          %dma_wait3A_630 = arith.constant 0 : i32
          %dma_wait3A_631 = arith.constant 0 : i32
          %dma_wait3A_632 = tpu.memref_slice %arg7[%dma_wait3A_629, %dma_wait3A_630, %dma_wait3A_631] : memref<8x1x128xi32, #tpu.memory_space<vmem>> -> memref<1x1x128xi32, #tpu.memory_space<vmem>>
          %dma_wait3A_633 = tpu.memref_squeeze %dma_wait3A_632 : memref<1x1x128xi32, #tpu.memory_space<vmem>> -> memref<128xi32, #tpu.memory_space<vmem>>
          %dma_wait3A_634 = arith.constant 0 : i32
          %dma_wait3A_635 = arith.constant 0 : i32
          %dma_wait3A_636 = tpu.memref_slice %arg9[%dma_wait3A_634, %dma_wait3A_635] : memref<10112x128xf32, #tpu.memory_space<vmem_shared>> -> memref<10112x128xf32, #tpu.memory_space<vmem_shared>>
          tpu.wait_indirect_dma semaphore(%arg23 : memref<!tpu.dma_semaphore, #tpu.memory_space<semaphore_mem>>) src(%arg8 : memref<128x128xf32, #tpu.memory_space<vmem>>) dst(%dma_wait3A_636 : memref<10112x128xf32, #tpu.memory_space<vmem_shared>>)
        } else {
        }
        %add3A_388 = arith.constant 4 : i32
        %add3A_389 = arith.addi %add3A_359, %add3A_388 : i32
        %lt3A_390 = arith.constant 152 : i32
        %lt3A_391 = arith.cmpi slt, %add3A_389, %lt3A_390 : i32
        %convert_element_type3A_392 = arith.extui %lt3A_391 : i1 to i32
        %cond3A_393 = arith.constant 0 : i32
        %cond3A_394 = arith.cmpi ne, %convert_element_type3A_392, %cond3A_393 : i32
        scf.if %cond3A_394 {
          %add3A_629 = arith.constant 4 : i32
          %add3A_630 = arith.addi %add3A_359, %add3A_629 : i32
          %mul3A_631 = arith.constant 16 : i32
          %mul3A_632 = arith.muli %add3A_630, %mul3A_631 : i32
          %add3A_633 = arith.addi %mul3A_632, %arg1 : i32
          %mul3A_634 = arith.constant 128 : i32
          %mul3A_635 = arith.muli %add3A_633, %mul3A_634 : i32
          %dma_start3A_636 = arith.constant 5 : i32
          %dma_start3A_637 = arith.constant 0 : i32
          %dma_start3A_638 = arith.constant 0 : i32
          %dma_start3A_639 = tpu.memref_slice %arg7[%dma_start3A_636, %dma_start3A_637, %dma_start3A_638] : memref<8x1x128xi32, #tpu.memory_space<vmem>> -> memref<1x1x128xi32, #tpu.memory_space<vmem>>
          %dma_start3A_640 = tpu.memref_squeeze %dma_start3A_639 : memref<1x1x128xi32, #tpu.memory_space<vmem>> -> memref<1x128xi32, #tpu.memory_space<vmem>>
          %dma_start3A_641 = arith.constant 1 : i32
          %dma_start3A_642 = tpu.memref_slice %arg2[%dma_start3A_641, %mul3A_635] : memref<2x320000xi32, #tpu.memory_space<hbm>> -> memref<1x128xi32, #tpu.memory_space<hbm>>
          %dma_start3A_643 = arith.constant 0 : i32
          %dma_start3A_644 = arith.constant 0 : i32
          %dma_start3A_645 = tpu.memref_slice %arg7[%dma_start3A_636, %dma_start3A_643, %dma_start3A_644] : memref<8x1x128xi32, #tpu.memory_space<vmem>> -> memref<1x1x128xi32, #tpu.memory_space<vmem>>
          %dma_start3A_646 = tpu.memref_squeeze %dma_start3A_645 : memref<1x1x128xi32, #tpu.memory_space<vmem>> -> memref<1x128xi32, #tpu.memory_space<vmem>>
          %dma_start3A_647 = arith.constant 1 : i32
          %dma_start3A_648 = tpu.memref_slice %arg2[%dma_start3A_647, %mul3A_635] : memref<2x320000xi32, #tpu.memory_space<hbm>> -> memref<1x128xi32, #tpu.memory_space<hbm>>
          tpu.enqueue_dma source(%dma_start3A_648 : memref<1x128xi32, #tpu.memory_space<hbm>>) target(%dma_start3A_646 : memref<1x128xi32, #tpu.memory_space<vmem>>) target_semaphore(%arg15 : memref<!tpu.dma_semaphore, #tpu.memory_space<semaphore_mem>>)
        } else {
        }
        %mul3A_395 = arith.constant 8 : i32
        %mul3A_396 = arith.muli %mul3A_395, %scan3A_317 : i32
        %add3A_397 = arith.constant 2 : i32
        %add3A_398 = arith.addi %mul3A_396, %add3A_397 : i32
        %dma_wait3A_399 = arith.constant 2 : i32
        %dma_wait3A_400 = arith.constant 0 : i32
        %dma_wait3A_401 = arith.constant 0 : i32
        %dma_wait3A_402 = tpu.memref_slice %arg7[%dma_wait3A_399, %dma_wait3A_400, %dma_wait3A_401] : memref<8x1x128xi32, #tpu.memory_space<vmem>> -> memref<1x1x128xi32, #tpu.memory_space<vmem>>
        %dma_wait3A_403 = tpu.memref_squeeze %dma_wait3A_402 : memref<1x1x128xi32, #tpu.memory_space<vmem>> -> memref<1x128xi32, #tpu.memory_space<vmem>>
        %dma_wait3A_404 = arith.constant 1 : i32
        %dma_wait3A_405 = arith.constant 0 : i32
        %dma_wait3A_406 = tpu.memref_slice %arg2[%dma_wait3A_404, %dma_wait3A_405] : memref<2x320000xi32, #tpu.memory_space<hbm>> -> memref<1x128xi32, #tpu.memory_space<hbm>>
        %dma_wait3A_407 = arith.constant 0 : i32
        %dma_wait3A_408 = arith.constant 0 : i32
        %dma_wait3A_409 = tpu.memref_slice %arg7[%dma_wait3A_399, %dma_wait3A_407, %dma_wait3A_408] : memref<8x1x128xi32, #tpu.memory_space<vmem>> -> memref<1x1x128xi32, #tpu.memory_space<vmem>>
        %dma_wait3A_410 = tpu.memref_squeeze %dma_wait3A_409 : memref<1x1x128xi32, #tpu.memory_space<vmem>> -> memref<1x128xi32, #tpu.memory_space<vmem>>
        %dma_wait3A_411 = arith.constant 1 : i32
        %dma_wait3A_412 = arith.constant 0 : i32
        %dma_wait3A_413 = tpu.memref_slice %arg2[%dma_wait3A_411, %dma_wait3A_412] : memref<2x320000xi32, #tpu.memory_space<hbm>> -> memref<1x128xi32, #tpu.memory_space<hbm>>
        tpu.wait_dma2 semaphore(%arg12 : memref<!tpu.dma_semaphore, #tpu.memory_space<semaphore_mem>>) src(%dma_wait3A_413 : memref<1x128xi32, #tpu.memory_space<hbm>>) dst(%dma_wait3A_410 : memref<1x128xi32, #tpu.memory_space<vmem>>)
        %dma_start3A_414 = arith.constant 2 : i32
        %dma_start3A_415 = arith.constant 0 : i32
        %dma_start3A_416 = arith.constant 0 : i32
        %dma_start3A_417 = tpu.memref_slice %arg7[%dma_start3A_414, %dma_start3A_415, %dma_start3A_416] : memref<8x1x128xi32, #tpu.memory_space<vmem>> -> memref<1x1x128xi32, #tpu.memory_space<vmem>>
        %dma_start3A_418 = tpu.memref_squeeze %dma_start3A_417 : memref<1x1x128xi32, #tpu.memory_space<vmem>> -> memref<128xi32, #tpu.memory_space<vmem>>
        %dma_start3A_419 = arith.constant 0 : i32
        %dma_start3A_420 = arith.constant 0 : i32
        %dma_start3A_421 = tpu.memref_slice %arg9[%dma_start3A_419, %dma_start3A_420] : memref<10112x128xf32, #tpu.memory_space<vmem_shared>> -> memref<10112x128xf32, #tpu.memory_space<vmem_shared>>
        tpu.enqueue_indirect_dma source(%arg8 : memref<128x128xf32, #tpu.memory_space<vmem>>) target(%dma_start3A_421 : memref<10112x128xf32, #tpu.memory_space<vmem_shared>>) offsets(%dma_start3A_418 : memref<128xi32, #tpu.memory_space<vmem>>) semaphore(%arg20 : memref<!tpu.dma_semaphore, #tpu.memory_space<semaphore_mem>>) {add = true}
        %ge3A_422 = arith.constant 4 : i32
        %ge3A_423 = arith.cmpi sge, %add3A_398, %ge3A_422 : i32
        %convert_element_type3A_424 = arith.extui %ge3A_423 : i1 to i32
        %cond3A_425 = arith.constant 0 : i32
        %cond3A_426 = arith.cmpi ne, %convert_element_type3A_424, %cond3A_425 : i32
        scf.if %cond3A_426 {
          %dma_wait3A_629 = arith.constant 6 : i32
          %dma_wait3A_630 = arith.constant 0 : i32
          %dma_wait3A_631 = arith.constant 0 : i32
          %dma_wait3A_632 = tpu.memref_slice %arg7[%dma_wait3A_629, %dma_wait3A_630, %dma_wait3A_631] : memref<8x1x128xi32, #tpu.memory_space<vmem>> -> memref<1x1x128xi32, #tpu.memory_space<vmem>>
          %dma_wait3A_633 = tpu.memref_squeeze %dma_wait3A_632 : memref<1x1x128xi32, #tpu.memory_space<vmem>> -> memref<128xi32, #tpu.memory_space<vmem>>
          %dma_wait3A_634 = arith.constant 0 : i32
          %dma_wait3A_635 = arith.constant 0 : i32
          %dma_wait3A_636 = tpu.memref_slice %arg9[%dma_wait3A_634, %dma_wait3A_635] : memref<10112x128xf32, #tpu.memory_space<vmem_shared>> -> memref<10112x128xf32, #tpu.memory_space<vmem_shared>>
          tpu.wait_indirect_dma semaphore(%arg24 : memref<!tpu.dma_semaphore, #tpu.memory_space<semaphore_mem>>) src(%arg8 : memref<128x128xf32, #tpu.memory_space<vmem>>) dst(%dma_wait3A_636 : memref<10112x128xf32, #tpu.memory_space<vmem_shared>>)
        } else {
        }
        %add3A_427 = arith.constant 4 : i32
        %add3A_428 = arith.addi %add3A_398, %add3A_427 : i32
        %lt3A_429 = arith.constant 152 : i32
        %lt3A_430 = arith.cmpi slt, %add3A_428, %lt3A_429 : i32
        %convert_element_type3A_431 = arith.extui %lt3A_430 : i1 to i32
        %cond3A_432 = arith.constant 0 : i32
        %cond3A_433 = arith.cmpi ne, %convert_element_type3A_431, %cond3A_432 : i32
        scf.if %cond3A_433 {
          %add3A_629 = arith.constant 4 : i32
          %add3A_630 = arith.addi %add3A_398, %add3A_629 : i32
          %mul3A_631 = arith.constant 16 : i32
          %mul3A_632 = arith.muli %add3A_630, %mul3A_631 : i32
          %add3A_633 = arith.addi %mul3A_632, %arg1 : i32
          %mul3A_634 = arith.constant 128 : i32
          %mul3A_635 = arith.muli %add3A_633, %mul3A_634 : i32
          %dma_start3A_636 = arith.constant 6 : i32
          %dma_start3A_637 = arith.constant 0 : i32
          %dma_start3A_638 = arith.constant 0 : i32
          %dma_start3A_639 = tpu.memref_slice %arg7[%dma_start3A_636, %dma_start3A_637, %dma_start3A_638] : memref<8x1x128xi32, #tpu.memory_space<vmem>> -> memref<1x1x128xi32, #tpu.memory_space<vmem>>
          %dma_start3A_640 = tpu.memref_squeeze %dma_start3A_639 : memref<1x1x128xi32, #tpu.memory_space<vmem>> -> memref<1x128xi32, #tpu.memory_space<vmem>>
          %dma_start3A_641 = arith.constant 1 : i32
          %dma_start3A_642 = tpu.memref_slice %arg2[%dma_start3A_641, %mul3A_635] : memref<2x320000xi32, #tpu.memory_space<hbm>> -> memref<1x128xi32, #tpu.memory_space<hbm>>
          %dma_start3A_643 = arith.constant 0 : i32
          %dma_start3A_644 = arith.constant 0 : i32
          %dma_start3A_645 = tpu.memref_slice %arg7[%dma_start3A_636, %dma_start3A_643, %dma_start3A_644] : memref<8x1x128xi32, #tpu.memory_space<vmem>> -> memref<1x1x128xi32, #tpu.memory_space<vmem>>
          %dma_start3A_646 = tpu.memref_squeeze %dma_start3A_645 : memref<1x1x128xi32, #tpu.memory_space<vmem>> -> memref<1x128xi32, #tpu.memory_space<vmem>>
          %dma_start3A_647 = arith.constant 1 : i32
          %dma_start3A_648 = tpu.memref_slice %arg2[%dma_start3A_647, %mul3A_635] : memref<2x320000xi32, #tpu.memory_space<hbm>> -> memref<1x128xi32, #tpu.memory_space<hbm>>
          tpu.enqueue_dma source(%dma_start3A_648 : memref<1x128xi32, #tpu.memory_space<hbm>>) target(%dma_start3A_646 : memref<1x128xi32, #tpu.memory_space<vmem>>) target_semaphore(%arg16 : memref<!tpu.dma_semaphore, #tpu.memory_space<semaphore_mem>>)
        } else {
        }
        %mul3A_434 = arith.constant 8 : i32
        %mul3A_435 = arith.muli %mul3A_434, %scan3A_317 : i32
        %add3A_436 = arith.constant 3 : i32
        %add3A_437 = arith.addi %mul3A_435, %add3A_436 : i32
        %dma_wait3A_438 = arith.constant 3 : i32
        %dma_wait3A_439 = arith.constant 0 : i32
        %dma_wait3A_440 = arith.constant 0 : i32
        %dma_wait3A_441 = tpu.memref_slice %arg7[%dma_wait3A_438, %dma_wait3A_439, %dma_wait3A_440] : memref<8x1x128xi32, #tpu.memory_space<vmem>> -> memref<1x1x128xi32, #tpu.memory_space<vmem>>
        %dma_wait3A_442 = tpu.memref_squeeze %dma_wait3A_441 : memref<1x1x128xi32, #tpu.memory_space<vmem>> -> memref<1x128xi32, #tpu.memory_space<vmem>>
        %dma_wait3A_443 = arith.constant 1 : i32
        %dma_wait3A_444 = arith.constant 0 : i32
        %dma_wait3A_445 = tpu.memref_slice %arg2[%dma_wait3A_443, %dma_wait3A_444] : memref<2x320000xi32, #tpu.memory_space<hbm>> -> memref<1x128xi32, #tpu.memory_space<hbm>>
        %dma_wait3A_446 = arith.constant 0 : i32
        %dma_wait3A_447 = arith.constant 0 : i32
        %dma_wait3A_448 = tpu.memref_slice %arg7[%dma_wait3A_438, %dma_wait3A_446, %dma_wait3A_447] : memref<8x1x128xi32, #tpu.memory_space<vmem>> -> memref<1x1x128xi32, #tpu.memory_space<vmem>>
        %dma_wait3A_449 = tpu.memref_squeeze %dma_wait3A_448 : memref<1x1x128xi32, #tpu.memory_space<vmem>> -> memref<1x128xi32, #tpu.memory_space<vmem>>
        %dma_wait3A_450 = arith.constant 1 : i32
        %dma_wait3A_451 = arith.constant 0 : i32
        %dma_wait3A_452 = tpu.memref_slice %arg2[%dma_wait3A_450, %dma_wait3A_451] : memref<2x320000xi32, #tpu.memory_space<hbm>> -> memref<1x128xi32, #tpu.memory_space<hbm>>
        tpu.wait_dma2 semaphore(%arg13 : memref<!tpu.dma_semaphore, #tpu.memory_space<semaphore_mem>>) src(%dma_wait3A_452 : memref<1x128xi32, #tpu.memory_space<hbm>>) dst(%dma_wait3A_449 : memref<1x128xi32, #tpu.memory_space<vmem>>)
        %dma_start3A_453 = arith.constant 3 : i32
        %dma_start3A_454 = arith.constant 0 : i32
        %dma_start3A_455 = arith.constant 0 : i32
        %dma_start3A_456 = tpu.memref_slice %arg7[%dma_start3A_453, %dma_start3A_454, %dma_start3A_455] : memref<8x1x128xi32, #tpu.memory_space<vmem>> -> memref<1x1x128xi32, #tpu.memory_space<vmem>>
        %dma_start3A_457 = tpu.memref_squeeze %dma_start3A_456 : memref<1x1x128xi32, #tpu.memory_space<vmem>> -> memref<128xi32, #tpu.memory_space<vmem>>
        %dma_start3A_458 = arith.constant 0 : i32
        %dma_start3A_459 = arith.constant 0 : i32
        %dma_start3A_460 = tpu.memref_slice %arg9[%dma_start3A_458, %dma_start3A_459] : memref<10112x128xf32, #tpu.memory_space<vmem_shared>> -> memref<10112x128xf32, #tpu.memory_space<vmem_shared>>
        tpu.enqueue_indirect_dma source(%arg8 : memref<128x128xf32, #tpu.memory_space<vmem>>) target(%dma_start3A_460 : memref<10112x128xf32, #tpu.memory_space<vmem_shared>>) offsets(%dma_start3A_457 : memref<128xi32, #tpu.memory_space<vmem>>) semaphore(%arg21 : memref<!tpu.dma_semaphore, #tpu.memory_space<semaphore_mem>>) {add = true}
        %ge3A_461 = arith.constant 4 : i32
        %ge3A_462 = arith.cmpi sge, %add3A_437, %ge3A_461 : i32
        %convert_element_type3A_463 = arith.extui %ge3A_462 : i1 to i32
        %cond3A_464 = arith.constant 0 : i32
        %cond3A_465 = arith.cmpi ne, %convert_element_type3A_463, %cond3A_464 : i32
        scf.if %cond3A_465 {
          %dma_wait3A_629 = arith.constant 7 : i32
          %dma_wait3A_630 = arith.constant 0 : i32
          %dma_wait3A_631 = arith.constant 0 : i32
          %dma_wait3A_632 = tpu.memref_slice %arg7[%dma_wait3A_629, %dma_wait3A_630, %dma_wait3A_631] : memref<8x1x128xi32, #tpu.memory_space<vmem>> -> memref<1x1x128xi32, #tpu.memory_space<vmem>>
          %dma_wait3A_633 = tpu.memref_squeeze %dma_wait3A_632 : memref<1x1x128xi32, #tpu.memory_space<vmem>> -> memref<128xi32, #tpu.memory_space<vmem>>
          %dma_wait3A_634 = arith.constant 0 : i32
          %dma_wait3A_635 = arith.constant 0 : i32
          %dma_wait3A_636 = tpu.memref_slice %arg9[%dma_wait3A_634, %dma_wait3A_635] : memref<10112x128xf32, #tpu.memory_space<vmem_shared>> -> memref<10112x128xf32, #tpu.memory_space<vmem_shared>>
          tpu.wait_indirect_dma semaphore(%arg25 : memref<!tpu.dma_semaphore, #tpu.memory_space<semaphore_mem>>) src(%arg8 : memref<128x128xf32, #tpu.memory_space<vmem>>) dst(%dma_wait3A_636 : memref<10112x128xf32, #tpu.memory_space<vmem_shared>>)
        } else {
        }
        %add3A_466 = arith.constant 4 : i32
        %add3A_467 = arith.addi %add3A_437, %add3A_466 : i32
        %lt3A_468 = arith.constant 152 : i32
        %lt3A_469 = arith.cmpi slt, %add3A_467, %lt3A_468 : i32
        %convert_element_type3A_470 = arith.extui %lt3A_469 : i1 to i32
        %cond3A_471 = arith.constant 0 : i32
        %cond3A_472 = arith.cmpi ne, %convert_element_type3A_470, %cond3A_471 : i32
        scf.if %cond3A_472 {
          %add3A_629 = arith.constant 4 : i32
          %add3A_630 = arith.addi %add3A_437, %add3A_629 : i32
          %mul3A_631 = arith.constant 16 : i32
          %mul3A_632 = arith.muli %add3A_630, %mul3A_631 : i32
          %add3A_633 = arith.addi %mul3A_632, %arg1 : i32
          %mul3A_634 = arith.constant 128 : i32
          %mul3A_635 = arith.muli %add3A_633, %mul3A_634 : i32
          %dma_start3A_636 = arith.constant 7 : i32
          %dma_start3A_637 = arith.constant 0 : i32
          %dma_start3A_638 = arith.constant 0 : i32
          %dma_start3A_639 = tpu.memref_slice %arg7[%dma_start3A_636, %dma_start3A_637, %dma_start3A_638] : memref<8x1x128xi32, #tpu.memory_space<vmem>> -> memref<1x1x128xi32, #tpu.memory_space<vmem>>
          %dma_start3A_640 = tpu.memref_squeeze %dma_start3A_639 : memref<1x1x128xi32, #tpu.memory_space<vmem>> -> memref<1x128xi32, #tpu.memory_space<vmem>>
          %dma_start3A_641 = arith.constant 1 : i32
          %dma_start3A_642 = tpu.memref_slice %arg2[%dma_start3A_641, %mul3A_635] : memref<2x320000xi32, #tpu.memory_space<hbm>> -> memref<1x128xi32, #tpu.memory_space<hbm>>
          %dma_start3A_643 = arith.constant 0 : i32
          %dma_start3A_644 = arith.constant 0 : i32
          %dma_start3A_645 = tpu.memref_slice %arg7[%dma_start3A_636, %dma_start3A_643, %dma_start3A_644] : memref<8x1x128xi32, #tpu.memory_space<vmem>> -> memref<1x1x128xi32, #tpu.memory_space<vmem>>
          %dma_start3A_646 = tpu.memref_squeeze %dma_start3A_645 : memref<1x1x128xi32, #tpu.memory_space<vmem>> -> memref<1x128xi32, #tpu.memory_space<vmem>>
          %dma_start3A_647 = arith.constant 1 : i32
          %dma_start3A_648 = tpu.memref_slice %arg2[%dma_start3A_647, %mul3A_635] : memref<2x320000xi32, #tpu.memory_space<hbm>> -> memref<1x128xi32, #tpu.memory_space<hbm>>
          tpu.enqueue_dma source(%dma_start3A_648 : memref<1x128xi32, #tpu.memory_space<hbm>>) target(%dma_start3A_646 : memref<1x128xi32, #tpu.memory_space<vmem>>) target_semaphore(%arg17 : memref<!tpu.dma_semaphore, #tpu.memory_space<semaphore_mem>>)
        } else {
        }
        %mul3A_473 = arith.constant 8 : i32
        %mul3A_474 = arith.muli %mul3A_473, %scan3A_317 : i32
        %add3A_475 = arith.constant 4 : i32
        %add3A_476 = arith.addi %mul3A_474, %add3A_475 : i32
        %dma_wait3A_477 = arith.constant 4 : i32
        %dma_wait3A_478 = arith.constant 0 : i32
        %dma_wait3A_479 = arith.constant 0 : i32
        %dma_wait3A_480 = tpu.memref_slice %arg7[%dma_wait3A_477, %dma_wait3A_478, %dma_wait3A_479] : memref<8x1x128xi32, #tpu.memory_space<vmem>> -> memref<1x1x128xi32, #tpu.memory_space<vmem>>
        %dma_wait3A_481 = tpu.memref_squeeze %dma_wait3A_480 : memref<1x1x128xi32, #tpu.memory_space<vmem>> -> memref<1x128xi32, #tpu.memory_space<vmem>>
        %dma_wait3A_482 = arith.constant 1 : i32
        %dma_wait3A_483 = arith.constant 0 : i32
        %dma_wait3A_484 = tpu.memref_slice %arg2[%dma_wait3A_482, %dma_wait3A_483] : memref<2x320000xi32, #tpu.memory_space<hbm>> -> memref<1x128xi32, #tpu.memory_space<hbm>>
        %dma_wait3A_485 = arith.constant 0 : i32
        %dma_wait3A_486 = arith.constant 0 : i32
        %dma_wait3A_487 = tpu.memref_slice %arg7[%dma_wait3A_477, %dma_wait3A_485, %dma_wait3A_486] : memref<8x1x128xi32, #tpu.memory_space<vmem>> -> memref<1x1x128xi32, #tpu.memory_space<vmem>>
        %dma_wait3A_488 = tpu.memref_squeeze %dma_wait3A_487 : memref<1x1x128xi32, #tpu.memory_space<vmem>> -> memref<1x128xi32, #tpu.memory_space<vmem>>
        %dma_wait3A_489 = arith.constant 1 : i32
        %dma_wait3A_490 = arith.constant 0 : i32
        %dma_wait3A_491 = tpu.memref_slice %arg2[%dma_wait3A_489, %dma_wait3A_490] : memref<2x320000xi32, #tpu.memory_space<hbm>> -> memref<1x128xi32, #tpu.memory_space<hbm>>
        tpu.wait_dma2 semaphore(%arg14 : memref<!tpu.dma_semaphore, #tpu.memory_space<semaphore_mem>>) src(%dma_wait3A_491 : memref<1x128xi32, #tpu.memory_space<hbm>>) dst(%dma_wait3A_488 : memref<1x128xi32, #tpu.memory_space<vmem>>)
        %dma_start3A_492 = arith.constant 4 : i32
        %dma_start3A_493 = arith.constant 0 : i32
        %dma_start3A_494 = arith.constant 0 : i32
        %dma_start3A_495 = tpu.memref_slice %arg7[%dma_start3A_492, %dma_start3A_493, %dma_start3A_494] : memref<8x1x128xi32, #tpu.memory_space<vmem>> -> memref<1x1x128xi32, #tpu.memory_space<vmem>>
        %dma_start3A_496 = tpu.memref_squeeze %dma_start3A_495 : memref<1x1x128xi32, #tpu.memory_space<vmem>> -> memref<128xi32, #tpu.memory_space<vmem>>
        %dma_start3A_497 = arith.constant 0 : i32
        %dma_start3A_498 = arith.constant 0 : i32
        %dma_start3A_499 = tpu.memref_slice %arg9[%dma_start3A_497, %dma_start3A_498] : memref<10112x128xf32, #tpu.memory_space<vmem_shared>> -> memref<10112x128xf32, #tpu.memory_space<vmem_shared>>
        tpu.enqueue_indirect_dma source(%arg8 : memref<128x128xf32, #tpu.memory_space<vmem>>) target(%dma_start3A_499 : memref<10112x128xf32, #tpu.memory_space<vmem_shared>>) offsets(%dma_start3A_496 : memref<128xi32, #tpu.memory_space<vmem>>) semaphore(%arg22 : memref<!tpu.dma_semaphore, #tpu.memory_space<semaphore_mem>>) {add = true}
        %ge3A_500 = arith.constant 4 : i32
        %ge3A_501 = arith.cmpi sge, %add3A_476, %ge3A_500 : i32
        %convert_element_type3A_502 = arith.extui %ge3A_501 : i1 to i32
        %cond3A_503 = arith.constant 0 : i32
        %cond3A_504 = arith.cmpi ne, %convert_element_type3A_502, %cond3A_503 : i32
        scf.if %cond3A_504 {
          %dma_wait3A_629 = arith.constant 0 : i32
          %dma_wait3A_630 = arith.constant 0 : i32
          %dma_wait3A_631 = arith.constant 0 : i32
          %dma_wait3A_632 = tpu.memref_slice %arg7[%dma_wait3A_629, %dma_wait3A_630, %dma_wait3A_631] : memref<8x1x128xi32, #tpu.memory_space<vmem>> -> memref<1x1x128xi32, #tpu.memory_space<vmem>>
          %dma_wait3A_633 = tpu.memref_squeeze %dma_wait3A_632 : memref<1x1x128xi32, #tpu.memory_space<vmem>> -> memref<128xi32, #tpu.memory_space<vmem>>
          %dma_wait3A_634 = arith.constant 0 : i32
          %dma_wait3A_635 = arith.constant 0 : i32
          %dma_wait3A_636 = tpu.memref_slice %arg9[%dma_wait3A_634, %dma_wait3A_635] : memref<10112x128xf32, #tpu.memory_space<vmem_shared>> -> memref<10112x128xf32, #tpu.memory_space<vmem_shared>>
          tpu.wait_indirect_dma semaphore(%arg18 : memref<!tpu.dma_semaphore, #tpu.memory_space<semaphore_mem>>) src(%arg8 : memref<128x128xf32, #tpu.memory_space<vmem>>) dst(%dma_wait3A_636 : memref<10112x128xf32, #tpu.memory_space<vmem_shared>>)
        } else {
        }
        %add3A_505 = arith.constant 4 : i32
        %add3A_506 = arith.addi %add3A_476, %add3A_505 : i32
        %lt3A_507 = arith.constant 152 : i32
        %lt3A_508 = arith.cmpi slt, %add3A_506, %lt3A_507 : i32
        %convert_element_type3A_509 = arith.extui %lt3A_508 : i1 to i32
        %cond3A_510 = arith.constant 0 : i32
        %cond3A_511 = arith.cmpi ne, %convert_element_type3A_509, %cond3A_510 : i32
        scf.if %cond3A_511 {
          %add3A_629 = arith.constant 4 : i32
          %add3A_630 = arith.addi %add3A_476, %add3A_629 : i32
          %mul3A_631 = arith.constant 16 : i32
          %mul3A_632 = arith.muli %add3A_630, %mul3A_631 : i32
          %add3A_633 = arith.addi %mul3A_632, %arg1 : i32
          %mul3A_634 = arith.constant 128 : i32
          %mul3A_635 = arith.muli %add3A_633, %mul3A_634 : i32
          %dma_start3A_636 = arith.constant 0 : i32
          %dma_start3A_637 = arith.constant 0 : i32
          %dma_start3A_638 = arith.constant 0 : i32
          %dma_start3A_639 = tpu.memref_slice %arg7[%dma_start3A_636, %dma_start3A_637, %dma_start3A_638] : memref<8x1x128xi32, #tpu.memory_space<vmem>> -> memref<1x1x128xi32, #tpu.memory_space<vmem>>
          %dma_start3A_640 = tpu.memref_squeeze %dma_start3A_639 : memref<1x1x128xi32, #tpu.memory_space<vmem>> -> memref<1x128xi32, #tpu.memory_space<vmem>>
          %dma_start3A_641 = arith.constant 1 : i32
          %dma_start3A_642 = tpu.memref_slice %arg2[%dma_start3A_641, %mul3A_635] : memref<2x320000xi32, #tpu.memory_space<hbm>> -> memref<1x128xi32, #tpu.memory_space<hbm>>
          %dma_start3A_643 = arith.constant 0 : i32
          %dma_start3A_644 = arith.constant 0 : i32
          %dma_start3A_645 = tpu.memref_slice %arg7[%dma_start3A_636, %dma_start3A_643, %dma_start3A_644] : memref<8x1x128xi32, #tpu.memory_space<vmem>> -> memref<1x1x128xi32, #tpu.memory_space<vmem>>
          %dma_start3A_646 = tpu.memref_squeeze %dma_start3A_645 : memref<1x1x128xi32, #tpu.memory_space<vmem>> -> memref<1x128xi32, #tpu.memory_space<vmem>>
          %dma_start3A_647 = arith.constant 1 : i32
          %dma_start3A_648 = tpu.memref_slice %arg2[%dma_start3A_647, %mul3A_635] : memref<2x320000xi32, #tpu.memory_space<hbm>> -> memref<1x128xi32, #tpu.memory_space<hbm>>
          tpu.enqueue_dma source(%dma_start3A_648 : memref<1x128xi32, #tpu.memory_space<hbm>>) target(%dma_start3A_646 : memref<1x128xi32, #tpu.memory_space<vmem>>) target_semaphore(%arg10 : memref<!tpu.dma_semaphore, #tpu.memory_space<semaphore_mem>>)
        } else {
        }
        %mul3A_512 = arith.constant 8 : i32
        %mul3A_513 = arith.muli %mul3A_512, %scan3A_317 : i32
        %add3A_514 = arith.constant 5 : i32
        %add3A_515 = arith.addi %mul3A_513, %add3A_514 : i32
        %dma_wait3A_516 = arith.constant 5 : i32
        %dma_wait3A_517 = arith.constant 0 : i32
        %dma_wait3A_518 = arith.constant 0 : i32
        %dma_wait3A_519 = tpu.memref_slice %arg7[%dma_wait3A_516, %dma_wait3A_517, %dma_wait3A_518] : memref<8x1x128xi32, #tpu.memory_space<vmem>> -> memref<1x1x128xi32, #tpu.memory_space<vmem>>
        %dma_wait3A_520 = tpu.memref_squeeze %dma_wait3A_519 : memref<1x1x128xi32, #tpu.memory_space<vmem>> -> memref<1x128xi32, #tpu.memory_space<vmem>>
        %dma_wait3A_521 = arith.constant 1 : i32
        %dma_wait3A_522 = arith.constant 0 : i32
        %dma_wait3A_523 = tpu.memref_slice %arg2[%dma_wait3A_521, %dma_wait3A_522] : memref<2x320000xi32, #tpu.memory_space<hbm>> -> memref<1x128xi32, #tpu.memory_space<hbm>>
        %dma_wait3A_524 = arith.constant 0 : i32
        %dma_wait3A_525 = arith.constant 0 : i32
        %dma_wait3A_526 = tpu.memref_slice %arg7[%dma_wait3A_516, %dma_wait3A_524, %dma_wait3A_525] : memref<8x1x128xi32, #tpu.memory_space<vmem>> -> memref<1x1x128xi32, #tpu.memory_space<vmem>>
        %dma_wait3A_527 = tpu.memref_squeeze %dma_wait3A_526 : memref<1x1x128xi32, #tpu.memory_space<vmem>> -> memref<1x128xi32, #tpu.memory_space<vmem>>
        %dma_wait3A_528 = arith.constant 1 : i32
        %dma_wait3A_529 = arith.constant 0 : i32
        %dma_wait3A_530 = tpu.memref_slice %arg2[%dma_wait3A_528, %dma_wait3A_529] : memref<2x320000xi32, #tpu.memory_space<hbm>> -> memref<1x128xi32, #tpu.memory_space<hbm>>
        tpu.wait_dma2 semaphore(%arg15 : memref<!tpu.dma_semaphore, #tpu.memory_space<semaphore_mem>>) src(%dma_wait3A_530 : memref<1x128xi32, #tpu.memory_space<hbm>>) dst(%dma_wait3A_527 : memref<1x128xi32, #tpu.memory_space<vmem>>)
        %dma_start3A_531 = arith.constant 5 : i32
        %dma_start3A_532 = arith.constant 0 : i32
        %dma_start3A_533 = arith.constant 0 : i32
        %dma_start3A_534 = tpu.memref_slice %arg7[%dma_start3A_531, %dma_start3A_532, %dma_start3A_533] : memref<8x1x128xi32, #tpu.memory_space<vmem>> -> memref<1x1x128xi32, #tpu.memory_space<vmem>>
        %dma_start3A_535 = tpu.memref_squeeze %dma_start3A_534 : memref<1x1x128xi32, #tpu.memory_space<vmem>> -> memref<128xi32, #tpu.memory_space<vmem>>
        %dma_start3A_536 = arith.constant 0 : i32
        %dma_start3A_537 = arith.constant 0 : i32
        %dma_start3A_538 = tpu.memref_slice %arg9[%dma_start3A_536, %dma_start3A_537] : memref<10112x128xf32, #tpu.memory_space<vmem_shared>> -> memref<10112x128xf32, #tpu.memory_space<vmem_shared>>
        tpu.enqueue_indirect_dma source(%arg8 : memref<128x128xf32, #tpu.memory_space<vmem>>) target(%dma_start3A_538 : memref<10112x128xf32, #tpu.memory_space<vmem_shared>>) offsets(%dma_start3A_535 : memref<128xi32, #tpu.memory_space<vmem>>) semaphore(%arg23 : memref<!tpu.dma_semaphore, #tpu.memory_space<semaphore_mem>>) {add = true}
        %ge3A_539 = arith.constant 4 : i32
        %ge3A_540 = arith.cmpi sge, %add3A_515, %ge3A_539 : i32
        %convert_element_type3A_541 = arith.extui %ge3A_540 : i1 to i32
        %cond3A_542 = arith.constant 0 : i32
        %cond3A_543 = arith.cmpi ne, %convert_element_type3A_541, %cond3A_542 : i32
        scf.if %cond3A_543 {
          %dma_wait3A_629 = arith.constant 1 : i32
          %dma_wait3A_630 = arith.constant 0 : i32
          %dma_wait3A_631 = arith.constant 0 : i32
          %dma_wait3A_632 = tpu.memref_slice %arg7[%dma_wait3A_629, %dma_wait3A_630, %dma_wait3A_631] : memref<8x1x128xi32, #tpu.memory_space<vmem>> -> memref<1x1x128xi32, #tpu.memory_space<vmem>>
          %dma_wait3A_633 = tpu.memref_squeeze %dma_wait3A_632 : memref<1x1x128xi32, #tpu.memory_space<vmem>> -> memref<128xi32, #tpu.memory_space<vmem>>
          %dma_wait3A_634 = arith.constant 0 : i32
          %dma_wait3A_635 = arith.constant 0 : i32
          %dma_wait3A_636 = tpu.memref_slice %arg9[%dma_wait3A_634, %dma_wait3A_635] : memref<10112x128xf32, #tpu.memory_space<vmem_shared>> -> memref<10112x128xf32, #tpu.memory_space<vmem_shared>>
          tpu.wait_indirect_dma semaphore(%arg19 : memref<!tpu.dma_semaphore, #tpu.memory_space<semaphore_mem>>) src(%arg8 : memref<128x128xf32, #tpu.memory_space<vmem>>) dst(%dma_wait3A_636 : memref<10112x128xf32, #tpu.memory_space<vmem_shared>>)
        } else {
        }
        %add3A_544 = arith.constant 4 : i32
        %add3A_545 = arith.addi %add3A_515, %add3A_544 : i32
        %lt3A_546 = arith.constant 152 : i32
        %lt3A_547 = arith.cmpi slt, %add3A_545, %lt3A_546 : i32
        %convert_element_type3A_548 = arith.extui %lt3A_547 : i1 to i32
        %cond3A_549 = arith.constant 0 : i32
        %cond3A_550 = arith.cmpi ne, %convert_element_type3A_548, %cond3A_549 : i32
        scf.if %cond3A_550 {
          %add3A_629 = arith.constant 4 : i32
          %add3A_630 = arith.addi %add3A_515, %add3A_629 : i32
          %mul3A_631 = arith.constant 16 : i32
          %mul3A_632 = arith.muli %add3A_630, %mul3A_631 : i32
          %add3A_633 = arith.addi %mul3A_632, %arg1 : i32
          %mul3A_634 = arith.constant 128 : i32
          %mul3A_635 = arith.muli %add3A_633, %mul3A_634 : i32
          %dma_start3A_636 = arith.constant 1 : i32
          %dma_start3A_637 = arith.constant 0 : i32
          %dma_start3A_638 = arith.constant 0 : i32
          %dma_start3A_639 = tpu.memref_slice %arg7[%dma_start3A_636, %dma_start3A_637, %dma_start3A_638] : memref<8x1x128xi32, #tpu.memory_space<vmem>> -> memref<1x1x128xi32, #tpu.memory_space<vmem>>
          %dma_start3A_640 = tpu.memref_squeeze %dma_start3A_639 : memref<1x1x128xi32, #tpu.memory_space<vmem>> -> memref<1x128xi32, #tpu.memory_space<vmem>>
          %dma_start3A_641 = arith.constant 1 : i32
          %dma_start3A_642 = tpu.memref_slice %arg2[%dma_start3A_641, %mul3A_635] : memref<2x320000xi32, #tpu.memory_space<hbm>> -> memref<1x128xi32, #tpu.memory_space<hbm>>
          %dma_start3A_643 = arith.constant 0 : i32
          %dma_start3A_644 = arith.constant 0 : i32
          %dma_start3A_645 = tpu.memref_slice %arg7[%dma_start3A_636, %dma_start3A_643, %dma_start3A_644] : memref<8x1x128xi32, #tpu.memory_space<vmem>> -> memref<1x1x128xi32, #tpu.memory_space<vmem>>
          %dma_start3A_646 = tpu.memref_squeeze %dma_start3A_645 : memref<1x1x128xi32, #tpu.memory_space<vmem>> -> memref<1x128xi32, #tpu.memory_space<vmem>>
          %dma_start3A_647 = arith.constant 1 : i32
          %dma_start3A_648 = tpu.memref_slice %arg2[%dma_start3A_647, %mul3A_635] : memref<2x320000xi32, #tpu.memory_space<hbm>> -> memref<1x128xi32, #tpu.memory_space<hbm>>
          tpu.enqueue_dma source(%dma_start3A_648 : memref<1x128xi32, #tpu.memory_space<hbm>>) target(%dma_start3A_646 : memref<1x128xi32, #tpu.memory_space<vmem>>) target_semaphore(%arg11 : memref<!tpu.dma_semaphore, #tpu.memory_space<semaphore_mem>>)
        } else {
        }
        %mul3A_551 = arith.constant 8 : i32
        %mul3A_552 = arith.muli %mul3A_551, %scan3A_317 : i32
        %add3A_553 = arith.constant 6 : i32
        %add3A_554 = arith.addi %mul3A_552, %add3A_553 : i32
        %dma_wait3A_555 = arith.constant 6 : i32
        %dma_wait3A_556 = arith.constant 0 : i32
        %dma_wait3A_557 = arith.constant 0 : i32
        %dma_wait3A_558 = tpu.memref_slice %arg7[%dma_wait3A_555, %dma_wait3A_556, %dma_wait3A_557] : memref<8x1x128xi32, #tpu.memory_space<vmem>> -> memref<1x1x128xi32, #tpu.memory_space<vmem>>
        %dma_wait3A_559 = tpu.memref_squeeze %dma_wait3A_558 : memref<1x1x128xi32, #tpu.memory_space<vmem>> -> memref<1x128xi32, #tpu.memory_space<vmem>>
        %dma_wait3A_560 = arith.constant 1 : i32
        %dma_wait3A_561 = arith.constant 0 : i32
        %dma_wait3A_562 = tpu.memref_slice %arg2[%dma_wait3A_560, %dma_wait3A_561] : memref<2x320000xi32, #tpu.memory_space<hbm>> -> memref<1x128xi32, #tpu.memory_space<hbm>>
        %dma_wait3A_563 = arith.constant 0 : i32
        %dma_wait3A_564 = arith.constant 0 : i32
        %dma_wait3A_565 = tpu.memref_slice %arg7[%dma_wait3A_555, %dma_wait3A_563, %dma_wait3A_564] : memref<8x1x128xi32, #tpu.memory_space<vmem>> -> memref<1x1x128xi32, #tpu.memory_space<vmem>>
        %dma_wait3A_566 = tpu.memref_squeeze %dma_wait3A_565 : memref<1x1x128xi32, #tpu.memory_space<vmem>> -> memref<1x128xi32, #tpu.memory_space<vmem>>
        %dma_wait3A_567 = arith.constant 1 : i32
        %dma_wait3A_568 = arith.constant 0 : i32
        %dma_wait3A_569 = tpu.memref_slice %arg2[%dma_wait3A_567, %dma_wait3A_568] : memref<2x320000xi32, #tpu.memory_space<hbm>> -> memref<1x128xi32, #tpu.memory_space<hbm>>
        tpu.wait_dma2 semaphore(%arg16 : memref<!tpu.dma_semaphore, #tpu.memory_space<semaphore_mem>>) src(%dma_wait3A_569 : memref<1x128xi32, #tpu.memory_space<hbm>>) dst(%dma_wait3A_566 : memref<1x128xi32, #tpu.memory_space<vmem>>)
        %dma_start3A_570 = arith.constant 6 : i32
        %dma_start3A_571 = arith.constant 0 : i32
        %dma_start3A_572 = arith.constant 0 : i32
        %dma_start3A_573 = tpu.memref_slice %arg7[%dma_start3A_570, %dma_start3A_571, %dma_start3A_572] : memref<8x1x128xi32, #tpu.memory_space<vmem>> -> memref<1x1x128xi32, #tpu.memory_space<vmem>>
        %dma_start3A_574 = tpu.memref_squeeze %dma_start3A_573 : memref<1x1x128xi32, #tpu.memory_space<vmem>> -> memref<128xi32, #tpu.memory_space<vmem>>
        %dma_start3A_575 = arith.constant 0 : i32
        %dma_start3A_576 = arith.constant 0 : i32
        %dma_start3A_577 = tpu.memref_slice %arg9[%dma_start3A_575, %dma_start3A_576] : memref<10112x128xf32, #tpu.memory_space<vmem_shared>> -> memref<10112x128xf32, #tpu.memory_space<vmem_shared>>
        tpu.enqueue_indirect_dma source(%arg8 : memref<128x128xf32, #tpu.memory_space<vmem>>) target(%dma_start3A_577 : memref<10112x128xf32, #tpu.memory_space<vmem_shared>>) offsets(%dma_start3A_574 : memref<128xi32, #tpu.memory_space<vmem>>) semaphore(%arg24 : memref<!tpu.dma_semaphore, #tpu.memory_space<semaphore_mem>>) {add = true}
        %ge3A_578 = arith.constant 4 : i32
        %ge3A_579 = arith.cmpi sge, %add3A_554, %ge3A_578 : i32
        %convert_element_type3A_580 = arith.extui %ge3A_579 : i1 to i32
        %cond3A_581 = arith.constant 0 : i32
        %cond3A_582 = arith.cmpi ne, %convert_element_type3A_580, %cond3A_581 : i32
        scf.if %cond3A_582 {
          %dma_wait3A_629 = arith.constant 2 : i32
          %dma_wait3A_630 = arith.constant 0 : i32
          %dma_wait3A_631 = arith.constant 0 : i32
          %dma_wait3A_632 = tpu.memref_slice %arg7[%dma_wait3A_629, %dma_wait3A_630, %dma_wait3A_631] : memref<8x1x128xi32, #tpu.memory_space<vmem>> -> memref<1x1x128xi32, #tpu.memory_space<vmem>>
          %dma_wait3A_633 = tpu.memref_squeeze %dma_wait3A_632 : memref<1x1x128xi32, #tpu.memory_space<vmem>> -> memref<128xi32, #tpu.memory_space<vmem>>
          %dma_wait3A_634 = arith.constant 0 : i32
          %dma_wait3A_635 = arith.constant 0 : i32
          %dma_wait3A_636 = tpu.memref_slice %arg9[%dma_wait3A_634, %dma_wait3A_635] : memref<10112x128xf32, #tpu.memory_space<vmem_shared>> -> memref<10112x128xf32, #tpu.memory_space<vmem_shared>>
          tpu.wait_indirect_dma semaphore(%arg20 : memref<!tpu.dma_semaphore, #tpu.memory_space<semaphore_mem>>) src(%arg8 : memref<128x128xf32, #tpu.memory_space<vmem>>) dst(%dma_wait3A_636 : memref<10112x128xf32, #tpu.memory_space<vmem_shared>>)
        } else {
        }
        %add3A_583 = arith.constant 4 : i32
        %add3A_584 = arith.addi %add3A_554, %add3A_583 : i32
        %lt3A_585 = arith.constant 152 : i32
        %lt3A_586 = arith.cmpi slt, %add3A_584, %lt3A_585 : i32
        %convert_element_type3A_587 = arith.extui %lt3A_586 : i1 to i32
        %cond3A_588 = arith.constant 0 : i32
        %cond3A_589 = arith.cmpi ne, %convert_element_type3A_587, %cond3A_588 : i32
        scf.if %cond3A_589 {
          %add3A_629 = arith.constant 4 : i32
          %add3A_630 = arith.addi %add3A_554, %add3A_629 : i32
          %mul3A_631 = arith.constant 16 : i32
          %mul3A_632 = arith.muli %add3A_630, %mul3A_631 : i32
          %add3A_633 = arith.addi %mul3A_632, %arg1 : i32
          %mul3A_634 = arith.constant 128 : i32
          %mul3A_635 = arith.muli %add3A_633, %mul3A_634 : i32
          %dma_start3A_636 = arith.constant 2 : i32
          %dma_start3A_637 = arith.constant 0 : i32
          %dma_start3A_638 = arith.constant 0 : i32
          %dma_start3A_639 = tpu.memref_slice %arg7[%dma_start3A_636, %dma_start3A_637, %dma_start3A_638] : memref<8x1x128xi32, #tpu.memory_space<vmem>> -> memref<1x1x128xi32, #tpu.memory_space<vmem>>
          %dma_start3A_640 = tpu.memref_squeeze %dma_start3A_639 : memref<1x1x128xi32, #tpu.memory_space<vmem>> -> memref<1x128xi32, #tpu.memory_space<vmem>>
          %dma_start3A_641 = arith.constant 1 : i32
          %dma_start3A_642 = tpu.memref_slice %arg2[%dma_start3A_641, %mul3A_635] : memref<2x320000xi32, #tpu.memory_space<hbm>> -> memref<1x128xi32, #tpu.memory_space<hbm>>
          %dma_start3A_643 = arith.constant 0 : i32
          %dma_start3A_644 = arith.constant 0 : i32
          %dma_start3A_645 = tpu.memref_slice %arg7[%dma_start3A_636, %dma_start3A_643, %dma_start3A_644] : memref<8x1x128xi32, #tpu.memory_space<vmem>> -> memref<1x1x128xi32, #tpu.memory_space<vmem>>
          %dma_start3A_646 = tpu.memref_squeeze %dma_start3A_645 : memref<1x1x128xi32, #tpu.memory_space<vmem>> -> memref<1x128xi32, #tpu.memory_space<vmem>>
          %dma_start3A_647 = arith.constant 1 : i32
          %dma_start3A_648 = tpu.memref_slice %arg2[%dma_start3A_647, %mul3A_635] : memref<2x320000xi32, #tpu.memory_space<hbm>> -> memref<1x128xi32, #tpu.memory_space<hbm>>
          tpu.enqueue_dma source(%dma_start3A_648 : memref<1x128xi32, #tpu.memory_space<hbm>>) target(%dma_start3A_646 : memref<1x128xi32, #tpu.memory_space<vmem>>) target_semaphore(%arg12 : memref<!tpu.dma_semaphore, #tpu.memory_space<semaphore_mem>>)
        } else {
        }
        %mul3A_590 = arith.constant 8 : i32
        %mul3A_591 = arith.muli %mul3A_590, %scan3A_317 : i32
        %add3A_592 = arith.constant 7 : i32
        %add3A_593 = arith.addi %mul3A_591, %add3A_592 : i32
        %dma_wait3A_594 = arith.constant 7 : i32
        %dma_wait3A_595 = arith.constant 0 : i32
        %dma_wait3A_596 = arith.constant 0 : i32
        %dma_wait3A_597 = tpu.memref_slice %arg7[%dma_wait3A_594, %dma_wait3A_595, %dma_wait3A_596] : memref<8x1x128xi32, #tpu.memory_space<vmem>> -> memref<1x1x128xi32, #tpu.memory_space<vmem>>
        %dma_wait3A_598 = tpu.memref_squeeze %dma_wait3A_597 : memref<1x1x128xi32, #tpu.memory_space<vmem>> -> memref<1x128xi32, #tpu.memory_space<vmem>>
        %dma_wait3A_599 = arith.constant 1 : i32
        %dma_wait3A_600 = arith.constant 0 : i32
        %dma_wait3A_601 = tpu.memref_slice %arg2[%dma_wait3A_599, %dma_wait3A_600] : memref<2x320000xi32, #tpu.memory_space<hbm>> -> memref<1x128xi32, #tpu.memory_space<hbm>>
        %dma_wait3A_602 = arith.constant 0 : i32
        %dma_wait3A_603 = arith.constant 0 : i32
        %dma_wait3A_604 = tpu.memref_slice %arg7[%dma_wait3A_594, %dma_wait3A_602, %dma_wait3A_603] : memref<8x1x128xi32, #tpu.memory_space<vmem>> -> memref<1x1x128xi32, #tpu.memory_space<vmem>>
        %dma_wait3A_605 = tpu.memref_squeeze %dma_wait3A_604 : memref<1x1x128xi32, #tpu.memory_space<vmem>> -> memref<1x128xi32, #tpu.memory_space<vmem>>
        %dma_wait3A_606 = arith.constant 1 : i32
        %dma_wait3A_607 = arith.constant 0 : i32
        %dma_wait3A_608 = tpu.memref_slice %arg2[%dma_wait3A_606, %dma_wait3A_607] : memref<2x320000xi32, #tpu.memory_space<hbm>> -> memref<1x128xi32, #tpu.memory_space<hbm>>
        tpu.wait_dma2 semaphore(%arg17 : memref<!tpu.dma_semaphore, #tpu.memory_space<semaphore_mem>>) src(%dma_wait3A_608 : memref<1x128xi32, #tpu.memory_space<hbm>>) dst(%dma_wait3A_605 : memref<1x128xi32, #tpu.memory_space<vmem>>)
        %dma_start3A_609 = arith.constant 7 : i32
        %dma_start3A_610 = arith.constant 0 : i32
        %dma_start3A_611 = arith.constant 0 : i32
        %dma_start3A_612 = tpu.memref_slice %arg7[%dma_start3A_609, %dma_start3A_610, %dma_start3A_611] : memref<8x1x128xi32, #tpu.memory_space<vmem>> -> memref<1x1x128xi32, #tpu.memory_space<vmem>>
        %dma_start3A_613 = tpu.memref_squeeze %dma_start3A_612 : memref<1x1x128xi32, #tpu.memory_space<vmem>> -> memref<128xi32, #tpu.memory_space<vmem>>
        %dma_start3A_614 = arith.constant 0 : i32
        %dma_start3A_615 = arith.constant 0 : i32
        %dma_start3A_616 = tpu.memref_slice %arg9[%dma_start3A_614, %dma_start3A_615] : memref<10112x128xf32, #tpu.memory_space<vmem_shared>> -> memref<10112x128xf32, #tpu.memory_space<vmem_shared>>
        tpu.enqueue_indirect_dma source(%arg8 : memref<128x128xf32, #tpu.memory_space<vmem>>) target(%dma_start3A_616 : memref<10112x128xf32, #tpu.memory_space<vmem_shared>>) offsets(%dma_start3A_613 : memref<128xi32, #tpu.memory_space<vmem>>) semaphore(%arg25 : memref<!tpu.dma_semaphore, #tpu.memory_space<semaphore_mem>>) {add = true}
        %ge3A_617 = arith.constant 4 : i32
        %ge3A_618 = arith.cmpi sge, %add3A_593, %ge3A_617 : i32
        %convert_element_type3A_619 = arith.extui %ge3A_618 : i1 to i32
        %cond3A_620 = arith.constant 0 : i32
        %cond3A_621 = arith.cmpi ne, %convert_element_type3A_619, %cond3A_620 : i32
        scf.if %cond3A_621 {
          %dma_wait3A_629 = arith.constant 3 : i32
          %dma_wait3A_630 = arith.constant 0 : i32
          %dma_wait3A_631 = arith.constant 0 : i32
          %dma_wait3A_632 = tpu.memref_slice %arg7[%dma_wait3A_629, %dma_wait3A_630, %dma_wait3A_631] : memref<8x1x128xi32, #tpu.memory_space<vmem>> -> memref<1x1x128xi32, #tpu.memory_space<vmem>>
          %dma_wait3A_633 = tpu.memref_squeeze %dma_wait3A_632 : memref<1x1x128xi32, #tpu.memory_space<vmem>> -> memref<128xi32, #tpu.memory_space<vmem>>
          %dma_wait3A_634 = arith.constant 0 : i32
          %dma_wait3A_635 = arith.constant 0 : i32
          %dma_wait3A_636 = tpu.memref_slice %arg9[%dma_wait3A_634, %dma_wait3A_635] : memref<10112x128xf32, #tpu.memory_space<vmem_shared>> -> memref<10112x128xf32, #tpu.memory_space<vmem_shared>>
          tpu.wait_indirect_dma semaphore(%arg21 : memref<!tpu.dma_semaphore, #tpu.memory_space<semaphore_mem>>) src(%arg8 : memref<128x128xf32, #tpu.memory_space<vmem>>) dst(%dma_wait3A_636 : memref<10112x128xf32, #tpu.memory_space<vmem_shared>>)
        } else {
        }
        %add3A_622 = arith.constant 4 : i32
        %add3A_623 = arith.addi %add3A_593, %add3A_622 : i32
        %lt3A_624 = arith.constant 152 : i32
        %lt3A_625 = arith.cmpi slt, %add3A_623, %lt3A_624 : i32
        %convert_element_type3A_626 = arith.extui %lt3A_625 : i1 to i32
        %cond3A_627 = arith.constant 0 : i32
        %cond3A_628 = arith.cmpi ne, %convert_element_type3A_626, %cond3A_627 : i32
        scf.if %cond3A_628 {
          %add3A_629 = arith.constant 4 : i32
          %add3A_630 = arith.addi %add3A_593, %add3A_629 : i32
          %mul3A_631 = arith.constant 16 : i32
          %mul3A_632 = arith.muli %add3A_630, %mul3A_631 : i32
          %add3A_633 = arith.addi %mul3A_632, %arg1 : i32
          %mul3A_634 = arith.constant 128 : i32
          %mul3A_635 = arith.muli %add3A_633, %mul3A_634 : i32
          %dma_start3A_636 = arith.constant 3 : i32
          %dma_start3A_637 = arith.constant 0 : i32
          %dma_start3A_638 = arith.constant 0 : i32
          %dma_start3A_639 = tpu.memref_slice %arg7[%dma_start3A_636, %dma_start3A_637, %dma_start3A_638] : memref<8x1x128xi32, #tpu.memory_space<vmem>> -> memref<1x1x128xi32, #tpu.memory_space<vmem>>
          %dma_start3A_640 = tpu.memref_squeeze %dma_start3A_639 : memref<1x1x128xi32, #tpu.memory_space<vmem>> -> memref<1x128xi32, #tpu.memory_space<vmem>>
          %dma_start3A_641 = arith.constant 1 : i32
          %dma_start3A_642 = tpu.memref_slice %arg2[%dma_start3A_641, %mul3A_635] : memref<2x320000xi32, #tpu.memory_space<hbm>> -> memref<1x128xi32, #tpu.memory_space<hbm>>
          %dma_start3A_643 = arith.constant 0 : i32
          %dma_start3A_644 = arith.constant 0 : i32
          %dma_start3A_645 = tpu.memref_slice %arg7[%dma_start3A_636, %dma_start3A_643, %dma_start3A_644] : memref<8x1x128xi32, #tpu.memory_space<vmem>> -> memref<1x1x128xi32, #tpu.memory_space<vmem>>
          %dma_start3A_646 = tpu.memref_squeeze %dma_start3A_645 : memref<1x1x128xi32, #tpu.memory_space<vmem>> -> memref<1x128xi32, #tpu.memory_space<vmem>>
          %dma_start3A_647 = arith.constant 1 : i32
          %dma_start3A_648 = tpu.memref_slice %arg2[%dma_start3A_647, %mul3A_635] : memref<2x320000xi32, #tpu.memory_space<hbm>> -> memref<1x128xi32, #tpu.memory_space<hbm>>
          tpu.enqueue_dma source(%dma_start3A_648 : memref<1x128xi32, #tpu.memory_space<hbm>>) target(%dma_start3A_646 : memref<1x128xi32, #tpu.memory_space<vmem>>) target_semaphore(%arg13 : memref<!tpu.dma_semaphore, #tpu.memory_space<semaphore_mem>>)
        } else {
        }
      }
      %scan3A_89 = arith.constant 19 : i32
      %dma_wait3A = arith.constant 4 : i32
      %dma_wait3A_90 = arith.constant 0 : i32
      %dma_wait3A_91 = arith.constant 0 : i32
      %dma_wait3A_92 = tpu.memref_slice %arg7[%dma_wait3A, %dma_wait3A_90, %dma_wait3A_91] : memref<8x1x128xi32, #tpu.memory_space<vmem>> -> memref<1x1x128xi32, #tpu.memory_space<vmem>>
      %dma_wait3A_93 = tpu.memref_squeeze %dma_wait3A_92 : memref<1x1x128xi32, #tpu.memory_space<vmem>> -> memref<128xi32, #tpu.memory_space<vmem>>
      %dma_wait3A_94 = arith.constant 0 : i32
      %dma_wait3A_95 = arith.constant 0 : i32
      %dma_wait3A_96 = tpu.memref_slice %arg9[%dma_wait3A_94, %dma_wait3A_95] : memref<10112x128xf32, #tpu.memory_space<vmem_shared>> -> memref<10112x128xf32, #tpu.memory_space<vmem_shared>>
      tpu.wait_indirect_dma semaphore(%arg22 : memref<!tpu.dma_semaphore, #tpu.memory_space<semaphore_mem>>) src(%arg8 : memref<128x128xf32, #tpu.memory_space<vmem>>) dst(%dma_wait3A_96 : memref<10112x128xf32, #tpu.memory_space<vmem_shared>>)
      %dma_wait3A_97 = arith.constant 5 : i32
      %dma_wait3A_98 = arith.constant 0 : i32
      %dma_wait3A_99 = arith.constant 0 : i32
      %dma_wait3A_100 = tpu.memref_slice %arg7[%dma_wait3A_97, %dma_wait3A_98, %dma_wait3A_99] : memref<8x1x128xi32, #tpu.memory_space<vmem>> -> memref<1x1x128xi32, #tpu.memory_space<vmem>>
      %dma_wait3A_101 = tpu.memref_squeeze %dma_wait3A_100 : memref<1x1x128xi32, #tpu.memory_space<vmem>> -> memref<128xi32, #tpu.memory_space<vmem>>
      %dma_wait3A_102 = arith.constant 0 : i32
      %dma_wait3A_103 = arith.constant 0 : i32
      %dma_wait3A_104 = tpu.memref_slice %arg9[%dma_wait3A_102, %dma_wait3A_103] : memref<10112x128xf32, #tpu.memory_space<vmem_shared>> -> memref<10112x128xf32, #tpu.memory_space<vmem_shared>>
      tpu.wait_indirect_dma semaphore(%arg23 : memref<!tpu.dma_semaphore, #tpu.memory_space<semaphore_mem>>) src(%arg8 : memref<128x128xf32, #tpu.memory_space<vmem>>) dst(%dma_wait3A_104 : memref<10112x128xf32, #tpu.memory_space<vmem_shared>>)
      %dma_wait3A_105 = arith.constant 6 : i32
      %dma_wait3A_106 = arith.constant 0 : i32
      %dma_wait3A_107 = arith.constant 0 : i32
      %dma_wait3A_108 = tpu.memref_slice %arg7[%dma_wait3A_105, %dma_wait3A_106, %dma_wait3A_107] : memref<8x1x128xi32, #tpu.memory_space<vmem>> -> memref<1x1x128xi32, #tpu.memory_space<vmem>>
      %dma_wait3A_109 = tpu.memref_squeeze %dma_wait3A_108 : memref<1x1x128xi32, #tpu.memory_space<vmem>> -> memref<128xi32, #tpu.memory_space<vmem>>
      %dma_wait3A_110 = arith.constant 0 : i32
      %dma_wait3A_111 = arith.constant 0 : i32
      %dma_wait3A_112 = tpu.memref_slice %arg9[%dma_wait3A_110, %dma_wait3A_111] : memref<10112x128xf32, #tpu.memory_space<vmem_shared>> -> memref<10112x128xf32, #tpu.memory_space<vmem_shared>>
      tpu.wait_indirect_dma semaphore(%arg24 : memref<!tpu.dma_semaphore, #tpu.memory_space<semaphore_mem>>) src(%arg8 : memref<128x128xf32, #tpu.memory_space<vmem>>) dst(%dma_wait3A_112 : memref<10112x128xf32, #tpu.memory_space<vmem_shared>>)
      %dma_wait3A_113 = arith.constant 7 : i32
      %dma_wait3A_114 = arith.constant 0 : i32
      %dma_wait3A_115 = arith.constant 0 : i32
      %dma_wait3A_116 = tpu.memref_slice %arg7[%dma_wait3A_113, %dma_wait3A_114, %dma_wait3A_115] : memref<8x1x128xi32, #tpu.memory_space<vmem>> -> memref<1x1x128xi32, #tpu.memory_space<vmem>>
      %dma_wait3A_117 = tpu.memref_squeeze %dma_wait3A_116 : memref<1x1x128xi32, #tpu.memory_space<vmem>> -> memref<128xi32, #tpu.memory_space<vmem>>
      %dma_wait3A_118 = arith.constant 0 : i32
      %dma_wait3A_119 = arith.constant 0 : i32
      %dma_wait3A_120 = tpu.memref_slice %arg9[%dma_wait3A_118, %dma_wait3A_119] : memref<10112x128xf32, #tpu.memory_space<vmem_shared>> -> memref<10112x128xf32, #tpu.memory_space<vmem_shared>>
      tpu.wait_indirect_dma semaphore(%arg25 : memref<!tpu.dma_semaphore, #tpu.memory_space<semaphore_mem>>) src(%arg8 : memref<128x128xf32, #tpu.memory_space<vmem>>) dst(%dma_wait3A_120 : memref<10112x128xf32, #tpu.memory_space<vmem_shared>>)
      %add3A_121 = arith.constant 2432 : i32
      %add3A_122 = arith.addi %add3A_121, %arg1 : i32
      %mul3A_123 = arith.constant 128 : i32
      %mul3A_124 = arith.muli %add3A_122, %mul3A_123 : i32
      %dma_start3A_125 = arith.constant 0 : i32
      %dma_start3A_126 = arith.constant 0 : i32
      %dma_start3A_127 = arith.constant 0 : i32
      %dma_start3A_128 = tpu.memref_slice %arg7[%dma_start3A_125, %dma_start3A_126, %dma_start3A_127] : memref<8x1x128xi32, #tpu.memory_space<vmem>> -> memref<1x1x128xi32, #tpu.memory_space<vmem>>
      %dma_start3A_129 = tpu.memref_squeeze %dma_start3A_128 : memref<1x1x128xi32, #tpu.memory_space<vmem>> -> memref<1x128xi32, #tpu.memory_space<vmem>>
      %dma_start3A_130 = arith.constant 1 : i32
      %dma_start3A_131 = tpu.memref_slice %arg2[%dma_start3A_130, %mul3A_124] : memref<2x320000xi32, #tpu.memory_space<hbm>> -> memref<1x128xi32, #tpu.memory_space<hbm>>
      %dma_start3A_132 = arith.constant 0 : i32
      %dma_start3A_133 = arith.constant 0 : i32
      %dma_start3A_134 = tpu.memref_slice %arg7[%dma_start3A_125, %dma_start3A_132, %dma_start3A_133] : memref<8x1x128xi32, #tpu.memory_space<vmem>> -> memref<1x1x128xi32, #tpu.memory_space<vmem>>
      %dma_start3A_135 = tpu.memref_squeeze %dma_start3A_134 : memref<1x1x128xi32, #tpu.memory_space<vmem>> -> memref<1x128xi32, #tpu.memory_space<vmem>>
      %dma_start3A_136 = arith.constant 1 : i32
      %dma_start3A_137 = tpu.memref_slice %arg2[%dma_start3A_136, %mul3A_124] : memref<2x320000xi32, #tpu.memory_space<hbm>> -> memref<1x128xi32, #tpu.memory_space<hbm>>
      tpu.enqueue_dma source(%dma_start3A_137 : memref<1x128xi32, #tpu.memory_space<hbm>>) target(%dma_start3A_135 : memref<1x128xi32, #tpu.memory_space<vmem>>) target_semaphore(%arg10 : memref<!tpu.dma_semaphore, #tpu.memory_space<semaphore_mem>>)
      %dma_wait3A_138 = arith.constant 0 : i32
      %dma_wait3A_139 = arith.constant 0 : i32
      %dma_wait3A_140 = arith.constant 0 : i32
      %dma_wait3A_141 = tpu.memref_slice %arg7[%dma_wait3A_138, %dma_wait3A_139, %dma_wait3A_140] : memref<8x1x128xi32, #tpu.memory_space<vmem>> -> memref<1x1x128xi32, #tpu.memory_space<vmem>>
      %dma_wait3A_142 = tpu.memref_squeeze %dma_wait3A_141 : memref<1x1x128xi32, #tpu.memory_space<vmem>> -> memref<1x128xi32, #tpu.memory_space<vmem>>
      %dma_wait3A_143 = arith.constant 1 : i32
      %dma_wait3A_144 = arith.constant 0 : i32
      %dma_wait3A_145 = tpu.memref_slice %arg2[%dma_wait3A_143, %dma_wait3A_144] : memref<2x320000xi32, #tpu.memory_space<hbm>> -> memref<1x128xi32, #tpu.memory_space<hbm>>
      %dma_wait3A_146 = arith.constant 0 : i32
      %dma_wait3A_147 = arith.constant 0 : i32
      %dma_wait3A_148 = tpu.memref_slice %arg7[%dma_wait3A_138, %dma_wait3A_146, %dma_wait3A_147] : memref<8x1x128xi32, #tpu.memory_space<vmem>> -> memref<1x1x128xi32, #tpu.memory_space<vmem>>
      %dma_wait3A_149 = tpu.memref_squeeze %dma_wait3A_148 : memref<1x1x128xi32, #tpu.memory_space<vmem>> -> memref<1x128xi32, #tpu.memory_space<vmem>>
      %dma_wait3A_150 = arith.constant 1 : i32
      %dma_wait3A_151 = arith.constant 0 : i32
      %dma_wait3A_152 = tpu.memref_slice %arg2[%dma_wait3A_150, %dma_wait3A_151] : memref<2x320000xi32, #tpu.memory_space<hbm>> -> memref<1x128xi32, #tpu.memory_space<hbm>>
      tpu.wait_dma2 semaphore(%arg10 : memref<!tpu.dma_semaphore, #tpu.memory_space<semaphore_mem>>) src(%dma_wait3A_152 : memref<1x128xi32, #tpu.memory_space<hbm>>) dst(%dma_wait3A_149 : memref<1x128xi32, #tpu.memory_space<vmem>>)
      %dma_start3A_153 = arith.constant 0 : i32
      %dma_start3A_154 = arith.constant 0 : i32
      %dma_start3A_155 = arith.constant 0 : i32
      %dma_start3A_156 = tpu.memref_slice %arg7[%dma_start3A_153, %dma_start3A_154, %dma_start3A_155] : memref<8x1x128xi32, #tpu.memory_space<vmem>> -> memref<1x1x128xi32, #tpu.memory_space<vmem>>
      %dma_start3A_157 = tpu.memref_squeeze %dma_start3A_156 : memref<1x1x128xi32, #tpu.memory_space<vmem>> -> memref<128xi32, #tpu.memory_space<vmem>>
      %dma_start3A_158 = arith.constant 0 : i32
      %dma_start3A_159 = arith.constant 0 : i32
      %dma_start3A_160 = tpu.memref_slice %arg9[%dma_start3A_158, %dma_start3A_159] : memref<10112x128xf32, #tpu.memory_space<vmem_shared>> -> memref<10112x128xf32, #tpu.memory_space<vmem_shared>>
      tpu.enqueue_indirect_dma source(%arg8 : memref<128x128xf32, #tpu.memory_space<vmem>>) target(%dma_start3A_160 : memref<10112x128xf32, #tpu.memory_space<vmem_shared>>) offsets(%dma_start3A_157 : memref<128xi32, #tpu.memory_space<vmem>>) semaphore(%arg18 : memref<!tpu.dma_semaphore, #tpu.memory_space<semaphore_mem>>) {add = true}
      %dma_wait3A_161 = arith.constant 0 : i32
      %dma_wait3A_162 = arith.constant 0 : i32
      %dma_wait3A_163 = arith.constant 0 : i32
      %dma_wait3A_164 = tpu.memref_slice %arg7[%dma_wait3A_161, %dma_wait3A_162, %dma_wait3A_163] : memref<8x1x128xi32, #tpu.memory_space<vmem>> -> memref<1x1x128xi32, #tpu.memory_space<vmem>>
      %dma_wait3A_165 = tpu.memref_squeeze %dma_wait3A_164 : memref<1x1x128xi32, #tpu.memory_space<vmem>> -> memref<128xi32, #tpu.memory_space<vmem>>
      %dma_wait3A_166 = arith.constant 0 : i32
      %dma_wait3A_167 = arith.constant 0 : i32
      %dma_wait3A_168 = tpu.memref_slice %arg9[%dma_wait3A_166, %dma_wait3A_167] : memref<10112x128xf32, #tpu.memory_space<vmem_shared>> -> memref<10112x128xf32, #tpu.memory_space<vmem_shared>>
      tpu.wait_indirect_dma semaphore(%arg18 : memref<!tpu.dma_semaphore, #tpu.memory_space<semaphore_mem>>) src(%arg8 : memref<128x128xf32, #tpu.memory_space<vmem>>) dst(%dma_wait3A_168 : memref<10112x128xf32, #tpu.memory_space<vmem_shared>>)
      %add3A_169 = arith.constant 2448 : i32
      %add3A_170 = arith.addi %add3A_169, %arg1 : i32
      %mul3A_171 = arith.constant 128 : i32
      %mul3A_172 = arith.muli %add3A_170, %mul3A_171 : i32
      %dma_start3A_173 = arith.constant 0 : i32
      %dma_start3A_174 = arith.constant 0 : i32
      %dma_start3A_175 = arith.constant 0 : i32
      %dma_start3A_176 = tpu.memref_slice %arg7[%dma_start3A_173, %dma_start3A_174, %dma_start3A_175] : memref<8x1x128xi32, #tpu.memory_space<vmem>> -> memref<1x1x128xi32, #tpu.memory_space<vmem>>
      %dma_start3A_177 = tpu.memref_squeeze %dma_start3A_176 : memref<1x1x128xi32, #tpu.memory_space<vmem>> -> memref<1x128xi32, #tpu.memory_space<vmem>>
      %dma_start3A_178 = arith.constant 1 : i32
      %dma_start3A_179 = tpu.memref_slice %arg2[%dma_start3A_178, %mul3A_172] : memref<2x320000xi32, #tpu.memory_space<hbm>> -> memref<1x128xi32, #tpu.memory_space<hbm>>
      %dma_start3A_180 = arith.constant 0 : i32
      %dma_start3A_181 = arith.constant 0 : i32
      %dma_start3A_182 = tpu.memref_slice %arg7[%dma_start3A_173, %dma_start3A_180, %dma_start3A_181] : memref<8x1x128xi32, #tpu.memory_space<vmem>> -> memref<1x1x128xi32, #tpu.memory_space<vmem>>
      %dma_start3A_183 = tpu.memref_squeeze %dma_start3A_182 : memref<1x1x128xi32, #tpu.memory_space<vmem>> -> memref<1x128xi32, #tpu.memory_space<vmem>>
      %dma_start3A_184 = arith.constant 1 : i32
      %dma_start3A_185 = tpu.memref_slice %arg2[%dma_start3A_184, %mul3A_172] : memref<2x320000xi32, #tpu.memory_space<hbm>> -> memref<1x128xi32, #tpu.memory_space<hbm>>
      tpu.enqueue_dma source(%dma_start3A_185 : memref<1x128xi32, #tpu.memory_space<hbm>>) target(%dma_start3A_183 : memref<1x128xi32, #tpu.memory_space<vmem>>) target_semaphore(%arg10 : memref<!tpu.dma_semaphore, #tpu.memory_space<semaphore_mem>>)
      %dma_wait3A_186 = arith.constant 0 : i32
      %dma_wait3A_187 = arith.constant 0 : i32
      %dma_wait3A_188 = arith.constant 0 : i32
      %dma_wait3A_189 = tpu.memref_slice %arg7[%dma_wait3A_186, %dma_wait3A_187, %dma_wait3A_188] : memref<8x1x128xi32, #tpu.memory_space<vmem>> -> memref<1x1x128xi32, #tpu.memory_space<vmem>>
      %dma_wait3A_190 = tpu.memref_squeeze %dma_wait3A_189 : memref<1x1x128xi32, #tpu.memory_space<vmem>> -> memref<1x128xi32, #tpu.memory_space<vmem>>
      %dma_wait3A_191 = arith.constant 1 : i32
      %dma_wait3A_192 = arith.constant 0 : i32
      %dma_wait3A_193 = tpu.memref_slice %arg2[%dma_wait3A_191, %dma_wait3A_192] : memref<2x320000xi32, #tpu.memory_space<hbm>> -> memref<1x128xi32, #tpu.memory_space<hbm>>
      %dma_wait3A_194 = arith.constant 0 : i32
      %dma_wait3A_195 = arith.constant 0 : i32
      %dma_wait3A_196 = tpu.memref_slice %arg7[%dma_wait3A_186, %dma_wait3A_194, %dma_wait3A_195] : memref<8x1x128xi32, #tpu.memory_space<vmem>> -> memref<1x1x128xi32, #tpu.memory_space<vmem>>
      %dma_wait3A_197 = tpu.memref_squeeze %dma_wait3A_196 : memref<1x1x128xi32, #tpu.memory_space<vmem>> -> memref<1x128xi32, #tpu.memory_space<vmem>>
      %dma_wait3A_198 = arith.constant 1 : i32
      %dma_wait3A_199 = arith.constant 0 : i32
      %dma_wait3A_200 = tpu.memref_slice %arg2[%dma_wait3A_198, %dma_wait3A_199] : memref<2x320000xi32, #tpu.memory_space<hbm>> -> memref<1x128xi32, #tpu.memory_space<hbm>>
      tpu.wait_dma2 semaphore(%arg10 : memref<!tpu.dma_semaphore, #tpu.memory_space<semaphore_mem>>) src(%dma_wait3A_200 : memref<1x128xi32, #tpu.memory_space<hbm>>) dst(%dma_wait3A_197 : memref<1x128xi32, #tpu.memory_space<vmem>>)
      %dma_start3A_201 = arith.constant 0 : i32
      %dma_start3A_202 = arith.constant 0 : i32
      %dma_start3A_203 = arith.constant 0 : i32
      %dma_start3A_204 = tpu.memref_slice %arg7[%dma_start3A_201, %dma_start3A_202, %dma_start3A_203] : memref<8x1x128xi32, #tpu.memory_space<vmem>> -> memref<1x1x128xi32, #tpu.memory_space<vmem>>
      %dma_start3A_205 = tpu.memref_squeeze %dma_start3A_204 : memref<1x1x128xi32, #tpu.memory_space<vmem>> -> memref<128xi32, #tpu.memory_space<vmem>>
      %dma_start3A_206 = arith.constant 0 : i32
      %dma_start3A_207 = arith.constant 0 : i32
      %dma_start3A_208 = tpu.memref_slice %arg9[%dma_start3A_206, %dma_start3A_207] : memref<10112x128xf32, #tpu.memory_space<vmem_shared>> -> memref<10112x128xf32, #tpu.memory_space<vmem_shared>>
      tpu.enqueue_indirect_dma source(%arg8 : memref<128x128xf32, #tpu.memory_space<vmem>>) target(%dma_start3A_208 : memref<10112x128xf32, #tpu.memory_space<vmem_shared>>) offsets(%dma_start3A_205 : memref<128xi32, #tpu.memory_space<vmem>>) semaphore(%arg18 : memref<!tpu.dma_semaphore, #tpu.memory_space<semaphore_mem>>) {add = true}
      %dma_wait3A_209 = arith.constant 0 : i32
      %dma_wait3A_210 = arith.constant 0 : i32
      %dma_wait3A_211 = arith.constant 0 : i32
      %dma_wait3A_212 = tpu.memref_slice %arg7[%dma_wait3A_209, %dma_wait3A_210, %dma_wait3A_211] : memref<8x1x128xi32, #tpu.memory_space<vmem>> -> memref<1x1x128xi32, #tpu.memory_space<vmem>>
      %dma_wait3A_213 = tpu.memref_squeeze %dma_wait3A_212 : memref<1x1x128xi32, #tpu.memory_space<vmem>> -> memref<128xi32, #tpu.memory_space<vmem>>
      %dma_wait3A_214 = arith.constant 0 : i32
      %dma_wait3A_215 = arith.constant 0 : i32
      %dma_wait3A_216 = tpu.memref_slice %arg9[%dma_wait3A_214, %dma_wait3A_215] : memref<10112x128xf32, #tpu.memory_space<vmem_shared>> -> memref<10112x128xf32, #tpu.memory_space<vmem_shared>>
      tpu.wait_indirect_dma semaphore(%arg18 : memref<!tpu.dma_semaphore, #tpu.memory_space<semaphore_mem>>) src(%arg8 : memref<128x128xf32, #tpu.memory_space<vmem>>) dst(%dma_wait3A_216 : memref<10112x128xf32, #tpu.memory_space<vmem_shared>>)
      %add3A_217 = arith.constant 2464 : i32
      %add3A_218 = arith.addi %add3A_217, %arg1 : i32
      %mul3A_219 = arith.constant 128 : i32
      %mul3A_220 = arith.muli %add3A_218, %mul3A_219 : i32
      %dma_start3A_221 = arith.constant 0 : i32
      %dma_start3A_222 = arith.constant 0 : i32
      %dma_start3A_223 = arith.constant 0 : i32
      %dma_start3A_224 = tpu.memref_slice %arg7[%dma_start3A_221, %dma_start3A_222, %dma_start3A_223] : memref<8x1x128xi32, #tpu.memory_space<vmem>> -> memref<1x1x128xi32, #tpu.memory_space<vmem>>
      %dma_start3A_225 = tpu.memref_squeeze %dma_start3A_224 : memref<1x1x128xi32, #tpu.memory_space<vmem>> -> memref<1x128xi32, #tpu.memory_space<vmem>>
      %dma_start3A_226 = arith.constant 1 : i32
      %dma_start3A_227 = tpu.memref_slice %arg2[%dma_start3A_226, %mul3A_220] : memref<2x320000xi32, #tpu.memory_space<hbm>> -> memref<1x128xi32, #tpu.memory_space<hbm>>
      %dma_start3A_228 = arith.constant 0 : i32
      %dma_start3A_229 = arith.constant 0 : i32
      %dma_start3A_230 = tpu.memref_slice %arg7[%dma_start3A_221, %dma_start3A_228, %dma_start3A_229] : memref<8x1x128xi32, #tpu.memory_space<vmem>> -> memref<1x1x128xi32, #tpu.memory_space<vmem>>
      %dma_start3A_231 = tpu.memref_squeeze %dma_start3A_230 : memref<1x1x128xi32, #tpu.memory_space<vmem>> -> memref<1x128xi32, #tpu.memory_space<vmem>>
      %dma_start3A_232 = arith.constant 1 : i32
      %dma_start3A_233 = tpu.memref_slice %arg2[%dma_start3A_232, %mul3A_220] : memref<2x320000xi32, #tpu.memory_space<hbm>> -> memref<1x128xi32, #tpu.memory_space<hbm>>
      tpu.enqueue_dma source(%dma_start3A_233 : memref<1x128xi32, #tpu.memory_space<hbm>>) target(%dma_start3A_231 : memref<1x128xi32, #tpu.memory_space<vmem>>) target_semaphore(%arg10 : memref<!tpu.dma_semaphore, #tpu.memory_space<semaphore_mem>>)
      %dma_wait3A_234 = arith.constant 0 : i32
      %dma_wait3A_235 = arith.constant 0 : i32
      %dma_wait3A_236 = arith.constant 0 : i32
      %dma_wait3A_237 = tpu.memref_slice %arg7[%dma_wait3A_234, %dma_wait3A_235, %dma_wait3A_236] : memref<8x1x128xi32, #tpu.memory_space<vmem>> -> memref<1x1x128xi32, #tpu.memory_space<vmem>>
      %dma_wait3A_238 = tpu.memref_squeeze %dma_wait3A_237 : memref<1x1x128xi32, #tpu.memory_space<vmem>> -> memref<1x128xi32, #tpu.memory_space<vmem>>
      %dma_wait3A_239 = arith.constant 1 : i32
      %dma_wait3A_240 = arith.constant 0 : i32
      %dma_wait3A_241 = tpu.memref_slice %arg2[%dma_wait3A_239, %dma_wait3A_240] : memref<2x320000xi32, #tpu.memory_space<hbm>> -> memref<1x128xi32, #tpu.memory_space<hbm>>
      %dma_wait3A_242 = arith.constant 0 : i32
      %dma_wait3A_243 = arith.constant 0 : i32
      %dma_wait3A_244 = tpu.memref_slice %arg7[%dma_wait3A_234, %dma_wait3A_242, %dma_wait3A_243] : memref<8x1x128xi32, #tpu.memory_space<vmem>> -> memref<1x1x128xi32, #tpu.memory_space<vmem>>
      %dma_wait3A_245 = tpu.memref_squeeze %dma_wait3A_244 : memref<1x1x128xi32, #tpu.memory_space<vmem>> -> memref<1x128xi32, #tpu.memory_space<vmem>>
      %dma_wait3A_246 = arith.constant 1 : i32
      %dma_wait3A_247 = arith.constant 0 : i32
      %dma_wait3A_248 = tpu.memref_slice %arg2[%dma_wait3A_246, %dma_wait3A_247] : memref<2x320000xi32, #tpu.memory_space<hbm>> -> memref<1x128xi32, #tpu.memory_space<hbm>>
      tpu.wait_dma2 semaphore(%arg10 : memref<!tpu.dma_semaphore, #tpu.memory_space<semaphore_mem>>) src(%dma_wait3A_248 : memref<1x128xi32, #tpu.memory_space<hbm>>) dst(%dma_wait3A_245 : memref<1x128xi32, #tpu.memory_space<vmem>>)
      %dma_start3A_249 = arith.constant 0 : i32
      %dma_start3A_250 = arith.constant 0 : i32
      %dma_start3A_251 = arith.constant 0 : i32
      %dma_start3A_252 = tpu.memref_slice %arg7[%dma_start3A_249, %dma_start3A_250, %dma_start3A_251] : memref<8x1x128xi32, #tpu.memory_space<vmem>> -> memref<1x1x128xi32, #tpu.memory_space<vmem>>
      %dma_start3A_253 = tpu.memref_squeeze %dma_start3A_252 : memref<1x1x128xi32, #tpu.memory_space<vmem>> -> memref<128xi32, #tpu.memory_space<vmem>>
      %dma_start3A_254 = arith.constant 0 : i32
      %dma_start3A_255 = arith.constant 0 : i32
      %dma_start3A_256 = tpu.memref_slice %arg9[%dma_start3A_254, %dma_start3A_255] : memref<10112x128xf32, #tpu.memory_space<vmem_shared>> -> memref<10112x128xf32, #tpu.memory_space<vmem_shared>>
      tpu.enqueue_indirect_dma source(%arg8 : memref<128x128xf32, #tpu.memory_space<vmem>>) target(%dma_start3A_256 : memref<10112x128xf32, #tpu.memory_space<vmem_shared>>) offsets(%dma_start3A_253 : memref<128xi32, #tpu.memory_space<vmem>>) semaphore(%arg18 : memref<!tpu.dma_semaphore, #tpu.memory_space<semaphore_mem>>) {add = true}
      %dma_wait3A_257 = arith.constant 0 : i32
      %dma_wait3A_258 = arith.constant 0 : i32
      %dma_wait3A_259 = arith.constant 0 : i32
      %dma_wait3A_260 = tpu.memref_slice %arg7[%dma_wait3A_257, %dma_wait3A_258, %dma_wait3A_259] : memref<8x1x128xi32, #tpu.memory_space<vmem>> -> memref<1x1x128xi32, #tpu.memory_space<vmem>>
      %dma_wait3A_261 = tpu.memref_squeeze %dma_wait3A_260 : memref<1x1x128xi32, #tpu.memory_space<vmem>> -> memref<128xi32, #tpu.memory_space<vmem>>
      %dma_wait3A_262 = arith.constant 0 : i32
      %dma_wait3A_263 = arith.constant 0 : i32
      %dma_wait3A_264 = tpu.memref_slice %arg9[%dma_wait3A_262, %dma_wait3A_263] : memref<10112x128xf32, #tpu.memory_space<vmem_shared>> -> memref<10112x128xf32, #tpu.memory_space<vmem_shared>>
      tpu.wait_indirect_dma semaphore(%arg18 : memref<!tpu.dma_semaphore, #tpu.memory_space<semaphore_mem>>) src(%arg8 : memref<128x128xf32, #tpu.memory_space<vmem>>) dst(%dma_wait3A_264 : memref<10112x128xf32, #tpu.memory_space<vmem_shared>>)
      %add3A_265 = arith.constant 2480 : i32
      %add3A_266 = arith.addi %add3A_265, %arg1 : i32
      %mul3A_267 = arith.constant 128 : i32
      %mul3A_268 = arith.muli %add3A_266, %mul3A_267 : i32
      %dma_start3A_269 = arith.constant 0 : i32
      %dma_start3A_270 = arith.constant 0 : i32
      %dma_start3A_271 = arith.constant 0 : i32
      %dma_start3A_272 = tpu.memref_slice %arg7[%dma_start3A_269, %dma_start3A_270, %dma_start3A_271] : memref<8x1x128xi32, #tpu.memory_space<vmem>> -> memref<1x1x128xi32, #tpu.memory_space<vmem>>
      %dma_start3A_273 = tpu.memref_squeeze %dma_start3A_272 : memref<1x1x128xi32, #tpu.memory_space<vmem>> -> memref<1x128xi32, #tpu.memory_space<vmem>>
      %dma_start3A_274 = arith.constant 1 : i32
      %dma_start3A_275 = tpu.memref_slice %arg2[%dma_start3A_274, %mul3A_268] : memref<2x320000xi32, #tpu.memory_space<hbm>> -> memref<1x128xi32, #tpu.memory_space<hbm>>
      %dma_start3A_276 = arith.constant 0 : i32
      %dma_start3A_277 = arith.constant 0 : i32
      %dma_start3A_278 = tpu.memref_slice %arg7[%dma_start3A_269, %dma_start3A_276, %dma_start3A_277] : memref<8x1x128xi32, #tpu.memory_space<vmem>> -> memref<1x1x128xi32, #tpu.memory_space<vmem>>
      %dma_start3A_279 = tpu.memref_squeeze %dma_start3A_278 : memref<1x1x128xi32, #tpu.memory_space<vmem>> -> memref<1x128xi32, #tpu.memory_space<vmem>>
      %dma_start3A_280 = arith.constant 1 : i32
      %dma_start3A_281 = tpu.memref_slice %arg2[%dma_start3A_280, %mul3A_268] : memref<2x320000xi32, #tpu.memory_space<hbm>> -> memref<1x128xi32, #tpu.memory_space<hbm>>
      tpu.enqueue_dma source(%dma_start3A_281 : memref<1x128xi32, #tpu.memory_space<hbm>>) target(%dma_start3A_279 : memref<1x128xi32, #tpu.memory_space<vmem>>) target_semaphore(%arg10 : memref<!tpu.dma_semaphore, #tpu.memory_space<semaphore_mem>>)
      %dma_wait3A_282 = arith.constant 0 : i32
      %dma_wait3A_283 = arith.constant 0 : i32
      %dma_wait3A_284 = arith.constant 0 : i32
      %dma_wait3A_285 = tpu.memref_slice %arg7[%dma_wait3A_282, %dma_wait3A_283, %dma_wait3A_284] : memref<8x1x128xi32, #tpu.memory_space<vmem>> -> memref<1x1x128xi32, #tpu.memory_space<vmem>>
      %dma_wait3A_286 = tpu.memref_squeeze %dma_wait3A_285 : memref<1x1x128xi32, #tpu.memory_space<vmem>> -> memref<1x128xi32, #tpu.memory_space<vmem>>
      %dma_wait3A_287 = arith.constant 1 : i32
      %dma_wait3A_288 = arith.constant 0 : i32
      %dma_wait3A_289 = tpu.memref_slice %arg2[%dma_wait3A_287, %dma_wait3A_288] : memref<2x320000xi32, #tpu.memory_space<hbm>> -> memref<1x128xi32, #tpu.memory_space<hbm>>
      %dma_wait3A_290 = arith.constant 0 : i32
      %dma_wait3A_291 = arith.constant 0 : i32
      %dma_wait3A_292 = tpu.memref_slice %arg7[%dma_wait3A_282, %dma_wait3A_290, %dma_wait3A_291] : memref<8x1x128xi32, #tpu.memory_space<vmem>> -> memref<1x1x128xi32, #tpu.memory_space<vmem>>
      %dma_wait3A_293 = tpu.memref_squeeze %dma_wait3A_292 : memref<1x1x128xi32, #tpu.memory_space<vmem>> -> memref<1x128xi32, #tpu.memory_space<vmem>>
      %dma_wait3A_294 = arith.constant 1 : i32
      %dma_wait3A_295 = arith.constant 0 : i32
      %dma_wait3A_296 = tpu.memref_slice %arg2[%dma_wait3A_294, %dma_wait3A_295] : memref<2x320000xi32, #tpu.memory_space<hbm>> -> memref<1x128xi32, #tpu.memory_space<hbm>>
      tpu.wait_dma2 semaphore(%arg10 : memref<!tpu.dma_semaphore, #tpu.memory_space<semaphore_mem>>) src(%dma_wait3A_296 : memref<1x128xi32, #tpu.memory_space<hbm>>) dst(%dma_wait3A_293 : memref<1x128xi32, #tpu.memory_space<vmem>>)
      %dma_start3A_297 = arith.constant 0 : i32
      %dma_start3A_298 = arith.constant 0 : i32
      %dma_start3A_299 = arith.constant 0 : i32
      %dma_start3A_300 = tpu.memref_slice %arg7[%dma_start3A_297, %dma_start3A_298, %dma_start3A_299] : memref<8x1x128xi32, #tpu.memory_space<vmem>> -> memref<1x1x128xi32, #tpu.memory_space<vmem>>
      %dma_start3A_301 = tpu.memref_squeeze %dma_start3A_300 : memref<1x1x128xi32, #tpu.memory_space<vmem>> -> memref<128xi32, #tpu.memory_space<vmem>>
      %dma_start3A_302 = arith.constant 0 : i32
      %dma_start3A_303 = arith.constant 0 : i32
      %dma_start3A_304 = tpu.memref_slice %arg9[%dma_start3A_302, %dma_start3A_303] : memref<10112x128xf32, #tpu.memory_space<vmem_shared>> -> memref<10112x128xf32, #tpu.memory_space<vmem_shared>>
      tpu.enqueue_indirect_dma source(%arg8 : memref<128x128xf32, #tpu.memory_space<vmem>>) target(%dma_start3A_304 : memref<10112x128xf32, #tpu.memory_space<vmem_shared>>) offsets(%dma_start3A_301 : memref<128xi32, #tpu.memory_space<vmem>>) semaphore(%arg18 : memref<!tpu.dma_semaphore, #tpu.memory_space<semaphore_mem>>) {add = true}
      %dma_wait3A_305 = arith.constant 0 : i32
      %dma_wait3A_306 = arith.constant 0 : i32
      %dma_wait3A_307 = arith.constant 0 : i32
      %dma_wait3A_308 = tpu.memref_slice %arg7[%dma_wait3A_305, %dma_wait3A_306, %dma_wait3A_307] : memref<8x1x128xi32, #tpu.memory_space<vmem>> -> memref<1x1x128xi32, #tpu.memory_space<vmem>>
      %dma_wait3A_309 = tpu.memref_squeeze %dma_wait3A_308 : memref<1x1x128xi32, #tpu.memory_space<vmem>> -> memref<128xi32, #tpu.memory_space<vmem>>
      %dma_wait3A_310 = arith.constant 0 : i32
      %dma_wait3A_311 = arith.constant 0 : i32
      %dma_wait3A_312 = tpu.memref_slice %arg9[%dma_wait3A_310, %dma_wait3A_311] : memref<10112x128xf32, #tpu.memory_space<vmem_shared>> -> memref<10112x128xf32, #tpu.memory_space<vmem_shared>>
      tpu.wait_indirect_dma semaphore(%arg18 : memref<!tpu.dma_semaphore, #tpu.memory_space<semaphore_mem>>) src(%arg8 : memref<128x128xf32, #tpu.memory_space<vmem>>) dst(%dma_wait3A_312 : memref<10112x128xf32, #tpu.memory_space<vmem_shared>>)
      %lt3A = arith.constant 4 : i32
      %lt3A_313 = arith.cmpi slt, %arg1, %lt3A : i32
      %convert_element_type3A_314 = arith.extui %lt3A_313 : i1 to i32
      %cond3A_315 = arith.constant 0 : i32
      %cond3A_316 = arith.cmpi ne, %convert_element_type3A_314, %cond3A_315 : i32
      scf.if %cond3A_316 {
        %add3A_317 = arith.constant 2496 : i32
        %add3A_318 = arith.addi %add3A_317, %arg1 : i32
        %mul3A_319 = arith.constant 128 : i32
        %mul3A_320 = arith.muli %add3A_318, %mul3A_319 : i32
        %dma_start3A_321 = arith.constant 0 : i32
        %dma_start3A_322 = arith.constant 0 : i32
        %dma_start3A_323 = arith.constant 0 : i32
        %dma_start3A_324 = tpu.memref_slice %arg7[%dma_start3A_321, %dma_start3A_322, %dma_start3A_323] : memref<8x1x128xi32, #tpu.memory_space<vmem>> -> memref<1x1x128xi32, #tpu.memory_space<vmem>>
        %dma_start3A_325 = tpu.memref_squeeze %dma_start3A_324 : memref<1x1x128xi32, #tpu.memory_space<vmem>> -> memref<1x128xi32, #tpu.memory_space<vmem>>
        %dma_start3A_326 = arith.constant 1 : i32
        %dma_start3A_327 = tpu.memref_slice %arg2[%dma_start3A_326, %mul3A_320] : memref<2x320000xi32, #tpu.memory_space<hbm>> -> memref<1x128xi32, #tpu.memory_space<hbm>>
        %dma_start3A_328 = arith.constant 0 : i32
        %dma_start3A_329 = arith.constant 0 : i32
        %dma_start3A_330 = tpu.memref_slice %arg7[%dma_start3A_321, %dma_start3A_328, %dma_start3A_329] : memref<8x1x128xi32, #tpu.memory_space<vmem>> -> memref<1x1x128xi32, #tpu.memory_space<vmem>>
        %dma_start3A_331 = tpu.memref_squeeze %dma_start3A_330 : memref<1x1x128xi32, #tpu.memory_space<vmem>> -> memref<1x128xi32, #tpu.memory_space<vmem>>
        %dma_start3A_332 = arith.constant 1 : i32
        %dma_start3A_333 = tpu.memref_slice %arg2[%dma_start3A_332, %mul3A_320] : memref<2x320000xi32, #tpu.memory_space<hbm>> -> memref<1x128xi32, #tpu.memory_space<hbm>>
        tpu.enqueue_dma source(%dma_start3A_333 : memref<1x128xi32, #tpu.memory_space<hbm>>) target(%dma_start3A_331 : memref<1x128xi32, #tpu.memory_space<vmem>>) target_semaphore(%arg10 : memref<!tpu.dma_semaphore, #tpu.memory_space<semaphore_mem>>)
        %dma_wait3A_334 = arith.constant 0 : i32
        %dma_wait3A_335 = arith.constant 0 : i32
        %dma_wait3A_336 = arith.constant 0 : i32
        %dma_wait3A_337 = tpu.memref_slice %arg7[%dma_wait3A_334, %dma_wait3A_335, %dma_wait3A_336] : memref<8x1x128xi32, #tpu.memory_space<vmem>> -> memref<1x1x128xi32, #tpu.memory_space<vmem>>
        %dma_wait3A_338 = tpu.memref_squeeze %dma_wait3A_337 : memref<1x1x128xi32, #tpu.memory_space<vmem>> -> memref<1x128xi32, #tpu.memory_space<vmem>>
        %dma_wait3A_339 = arith.constant 1 : i32
        %dma_wait3A_340 = arith.constant 0 : i32
        %dma_wait3A_341 = tpu.memref_slice %arg2[%dma_wait3A_339, %dma_wait3A_340] : memref<2x320000xi32, #tpu.memory_space<hbm>> -> memref<1x128xi32, #tpu.memory_space<hbm>>
        %dma_wait3A_342 = arith.constant 0 : i32
        %dma_wait3A_343 = arith.constant 0 : i32
        %dma_wait3A_344 = tpu.memref_slice %arg7[%dma_wait3A_334, %dma_wait3A_342, %dma_wait3A_343] : memref<8x1x128xi32, #tpu.memory_space<vmem>> -> memref<1x1x128xi32, #tpu.memory_space<vmem>>
        %dma_wait3A_345 = tpu.memref_squeeze %dma_wait3A_344 : memref<1x1x128xi32, #tpu.memory_space<vmem>> -> memref<1x128xi32, #tpu.memory_space<vmem>>
        %dma_wait3A_346 = arith.constant 1 : i32
        %dma_wait3A_347 = arith.constant 0 : i32
        %dma_wait3A_348 = tpu.memref_slice %arg2[%dma_wait3A_346, %dma_wait3A_347] : memref<2x320000xi32, #tpu.memory_space<hbm>> -> memref<1x128xi32, #tpu.memory_space<hbm>>
        tpu.wait_dma2 semaphore(%arg10 : memref<!tpu.dma_semaphore, #tpu.memory_space<semaphore_mem>>) src(%dma_wait3A_348 : memref<1x128xi32, #tpu.memory_space<hbm>>) dst(%dma_wait3A_345 : memref<1x128xi32, #tpu.memory_space<vmem>>)
        %dma_start3A_349 = arith.constant 0 : i32
        %dma_start3A_350 = arith.constant 0 : i32
        %dma_start3A_351 = arith.constant 0 : i32
        %dma_start3A_352 = tpu.memref_slice %arg7[%dma_start3A_349, %dma_start3A_350, %dma_start3A_351] : memref<8x1x128xi32, #tpu.memory_space<vmem>> -> memref<1x1x128xi32, #tpu.memory_space<vmem>>
        %dma_start3A_353 = tpu.memref_squeeze %dma_start3A_352 : memref<1x1x128xi32, #tpu.memory_space<vmem>> -> memref<128xi32, #tpu.memory_space<vmem>>
        %dma_start3A_354 = arith.constant 0 : i32
        %dma_start3A_355 = arith.constant 0 : i32
        %dma_start3A_356 = tpu.memref_slice %arg9[%dma_start3A_354, %dma_start3A_355] : memref<10112x128xf32, #tpu.memory_space<vmem_shared>> -> memref<10112x128xf32, #tpu.memory_space<vmem_shared>>
        tpu.enqueue_indirect_dma source(%arg8 : memref<128x128xf32, #tpu.memory_space<vmem>>) target(%dma_start3A_356 : memref<10112x128xf32, #tpu.memory_space<vmem_shared>>) offsets(%dma_start3A_353 : memref<128xi32, #tpu.memory_space<vmem>>) semaphore(%arg18 : memref<!tpu.dma_semaphore, #tpu.memory_space<semaphore_mem>>) {add = true}
        %dma_wait3A_357 = arith.constant 0 : i32
        %dma_wait3A_358 = arith.constant 0 : i32
        %dma_wait3A_359 = arith.constant 0 : i32
        %dma_wait3A_360 = tpu.memref_slice %arg7[%dma_wait3A_357, %dma_wait3A_358, %dma_wait3A_359] : memref<8x1x128xi32, #tpu.memory_space<vmem>> -> memref<1x1x128xi32, #tpu.memory_space<vmem>>
        %dma_wait3A_361 = tpu.memref_squeeze %dma_wait3A_360 : memref<1x1x128xi32, #tpu.memory_space<vmem>> -> memref<128xi32, #tpu.memory_space<vmem>>
        %dma_wait3A_362 = arith.constant 0 : i32
        %dma_wait3A_363 = arith.constant 0 : i32
        %dma_wait3A_364 = tpu.memref_slice %arg9[%dma_wait3A_362, %dma_wait3A_363] : memref<10112x128xf32, #tpu.memory_space<vmem_shared>> -> memref<10112x128xf32, #tpu.memory_space<vmem_shared>>
        tpu.wait_indirect_dma semaphore(%arg18 : memref<!tpu.dma_semaphore, #tpu.memory_space<semaphore_mem>>) src(%arg8 : memref<128x128xf32, #tpu.memory_space<vmem>>) dst(%dma_wait3A_364 : memref<10112x128xf32, #tpu.memory_space<vmem_shared>>)
      } else {
      }
    } else {
    }
    %barrier3A_8 = arith.constant 0 : index
    tpu.barrier barrier_id(%barrier3A_8)
    %eq3A_9 = arith.constant 0 : i32
    %eq3A_10 = arith.cmpi eq, %arg0, %eq3A_9 : i32
    %convert_element_type3A_11 = arith.extui %eq3A_10 : i1 to i32
    %cond3A_12 = arith.constant 0 : i32
    %cond3A_13 = arith.cmpi ne, %convert_element_type3A_11, %cond3A_12 : i32
    scf.if %cond3A_13 {
      "tpu.region"() ({
        %run_scoped3A = tpu.sem_alloc : memref<!tpu.dma_semaphore, #tpu.memory_space<semaphore_mem>>
        %dma_start3A = arith.constant 0 : i32
        %dma_start3A_19 = tpu.memref_slice %arg5[%mul3A_0, %dma_start3A] : memref<10112x128xf32, #tpu.memory_space<hbm>> -> memref<632x128xf32, #tpu.memory_space<hbm>>
        %dma_start3A_20 = arith.constant 0 : i32
        %dma_start3A_21 = tpu.memref_slice %arg9[%mul3A_0, %dma_start3A_20] : memref<10112x128xf32, #tpu.memory_space<vmem_shared>> -> memref<632x128xf32, #tpu.memory_space<vmem_shared>>
        tpu.enqueue_dma source(%dma_start3A_21 : memref<632x128xf32, #tpu.memory_space<vmem_shared>>) target(%dma_start3A_19 : memref<632x128xf32, #tpu.memory_space<hbm>>) target_semaphore(%run_scoped3A : memref<!tpu.dma_semaphore, #tpu.memory_space<semaphore_mem>>)
        %dma_wait3A = arith.constant 0 : i32
        %dma_wait3A_22 = tpu.memref_slice %arg5[%mul3A_0, %dma_wait3A] : memref<10112x128xf32, #tpu.memory_space<hbm>> -> memref<632x128xf32, #tpu.memory_space<hbm>>
        %dma_wait3A_23 = arith.constant 0 : i32
        %dma_wait3A_24 = tpu.memref_slice %arg9[%mul3A_0, %dma_wait3A_23] : memref<10112x128xf32, #tpu.memory_space<vmem_shared>> -> memref<632x128xf32, #tpu.memory_space<vmem_shared>>
        tpu.wait_dma2 semaphore(%run_scoped3A : memref<!tpu.dma_semaphore, #tpu.memory_space<semaphore_mem>>) src(%dma_wait3A_24 : memref<632x128xf32, #tpu.memory_space<vmem_shared>>) dst(%dma_wait3A_22 : memref<632x128xf32, #tpu.memory_space<hbm>>)
        tpu.yield
      }) : () -> ()
    } else {
    }
    %eq3A_14 = arith.constant 1 : i32
    %eq3A_15 = arith.cmpi eq, %arg0, %eq3A_14 : i32
    %convert_element_type3A_16 = arith.extui %eq3A_15 : i1 to i32
    %cond3A_17 = arith.constant 0 : i32
    %cond3A_18 = arith.cmpi ne, %convert_element_type3A_16, %cond3A_17 : i32
    scf.if %cond3A_18 {
      "tpu.region"() ({
        %run_scoped3A = tpu.sem_alloc : memref<!tpu.dma_semaphore, #tpu.memory_space<semaphore_mem>>
        %dma_start3A = arith.constant 0 : i32
        %dma_start3A_19 = tpu.memref_slice %arg6[%mul3A_0, %dma_start3A] : memref<10112x128xf32, #tpu.memory_space<hbm>> -> memref<632x128xf32, #tpu.memory_space<hbm>>
        %dma_start3A_20 = arith.constant 0 : i32
        %dma_start3A_21 = tpu.memref_slice %arg9[%mul3A_0, %dma_start3A_20] : memref<10112x128xf32, #tpu.memory_space<vmem_shared>> -> memref<632x128xf32, #tpu.memory_space<vmem_shared>>
        tpu.enqueue_dma source(%dma_start3A_21 : memref<632x128xf32, #tpu.memory_space<vmem_shared>>) target(%dma_start3A_19 : memref<632x128xf32, #tpu.memory_space<hbm>>) target_semaphore(%run_scoped3A : memref<!tpu.dma_semaphore, #tpu.memory_space<semaphore_mem>>)
        %dma_wait3A = arith.constant 0 : i32
        %dma_wait3A_22 = tpu.memref_slice %arg6[%mul3A_0, %dma_wait3A] : memref<10112x128xf32, #tpu.memory_space<hbm>> -> memref<632x128xf32, #tpu.memory_space<hbm>>
        %dma_wait3A_23 = arith.constant 0 : i32
        %dma_wait3A_24 = tpu.memref_slice %arg9[%mul3A_0, %dma_wait3A_23] : memref<10112x128xf32, #tpu.memory_space<vmem_shared>> -> memref<632x128xf32, #tpu.memory_space<vmem_shared>>
        tpu.wait_dma2 semaphore(%run_scoped3A : memref<!tpu.dma_semaphore, #tpu.memory_space<semaphore_mem>>) src(%dma_wait3A_24 : memref<632x128xf32, #tpu.memory_space<vmem_shared>>) dst(%dma_wait3A_22 : memref<632x128xf32, #tpu.memory_space<hbm>>)
        tpu.yield
      }) : () -> ()
    } else {
    }
    return
  }
}

#map = affine_map<(d0, d1) -> (0, 0)>
#map1 = affine_map<(d0, d1) -> (0, 0, 0)>
module attributes {stable_mosaic.version = 14 : i64} {
  func.func @agg_kernel(%arg0: i32, %arg1: i32, %arg2: memref<10000x128xf32, #tpu.memory_space<hbm>>, %arg3: memref<2x320000xi32, #tpu.memory_space<hbm>>, %arg4: memref<10112x128xf32, #tpu.memory_space<hbm>>, %arg5: memref<2x10112x128xf32, #tpu.memory_space<hbm>>, %arg6: memref<2x2x128xi32, #tpu.memory_space<vmem>>, %arg7: memref<2x128x128xf32, #tpu.memory_space<vmem>>, %arg8: memref<10112x128xf32, #tpu.memory_space<vmem_shared>>, %arg9: memref<!tpu.dma_semaphore, #tpu.memory_space<semaphore_mem>>, %arg10: memref<!tpu.dma_semaphore, #tpu.memory_space<semaphore_mem>>) attributes {dimension_semantics = [#tpu.dimension_semantics<core_parallel>, #tpu.dimension_semantics<subcore_parallel>], iteration_bounds = array<i64: 2, 16>, scalar_prefetch = 0 : i64, scratch_operands = 5 : i64, tpu.core_type = #tpu.core_type<sc_vector_subcore>, window_params = [{transform_indices = #map}, {transform_indices = #map}, {transform_indices = #map}, {transform_indices = #map1}]} {
    %mul3A = arith.constant 632 : i32
    %mul3A_0 = arith.muli %arg1, %mul3A : i32
    "tpu.region"() ({
      %run_scoped3A_45 = tpu.sem_alloc : memref<!tpu.dma_semaphore, #tpu.memory_space<semaphore_mem>>
      %dma_start3A_46 = arith.constant 0 : i32
      %dma_start3A_47 = tpu.memref_slice %arg8[%mul3A_0, %dma_start3A_46] : memref<10112x128xf32, #tpu.memory_space<vmem_shared>> -> memref<632x128xf32, #tpu.memory_space<vmem_shared>>
      %dma_start3A_48 = arith.constant 0 : i32
      %dma_start3A_49 = tpu.memref_slice %arg4[%mul3A_0, %dma_start3A_48] : memref<10112x128xf32, #tpu.memory_space<hbm>> -> memref<632x128xf32, #tpu.memory_space<hbm>>
      tpu.enqueue_dma source(%dma_start3A_49 : memref<632x128xf32, #tpu.memory_space<hbm>>) target(%dma_start3A_47 : memref<632x128xf32, #tpu.memory_space<vmem_shared>>) target_semaphore(%run_scoped3A_45 : memref<!tpu.dma_semaphore, #tpu.memory_space<semaphore_mem>>)
      %dma_wait3A = arith.constant 0 : i32
      %dma_wait3A_50 = tpu.memref_slice %arg8[%mul3A_0, %dma_wait3A] : memref<10112x128xf32, #tpu.memory_space<vmem_shared>> -> memref<632x128xf32, #tpu.memory_space<vmem_shared>>
      %dma_wait3A_51 = arith.constant 0 : i32
      %dma_wait3A_52 = tpu.memref_slice %arg4[%mul3A_0, %dma_wait3A_51] : memref<10112x128xf32, #tpu.memory_space<hbm>> -> memref<632x128xf32, #tpu.memory_space<hbm>>
      tpu.wait_dma2 semaphore(%run_scoped3A_45 : memref<!tpu.dma_semaphore, #tpu.memory_space<semaphore_mem>>) src(%dma_wait3A_52 : memref<632x128xf32, #tpu.memory_space<hbm>>) dst(%dma_wait3A_50 : memref<632x128xf32, #tpu.memory_space<vmem_shared>>)
      tpu.yield
    }) : () -> ()
    %barrier3A = arith.constant 0 : index
    tpu.barrier barrier_id(%barrier3A)
    %mul3A_1 = arith.constant 16 : i32
    %mul3A_2 = arith.muli %arg0, %mul3A_1 : i32
    %add3A = arith.addi %mul3A_2, %arg1 : i32
    %add3A_3 = arith.constant 0 : i32
    %add3A_4 = arith.addi %add3A_3, %add3A : i32
    %mul3A_5 = arith.constant 128 : i32
    %mul3A_6 = arith.muli %add3A_4, %mul3A_5 : i32
    %run_scoped3A = arith.constant 0 : i32
    "tpu.region"() ({
      %run_scoped3A_45 = tpu.sem_alloc : memref<!tpu.dma_semaphore, #tpu.memory_space<semaphore_mem>>
      %dma_start3A_46 = arith.constant 0 : i32
      %dma_start3A_47 = arith.constant 0 : i32
      %dma_start3A_48 = tpu.memref_slice %arg6[%run_scoped3A, %dma_start3A_46, %dma_start3A_47] : memref<2x2x128xi32, #tpu.memory_space<vmem>> -> memref<1x2x128xi32, #tpu.memory_space<vmem>>
      %dma_start3A_49 = tpu.memref_squeeze %dma_start3A_48 : memref<1x2x128xi32, #tpu.memory_space<vmem>> -> memref<2x128xi32, #tpu.memory_space<vmem>>
      %dma_start3A_50 = arith.constant 0 : i32
      %dma_start3A_51 = tpu.memref_slice %arg3[%dma_start3A_50, %mul3A_6] : memref<2x320000xi32, #tpu.memory_space<hbm>> -> memref<2x128xi32, #tpu.memory_space<hbm>>
      %dma_start3A_52 = arith.constant 0 : i32
      %dma_start3A_53 = arith.constant 0 : i32
      %dma_start3A_54 = tpu.memref_slice %arg6[%run_scoped3A, %dma_start3A_52, %dma_start3A_53] : memref<2x2x128xi32, #tpu.memory_space<vmem>> -> memref<1x2x128xi32, #tpu.memory_space<vmem>>
      %dma_start3A_55 = tpu.memref_squeeze %dma_start3A_54 : memref<1x2x128xi32, #tpu.memory_space<vmem>> -> memref<2x128xi32, #tpu.memory_space<vmem>>
      %dma_start3A_56 = arith.constant 0 : i32
      %dma_start3A_57 = tpu.memref_slice %arg3[%dma_start3A_56, %mul3A_6] : memref<2x320000xi32, #tpu.memory_space<hbm>> -> memref<2x128xi32, #tpu.memory_space<hbm>>
      tpu.enqueue_dma source(%dma_start3A_57 : memref<2x128xi32, #tpu.memory_space<hbm>>) target(%dma_start3A_55 : memref<2x128xi32, #tpu.memory_space<vmem>>) target_semaphore(%run_scoped3A_45 : memref<!tpu.dma_semaphore, #tpu.memory_space<semaphore_mem>>)
      %dma_wait3A = arith.constant 0 : i32
      %dma_wait3A_58 = arith.constant 0 : i32
      %dma_wait3A_59 = tpu.memref_slice %arg6[%run_scoped3A, %dma_wait3A, %dma_wait3A_58] : memref<2x2x128xi32, #tpu.memory_space<vmem>> -> memref<1x2x128xi32, #tpu.memory_space<vmem>>
      %dma_wait3A_60 = tpu.memref_squeeze %dma_wait3A_59 : memref<1x2x128xi32, #tpu.memory_space<vmem>> -> memref<2x128xi32, #tpu.memory_space<vmem>>
      %dma_wait3A_61 = arith.constant 0 : i32
      %dma_wait3A_62 = tpu.memref_slice %arg3[%dma_wait3A_61, %mul3A_6] : memref<2x320000xi32, #tpu.memory_space<hbm>> -> memref<2x128xi32, #tpu.memory_space<hbm>>
      %dma_wait3A_63 = arith.constant 0 : i32
      %dma_wait3A_64 = arith.constant 0 : i32
      %dma_wait3A_65 = tpu.memref_slice %arg6[%run_scoped3A, %dma_wait3A_63, %dma_wait3A_64] : memref<2x2x128xi32, #tpu.memory_space<vmem>> -> memref<1x2x128xi32, #tpu.memory_space<vmem>>
      %dma_wait3A_66 = tpu.memref_squeeze %dma_wait3A_65 : memref<1x2x128xi32, #tpu.memory_space<vmem>> -> memref<2x128xi32, #tpu.memory_space<vmem>>
      %dma_wait3A_67 = arith.constant 0 : i32
      %dma_wait3A_68 = tpu.memref_slice %arg3[%dma_wait3A_67, %mul3A_6] : memref<2x320000xi32, #tpu.memory_space<hbm>> -> memref<2x128xi32, #tpu.memory_space<hbm>>
      tpu.wait_dma2 semaphore(%run_scoped3A_45 : memref<!tpu.dma_semaphore, #tpu.memory_space<semaphore_mem>>) src(%dma_wait3A_68 : memref<2x128xi32, #tpu.memory_space<hbm>>) dst(%dma_wait3A_66 : memref<2x128xi32, #tpu.memory_space<vmem>>)
      tpu.yield
    }) : () -> ()
    %dma_start3A = arith.constant 0 : i32
    %dma_start3A_7 = arith.constant 0 : i32
    %dma_start3A_8 = arith.constant 0 : i32
    %dma_start3A_9 = arith.constant 0 : i32
    %dma_start3A_10 = arith.constant 0 : i32
    %dma_start3A_11 = tpu.memref_slice %arg7[%dma_start3A_8, %dma_start3A_9, %dma_start3A_10] : memref<2x128x128xf32, #tpu.memory_space<vmem>> -> memref<1x128x128xf32, #tpu.memory_space<vmem>>
    %dma_start3A_12 = tpu.memref_squeeze %dma_start3A_11 : memref<1x128x128xf32, #tpu.memory_space<vmem>> -> memref<128x128xf32, #tpu.memory_space<vmem>>
    %dma_start3A_13 = arith.constant 0 : i32
    %dma_start3A_14 = tpu.memref_slice %arg6[%dma_start3A, %dma_start3A_7, %dma_start3A_13] : memref<2x2x128xi32, #tpu.memory_space<vmem>> -> memref<1x1x128xi32, #tpu.memory_space<vmem>>
    %dma_start3A_15 = tpu.memref_squeeze %dma_start3A_14 : memref<1x1x128xi32, #tpu.memory_space<vmem>> -> memref<128xi32, #tpu.memory_space<vmem>>
    %dma_start3A_16 = arith.constant 0 : i32
    %dma_start3A_17 = arith.constant 0 : i32
    %dma_start3A_18 = tpu.memref_slice %arg2[%dma_start3A_16, %dma_start3A_17] : memref<10000x128xf32, #tpu.memory_space<hbm>> -> memref<10000x128xf32, #tpu.memory_space<hbm>>
    tpu.enqueue_indirect_dma source(%dma_start3A_18 : memref<10000x128xf32, #tpu.memory_space<hbm>>) target(%dma_start3A_12 : memref<128x128xf32, #tpu.memory_space<vmem>>) offsets(%dma_start3A_15 : memref<128xi32, #tpu.memory_space<vmem>>) semaphore(%arg9 : memref<!tpu.dma_semaphore, #tpu.memory_space<semaphore_mem>>)
    %add3A_19 = arith.constant 32 : i32
    %add3A_20 = arith.addi %add3A_19, %add3A : i32
    %mul3A_21 = arith.constant 128 : i32
    %mul3A_22 = arith.muli %add3A_20, %mul3A_21 : i32
    %run_scoped3A_23 = arith.constant 1 : i32
    "tpu.region"() ({
      %run_scoped3A_45 = tpu.sem_alloc : memref<!tpu.dma_semaphore, #tpu.memory_space<semaphore_mem>>
      %dma_start3A_46 = arith.constant 0 : i32
      %dma_start3A_47 = arith.constant 0 : i32
      %dma_start3A_48 = tpu.memref_slice %arg6[%run_scoped3A_23, %dma_start3A_46, %dma_start3A_47] : memref<2x2x128xi32, #tpu.memory_space<vmem>> -> memref<1x2x128xi32, #tpu.memory_space<vmem>>
      %dma_start3A_49 = tpu.memref_squeeze %dma_start3A_48 : memref<1x2x128xi32, #tpu.memory_space<vmem>> -> memref<2x128xi32, #tpu.memory_space<vmem>>
      %dma_start3A_50 = arith.constant 0 : i32
      %dma_start3A_51 = tpu.memref_slice %arg3[%dma_start3A_50, %mul3A_22] : memref<2x320000xi32, #tpu.memory_space<hbm>> -> memref<2x128xi32, #tpu.memory_space<hbm>>
      %dma_start3A_52 = arith.constant 0 : i32
      %dma_start3A_53 = arith.constant 0 : i32
      %dma_start3A_54 = tpu.memref_slice %arg6[%run_scoped3A_23, %dma_start3A_52, %dma_start3A_53] : memref<2x2x128xi32, #tpu.memory_space<vmem>> -> memref<1x2x128xi32, #tpu.memory_space<vmem>>
      %dma_start3A_55 = tpu.memref_squeeze %dma_start3A_54 : memref<1x2x128xi32, #tpu.memory_space<vmem>> -> memref<2x128xi32, #tpu.memory_space<vmem>>
      %dma_start3A_56 = arith.constant 0 : i32
      %dma_start3A_57 = tpu.memref_slice %arg3[%dma_start3A_56, %mul3A_22] : memref<2x320000xi32, #tpu.memory_space<hbm>> -> memref<2x128xi32, #tpu.memory_space<hbm>>
      tpu.enqueue_dma source(%dma_start3A_57 : memref<2x128xi32, #tpu.memory_space<hbm>>) target(%dma_start3A_55 : memref<2x128xi32, #tpu.memory_space<vmem>>) target_semaphore(%run_scoped3A_45 : memref<!tpu.dma_semaphore, #tpu.memory_space<semaphore_mem>>)
      %dma_wait3A = arith.constant 0 : i32
      %dma_wait3A_58 = arith.constant 0 : i32
      %dma_wait3A_59 = tpu.memref_slice %arg6[%run_scoped3A_23, %dma_wait3A, %dma_wait3A_58] : memref<2x2x128xi32, #tpu.memory_space<vmem>> -> memref<1x2x128xi32, #tpu.memory_space<vmem>>
      %dma_wait3A_60 = tpu.memref_squeeze %dma_wait3A_59 : memref<1x2x128xi32, #tpu.memory_space<vmem>> -> memref<2x128xi32, #tpu.memory_space<vmem>>
      %dma_wait3A_61 = arith.constant 0 : i32
      %dma_wait3A_62 = tpu.memref_slice %arg3[%dma_wait3A_61, %mul3A_22] : memref<2x320000xi32, #tpu.memory_space<hbm>> -> memref<2x128xi32, #tpu.memory_space<hbm>>
      %dma_wait3A_63 = arith.constant 0 : i32
      %dma_wait3A_64 = arith.constant 0 : i32
      %dma_wait3A_65 = tpu.memref_slice %arg6[%run_scoped3A_23, %dma_wait3A_63, %dma_wait3A_64] : memref<2x2x128xi32, #tpu.memory_space<vmem>> -> memref<1x2x128xi32, #tpu.memory_space<vmem>>
      %dma_wait3A_66 = tpu.memref_squeeze %dma_wait3A_65 : memref<1x2x128xi32, #tpu.memory_space<vmem>> -> memref<2x128xi32, #tpu.memory_space<vmem>>
      %dma_wait3A_67 = arith.constant 0 : i32
      %dma_wait3A_68 = tpu.memref_slice %arg3[%dma_wait3A_67, %mul3A_22] : memref<2x320000xi32, #tpu.memory_space<hbm>> -> memref<2x128xi32, #tpu.memory_space<hbm>>
      tpu.wait_dma2 semaphore(%run_scoped3A_45 : memref<!tpu.dma_semaphore, #tpu.memory_space<semaphore_mem>>) src(%dma_wait3A_68 : memref<2x128xi32, #tpu.memory_space<hbm>>) dst(%dma_wait3A_66 : memref<2x128xi32, #tpu.memory_space<vmem>>)
      tpu.yield
    }) : () -> ()
    %dma_start3A_24 = arith.constant 1 : i32
    %dma_start3A_25 = arith.constant 0 : i32
    %dma_start3A_26 = arith.constant 1 : i32
    %dma_start3A_27 = arith.constant 0 : i32
    %dma_start3A_28 = arith.constant 0 : i32
    %dma_start3A_29 = tpu.memref_slice %arg7[%dma_start3A_26, %dma_start3A_27, %dma_start3A_28] : memref<2x128x128xf32, #tpu.memory_space<vmem>> -> memref<1x128x128xf32, #tpu.memory_space<vmem>>
    %dma_start3A_30 = tpu.memref_squeeze %dma_start3A_29 : memref<1x128x128xf32, #tpu.memory_space<vmem>> -> memref<128x128xf32, #tpu.memory_space<vmem>>
    %dma_start3A_31 = arith.constant 0 : i32
    %dma_start3A_32 = tpu.memref_slice %arg6[%dma_start3A_24, %dma_start3A_25, %dma_start3A_31] : memref<2x2x128xi32, #tpu.memory_space<vmem>> -> memref<1x1x128xi32, #tpu.memory_space<vmem>>
    %dma_start3A_33 = tpu.memref_squeeze %dma_start3A_32 : memref<1x1x128xi32, #tpu.memory_space<vmem>> -> memref<128xi32, #tpu.memory_space<vmem>>
    %dma_start3A_34 = arith.constant 0 : i32
    %dma_start3A_35 = arith.constant 0 : i32
    %dma_start3A_36 = tpu.memref_slice %arg2[%dma_start3A_34, %dma_start3A_35] : memref<10000x128xf32, #tpu.memory_space<hbm>> -> memref<10000x128xf32, #tpu.memory_space<hbm>>
    tpu.enqueue_indirect_dma source(%dma_start3A_36 : memref<10000x128xf32, #tpu.memory_space<hbm>>) target(%dma_start3A_30 : memref<128x128xf32, #tpu.memory_space<vmem>>) offsets(%dma_start3A_33 : memref<128xi32, #tpu.memory_space<vmem>>) semaphore(%arg10 : memref<!tpu.dma_semaphore, #tpu.memory_space<semaphore_mem>>)
    %scan3A = arith.constant 0 : i32
    %scan3A_37 = arith.constant 0 : i32
    %scan3A_38 = arith.constant 39 : i32
    %scan3A_39 = arith.addi %scan3A_37, %scan3A_38 : i32
    %scan3A_40 = arith.constant 1 : i32
    scf.for %scan3A_45 = %scan3A_37 to %scan3A_39 step %scan3A_40  : i32 {
      %mul3A_46 = arith.constant 2 : i32
      %mul3A_47 = arith.muli %mul3A_46, %scan3A_45 : i32
      %add3A_48 = arith.constant 0 : i32
      %add3A_49 = arith.addi %mul3A_47, %add3A_48 : i32
      %dma_wait3A = arith.constant 0 : i32
      %dma_wait3A_50 = arith.constant 0 : i32
      %dma_wait3A_51 = arith.constant 0 : i32
      %dma_wait3A_52 = arith.constant 0 : i32
      %dma_wait3A_53 = arith.constant 0 : i32
      %dma_wait3A_54 = tpu.memref_slice %arg7[%dma_wait3A_51, %dma_wait3A_52, %dma_wait3A_53] : memref<2x128x128xf32, #tpu.memory_space<vmem>> -> memref<1x128x128xf32, #tpu.memory_space<vmem>>
      %dma_wait3A_55 = tpu.memref_squeeze %dma_wait3A_54 : memref<1x128x128xf32, #tpu.memory_space<vmem>> -> memref<128x128xf32, #tpu.memory_space<vmem>>
      %dma_wait3A_56 = arith.constant 0 : i32
      %dma_wait3A_57 = tpu.memref_slice %arg6[%dma_wait3A, %dma_wait3A_50, %dma_wait3A_56] : memref<2x2x128xi32, #tpu.memory_space<vmem>> -> memref<1x1x128xi32, #tpu.memory_space<vmem>>
      %dma_wait3A_58 = tpu.memref_squeeze %dma_wait3A_57 : memref<1x1x128xi32, #tpu.memory_space<vmem>> -> memref<128xi32, #tpu.memory_space<vmem>>
      %dma_wait3A_59 = arith.constant 0 : i32
      %dma_wait3A_60 = arith.constant 0 : i32
      %dma_wait3A_61 = tpu.memref_slice %arg2[%dma_wait3A_59, %dma_wait3A_60] : memref<10000x128xf32, #tpu.memory_space<hbm>> -> memref<10000x128xf32, #tpu.memory_space<hbm>>
      tpu.wait_indirect_dma semaphore(%arg9 : memref<!tpu.dma_semaphore, #tpu.memory_space<semaphore_mem>>) src(%dma_wait3A_61 : memref<10000x128xf32, #tpu.memory_space<hbm>>) dst(%dma_wait3A_55 : memref<128x128xf32, #tpu.memory_space<vmem>>)
      %run_scoped3A_62 = arith.constant 0 : i32
      %run_scoped3A_63 = arith.constant 0 : i32
      %run_scoped3A_64 = arith.constant 1 : i32
      "tpu.region"() ({
        %run_scoped3A_99 = tpu.sem_alloc : memref<!tpu.dma_semaphore, #tpu.memory_space<semaphore_mem>>
        %dma_start3A_100 = arith.constant 0 : i32
        %dma_start3A_101 = arith.constant 0 : i32
        %dma_start3A_102 = tpu.memref_slice %arg7[%run_scoped3A_62, %dma_start3A_100, %dma_start3A_101] : memref<2x128x128xf32, #tpu.memory_space<vmem>> -> memref<1x128x128xf32, #tpu.memory_space<vmem>>
        %dma_start3A_103 = tpu.memref_squeeze %dma_start3A_102 : memref<1x128x128xf32, #tpu.memory_space<vmem>> -> memref<128x128xf32, #tpu.memory_space<vmem>>
        %dma_start3A_104 = arith.constant 0 : i32
        %dma_start3A_105 = tpu.memref_slice %arg6[%run_scoped3A_63, %run_scoped3A_64, %dma_start3A_104] : memref<2x2x128xi32, #tpu.memory_space<vmem>> -> memref<1x1x128xi32, #tpu.memory_space<vmem>>
        %dma_start3A_106 = tpu.memref_squeeze %dma_start3A_105 : memref<1x1x128xi32, #tpu.memory_space<vmem>> -> memref<128xi32, #tpu.memory_space<vmem>>
        %dma_start3A_107 = arith.constant 0 : i32
        %dma_start3A_108 = arith.constant 0 : i32
        %dma_start3A_109 = tpu.memref_slice %arg8[%dma_start3A_107, %dma_start3A_108] : memref<10112x128xf32, #tpu.memory_space<vmem_shared>> -> memref<10112x128xf32, #tpu.memory_space<vmem_shared>>
        tpu.enqueue_indirect_dma source(%dma_start3A_103 : memref<128x128xf32, #tpu.memory_space<vmem>>) target(%dma_start3A_109 : memref<10112x128xf32, #tpu.memory_space<vmem_shared>>) offsets(%dma_start3A_106 : memref<128xi32, #tpu.memory_space<vmem>>) semaphore(%run_scoped3A_99 : memref<!tpu.dma_semaphore, #tpu.memory_space<semaphore_mem>>) {add = true}
        %dma_wait3A_110 = arith.constant 0 : i32
        %dma_wait3A_111 = arith.constant 0 : i32
        %dma_wait3A_112 = tpu.memref_slice %arg7[%run_scoped3A_62, %dma_wait3A_110, %dma_wait3A_111] : memref<2x128x128xf32, #tpu.memory_space<vmem>> -> memref<1x128x128xf32, #tpu.memory_space<vmem>>
        %dma_wait3A_113 = tpu.memref_squeeze %dma_wait3A_112 : memref<1x128x128xf32, #tpu.memory_space<vmem>> -> memref<128x128xf32, #tpu.memory_space<vmem>>
        %dma_wait3A_114 = arith.constant 0 : i32
        %dma_wait3A_115 = tpu.memref_slice %arg6[%run_scoped3A_63, %run_scoped3A_64, %dma_wait3A_114] : memref<2x2x128xi32, #tpu.memory_space<vmem>> -> memref<1x1x128xi32, #tpu.memory_space<vmem>>
        %dma_wait3A_116 = tpu.memref_squeeze %dma_wait3A_115 : memref<1x1x128xi32, #tpu.memory_space<vmem>> -> memref<128xi32, #tpu.memory_space<vmem>>
        %dma_wait3A_117 = arith.constant 0 : i32
        %dma_wait3A_118 = arith.constant 0 : i32
        %dma_wait3A_119 = tpu.memref_slice %arg8[%dma_wait3A_117, %dma_wait3A_118] : memref<10112x128xf32, #tpu.memory_space<vmem_shared>> -> memref<10112x128xf32, #tpu.memory_space<vmem_shared>>
        tpu.wait_indirect_dma semaphore(%run_scoped3A_99 : memref<!tpu.dma_semaphore, #tpu.memory_space<semaphore_mem>>) src(%dma_wait3A_113 : memref<128x128xf32, #tpu.memory_space<vmem>>) dst(%dma_wait3A_119 : memref<10112x128xf32, #tpu.memory_space<vmem_shared>>)
        tpu.yield
      }) : () -> ()
      %add3A_65 = arith.constant 2 : i32
      %add3A_66 = arith.addi %add3A_49, %add3A_65 : i32
      %lt3A_67 = arith.constant 78 : i32
      %lt3A_68 = arith.cmpi slt, %add3A_66, %lt3A_67 : i32
      %convert_element_type3A_69 = arith.extui %lt3A_68 : i1 to i32
      %cond3A_70 = arith.constant 0 : i32
      %cond3A_71 = arith.cmpi ne, %convert_element_type3A_69, %cond3A_70 : i32
      scf.if %cond3A_71 {
        %add3A_99 = arith.constant 2 : i32
        %add3A_100 = arith.addi %add3A_49, %add3A_99 : i32
        %mul3A_101 = arith.constant 32 : i32
        %mul3A_102 = arith.muli %add3A_100, %mul3A_101 : i32
        %add3A_103 = arith.addi %mul3A_102, %add3A : i32
        %mul3A_104 = arith.constant 128 : i32
        %mul3A_105 = arith.muli %add3A_103, %mul3A_104 : i32
        %run_scoped3A_106 = arith.constant 0 : i32
        "tpu.region"() ({
          %run_scoped3A_120 = tpu.sem_alloc : memref<!tpu.dma_semaphore, #tpu.memory_space<semaphore_mem>>
          %dma_start3A_121 = arith.constant 0 : i32
          %dma_start3A_122 = arith.constant 0 : i32
          %dma_start3A_123 = tpu.memref_slice %arg6[%run_scoped3A_106, %dma_start3A_121, %dma_start3A_122] : memref<2x2x128xi32, #tpu.memory_space<vmem>> -> memref<1x2x128xi32, #tpu.memory_space<vmem>>
          %dma_start3A_124 = tpu.memref_squeeze %dma_start3A_123 : memref<1x2x128xi32, #tpu.memory_space<vmem>> -> memref<2x128xi32, #tpu.memory_space<vmem>>
          %dma_start3A_125 = arith.constant 0 : i32
          %dma_start3A_126 = tpu.memref_slice %arg3[%dma_start3A_125, %mul3A_105] : memref<2x320000xi32, #tpu.memory_space<hbm>> -> memref<2x128xi32, #tpu.memory_space<hbm>>
          %dma_start3A_127 = arith.constant 0 : i32
          %dma_start3A_128 = arith.constant 0 : i32
          %dma_start3A_129 = tpu.memref_slice %arg6[%run_scoped3A_106, %dma_start3A_127, %dma_start3A_128] : memref<2x2x128xi32, #tpu.memory_space<vmem>> -> memref<1x2x128xi32, #tpu.memory_space<vmem>>
          %dma_start3A_130 = tpu.memref_squeeze %dma_start3A_129 : memref<1x2x128xi32, #tpu.memory_space<vmem>> -> memref<2x128xi32, #tpu.memory_space<vmem>>
          %dma_start3A_131 = arith.constant 0 : i32
          %dma_start3A_132 = tpu.memref_slice %arg3[%dma_start3A_131, %mul3A_105] : memref<2x320000xi32, #tpu.memory_space<hbm>> -> memref<2x128xi32, #tpu.memory_space<hbm>>
          tpu.enqueue_dma source(%dma_start3A_132 : memref<2x128xi32, #tpu.memory_space<hbm>>) target(%dma_start3A_130 : memref<2x128xi32, #tpu.memory_space<vmem>>) target_semaphore(%run_scoped3A_120 : memref<!tpu.dma_semaphore, #tpu.memory_space<semaphore_mem>>)
          %dma_wait3A_133 = arith.constant 0 : i32
          %dma_wait3A_134 = arith.constant 0 : i32
          %dma_wait3A_135 = tpu.memref_slice %arg6[%run_scoped3A_106, %dma_wait3A_133, %dma_wait3A_134] : memref<2x2x128xi32, #tpu.memory_space<vmem>> -> memref<1x2x128xi32, #tpu.memory_space<vmem>>
          %dma_wait3A_136 = tpu.memref_squeeze %dma_wait3A_135 : memref<1x2x128xi32, #tpu.memory_space<vmem>> -> memref<2x128xi32, #tpu.memory_space<vmem>>
          %dma_wait3A_137 = arith.constant 0 : i32
          %dma_wait3A_138 = tpu.memref_slice %arg3[%dma_wait3A_137, %mul3A_105] : memref<2x320000xi32, #tpu.memory_space<hbm>> -> memref<2x128xi32, #tpu.memory_space<hbm>>
          %dma_wait3A_139 = arith.constant 0 : i32
          %dma_wait3A_140 = arith.constant 0 : i32
          %dma_wait3A_141 = tpu.memref_slice %arg6[%run_scoped3A_106, %dma_wait3A_139, %dma_wait3A_140] : memref<2x2x128xi32, #tpu.memory_space<vmem>> -> memref<1x2x128xi32, #tpu.memory_space<vmem>>
          %dma_wait3A_142 = tpu.memref_squeeze %dma_wait3A_141 : memref<1x2x128xi32, #tpu.memory_space<vmem>> -> memref<2x128xi32, #tpu.memory_space<vmem>>
          %dma_wait3A_143 = arith.constant 0 : i32
          %dma_wait3A_144 = tpu.memref_slice %arg3[%dma_wait3A_143, %mul3A_105] : memref<2x320000xi32, #tpu.memory_space<hbm>> -> memref<2x128xi32, #tpu.memory_space<hbm>>
          tpu.wait_dma2 semaphore(%run_scoped3A_120 : memref<!tpu.dma_semaphore, #tpu.memory_space<semaphore_mem>>) src(%dma_wait3A_144 : memref<2x128xi32, #tpu.memory_space<hbm>>) dst(%dma_wait3A_142 : memref<2x128xi32, #tpu.memory_space<vmem>>)
          tpu.yield
        }) : () -> ()
        %dma_start3A_107 = arith.constant 0 : i32
        %dma_start3A_108 = arith.constant 0 : i32
        %dma_start3A_109 = arith.constant 0 : i32
        %dma_start3A_110 = arith.constant 0 : i32
        %dma_start3A_111 = arith.constant 0 : i32
        %dma_start3A_112 = tpu.memref_slice %arg7[%dma_start3A_109, %dma_start3A_110, %dma_start3A_111] : memref<2x128x128xf32, #tpu.memory_space<vmem>> -> memref<1x128x128xf32, #tpu.memory_space<vmem>>
        %dma_start3A_113 = tpu.memref_squeeze %dma_start3A_112 : memref<1x128x128xf32, #tpu.memory_space<vmem>> -> memref<128x128xf32, #tpu.memory_space<vmem>>
        %dma_start3A_114 = arith.constant 0 : i32
        %dma_start3A_115 = tpu.memref_slice %arg6[%dma_start3A_107, %dma_start3A_108, %dma_start3A_114] : memref<2x2x128xi32, #tpu.memory_space<vmem>> -> memref<1x1x128xi32, #tpu.memory_space<vmem>>
        %dma_start3A_116 = tpu.memref_squeeze %dma_start3A_115 : memref<1x1x128xi32, #tpu.memory_space<vmem>> -> memref<128xi32, #tpu.memory_space<vmem>>
        %dma_start3A_117 = arith.constant 0 : i32
        %dma_start3A_118 = arith.constant 0 : i32
        %dma_start3A_119 = tpu.memref_slice %arg2[%dma_start3A_117, %dma_start3A_118] : memref<10000x128xf32, #tpu.memory_space<hbm>> -> memref<10000x128xf32, #tpu.memory_space<hbm>>
        tpu.enqueue_indirect_dma source(%dma_start3A_119 : memref<10000x128xf32, #tpu.memory_space<hbm>>) target(%dma_start3A_113 : memref<128x128xf32, #tpu.memory_space<vmem>>) offsets(%dma_start3A_116 : memref<128xi32, #tpu.memory_space<vmem>>) semaphore(%arg9 : memref<!tpu.dma_semaphore, #tpu.memory_space<semaphore_mem>>)
      } else {
      }
      %mul3A_72 = arith.constant 2 : i32
      %mul3A_73 = arith.muli %mul3A_72, %scan3A_45 : i32
      %add3A_74 = arith.constant 1 : i32
      %add3A_75 = arith.addi %mul3A_73, %add3A_74 : i32
      %dma_wait3A_76 = arith.constant 1 : i32
      %dma_wait3A_77 = arith.constant 0 : i32
      %dma_wait3A_78 = arith.constant 1 : i32
      %dma_wait3A_79 = arith.constant 0 : i32
      %dma_wait3A_80 = arith.constant 0 : i32
      %dma_wait3A_81 = tpu.memref_slice %arg7[%dma_wait3A_78, %dma_wait3A_79, %dma_wait3A_80] : memref<2x128x128xf32, #tpu.memory_space<vmem>> -> memref<1x128x128xf32, #tpu.memory_space<vmem>>
      %dma_wait3A_82 = tpu.memref_squeeze %dma_wait3A_81 : memref<1x128x128xf32, #tpu.memory_space<vmem>> -> memref<128x128xf32, #tpu.memory_space<vmem>>
      %dma_wait3A_83 = arith.constant 0 : i32
      %dma_wait3A_84 = tpu.memref_slice %arg6[%dma_wait3A_76, %dma_wait3A_77, %dma_wait3A_83] : memref<2x2x128xi32, #tpu.memory_space<vmem>> -> memref<1x1x128xi32, #tpu.memory_space<vmem>>
      %dma_wait3A_85 = tpu.memref_squeeze %dma_wait3A_84 : memref<1x1x128xi32, #tpu.memory_space<vmem>> -> memref<128xi32, #tpu.memory_space<vmem>>
      %dma_wait3A_86 = arith.constant 0 : i32
      %dma_wait3A_87 = arith.constant 0 : i32
      %dma_wait3A_88 = tpu.memref_slice %arg2[%dma_wait3A_86, %dma_wait3A_87] : memref<10000x128xf32, #tpu.memory_space<hbm>> -> memref<10000x128xf32, #tpu.memory_space<hbm>>
      tpu.wait_indirect_dma semaphore(%arg10 : memref<!tpu.dma_semaphore, #tpu.memory_space<semaphore_mem>>) src(%dma_wait3A_88 : memref<10000x128xf32, #tpu.memory_space<hbm>>) dst(%dma_wait3A_82 : memref<128x128xf32, #tpu.memory_space<vmem>>)
      %run_scoped3A_89 = arith.constant 1 : i32
      %run_scoped3A_90 = arith.constant 1 : i32
      %run_scoped3A_91 = arith.constant 1 : i32
      "tpu.region"() ({
        %run_scoped3A_99 = tpu.sem_alloc : memref<!tpu.dma_semaphore, #tpu.memory_space<semaphore_mem>>
        %dma_start3A_100 = arith.constant 0 : i32
        %dma_start3A_101 = arith.constant 0 : i32
        %dma_start3A_102 = tpu.memref_slice %arg7[%run_scoped3A_89, %dma_start3A_100, %dma_start3A_101] : memref<2x128x128xf32, #tpu.memory_space<vmem>> -> memref<1x128x128xf32, #tpu.memory_space<vmem>>
        %dma_start3A_103 = tpu.memref_squeeze %dma_start3A_102 : memref<1x128x128xf32, #tpu.memory_space<vmem>> -> memref<128x128xf32, #tpu.memory_space<vmem>>
        %dma_start3A_104 = arith.constant 0 : i32
        %dma_start3A_105 = tpu.memref_slice %arg6[%run_scoped3A_90, %run_scoped3A_91, %dma_start3A_104] : memref<2x2x128xi32, #tpu.memory_space<vmem>> -> memref<1x1x128xi32, #tpu.memory_space<vmem>>
        %dma_start3A_106 = tpu.memref_squeeze %dma_start3A_105 : memref<1x1x128xi32, #tpu.memory_space<vmem>> -> memref<128xi32, #tpu.memory_space<vmem>>
        %dma_start3A_107 = arith.constant 0 : i32
        %dma_start3A_108 = arith.constant 0 : i32
        %dma_start3A_109 = tpu.memref_slice %arg8[%dma_start3A_107, %dma_start3A_108] : memref<10112x128xf32, #tpu.memory_space<vmem_shared>> -> memref<10112x128xf32, #tpu.memory_space<vmem_shared>>
        tpu.enqueue_indirect_dma source(%dma_start3A_103 : memref<128x128xf32, #tpu.memory_space<vmem>>) target(%dma_start3A_109 : memref<10112x128xf32, #tpu.memory_space<vmem_shared>>) offsets(%dma_start3A_106 : memref<128xi32, #tpu.memory_space<vmem>>) semaphore(%run_scoped3A_99 : memref<!tpu.dma_semaphore, #tpu.memory_space<semaphore_mem>>) {add = true}
        %dma_wait3A_110 = arith.constant 0 : i32
        %dma_wait3A_111 = arith.constant 0 : i32
        %dma_wait3A_112 = tpu.memref_slice %arg7[%run_scoped3A_89, %dma_wait3A_110, %dma_wait3A_111] : memref<2x128x128xf32, #tpu.memory_space<vmem>> -> memref<1x128x128xf32, #tpu.memory_space<vmem>>
        %dma_wait3A_113 = tpu.memref_squeeze %dma_wait3A_112 : memref<1x128x128xf32, #tpu.memory_space<vmem>> -> memref<128x128xf32, #tpu.memory_space<vmem>>
        %dma_wait3A_114 = arith.constant 0 : i32
        %dma_wait3A_115 = tpu.memref_slice %arg6[%run_scoped3A_90, %run_scoped3A_91, %dma_wait3A_114] : memref<2x2x128xi32, #tpu.memory_space<vmem>> -> memref<1x1x128xi32, #tpu.memory_space<vmem>>
        %dma_wait3A_116 = tpu.memref_squeeze %dma_wait3A_115 : memref<1x1x128xi32, #tpu.memory_space<vmem>> -> memref<128xi32, #tpu.memory_space<vmem>>
        %dma_wait3A_117 = arith.constant 0 : i32
        %dma_wait3A_118 = arith.constant 0 : i32
        %dma_wait3A_119 = tpu.memref_slice %arg8[%dma_wait3A_117, %dma_wait3A_118] : memref<10112x128xf32, #tpu.memory_space<vmem_shared>> -> memref<10112x128xf32, #tpu.memory_space<vmem_shared>>
        tpu.wait_indirect_dma semaphore(%run_scoped3A_99 : memref<!tpu.dma_semaphore, #tpu.memory_space<semaphore_mem>>) src(%dma_wait3A_113 : memref<128x128xf32, #tpu.memory_space<vmem>>) dst(%dma_wait3A_119 : memref<10112x128xf32, #tpu.memory_space<vmem_shared>>)
        tpu.yield
      }) : () -> ()
      %add3A_92 = arith.constant 2 : i32
      %add3A_93 = arith.addi %add3A_75, %add3A_92 : i32
      %lt3A_94 = arith.constant 78 : i32
      %lt3A_95 = arith.cmpi slt, %add3A_93, %lt3A_94 : i32
      %convert_element_type3A_96 = arith.extui %lt3A_95 : i1 to i32
      %cond3A_97 = arith.constant 0 : i32
      %cond3A_98 = arith.cmpi ne, %convert_element_type3A_96, %cond3A_97 : i32
      scf.if %cond3A_98 {
        %add3A_99 = arith.constant 2 : i32
        %add3A_100 = arith.addi %add3A_75, %add3A_99 : i32
        %mul3A_101 = arith.constant 32 : i32
        %mul3A_102 = arith.muli %add3A_100, %mul3A_101 : i32
        %add3A_103 = arith.addi %mul3A_102, %add3A : i32
        %mul3A_104 = arith.constant 128 : i32
        %mul3A_105 = arith.muli %add3A_103, %mul3A_104 : i32
        %run_scoped3A_106 = arith.constant 1 : i32
        "tpu.region"() ({
          %run_scoped3A_120 = tpu.sem_alloc : memref<!tpu.dma_semaphore, #tpu.memory_space<semaphore_mem>>
          %dma_start3A_121 = arith.constant 0 : i32
          %dma_start3A_122 = arith.constant 0 : i32
          %dma_start3A_123 = tpu.memref_slice %arg6[%run_scoped3A_106, %dma_start3A_121, %dma_start3A_122] : memref<2x2x128xi32, #tpu.memory_space<vmem>> -> memref<1x2x128xi32, #tpu.memory_space<vmem>>
          %dma_start3A_124 = tpu.memref_squeeze %dma_start3A_123 : memref<1x2x128xi32, #tpu.memory_space<vmem>> -> memref<2x128xi32, #tpu.memory_space<vmem>>
          %dma_start3A_125 = arith.constant 0 : i32
          %dma_start3A_126 = tpu.memref_slice %arg3[%dma_start3A_125, %mul3A_105] : memref<2x320000xi32, #tpu.memory_space<hbm>> -> memref<2x128xi32, #tpu.memory_space<hbm>>
          %dma_start3A_127 = arith.constant 0 : i32
          %dma_start3A_128 = arith.constant 0 : i32
          %dma_start3A_129 = tpu.memref_slice %arg6[%run_scoped3A_106, %dma_start3A_127, %dma_start3A_128] : memref<2x2x128xi32, #tpu.memory_space<vmem>> -> memref<1x2x128xi32, #tpu.memory_space<vmem>>
          %dma_start3A_130 = tpu.memref_squeeze %dma_start3A_129 : memref<1x2x128xi32, #tpu.memory_space<vmem>> -> memref<2x128xi32, #tpu.memory_space<vmem>>
          %dma_start3A_131 = arith.constant 0 : i32
          %dma_start3A_132 = tpu.memref_slice %arg3[%dma_start3A_131, %mul3A_105] : memref<2x320000xi32, #tpu.memory_space<hbm>> -> memref<2x128xi32, #tpu.memory_space<hbm>>
          tpu.enqueue_dma source(%dma_start3A_132 : memref<2x128xi32, #tpu.memory_space<hbm>>) target(%dma_start3A_130 : memref<2x128xi32, #tpu.memory_space<vmem>>) target_semaphore(%run_scoped3A_120 : memref<!tpu.dma_semaphore, #tpu.memory_space<semaphore_mem>>)
          %dma_wait3A_133 = arith.constant 0 : i32
          %dma_wait3A_134 = arith.constant 0 : i32
          %dma_wait3A_135 = tpu.memref_slice %arg6[%run_scoped3A_106, %dma_wait3A_133, %dma_wait3A_134] : memref<2x2x128xi32, #tpu.memory_space<vmem>> -> memref<1x2x128xi32, #tpu.memory_space<vmem>>
          %dma_wait3A_136 = tpu.memref_squeeze %dma_wait3A_135 : memref<1x2x128xi32, #tpu.memory_space<vmem>> -> memref<2x128xi32, #tpu.memory_space<vmem>>
          %dma_wait3A_137 = arith.constant 0 : i32
          %dma_wait3A_138 = tpu.memref_slice %arg3[%dma_wait3A_137, %mul3A_105] : memref<2x320000xi32, #tpu.memory_space<hbm>> -> memref<2x128xi32, #tpu.memory_space<hbm>>
          %dma_wait3A_139 = arith.constant 0 : i32
          %dma_wait3A_140 = arith.constant 0 : i32
          %dma_wait3A_141 = tpu.memref_slice %arg6[%run_scoped3A_106, %dma_wait3A_139, %dma_wait3A_140] : memref<2x2x128xi32, #tpu.memory_space<vmem>> -> memref<1x2x128xi32, #tpu.memory_space<vmem>>
          %dma_wait3A_142 = tpu.memref_squeeze %dma_wait3A_141 : memref<1x2x128xi32, #tpu.memory_space<vmem>> -> memref<2x128xi32, #tpu.memory_space<vmem>>
          %dma_wait3A_143 = arith.constant 0 : i32
          %dma_wait3A_144 = tpu.memref_slice %arg3[%dma_wait3A_143, %mul3A_105] : memref<2x320000xi32, #tpu.memory_space<hbm>> -> memref<2x128xi32, #tpu.memory_space<hbm>>
          tpu.wait_dma2 semaphore(%run_scoped3A_120 : memref<!tpu.dma_semaphore, #tpu.memory_space<semaphore_mem>>) src(%dma_wait3A_144 : memref<2x128xi32, #tpu.memory_space<hbm>>) dst(%dma_wait3A_142 : memref<2x128xi32, #tpu.memory_space<vmem>>)
          tpu.yield
        }) : () -> ()
        %dma_start3A_107 = arith.constant 1 : i32
        %dma_start3A_108 = arith.constant 0 : i32
        %dma_start3A_109 = arith.constant 1 : i32
        %dma_start3A_110 = arith.constant 0 : i32
        %dma_start3A_111 = arith.constant 0 : i32
        %dma_start3A_112 = tpu.memref_slice %arg7[%dma_start3A_109, %dma_start3A_110, %dma_start3A_111] : memref<2x128x128xf32, #tpu.memory_space<vmem>> -> memref<1x128x128xf32, #tpu.memory_space<vmem>>
        %dma_start3A_113 = tpu.memref_squeeze %dma_start3A_112 : memref<1x128x128xf32, #tpu.memory_space<vmem>> -> memref<128x128xf32, #tpu.memory_space<vmem>>
        %dma_start3A_114 = arith.constant 0 : i32
        %dma_start3A_115 = tpu.memref_slice %arg6[%dma_start3A_107, %dma_start3A_108, %dma_start3A_114] : memref<2x2x128xi32, #tpu.memory_space<vmem>> -> memref<1x1x128xi32, #tpu.memory_space<vmem>>
        %dma_start3A_116 = tpu.memref_squeeze %dma_start3A_115 : memref<1x1x128xi32, #tpu.memory_space<vmem>> -> memref<128xi32, #tpu.memory_space<vmem>>
        %dma_start3A_117 = arith.constant 0 : i32
        %dma_start3A_118 = arith.constant 0 : i32
        %dma_start3A_119 = tpu.memref_slice %arg2[%dma_start3A_117, %dma_start3A_118] : memref<10000x128xf32, #tpu.memory_space<hbm>> -> memref<10000x128xf32, #tpu.memory_space<hbm>>
        tpu.enqueue_indirect_dma source(%dma_start3A_119 : memref<10000x128xf32, #tpu.memory_space<hbm>>) target(%dma_start3A_113 : memref<128x128xf32, #tpu.memory_space<vmem>>) offsets(%dma_start3A_116 : memref<128xi32, #tpu.memory_space<vmem>>) semaphore(%arg10 : memref<!tpu.dma_semaphore, #tpu.memory_space<semaphore_mem>>)
      } else {
      }
    }
    %scan3A_41 = arith.constant 39 : i32
    %lt3A = arith.constant 4 : i32
    %lt3A_42 = arith.cmpi slt, %add3A, %lt3A : i32
    %convert_element_type3A = arith.extui %lt3A_42 : i1 to i32
    %cond3A = arith.constant 0 : i32
    %cond3A_43 = arith.cmpi ne, %convert_element_type3A, %cond3A : i32
    scf.if %cond3A_43 {
      %add3A_45 = arith.constant 2496 : i32
      %add3A_46 = arith.addi %add3A_45, %add3A : i32
      %mul3A_47 = arith.constant 128 : i32
      %mul3A_48 = arith.muli %add3A_46, %mul3A_47 : i32
      %run_scoped3A_49 = arith.constant 0 : i32
      "tpu.region"() ({
        %run_scoped3A_78 = tpu.sem_alloc : memref<!tpu.dma_semaphore, #tpu.memory_space<semaphore_mem>>
        %dma_start3A_79 = arith.constant 0 : i32
        %dma_start3A_80 = arith.constant 0 : i32
        %dma_start3A_81 = tpu.memref_slice %arg6[%run_scoped3A_49, %dma_start3A_79, %dma_start3A_80] : memref<2x2x128xi32, #tpu.memory_space<vmem>> -> memref<1x2x128xi32, #tpu.memory_space<vmem>>
        %dma_start3A_82 = tpu.memref_squeeze %dma_start3A_81 : memref<1x2x128xi32, #tpu.memory_space<vmem>> -> memref<2x128xi32, #tpu.memory_space<vmem>>
        %dma_start3A_83 = arith.constant 0 : i32
        %dma_start3A_84 = tpu.memref_slice %arg3[%dma_start3A_83, %mul3A_48] : memref<2x320000xi32, #tpu.memory_space<hbm>> -> memref<2x128xi32, #tpu.memory_space<hbm>>
        %dma_start3A_85 = arith.constant 0 : i32
        %dma_start3A_86 = arith.constant 0 : i32
        %dma_start3A_87 = tpu.memref_slice %arg6[%run_scoped3A_49, %dma_start3A_85, %dma_start3A_86] : memref<2x2x128xi32, #tpu.memory_space<vmem>> -> memref<1x2x128xi32, #tpu.memory_space<vmem>>
        %dma_start3A_88 = tpu.memref_squeeze %dma_start3A_87 : memref<1x2x128xi32, #tpu.memory_space<vmem>> -> memref<2x128xi32, #tpu.memory_space<vmem>>
        %dma_start3A_89 = arith.constant 0 : i32
        %dma_start3A_90 = tpu.memref_slice %arg3[%dma_start3A_89, %mul3A_48] : memref<2x320000xi32, #tpu.memory_space<hbm>> -> memref<2x128xi32, #tpu.memory_space<hbm>>
        tpu.enqueue_dma source(%dma_start3A_90 : memref<2x128xi32, #tpu.memory_space<hbm>>) target(%dma_start3A_88 : memref<2x128xi32, #tpu.memory_space<vmem>>) target_semaphore(%run_scoped3A_78 : memref<!tpu.dma_semaphore, #tpu.memory_space<semaphore_mem>>)
        %dma_wait3A_91 = arith.constant 0 : i32
        %dma_wait3A_92 = arith.constant 0 : i32
        %dma_wait3A_93 = tpu.memref_slice %arg6[%run_scoped3A_49, %dma_wait3A_91, %dma_wait3A_92] : memref<2x2x128xi32, #tpu.memory_space<vmem>> -> memref<1x2x128xi32, #tpu.memory_space<vmem>>
        %dma_wait3A_94 = tpu.memref_squeeze %dma_wait3A_93 : memref<1x2x128xi32, #tpu.memory_space<vmem>> -> memref<2x128xi32, #tpu.memory_space<vmem>>
        %dma_wait3A_95 = arith.constant 0 : i32
        %dma_wait3A_96 = tpu.memref_slice %arg3[%dma_wait3A_95, %mul3A_48] : memref<2x320000xi32, #tpu.memory_space<hbm>> -> memref<2x128xi32, #tpu.memory_space<hbm>>
        %dma_wait3A_97 = arith.constant 0 : i32
        %dma_wait3A_98 = arith.constant 0 : i32
        %dma_wait3A_99 = tpu.memref_slice %arg6[%run_scoped3A_49, %dma_wait3A_97, %dma_wait3A_98] : memref<2x2x128xi32, #tpu.memory_space<vmem>> -> memref<1x2x128xi32, #tpu.memory_space<vmem>>
        %dma_wait3A_100 = tpu.memref_squeeze %dma_wait3A_99 : memref<1x2x128xi32, #tpu.memory_space<vmem>> -> memref<2x128xi32, #tpu.memory_space<vmem>>
        %dma_wait3A_101 = arith.constant 0 : i32
        %dma_wait3A_102 = tpu.memref_slice %arg3[%dma_wait3A_101, %mul3A_48] : memref<2x320000xi32, #tpu.memory_space<hbm>> -> memref<2x128xi32, #tpu.memory_space<hbm>>
        tpu.wait_dma2 semaphore(%run_scoped3A_78 : memref<!tpu.dma_semaphore, #tpu.memory_space<semaphore_mem>>) src(%dma_wait3A_102 : memref<2x128xi32, #tpu.memory_space<hbm>>) dst(%dma_wait3A_100 : memref<2x128xi32, #tpu.memory_space<vmem>>)
        tpu.yield
      }) : () -> ()
      %dma_start3A_50 = arith.constant 0 : i32
      %dma_start3A_51 = arith.constant 0 : i32
      %dma_start3A_52 = arith.constant 0 : i32
      %dma_start3A_53 = arith.constant 0 : i32
      %dma_start3A_54 = arith.constant 0 : i32
      %dma_start3A_55 = tpu.memref_slice %arg7[%dma_start3A_52, %dma_start3A_53, %dma_start3A_54] : memref<2x128x128xf32, #tpu.memory_space<vmem>> -> memref<1x128x128xf32, #tpu.memory_space<vmem>>
      %dma_start3A_56 = tpu.memref_squeeze %dma_start3A_55 : memref<1x128x128xf32, #tpu.memory_space<vmem>> -> memref<128x128xf32, #tpu.memory_space<vmem>>
      %dma_start3A_57 = arith.constant 0 : i32
      %dma_start3A_58 = tpu.memref_slice %arg6[%dma_start3A_50, %dma_start3A_51, %dma_start3A_57] : memref<2x2x128xi32, #tpu.memory_space<vmem>> -> memref<1x1x128xi32, #tpu.memory_space<vmem>>
      %dma_start3A_59 = tpu.memref_squeeze %dma_start3A_58 : memref<1x1x128xi32, #tpu.memory_space<vmem>> -> memref<128xi32, #tpu.memory_space<vmem>>
      %dma_start3A_60 = arith.constant 0 : i32
      %dma_start3A_61 = arith.constant 0 : i32
      %dma_start3A_62 = tpu.memref_slice %arg2[%dma_start3A_60, %dma_start3A_61] : memref<10000x128xf32, #tpu.memory_space<hbm>> -> memref<10000x128xf32, #tpu.memory_space<hbm>>
      tpu.enqueue_indirect_dma source(%dma_start3A_62 : memref<10000x128xf32, #tpu.memory_space<hbm>>) target(%dma_start3A_56 : memref<128x128xf32, #tpu.memory_space<vmem>>) offsets(%dma_start3A_59 : memref<128xi32, #tpu.memory_space<vmem>>) semaphore(%arg9 : memref<!tpu.dma_semaphore, #tpu.memory_space<semaphore_mem>>)
      %dma_wait3A = arith.constant 0 : i32
      %dma_wait3A_63 = arith.constant 0 : i32
      %dma_wait3A_64 = arith.constant 0 : i32
      %dma_wait3A_65 = arith.constant 0 : i32
      %dma_wait3A_66 = arith.constant 0 : i32
      %dma_wait3A_67 = tpu.memref_slice %arg7[%dma_wait3A_64, %dma_wait3A_65, %dma_wait3A_66] : memref<2x128x128xf32, #tpu.memory_space<vmem>> -> memref<1x128x128xf32, #tpu.memory_space<vmem>>
      %dma_wait3A_68 = tpu.memref_squeeze %dma_wait3A_67 : memref<1x128x128xf32, #tpu.memory_space<vmem>> -> memref<128x128xf32, #tpu.memory_space<vmem>>
      %dma_wait3A_69 = arith.constant 0 : i32
      %dma_wait3A_70 = tpu.memref_slice %arg6[%dma_wait3A, %dma_wait3A_63, %dma_wait3A_69] : memref<2x2x128xi32, #tpu.memory_space<vmem>> -> memref<1x1x128xi32, #tpu.memory_space<vmem>>
      %dma_wait3A_71 = tpu.memref_squeeze %dma_wait3A_70 : memref<1x1x128xi32, #tpu.memory_space<vmem>> -> memref<128xi32, #tpu.memory_space<vmem>>
      %dma_wait3A_72 = arith.constant 0 : i32
      %dma_wait3A_73 = arith.constant 0 : i32
      %dma_wait3A_74 = tpu.memref_slice %arg2[%dma_wait3A_72, %dma_wait3A_73] : memref<10000x128xf32, #tpu.memory_space<hbm>> -> memref<10000x128xf32, #tpu.memory_space<hbm>>
      tpu.wait_indirect_dma semaphore(%arg9 : memref<!tpu.dma_semaphore, #tpu.memory_space<semaphore_mem>>) src(%dma_wait3A_74 : memref<10000x128xf32, #tpu.memory_space<hbm>>) dst(%dma_wait3A_68 : memref<128x128xf32, #tpu.memory_space<vmem>>)
      %run_scoped3A_75 = arith.constant 0 : i32
      %run_scoped3A_76 = arith.constant 0 : i32
      %run_scoped3A_77 = arith.constant 1 : i32
      "tpu.region"() ({
        %run_scoped3A_78 = tpu.sem_alloc : memref<!tpu.dma_semaphore, #tpu.memory_space<semaphore_mem>>
        %dma_start3A_79 = arith.constant 0 : i32
        %dma_start3A_80 = arith.constant 0 : i32
        %dma_start3A_81 = tpu.memref_slice %arg7[%run_scoped3A_75, %dma_start3A_79, %dma_start3A_80] : memref<2x128x128xf32, #tpu.memory_space<vmem>> -> memref<1x128x128xf32, #tpu.memory_space<vmem>>
        %dma_start3A_82 = tpu.memref_squeeze %dma_start3A_81 : memref<1x128x128xf32, #tpu.memory_space<vmem>> -> memref<128x128xf32, #tpu.memory_space<vmem>>
        %dma_start3A_83 = arith.constant 0 : i32
        %dma_start3A_84 = tpu.memref_slice %arg6[%run_scoped3A_76, %run_scoped3A_77, %dma_start3A_83] : memref<2x2x128xi32, #tpu.memory_space<vmem>> -> memref<1x1x128xi32, #tpu.memory_space<vmem>>
        %dma_start3A_85 = tpu.memref_squeeze %dma_start3A_84 : memref<1x1x128xi32, #tpu.memory_space<vmem>> -> memref<128xi32, #tpu.memory_space<vmem>>
        %dma_start3A_86 = arith.constant 0 : i32
        %dma_start3A_87 = arith.constant 0 : i32
        %dma_start3A_88 = tpu.memref_slice %arg8[%dma_start3A_86, %dma_start3A_87] : memref<10112x128xf32, #tpu.memory_space<vmem_shared>> -> memref<10112x128xf32, #tpu.memory_space<vmem_shared>>
        tpu.enqueue_indirect_dma source(%dma_start3A_82 : memref<128x128xf32, #tpu.memory_space<vmem>>) target(%dma_start3A_88 : memref<10112x128xf32, #tpu.memory_space<vmem_shared>>) offsets(%dma_start3A_85 : memref<128xi32, #tpu.memory_space<vmem>>) semaphore(%run_scoped3A_78 : memref<!tpu.dma_semaphore, #tpu.memory_space<semaphore_mem>>) {add = true}
        %dma_wait3A_89 = arith.constant 0 : i32
        %dma_wait3A_90 = arith.constant 0 : i32
        %dma_wait3A_91 = tpu.memref_slice %arg7[%run_scoped3A_75, %dma_wait3A_89, %dma_wait3A_90] : memref<2x128x128xf32, #tpu.memory_space<vmem>> -> memref<1x128x128xf32, #tpu.memory_space<vmem>>
        %dma_wait3A_92 = tpu.memref_squeeze %dma_wait3A_91 : memref<1x128x128xf32, #tpu.memory_space<vmem>> -> memref<128x128xf32, #tpu.memory_space<vmem>>
        %dma_wait3A_93 = arith.constant 0 : i32
        %dma_wait3A_94 = tpu.memref_slice %arg6[%run_scoped3A_76, %run_scoped3A_77, %dma_wait3A_93] : memref<2x2x128xi32, #tpu.memory_space<vmem>> -> memref<1x1x128xi32, #tpu.memory_space<vmem>>
        %dma_wait3A_95 = tpu.memref_squeeze %dma_wait3A_94 : memref<1x1x128xi32, #tpu.memory_space<vmem>> -> memref<128xi32, #tpu.memory_space<vmem>>
        %dma_wait3A_96 = arith.constant 0 : i32
        %dma_wait3A_97 = arith.constant 0 : i32
        %dma_wait3A_98 = tpu.memref_slice %arg8[%dma_wait3A_96, %dma_wait3A_97] : memref<10112x128xf32, #tpu.memory_space<vmem_shared>> -> memref<10112x128xf32, #tpu.memory_space<vmem_shared>>
        tpu.wait_indirect_dma semaphore(%run_scoped3A_78 : memref<!tpu.dma_semaphore, #tpu.memory_space<semaphore_mem>>) src(%dma_wait3A_92 : memref<128x128xf32, #tpu.memory_space<vmem>>) dst(%dma_wait3A_98 : memref<10112x128xf32, #tpu.memory_space<vmem_shared>>)
        tpu.yield
      }) : () -> ()
    } else {
    }
    %barrier3A_44 = arith.constant 0 : index
    tpu.barrier barrier_id(%barrier3A_44)
    "tpu.region"() ({
      %run_scoped3A_45 = tpu.sem_alloc : memref<!tpu.dma_semaphore, #tpu.memory_space<semaphore_mem>>
      %dma_start3A_46 = arith.constant 0 : i32
      %dma_start3A_47 = tpu.memref_slice %arg5[%arg0, %mul3A_0, %dma_start3A_46] : memref<2x10112x128xf32, #tpu.memory_space<hbm>> -> memref<1x632x128xf32, #tpu.memory_space<hbm>>
      %dma_start3A_48 = tpu.memref_squeeze %dma_start3A_47 : memref<1x632x128xf32, #tpu.memory_space<hbm>> -> memref<632x128xf32, #tpu.memory_space<hbm>>
      %dma_start3A_49 = arith.constant 0 : i32
      %dma_start3A_50 = tpu.memref_slice %arg8[%mul3A_0, %dma_start3A_49] : memref<10112x128xf32, #tpu.memory_space<vmem_shared>> -> memref<632x128xf32, #tpu.memory_space<vmem_shared>>
      tpu.enqueue_dma source(%dma_start3A_50 : memref<632x128xf32, #tpu.memory_space<vmem_shared>>) target(%dma_start3A_48 : memref<632x128xf32, #tpu.memory_space<hbm>>) target_semaphore(%run_scoped3A_45 : memref<!tpu.dma_semaphore, #tpu.memory_space<semaphore_mem>>)
      %dma_wait3A = arith.constant 0 : i32
      %dma_wait3A_51 = tpu.memref_slice %arg5[%arg0, %mul3A_0, %dma_wait3A] : memref<2x10112x128xf32, #tpu.memory_space<hbm>> -> memref<1x632x128xf32, #tpu.memory_space<hbm>>
      %dma_wait3A_52 = tpu.memref_squeeze %dma_wait3A_51 : memref<1x632x128xf32, #tpu.memory_space<hbm>> -> memref<632x128xf32, #tpu.memory_space<hbm>>
      %dma_wait3A_53 = arith.constant 0 : i32
      %dma_wait3A_54 = tpu.memref_slice %arg8[%mul3A_0, %dma_wait3A_53] : memref<10112x128xf32, #tpu.memory_space<vmem_shared>> -> memref<632x128xf32, #tpu.memory_space<vmem_shared>>
      tpu.wait_dma2 semaphore(%run_scoped3A_45 : memref<!tpu.dma_semaphore, #tpu.memory_space<semaphore_mem>>) src(%dma_wait3A_54 : memref<632x128xf32, #tpu.memory_space<vmem_shared>>) dst(%dma_wait3A_52 : memref<632x128xf32, #tpu.memory_space<hbm>>)
      tpu.yield
    }) : () -> ()
    return
  }
}

#map = affine_map<(d0, d1) -> (0, 0)>
#map1 = affine_map<(d0, d1) -> (0, 0, 0)>
module attributes {stable_mosaic.version = 14 : i64} {
  func.func @agg_kernel(%arg0: i32, %arg1: i32, %arg2: memref<10000x128xf32, #tpu.memory_space<hbm>>, %arg3: memref<2x320000xi32, #tpu.memory_space<hbm>>, %arg4: memref<10112x128xf32, #tpu.memory_space<hbm>>, %arg5: memref<2x10112x128xf32, #tpu.memory_space<hbm>>, %arg6: memref<2x2x128xi32, #tpu.memory_space<vmem>>, %arg7: memref<2x128x128xf32, #tpu.memory_space<vmem>>, %arg8: memref<10112x128xf32, #tpu.memory_space<vmem_shared>>, %arg9: memref<!tpu.dma_semaphore, #tpu.memory_space<semaphore_mem>>, %arg10: memref<!tpu.dma_semaphore, #tpu.memory_space<semaphore_mem>>) attributes {dimension_semantics = [#tpu.dimension_semantics<core_parallel>, #tpu.dimension_semantics<subcore_parallel>], iteration_bounds = array<i64: 2, 16>, scalar_prefetch = 0 : i64, scratch_operands = 5 : i64, tpu.core_type = #tpu.core_type<sc_vector_subcore>, window_params = [{transform_indices = #map}, {transform_indices = #map}, {transform_indices = #map}, {transform_indices = #map1}]} {
    %mul3A = arith.constant 632 : i32
    %mul3A_0 = arith.muli %arg1, %mul3A : i32
    "tpu.region"() ({
      %run_scoped3A_45 = tpu.sem_alloc : memref<!tpu.dma_semaphore, #tpu.memory_space<semaphore_mem>>
      %dma_start3A_46 = arith.constant 0 : i32
      %dma_start3A_47 = tpu.memref_slice %arg8[%mul3A_0, %dma_start3A_46] : memref<10112x128xf32, #tpu.memory_space<vmem_shared>> -> memref<632x128xf32, #tpu.memory_space<vmem_shared>>
      %dma_start3A_48 = arith.constant 0 : i32
      %dma_start3A_49 = tpu.memref_slice %arg4[%mul3A_0, %dma_start3A_48] : memref<10112x128xf32, #tpu.memory_space<hbm>> -> memref<632x128xf32, #tpu.memory_space<hbm>>
      tpu.enqueue_dma source(%dma_start3A_49 : memref<632x128xf32, #tpu.memory_space<hbm>>) target(%dma_start3A_47 : memref<632x128xf32, #tpu.memory_space<vmem_shared>>) target_semaphore(%run_scoped3A_45 : memref<!tpu.dma_semaphore, #tpu.memory_space<semaphore_mem>>)
      %dma_wait3A = arith.constant 0 : i32
      %dma_wait3A_50 = tpu.memref_slice %arg8[%mul3A_0, %dma_wait3A] : memref<10112x128xf32, #tpu.memory_space<vmem_shared>> -> memref<632x128xf32, #tpu.memory_space<vmem_shared>>
      %dma_wait3A_51 = arith.constant 0 : i32
      %dma_wait3A_52 = tpu.memref_slice %arg4[%mul3A_0, %dma_wait3A_51] : memref<10112x128xf32, #tpu.memory_space<hbm>> -> memref<632x128xf32, #tpu.memory_space<hbm>>
      tpu.wait_dma2 semaphore(%run_scoped3A_45 : memref<!tpu.dma_semaphore, #tpu.memory_space<semaphore_mem>>) src(%dma_wait3A_52 : memref<632x128xf32, #tpu.memory_space<hbm>>) dst(%dma_wait3A_50 : memref<632x128xf32, #tpu.memory_space<vmem_shared>>)
      tpu.yield
    }) : () -> ()
    %barrier3A = arith.constant 0 : index
    tpu.barrier barrier_id(%barrier3A)
    %mul3A_1 = arith.constant 16 : i32
    %mul3A_2 = arith.muli %arg0, %mul3A_1 : i32
    %add3A = arith.addi %mul3A_2, %arg1 : i32
    %add3A_3 = arith.constant 0 : i32
    %add3A_4 = arith.addi %add3A_3, %add3A : i32
    %mul3A_5 = arith.constant 128 : i32
    %mul3A_6 = arith.muli %add3A_4, %mul3A_5 : i32
    %run_scoped3A = arith.constant 0 : i32
    "tpu.region"() ({
      %run_scoped3A_45 = tpu.sem_alloc : memref<!tpu.dma_semaphore, #tpu.memory_space<semaphore_mem>>
      %dma_start3A_46 = arith.constant 0 : i32
      %dma_start3A_47 = arith.constant 0 : i32
      %dma_start3A_48 = tpu.memref_slice %arg6[%run_scoped3A, %dma_start3A_46, %dma_start3A_47] : memref<2x2x128xi32, #tpu.memory_space<vmem>> -> memref<1x2x128xi32, #tpu.memory_space<vmem>>
      %dma_start3A_49 = tpu.memref_squeeze %dma_start3A_48 : memref<1x2x128xi32, #tpu.memory_space<vmem>> -> memref<2x128xi32, #tpu.memory_space<vmem>>
      %dma_start3A_50 = arith.constant 0 : i32
      %dma_start3A_51 = tpu.memref_slice %arg3[%dma_start3A_50, %mul3A_6] : memref<2x320000xi32, #tpu.memory_space<hbm>> -> memref<2x128xi32, #tpu.memory_space<hbm>>
      %dma_start3A_52 = arith.constant 0 : i32
      %dma_start3A_53 = arith.constant 0 : i32
      %dma_start3A_54 = tpu.memref_slice %arg6[%run_scoped3A, %dma_start3A_52, %dma_start3A_53] : memref<2x2x128xi32, #tpu.memory_space<vmem>> -> memref<1x2x128xi32, #tpu.memory_space<vmem>>
      %dma_start3A_55 = tpu.memref_squeeze %dma_start3A_54 : memref<1x2x128xi32, #tpu.memory_space<vmem>> -> memref<2x128xi32, #tpu.memory_space<vmem>>
      %dma_start3A_56 = arith.constant 0 : i32
      %dma_start3A_57 = tpu.memref_slice %arg3[%dma_start3A_56, %mul3A_6] : memref<2x320000xi32, #tpu.memory_space<hbm>> -> memref<2x128xi32, #tpu.memory_space<hbm>>
      tpu.enqueue_dma source(%dma_start3A_57 : memref<2x128xi32, #tpu.memory_space<hbm>>) target(%dma_start3A_55 : memref<2x128xi32, #tpu.memory_space<vmem>>) target_semaphore(%run_scoped3A_45 : memref<!tpu.dma_semaphore, #tpu.memory_space<semaphore_mem>>)
      %dma_wait3A = arith.constant 0 : i32
      %dma_wait3A_58 = arith.constant 0 : i32
      %dma_wait3A_59 = tpu.memref_slice %arg6[%run_scoped3A, %dma_wait3A, %dma_wait3A_58] : memref<2x2x128xi32, #tpu.memory_space<vmem>> -> memref<1x2x128xi32, #tpu.memory_space<vmem>>
      %dma_wait3A_60 = tpu.memref_squeeze %dma_wait3A_59 : memref<1x2x128xi32, #tpu.memory_space<vmem>> -> memref<2x128xi32, #tpu.memory_space<vmem>>
      %dma_wait3A_61 = arith.constant 0 : i32
      %dma_wait3A_62 = tpu.memref_slice %arg3[%dma_wait3A_61, %mul3A_6] : memref<2x320000xi32, #tpu.memory_space<hbm>> -> memref<2x128xi32, #tpu.memory_space<hbm>>
      %dma_wait3A_63 = arith.constant 0 : i32
      %dma_wait3A_64 = arith.constant 0 : i32
      %dma_wait3A_65 = tpu.memref_slice %arg6[%run_scoped3A, %dma_wait3A_63, %dma_wait3A_64] : memref<2x2x128xi32, #tpu.memory_space<vmem>> -> memref<1x2x128xi32, #tpu.memory_space<vmem>>
      %dma_wait3A_66 = tpu.memref_squeeze %dma_wait3A_65 : memref<1x2x128xi32, #tpu.memory_space<vmem>> -> memref<2x128xi32, #tpu.memory_space<vmem>>
      %dma_wait3A_67 = arith.constant 0 : i32
      %dma_wait3A_68 = tpu.memref_slice %arg3[%dma_wait3A_67, %mul3A_6] : memref<2x320000xi32, #tpu.memory_space<hbm>> -> memref<2x128xi32, #tpu.memory_space<hbm>>
      tpu.wait_dma2 semaphore(%run_scoped3A_45 : memref<!tpu.dma_semaphore, #tpu.memory_space<semaphore_mem>>) src(%dma_wait3A_68 : memref<2x128xi32, #tpu.memory_space<hbm>>) dst(%dma_wait3A_66 : memref<2x128xi32, #tpu.memory_space<vmem>>)
      tpu.yield
    }) : () -> ()
    %dma_start3A = arith.constant 0 : i32
    %dma_start3A_7 = arith.constant 0 : i32
    %dma_start3A_8 = arith.constant 0 : i32
    %dma_start3A_9 = arith.constant 0 : i32
    %dma_start3A_10 = arith.constant 0 : i32
    %dma_start3A_11 = tpu.memref_slice %arg7[%dma_start3A_8, %dma_start3A_9, %dma_start3A_10] : memref<2x128x128xf32, #tpu.memory_space<vmem>> -> memref<1x128x128xf32, #tpu.memory_space<vmem>>
    %dma_start3A_12 = tpu.memref_squeeze %dma_start3A_11 : memref<1x128x128xf32, #tpu.memory_space<vmem>> -> memref<128x128xf32, #tpu.memory_space<vmem>>
    %dma_start3A_13 = arith.constant 0 : i32
    %dma_start3A_14 = tpu.memref_slice %arg6[%dma_start3A, %dma_start3A_7, %dma_start3A_13] : memref<2x2x128xi32, #tpu.memory_space<vmem>> -> memref<1x1x128xi32, #tpu.memory_space<vmem>>
    %dma_start3A_15 = tpu.memref_squeeze %dma_start3A_14 : memref<1x1x128xi32, #tpu.memory_space<vmem>> -> memref<128xi32, #tpu.memory_space<vmem>>
    %dma_start3A_16 = arith.constant 0 : i32
    %dma_start3A_17 = arith.constant 0 : i32
    %dma_start3A_18 = tpu.memref_slice %arg2[%dma_start3A_16, %dma_start3A_17] : memref<10000x128xf32, #tpu.memory_space<hbm>> -> memref<10000x128xf32, #tpu.memory_space<hbm>>
    tpu.enqueue_indirect_dma source(%dma_start3A_18 : memref<10000x128xf32, #tpu.memory_space<hbm>>) target(%dma_start3A_12 : memref<128x128xf32, #tpu.memory_space<vmem>>) offsets(%dma_start3A_15 : memref<128xi32, #tpu.memory_space<vmem>>) semaphore(%arg9 : memref<!tpu.dma_semaphore, #tpu.memory_space<semaphore_mem>>)
    %add3A_19 = arith.constant 32 : i32
    %add3A_20 = arith.addi %add3A_19, %add3A : i32
    %mul3A_21 = arith.constant 128 : i32
    %mul3A_22 = arith.muli %add3A_20, %mul3A_21 : i32
    %run_scoped3A_23 = arith.constant 1 : i32
    "tpu.region"() ({
      %run_scoped3A_45 = tpu.sem_alloc : memref<!tpu.dma_semaphore, #tpu.memory_space<semaphore_mem>>
      %dma_start3A_46 = arith.constant 0 : i32
      %dma_start3A_47 = arith.constant 0 : i32
      %dma_start3A_48 = tpu.memref_slice %arg6[%run_scoped3A_23, %dma_start3A_46, %dma_start3A_47] : memref<2x2x128xi32, #tpu.memory_space<vmem>> -> memref<1x2x128xi32, #tpu.memory_space<vmem>>
      %dma_start3A_49 = tpu.memref_squeeze %dma_start3A_48 : memref<1x2x128xi32, #tpu.memory_space<vmem>> -> memref<2x128xi32, #tpu.memory_space<vmem>>
      %dma_start3A_50 = arith.constant 0 : i32
      %dma_start3A_51 = tpu.memref_slice %arg3[%dma_start3A_50, %mul3A_22] : memref<2x320000xi32, #tpu.memory_space<hbm>> -> memref<2x128xi32, #tpu.memory_space<hbm>>
      %dma_start3A_52 = arith.constant 0 : i32
      %dma_start3A_53 = arith.constant 0 : i32
      %dma_start3A_54 = tpu.memref_slice %arg6[%run_scoped3A_23, %dma_start3A_52, %dma_start3A_53] : memref<2x2x128xi32, #tpu.memory_space<vmem>> -> memref<1x2x128xi32, #tpu.memory_space<vmem>>
      %dma_start3A_55 = tpu.memref_squeeze %dma_start3A_54 : memref<1x2x128xi32, #tpu.memory_space<vmem>> -> memref<2x128xi32, #tpu.memory_space<vmem>>
      %dma_start3A_56 = arith.constant 0 : i32
      %dma_start3A_57 = tpu.memref_slice %arg3[%dma_start3A_56, %mul3A_22] : memref<2x320000xi32, #tpu.memory_space<hbm>> -> memref<2x128xi32, #tpu.memory_space<hbm>>
      tpu.enqueue_dma source(%dma_start3A_57 : memref<2x128xi32, #tpu.memory_space<hbm>>) target(%dma_start3A_55 : memref<2x128xi32, #tpu.memory_space<vmem>>) target_semaphore(%run_scoped3A_45 : memref<!tpu.dma_semaphore, #tpu.memory_space<semaphore_mem>>)
      %dma_wait3A = arith.constant 0 : i32
      %dma_wait3A_58 = arith.constant 0 : i32
      %dma_wait3A_59 = tpu.memref_slice %arg6[%run_scoped3A_23, %dma_wait3A, %dma_wait3A_58] : memref<2x2x128xi32, #tpu.memory_space<vmem>> -> memref<1x2x128xi32, #tpu.memory_space<vmem>>
      %dma_wait3A_60 = tpu.memref_squeeze %dma_wait3A_59 : memref<1x2x128xi32, #tpu.memory_space<vmem>> -> memref<2x128xi32, #tpu.memory_space<vmem>>
      %dma_wait3A_61 = arith.constant 0 : i32
      %dma_wait3A_62 = tpu.memref_slice %arg3[%dma_wait3A_61, %mul3A_22] : memref<2x320000xi32, #tpu.memory_space<hbm>> -> memref<2x128xi32, #tpu.memory_space<hbm>>
      %dma_wait3A_63 = arith.constant 0 : i32
      %dma_wait3A_64 = arith.constant 0 : i32
      %dma_wait3A_65 = tpu.memref_slice %arg6[%run_scoped3A_23, %dma_wait3A_63, %dma_wait3A_64] : memref<2x2x128xi32, #tpu.memory_space<vmem>> -> memref<1x2x128xi32, #tpu.memory_space<vmem>>
      %dma_wait3A_66 = tpu.memref_squeeze %dma_wait3A_65 : memref<1x2x128xi32, #tpu.memory_space<vmem>> -> memref<2x128xi32, #tpu.memory_space<vmem>>
      %dma_wait3A_67 = arith.constant 0 : i32
      %dma_wait3A_68 = tpu.memref_slice %arg3[%dma_wait3A_67, %mul3A_22] : memref<2x320000xi32, #tpu.memory_space<hbm>> -> memref<2x128xi32, #tpu.memory_space<hbm>>
      tpu.wait_dma2 semaphore(%run_scoped3A_45 : memref<!tpu.dma_semaphore, #tpu.memory_space<semaphore_mem>>) src(%dma_wait3A_68 : memref<2x128xi32, #tpu.memory_space<hbm>>) dst(%dma_wait3A_66 : memref<2x128xi32, #tpu.memory_space<vmem>>)
      tpu.yield
    }) : () -> ()
    %dma_start3A_24 = arith.constant 1 : i32
    %dma_start3A_25 = arith.constant 0 : i32
    %dma_start3A_26 = arith.constant 1 : i32
    %dma_start3A_27 = arith.constant 0 : i32
    %dma_start3A_28 = arith.constant 0 : i32
    %dma_start3A_29 = tpu.memref_slice %arg7[%dma_start3A_26, %dma_start3A_27, %dma_start3A_28] : memref<2x128x128xf32, #tpu.memory_space<vmem>> -> memref<1x128x128xf32, #tpu.memory_space<vmem>>
    %dma_start3A_30 = tpu.memref_squeeze %dma_start3A_29 : memref<1x128x128xf32, #tpu.memory_space<vmem>> -> memref<128x128xf32, #tpu.memory_space<vmem>>
    %dma_start3A_31 = arith.constant 0 : i32
    %dma_start3A_32 = tpu.memref_slice %arg6[%dma_start3A_24, %dma_start3A_25, %dma_start3A_31] : memref<2x2x128xi32, #tpu.memory_space<vmem>> -> memref<1x1x128xi32, #tpu.memory_space<vmem>>
    %dma_start3A_33 = tpu.memref_squeeze %dma_start3A_32 : memref<1x1x128xi32, #tpu.memory_space<vmem>> -> memref<128xi32, #tpu.memory_space<vmem>>
    %dma_start3A_34 = arith.constant 0 : i32
    %dma_start3A_35 = arith.constant 0 : i32
    %dma_start3A_36 = tpu.memref_slice %arg2[%dma_start3A_34, %dma_start3A_35] : memref<10000x128xf32, #tpu.memory_space<hbm>> -> memref<10000x128xf32, #tpu.memory_space<hbm>>
    tpu.enqueue_indirect_dma source(%dma_start3A_36 : memref<10000x128xf32, #tpu.memory_space<hbm>>) target(%dma_start3A_30 : memref<128x128xf32, #tpu.memory_space<vmem>>) offsets(%dma_start3A_33 : memref<128xi32, #tpu.memory_space<vmem>>) semaphore(%arg10 : memref<!tpu.dma_semaphore, #tpu.memory_space<semaphore_mem>>)
    %scan3A = arith.constant 0 : i32
    %scan3A_37 = arith.constant 0 : i32
    %scan3A_38 = arith.constant 39 : i32
    %scan3A_39 = arith.addi %scan3A_37, %scan3A_38 : i32
    %scan3A_40 = arith.constant 1 : i32
    scf.for %scan3A_45 = %scan3A_37 to %scan3A_39 step %scan3A_40  : i32 {
      %mul3A_46 = arith.constant 2 : i32
      %mul3A_47 = arith.muli %mul3A_46, %scan3A_45 : i32
      %add3A_48 = arith.constant 0 : i32
      %add3A_49 = arith.addi %mul3A_47, %add3A_48 : i32
      %dma_wait3A = arith.constant 0 : i32
      %dma_wait3A_50 = arith.constant 0 : i32
      %dma_wait3A_51 = arith.constant 0 : i32
      %dma_wait3A_52 = arith.constant 0 : i32
      %dma_wait3A_53 = arith.constant 0 : i32
      %dma_wait3A_54 = tpu.memref_slice %arg7[%dma_wait3A_51, %dma_wait3A_52, %dma_wait3A_53] : memref<2x128x128xf32, #tpu.memory_space<vmem>> -> memref<1x128x128xf32, #tpu.memory_space<vmem>>
      %dma_wait3A_55 = tpu.memref_squeeze %dma_wait3A_54 : memref<1x128x128xf32, #tpu.memory_space<vmem>> -> memref<128x128xf32, #tpu.memory_space<vmem>>
      %dma_wait3A_56 = arith.constant 0 : i32
      %dma_wait3A_57 = tpu.memref_slice %arg6[%dma_wait3A, %dma_wait3A_50, %dma_wait3A_56] : memref<2x2x128xi32, #tpu.memory_space<vmem>> -> memref<1x1x128xi32, #tpu.memory_space<vmem>>
      %dma_wait3A_58 = tpu.memref_squeeze %dma_wait3A_57 : memref<1x1x128xi32, #tpu.memory_space<vmem>> -> memref<128xi32, #tpu.memory_space<vmem>>
      %dma_wait3A_59 = arith.constant 0 : i32
      %dma_wait3A_60 = arith.constant 0 : i32
      %dma_wait3A_61 = tpu.memref_slice %arg2[%dma_wait3A_59, %dma_wait3A_60] : memref<10000x128xf32, #tpu.memory_space<hbm>> -> memref<10000x128xf32, #tpu.memory_space<hbm>>
      tpu.wait_indirect_dma semaphore(%arg9 : memref<!tpu.dma_semaphore, #tpu.memory_space<semaphore_mem>>) src(%dma_wait3A_61 : memref<10000x128xf32, #tpu.memory_space<hbm>>) dst(%dma_wait3A_55 : memref<128x128xf32, #tpu.memory_space<vmem>>)
      %run_scoped3A_62 = arith.constant 0 : i32
      %run_scoped3A_63 = arith.constant 0 : i32
      %run_scoped3A_64 = arith.constant 1 : i32
      "tpu.region"() ({
        %run_scoped3A_99 = tpu.sem_alloc : memref<!tpu.dma_semaphore, #tpu.memory_space<semaphore_mem>>
        %dma_start3A_100 = arith.constant 0 : i32
        %dma_start3A_101 = arith.constant 0 : i32
        %dma_start3A_102 = tpu.memref_slice %arg7[%run_scoped3A_62, %dma_start3A_100, %dma_start3A_101] : memref<2x128x128xf32, #tpu.memory_space<vmem>> -> memref<1x128x128xf32, #tpu.memory_space<vmem>>
        %dma_start3A_103 = tpu.memref_squeeze %dma_start3A_102 : memref<1x128x128xf32, #tpu.memory_space<vmem>> -> memref<128x128xf32, #tpu.memory_space<vmem>>
        %dma_start3A_104 = arith.constant 0 : i32
        %dma_start3A_105 = tpu.memref_slice %arg6[%run_scoped3A_63, %run_scoped3A_64, %dma_start3A_104] : memref<2x2x128xi32, #tpu.memory_space<vmem>> -> memref<1x1x128xi32, #tpu.memory_space<vmem>>
        %dma_start3A_106 = tpu.memref_squeeze %dma_start3A_105 : memref<1x1x128xi32, #tpu.memory_space<vmem>> -> memref<128xi32, #tpu.memory_space<vmem>>
        %dma_start3A_107 = arith.constant 0 : i32
        %dma_start3A_108 = arith.constant 0 : i32
        %dma_start3A_109 = tpu.memref_slice %arg8[%dma_start3A_107, %dma_start3A_108] : memref<10112x128xf32, #tpu.memory_space<vmem_shared>> -> memref<10112x128xf32, #tpu.memory_space<vmem_shared>>
        tpu.enqueue_indirect_dma source(%dma_start3A_103 : memref<128x128xf32, #tpu.memory_space<vmem>>) target(%dma_start3A_109 : memref<10112x128xf32, #tpu.memory_space<vmem_shared>>) offsets(%dma_start3A_106 : memref<128xi32, #tpu.memory_space<vmem>>) semaphore(%run_scoped3A_99 : memref<!tpu.dma_semaphore, #tpu.memory_space<semaphore_mem>>) {add = true}
        %dma_wait3A_110 = arith.constant 0 : i32
        %dma_wait3A_111 = arith.constant 0 : i32
        %dma_wait3A_112 = tpu.memref_slice %arg7[%run_scoped3A_62, %dma_wait3A_110, %dma_wait3A_111] : memref<2x128x128xf32, #tpu.memory_space<vmem>> -> memref<1x128x128xf32, #tpu.memory_space<vmem>>
        %dma_wait3A_113 = tpu.memref_squeeze %dma_wait3A_112 : memref<1x128x128xf32, #tpu.memory_space<vmem>> -> memref<128x128xf32, #tpu.memory_space<vmem>>
        %dma_wait3A_114 = arith.constant 0 : i32
        %dma_wait3A_115 = tpu.memref_slice %arg6[%run_scoped3A_63, %run_scoped3A_64, %dma_wait3A_114] : memref<2x2x128xi32, #tpu.memory_space<vmem>> -> memref<1x1x128xi32, #tpu.memory_space<vmem>>
        %dma_wait3A_116 = tpu.memref_squeeze %dma_wait3A_115 : memref<1x1x128xi32, #tpu.memory_space<vmem>> -> memref<128xi32, #tpu.memory_space<vmem>>
        %dma_wait3A_117 = arith.constant 0 : i32
        %dma_wait3A_118 = arith.constant 0 : i32
        %dma_wait3A_119 = tpu.memref_slice %arg8[%dma_wait3A_117, %dma_wait3A_118] : memref<10112x128xf32, #tpu.memory_space<vmem_shared>> -> memref<10112x128xf32, #tpu.memory_space<vmem_shared>>
        tpu.wait_indirect_dma semaphore(%run_scoped3A_99 : memref<!tpu.dma_semaphore, #tpu.memory_space<semaphore_mem>>) src(%dma_wait3A_113 : memref<128x128xf32, #tpu.memory_space<vmem>>) dst(%dma_wait3A_119 : memref<10112x128xf32, #tpu.memory_space<vmem_shared>>)
        tpu.yield
      }) : () -> ()
      %add3A_65 = arith.constant 2 : i32
      %add3A_66 = arith.addi %add3A_49, %add3A_65 : i32
      %lt3A_67 = arith.constant 78 : i32
      %lt3A_68 = arith.cmpi slt, %add3A_66, %lt3A_67 : i32
      %convert_element_type3A_69 = arith.extui %lt3A_68 : i1 to i32
      %cond3A_70 = arith.constant 0 : i32
      %cond3A_71 = arith.cmpi ne, %convert_element_type3A_69, %cond3A_70 : i32
      scf.if %cond3A_71 {
        %add3A_99 = arith.constant 2 : i32
        %add3A_100 = arith.addi %add3A_49, %add3A_99 : i32
        %mul3A_101 = arith.constant 32 : i32
        %mul3A_102 = arith.muli %add3A_100, %mul3A_101 : i32
        %add3A_103 = arith.addi %mul3A_102, %add3A : i32
        %mul3A_104 = arith.constant 128 : i32
        %mul3A_105 = arith.muli %add3A_103, %mul3A_104 : i32
        %run_scoped3A_106 = arith.constant 0 : i32
        "tpu.region"() ({
          %run_scoped3A_120 = tpu.sem_alloc : memref<!tpu.dma_semaphore, #tpu.memory_space<semaphore_mem>>
          %dma_start3A_121 = arith.constant 0 : i32
          %dma_start3A_122 = arith.constant 0 : i32
          %dma_start3A_123 = tpu.memref_slice %arg6[%run_scoped3A_106, %dma_start3A_121, %dma_start3A_122] : memref<2x2x128xi32, #tpu.memory_space<vmem>> -> memref<1x2x128xi32, #tpu.memory_space<vmem>>
          %dma_start3A_124 = tpu.memref_squeeze %dma_start3A_123 : memref<1x2x128xi32, #tpu.memory_space<vmem>> -> memref<2x128xi32, #tpu.memory_space<vmem>>
          %dma_start3A_125 = arith.constant 0 : i32
          %dma_start3A_126 = tpu.memref_slice %arg3[%dma_start3A_125, %mul3A_105] : memref<2x320000xi32, #tpu.memory_space<hbm>> -> memref<2x128xi32, #tpu.memory_space<hbm>>
          %dma_start3A_127 = arith.constant 0 : i32
          %dma_start3A_128 = arith.constant 0 : i32
          %dma_start3A_129 = tpu.memref_slice %arg6[%run_scoped3A_106, %dma_start3A_127, %dma_start3A_128] : memref<2x2x128xi32, #tpu.memory_space<vmem>> -> memref<1x2x128xi32, #tpu.memory_space<vmem>>
          %dma_start3A_130 = tpu.memref_squeeze %dma_start3A_129 : memref<1x2x128xi32, #tpu.memory_space<vmem>> -> memref<2x128xi32, #tpu.memory_space<vmem>>
          %dma_start3A_131 = arith.constant 0 : i32
          %dma_start3A_132 = tpu.memref_slice %arg3[%dma_start3A_131, %mul3A_105] : memref<2x320000xi32, #tpu.memory_space<hbm>> -> memref<2x128xi32, #tpu.memory_space<hbm>>
          tpu.enqueue_dma source(%dma_start3A_132 : memref<2x128xi32, #tpu.memory_space<hbm>>) target(%dma_start3A_130 : memref<2x128xi32, #tpu.memory_space<vmem>>) target_semaphore(%run_scoped3A_120 : memref<!tpu.dma_semaphore, #tpu.memory_space<semaphore_mem>>)
          %dma_wait3A_133 = arith.constant 0 : i32
          %dma_wait3A_134 = arith.constant 0 : i32
          %dma_wait3A_135 = tpu.memref_slice %arg6[%run_scoped3A_106, %dma_wait3A_133, %dma_wait3A_134] : memref<2x2x128xi32, #tpu.memory_space<vmem>> -> memref<1x2x128xi32, #tpu.memory_space<vmem>>
          %dma_wait3A_136 = tpu.memref_squeeze %dma_wait3A_135 : memref<1x2x128xi32, #tpu.memory_space<vmem>> -> memref<2x128xi32, #tpu.memory_space<vmem>>
          %dma_wait3A_137 = arith.constant 0 : i32
          %dma_wait3A_138 = tpu.memref_slice %arg3[%dma_wait3A_137, %mul3A_105] : memref<2x320000xi32, #tpu.memory_space<hbm>> -> memref<2x128xi32, #tpu.memory_space<hbm>>
          %dma_wait3A_139 = arith.constant 0 : i32
          %dma_wait3A_140 = arith.constant 0 : i32
          %dma_wait3A_141 = tpu.memref_slice %arg6[%run_scoped3A_106, %dma_wait3A_139, %dma_wait3A_140] : memref<2x2x128xi32, #tpu.memory_space<vmem>> -> memref<1x2x128xi32, #tpu.memory_space<vmem>>
          %dma_wait3A_142 = tpu.memref_squeeze %dma_wait3A_141 : memref<1x2x128xi32, #tpu.memory_space<vmem>> -> memref<2x128xi32, #tpu.memory_space<vmem>>
          %dma_wait3A_143 = arith.constant 0 : i32
          %dma_wait3A_144 = tpu.memref_slice %arg3[%dma_wait3A_143, %mul3A_105] : memref<2x320000xi32, #tpu.memory_space<hbm>> -> memref<2x128xi32, #tpu.memory_space<hbm>>
          tpu.wait_dma2 semaphore(%run_scoped3A_120 : memref<!tpu.dma_semaphore, #tpu.memory_space<semaphore_mem>>) src(%dma_wait3A_144 : memref<2x128xi32, #tpu.memory_space<hbm>>) dst(%dma_wait3A_142 : memref<2x128xi32, #tpu.memory_space<vmem>>)
          tpu.yield
        }) : () -> ()
        %dma_start3A_107 = arith.constant 0 : i32
        %dma_start3A_108 = arith.constant 0 : i32
        %dma_start3A_109 = arith.constant 0 : i32
        %dma_start3A_110 = arith.constant 0 : i32
        %dma_start3A_111 = arith.constant 0 : i32
        %dma_start3A_112 = tpu.memref_slice %arg7[%dma_start3A_109, %dma_start3A_110, %dma_start3A_111] : memref<2x128x128xf32, #tpu.memory_space<vmem>> -> memref<1x128x128xf32, #tpu.memory_space<vmem>>
        %dma_start3A_113 = tpu.memref_squeeze %dma_start3A_112 : memref<1x128x128xf32, #tpu.memory_space<vmem>> -> memref<128x128xf32, #tpu.memory_space<vmem>>
        %dma_start3A_114 = arith.constant 0 : i32
        %dma_start3A_115 = tpu.memref_slice %arg6[%dma_start3A_107, %dma_start3A_108, %dma_start3A_114] : memref<2x2x128xi32, #tpu.memory_space<vmem>> -> memref<1x1x128xi32, #tpu.memory_space<vmem>>
        %dma_start3A_116 = tpu.memref_squeeze %dma_start3A_115 : memref<1x1x128xi32, #tpu.memory_space<vmem>> -> memref<128xi32, #tpu.memory_space<vmem>>
        %dma_start3A_117 = arith.constant 0 : i32
        %dma_start3A_118 = arith.constant 0 : i32
        %dma_start3A_119 = tpu.memref_slice %arg2[%dma_start3A_117, %dma_start3A_118] : memref<10000x128xf32, #tpu.memory_space<hbm>> -> memref<10000x128xf32, #tpu.memory_space<hbm>>
        tpu.enqueue_indirect_dma source(%dma_start3A_119 : memref<10000x128xf32, #tpu.memory_space<hbm>>) target(%dma_start3A_113 : memref<128x128xf32, #tpu.memory_space<vmem>>) offsets(%dma_start3A_116 : memref<128xi32, #tpu.memory_space<vmem>>) semaphore(%arg9 : memref<!tpu.dma_semaphore, #tpu.memory_space<semaphore_mem>>)
      } else {
      }
      %mul3A_72 = arith.constant 2 : i32
      %mul3A_73 = arith.muli %mul3A_72, %scan3A_45 : i32
      %add3A_74 = arith.constant 1 : i32
      %add3A_75 = arith.addi %mul3A_73, %add3A_74 : i32
      %dma_wait3A_76 = arith.constant 1 : i32
      %dma_wait3A_77 = arith.constant 0 : i32
      %dma_wait3A_78 = arith.constant 1 : i32
      %dma_wait3A_79 = arith.constant 0 : i32
      %dma_wait3A_80 = arith.constant 0 : i32
      %dma_wait3A_81 = tpu.memref_slice %arg7[%dma_wait3A_78, %dma_wait3A_79, %dma_wait3A_80] : memref<2x128x128xf32, #tpu.memory_space<vmem>> -> memref<1x128x128xf32, #tpu.memory_space<vmem>>
      %dma_wait3A_82 = tpu.memref_squeeze %dma_wait3A_81 : memref<1x128x128xf32, #tpu.memory_space<vmem>> -> memref<128x128xf32, #tpu.memory_space<vmem>>
      %dma_wait3A_83 = arith.constant 0 : i32
      %dma_wait3A_84 = tpu.memref_slice %arg6[%dma_wait3A_76, %dma_wait3A_77, %dma_wait3A_83] : memref<2x2x128xi32, #tpu.memory_space<vmem>> -> memref<1x1x128xi32, #tpu.memory_space<vmem>>
      %dma_wait3A_85 = tpu.memref_squeeze %dma_wait3A_84 : memref<1x1x128xi32, #tpu.memory_space<vmem>> -> memref<128xi32, #tpu.memory_space<vmem>>
      %dma_wait3A_86 = arith.constant 0 : i32
      %dma_wait3A_87 = arith.constant 0 : i32
      %dma_wait3A_88 = tpu.memref_slice %arg2[%dma_wait3A_86, %dma_wait3A_87] : memref<10000x128xf32, #tpu.memory_space<hbm>> -> memref<10000x128xf32, #tpu.memory_space<hbm>>
      tpu.wait_indirect_dma semaphore(%arg10 : memref<!tpu.dma_semaphore, #tpu.memory_space<semaphore_mem>>) src(%dma_wait3A_88 : memref<10000x128xf32, #tpu.memory_space<hbm>>) dst(%dma_wait3A_82 : memref<128x128xf32, #tpu.memory_space<vmem>>)
      %run_scoped3A_89 = arith.constant 1 : i32
      %run_scoped3A_90 = arith.constant 1 : i32
      %run_scoped3A_91 = arith.constant 1 : i32
      "tpu.region"() ({
        %run_scoped3A_99 = tpu.sem_alloc : memref<!tpu.dma_semaphore, #tpu.memory_space<semaphore_mem>>
        %dma_start3A_100 = arith.constant 0 : i32
        %dma_start3A_101 = arith.constant 0 : i32
        %dma_start3A_102 = tpu.memref_slice %arg7[%run_scoped3A_89, %dma_start3A_100, %dma_start3A_101] : memref<2x128x128xf32, #tpu.memory_space<vmem>> -> memref<1x128x128xf32, #tpu.memory_space<vmem>>
        %dma_start3A_103 = tpu.memref_squeeze %dma_start3A_102 : memref<1x128x128xf32, #tpu.memory_space<vmem>> -> memref<128x128xf32, #tpu.memory_space<vmem>>
        %dma_start3A_104 = arith.constant 0 : i32
        %dma_start3A_105 = tpu.memref_slice %arg6[%run_scoped3A_90, %run_scoped3A_91, %dma_start3A_104] : memref<2x2x128xi32, #tpu.memory_space<vmem>> -> memref<1x1x128xi32, #tpu.memory_space<vmem>>
        %dma_start3A_106 = tpu.memref_squeeze %dma_start3A_105 : memref<1x1x128xi32, #tpu.memory_space<vmem>> -> memref<128xi32, #tpu.memory_space<vmem>>
        %dma_start3A_107 = arith.constant 0 : i32
        %dma_start3A_108 = arith.constant 0 : i32
        %dma_start3A_109 = tpu.memref_slice %arg8[%dma_start3A_107, %dma_start3A_108] : memref<10112x128xf32, #tpu.memory_space<vmem_shared>> -> memref<10112x128xf32, #tpu.memory_space<vmem_shared>>
        tpu.enqueue_indirect_dma source(%dma_start3A_103 : memref<128x128xf32, #tpu.memory_space<vmem>>) target(%dma_start3A_109 : memref<10112x128xf32, #tpu.memory_space<vmem_shared>>) offsets(%dma_start3A_106 : memref<128xi32, #tpu.memory_space<vmem>>) semaphore(%run_scoped3A_99 : memref<!tpu.dma_semaphore, #tpu.memory_space<semaphore_mem>>) {add = true}
        %dma_wait3A_110 = arith.constant 0 : i32
        %dma_wait3A_111 = arith.constant 0 : i32
        %dma_wait3A_112 = tpu.memref_slice %arg7[%run_scoped3A_89, %dma_wait3A_110, %dma_wait3A_111] : memref<2x128x128xf32, #tpu.memory_space<vmem>> -> memref<1x128x128xf32, #tpu.memory_space<vmem>>
        %dma_wait3A_113 = tpu.memref_squeeze %dma_wait3A_112 : memref<1x128x128xf32, #tpu.memory_space<vmem>> -> memref<128x128xf32, #tpu.memory_space<vmem>>
        %dma_wait3A_114 = arith.constant 0 : i32
        %dma_wait3A_115 = tpu.memref_slice %arg6[%run_scoped3A_90, %run_scoped3A_91, %dma_wait3A_114] : memref<2x2x128xi32, #tpu.memory_space<vmem>> -> memref<1x1x128xi32, #tpu.memory_space<vmem>>
        %dma_wait3A_116 = tpu.memref_squeeze %dma_wait3A_115 : memref<1x1x128xi32, #tpu.memory_space<vmem>> -> memref<128xi32, #tpu.memory_space<vmem>>
        %dma_wait3A_117 = arith.constant 0 : i32
        %dma_wait3A_118 = arith.constant 0 : i32
        %dma_wait3A_119 = tpu.memref_slice %arg8[%dma_wait3A_117, %dma_wait3A_118] : memref<10112x128xf32, #tpu.memory_space<vmem_shared>> -> memref<10112x128xf32, #tpu.memory_space<vmem_shared>>
        tpu.wait_indirect_dma semaphore(%run_scoped3A_99 : memref<!tpu.dma_semaphore, #tpu.memory_space<semaphore_mem>>) src(%dma_wait3A_113 : memref<128x128xf32, #tpu.memory_space<vmem>>) dst(%dma_wait3A_119 : memref<10112x128xf32, #tpu.memory_space<vmem_shared>>)
        tpu.yield
      }) : () -> ()
      %add3A_92 = arith.constant 2 : i32
      %add3A_93 = arith.addi %add3A_75, %add3A_92 : i32
      %lt3A_94 = arith.constant 78 : i32
      %lt3A_95 = arith.cmpi slt, %add3A_93, %lt3A_94 : i32
      %convert_element_type3A_96 = arith.extui %lt3A_95 : i1 to i32
      %cond3A_97 = arith.constant 0 : i32
      %cond3A_98 = arith.cmpi ne, %convert_element_type3A_96, %cond3A_97 : i32
      scf.if %cond3A_98 {
        %add3A_99 = arith.constant 2 : i32
        %add3A_100 = arith.addi %add3A_75, %add3A_99 : i32
        %mul3A_101 = arith.constant 32 : i32
        %mul3A_102 = arith.muli %add3A_100, %mul3A_101 : i32
        %add3A_103 = arith.addi %mul3A_102, %add3A : i32
        %mul3A_104 = arith.constant 128 : i32
        %mul3A_105 = arith.muli %add3A_103, %mul3A_104 : i32
        %run_scoped3A_106 = arith.constant 1 : i32
        "tpu.region"() ({
          %run_scoped3A_120 = tpu.sem_alloc : memref<!tpu.dma_semaphore, #tpu.memory_space<semaphore_mem>>
          %dma_start3A_121 = arith.constant 0 : i32
          %dma_start3A_122 = arith.constant 0 : i32
          %dma_start3A_123 = tpu.memref_slice %arg6[%run_scoped3A_106, %dma_start3A_121, %dma_start3A_122] : memref<2x2x128xi32, #tpu.memory_space<vmem>> -> memref<1x2x128xi32, #tpu.memory_space<vmem>>
          %dma_start3A_124 = tpu.memref_squeeze %dma_start3A_123 : memref<1x2x128xi32, #tpu.memory_space<vmem>> -> memref<2x128xi32, #tpu.memory_space<vmem>>
          %dma_start3A_125 = arith.constant 0 : i32
          %dma_start3A_126 = tpu.memref_slice %arg3[%dma_start3A_125, %mul3A_105] : memref<2x320000xi32, #tpu.memory_space<hbm>> -> memref<2x128xi32, #tpu.memory_space<hbm>>
          %dma_start3A_127 = arith.constant 0 : i32
          %dma_start3A_128 = arith.constant 0 : i32
          %dma_start3A_129 = tpu.memref_slice %arg6[%run_scoped3A_106, %dma_start3A_127, %dma_start3A_128] : memref<2x2x128xi32, #tpu.memory_space<vmem>> -> memref<1x2x128xi32, #tpu.memory_space<vmem>>
          %dma_start3A_130 = tpu.memref_squeeze %dma_start3A_129 : memref<1x2x128xi32, #tpu.memory_space<vmem>> -> memref<2x128xi32, #tpu.memory_space<vmem>>
          %dma_start3A_131 = arith.constant 0 : i32
          %dma_start3A_132 = tpu.memref_slice %arg3[%dma_start3A_131, %mul3A_105] : memref<2x320000xi32, #tpu.memory_space<hbm>> -> memref<2x128xi32, #tpu.memory_space<hbm>>
          tpu.enqueue_dma source(%dma_start3A_132 : memref<2x128xi32, #tpu.memory_space<hbm>>) target(%dma_start3A_130 : memref<2x128xi32, #tpu.memory_space<vmem>>) target_semaphore(%run_scoped3A_120 : memref<!tpu.dma_semaphore, #tpu.memory_space<semaphore_mem>>)
          %dma_wait3A_133 = arith.constant 0 : i32
          %dma_wait3A_134 = arith.constant 0 : i32
          %dma_wait3A_135 = tpu.memref_slice %arg6[%run_scoped3A_106, %dma_wait3A_133, %dma_wait3A_134] : memref<2x2x128xi32, #tpu.memory_space<vmem>> -> memref<1x2x128xi32, #tpu.memory_space<vmem>>
          %dma_wait3A_136 = tpu.memref_squeeze %dma_wait3A_135 : memref<1x2x128xi32, #tpu.memory_space<vmem>> -> memref<2x128xi32, #tpu.memory_space<vmem>>
          %dma_wait3A_137 = arith.constant 0 : i32
          %dma_wait3A_138 = tpu.memref_slice %arg3[%dma_wait3A_137, %mul3A_105] : memref<2x320000xi32, #tpu.memory_space<hbm>> -> memref<2x128xi32, #tpu.memory_space<hbm>>
          %dma_wait3A_139 = arith.constant 0 : i32
          %dma_wait3A_140 = arith.constant 0 : i32
          %dma_wait3A_141 = tpu.memref_slice %arg6[%run_scoped3A_106, %dma_wait3A_139, %dma_wait3A_140] : memref<2x2x128xi32, #tpu.memory_space<vmem>> -> memref<1x2x128xi32, #tpu.memory_space<vmem>>
          %dma_wait3A_142 = tpu.memref_squeeze %dma_wait3A_141 : memref<1x2x128xi32, #tpu.memory_space<vmem>> -> memref<2x128xi32, #tpu.memory_space<vmem>>
          %dma_wait3A_143 = arith.constant 0 : i32
          %dma_wait3A_144 = tpu.memref_slice %arg3[%dma_wait3A_143, %mul3A_105] : memref<2x320000xi32, #tpu.memory_space<hbm>> -> memref<2x128xi32, #tpu.memory_space<hbm>>
          tpu.wait_dma2 semaphore(%run_scoped3A_120 : memref<!tpu.dma_semaphore, #tpu.memory_space<semaphore_mem>>) src(%dma_wait3A_144 : memref<2x128xi32, #tpu.memory_space<hbm>>) dst(%dma_wait3A_142 : memref<2x128xi32, #tpu.memory_space<vmem>>)
          tpu.yield
        }) : () -> ()
        %dma_start3A_107 = arith.constant 1 : i32
        %dma_start3A_108 = arith.constant 0 : i32
        %dma_start3A_109 = arith.constant 1 : i32
        %dma_start3A_110 = arith.constant 0 : i32
        %dma_start3A_111 = arith.constant 0 : i32
        %dma_start3A_112 = tpu.memref_slice %arg7[%dma_start3A_109, %dma_start3A_110, %dma_start3A_111] : memref<2x128x128xf32, #tpu.memory_space<vmem>> -> memref<1x128x128xf32, #tpu.memory_space<vmem>>
        %dma_start3A_113 = tpu.memref_squeeze %dma_start3A_112 : memref<1x128x128xf32, #tpu.memory_space<vmem>> -> memref<128x128xf32, #tpu.memory_space<vmem>>
        %dma_start3A_114 = arith.constant 0 : i32
        %dma_start3A_115 = tpu.memref_slice %arg6[%dma_start3A_107, %dma_start3A_108, %dma_start3A_114] : memref<2x2x128xi32, #tpu.memory_space<vmem>> -> memref<1x1x128xi32, #tpu.memory_space<vmem>>
        %dma_start3A_116 = tpu.memref_squeeze %dma_start3A_115 : memref<1x1x128xi32, #tpu.memory_space<vmem>> -> memref<128xi32, #tpu.memory_space<vmem>>
        %dma_start3A_117 = arith.constant 0 : i32
        %dma_start3A_118 = arith.constant 0 : i32
        %dma_start3A_119 = tpu.memref_slice %arg2[%dma_start3A_117, %dma_start3A_118] : memref<10000x128xf32, #tpu.memory_space<hbm>> -> memref<10000x128xf32, #tpu.memory_space<hbm>>
        tpu.enqueue_indirect_dma source(%dma_start3A_119 : memref<10000x128xf32, #tpu.memory_space<hbm>>) target(%dma_start3A_113 : memref<128x128xf32, #tpu.memory_space<vmem>>) offsets(%dma_start3A_116 : memref<128xi32, #tpu.memory_space<vmem>>) semaphore(%arg10 : memref<!tpu.dma_semaphore, #tpu.memory_space<semaphore_mem>>)
      } else {
      }
    }
    %scan3A_41 = arith.constant 39 : i32
    %lt3A = arith.constant 4 : i32
    %lt3A_42 = arith.cmpi slt, %add3A, %lt3A : i32
    %convert_element_type3A = arith.extui %lt3A_42 : i1 to i32
    %cond3A = arith.constant 0 : i32
    %cond3A_43 = arith.cmpi ne, %convert_element_type3A, %cond3A : i32
    scf.if %cond3A_43 {
      %add3A_45 = arith.constant 2496 : i32
      %add3A_46 = arith.addi %add3A_45, %add3A : i32
      %mul3A_47 = arith.constant 128 : i32
      %mul3A_48 = arith.muli %add3A_46, %mul3A_47 : i32
      %run_scoped3A_49 = arith.constant 0 : i32
      "tpu.region"() ({
        %run_scoped3A_78 = tpu.sem_alloc : memref<!tpu.dma_semaphore, #tpu.memory_space<semaphore_mem>>
        %dma_start3A_79 = arith.constant 0 : i32
        %dma_start3A_80 = arith.constant 0 : i32
        %dma_start3A_81 = tpu.memref_slice %arg6[%run_scoped3A_49, %dma_start3A_79, %dma_start3A_80] : memref<2x2x128xi32, #tpu.memory_space<vmem>> -> memref<1x2x128xi32, #tpu.memory_space<vmem>>
        %dma_start3A_82 = tpu.memref_squeeze %dma_start3A_81 : memref<1x2x128xi32, #tpu.memory_space<vmem>> -> memref<2x128xi32, #tpu.memory_space<vmem>>
        %dma_start3A_83 = arith.constant 0 : i32
        %dma_start3A_84 = tpu.memref_slice %arg3[%dma_start3A_83, %mul3A_48] : memref<2x320000xi32, #tpu.memory_space<hbm>> -> memref<2x128xi32, #tpu.memory_space<hbm>>
        %dma_start3A_85 = arith.constant 0 : i32
        %dma_start3A_86 = arith.constant 0 : i32
        %dma_start3A_87 = tpu.memref_slice %arg6[%run_scoped3A_49, %dma_start3A_85, %dma_start3A_86] : memref<2x2x128xi32, #tpu.memory_space<vmem>> -> memref<1x2x128xi32, #tpu.memory_space<vmem>>
        %dma_start3A_88 = tpu.memref_squeeze %dma_start3A_87 : memref<1x2x128xi32, #tpu.memory_space<vmem>> -> memref<2x128xi32, #tpu.memory_space<vmem>>
        %dma_start3A_89 = arith.constant 0 : i32
        %dma_start3A_90 = tpu.memref_slice %arg3[%dma_start3A_89, %mul3A_48] : memref<2x320000xi32, #tpu.memory_space<hbm>> -> memref<2x128xi32, #tpu.memory_space<hbm>>
        tpu.enqueue_dma source(%dma_start3A_90 : memref<2x128xi32, #tpu.memory_space<hbm>>) target(%dma_start3A_88 : memref<2x128xi32, #tpu.memory_space<vmem>>) target_semaphore(%run_scoped3A_78 : memref<!tpu.dma_semaphore, #tpu.memory_space<semaphore_mem>>)
        %dma_wait3A_91 = arith.constant 0 : i32
        %dma_wait3A_92 = arith.constant 0 : i32
        %dma_wait3A_93 = tpu.memref_slice %arg6[%run_scoped3A_49, %dma_wait3A_91, %dma_wait3A_92] : memref<2x2x128xi32, #tpu.memory_space<vmem>> -> memref<1x2x128xi32, #tpu.memory_space<vmem>>
        %dma_wait3A_94 = tpu.memref_squeeze %dma_wait3A_93 : memref<1x2x128xi32, #tpu.memory_space<vmem>> -> memref<2x128xi32, #tpu.memory_space<vmem>>
        %dma_wait3A_95 = arith.constant 0 : i32
        %dma_wait3A_96 = tpu.memref_slice %arg3[%dma_wait3A_95, %mul3A_48] : memref<2x320000xi32, #tpu.memory_space<hbm>> -> memref<2x128xi32, #tpu.memory_space<hbm>>
        %dma_wait3A_97 = arith.constant 0 : i32
        %dma_wait3A_98 = arith.constant 0 : i32
        %dma_wait3A_99 = tpu.memref_slice %arg6[%run_scoped3A_49, %dma_wait3A_97, %dma_wait3A_98] : memref<2x2x128xi32, #tpu.memory_space<vmem>> -> memref<1x2x128xi32, #tpu.memory_space<vmem>>
        %dma_wait3A_100 = tpu.memref_squeeze %dma_wait3A_99 : memref<1x2x128xi32, #tpu.memory_space<vmem>> -> memref<2x128xi32, #tpu.memory_space<vmem>>
        %dma_wait3A_101 = arith.constant 0 : i32
        %dma_wait3A_102 = tpu.memref_slice %arg3[%dma_wait3A_101, %mul3A_48] : memref<2x320000xi32, #tpu.memory_space<hbm>> -> memref<2x128xi32, #tpu.memory_space<hbm>>
        tpu.wait_dma2 semaphore(%run_scoped3A_78 : memref<!tpu.dma_semaphore, #tpu.memory_space<semaphore_mem>>) src(%dma_wait3A_102 : memref<2x128xi32, #tpu.memory_space<hbm>>) dst(%dma_wait3A_100 : memref<2x128xi32, #tpu.memory_space<vmem>>)
        tpu.yield
      }) : () -> ()
      %dma_start3A_50 = arith.constant 0 : i32
      %dma_start3A_51 = arith.constant 0 : i32
      %dma_start3A_52 = arith.constant 0 : i32
      %dma_start3A_53 = arith.constant 0 : i32
      %dma_start3A_54 = arith.constant 0 : i32
      %dma_start3A_55 = tpu.memref_slice %arg7[%dma_start3A_52, %dma_start3A_53, %dma_start3A_54] : memref<2x128x128xf32, #tpu.memory_space<vmem>> -> memref<1x128x128xf32, #tpu.memory_space<vmem>>
      %dma_start3A_56 = tpu.memref_squeeze %dma_start3A_55 : memref<1x128x128xf32, #tpu.memory_space<vmem>> -> memref<128x128xf32, #tpu.memory_space<vmem>>
      %dma_start3A_57 = arith.constant 0 : i32
      %dma_start3A_58 = tpu.memref_slice %arg6[%dma_start3A_50, %dma_start3A_51, %dma_start3A_57] : memref<2x2x128xi32, #tpu.memory_space<vmem>> -> memref<1x1x128xi32, #tpu.memory_space<vmem>>
      %dma_start3A_59 = tpu.memref_squeeze %dma_start3A_58 : memref<1x1x128xi32, #tpu.memory_space<vmem>> -> memref<128xi32, #tpu.memory_space<vmem>>
      %dma_start3A_60 = arith.constant 0 : i32
      %dma_start3A_61 = arith.constant 0 : i32
      %dma_start3A_62 = tpu.memref_slice %arg2[%dma_start3A_60, %dma_start3A_61] : memref<10000x128xf32, #tpu.memory_space<hbm>> -> memref<10000x128xf32, #tpu.memory_space<hbm>>
      tpu.enqueue_indirect_dma source(%dma_start3A_62 : memref<10000x128xf32, #tpu.memory_space<hbm>>) target(%dma_start3A_56 : memref<128x128xf32, #tpu.memory_space<vmem>>) offsets(%dma_start3A_59 : memref<128xi32, #tpu.memory_space<vmem>>) semaphore(%arg9 : memref<!tpu.dma_semaphore, #tpu.memory_space<semaphore_mem>>)
      %dma_wait3A = arith.constant 0 : i32
      %dma_wait3A_63 = arith.constant 0 : i32
      %dma_wait3A_64 = arith.constant 0 : i32
      %dma_wait3A_65 = arith.constant 0 : i32
      %dma_wait3A_66 = arith.constant 0 : i32
      %dma_wait3A_67 = tpu.memref_slice %arg7[%dma_wait3A_64, %dma_wait3A_65, %dma_wait3A_66] : memref<2x128x128xf32, #tpu.memory_space<vmem>> -> memref<1x128x128xf32, #tpu.memory_space<vmem>>
      %dma_wait3A_68 = tpu.memref_squeeze %dma_wait3A_67 : memref<1x128x128xf32, #tpu.memory_space<vmem>> -> memref<128x128xf32, #tpu.memory_space<vmem>>
      %dma_wait3A_69 = arith.constant 0 : i32
      %dma_wait3A_70 = tpu.memref_slice %arg6[%dma_wait3A, %dma_wait3A_63, %dma_wait3A_69] : memref<2x2x128xi32, #tpu.memory_space<vmem>> -> memref<1x1x128xi32, #tpu.memory_space<vmem>>
      %dma_wait3A_71 = tpu.memref_squeeze %dma_wait3A_70 : memref<1x1x128xi32, #tpu.memory_space<vmem>> -> memref<128xi32, #tpu.memory_space<vmem>>
      %dma_wait3A_72 = arith.constant 0 : i32
      %dma_wait3A_73 = arith.constant 0 : i32
      %dma_wait3A_74 = tpu.memref_slice %arg2[%dma_wait3A_72, %dma_wait3A_73] : memref<10000x128xf32, #tpu.memory_space<hbm>> -> memref<10000x128xf32, #tpu.memory_space<hbm>>
      tpu.wait_indirect_dma semaphore(%arg9 : memref<!tpu.dma_semaphore, #tpu.memory_space<semaphore_mem>>) src(%dma_wait3A_74 : memref<10000x128xf32, #tpu.memory_space<hbm>>) dst(%dma_wait3A_68 : memref<128x128xf32, #tpu.memory_space<vmem>>)
      %run_scoped3A_75 = arith.constant 0 : i32
      %run_scoped3A_76 = arith.constant 0 : i32
      %run_scoped3A_77 = arith.constant 1 : i32
      "tpu.region"() ({
        %run_scoped3A_78 = tpu.sem_alloc : memref<!tpu.dma_semaphore, #tpu.memory_space<semaphore_mem>>
        %dma_start3A_79 = arith.constant 0 : i32
        %dma_start3A_80 = arith.constant 0 : i32
        %dma_start3A_81 = tpu.memref_slice %arg7[%run_scoped3A_75, %dma_start3A_79, %dma_start3A_80] : memref<2x128x128xf32, #tpu.memory_space<vmem>> -> memref<1x128x128xf32, #tpu.memory_space<vmem>>
        %dma_start3A_82 = tpu.memref_squeeze %dma_start3A_81 : memref<1x128x128xf32, #tpu.memory_space<vmem>> -> memref<128x128xf32, #tpu.memory_space<vmem>>
        %dma_start3A_83 = arith.constant 0 : i32
        %dma_start3A_84 = tpu.memref_slice %arg6[%run_scoped3A_76, %run_scoped3A_77, %dma_start3A_83] : memref<2x2x128xi32, #tpu.memory_space<vmem>> -> memref<1x1x128xi32, #tpu.memory_space<vmem>>
        %dma_start3A_85 = tpu.memref_squeeze %dma_start3A_84 : memref<1x1x128xi32, #tpu.memory_space<vmem>> -> memref<128xi32, #tpu.memory_space<vmem>>
        %dma_start3A_86 = arith.constant 0 : i32
        %dma_start3A_87 = arith.constant 0 : i32
        %dma_start3A_88 = tpu.memref_slice %arg8[%dma_start3A_86, %dma_start3A_87] : memref<10112x128xf32, #tpu.memory_space<vmem_shared>> -> memref<10112x128xf32, #tpu.memory_space<vmem_shared>>
        tpu.enqueue_indirect_dma source(%dma_start3A_82 : memref<128x128xf32, #tpu.memory_space<vmem>>) target(%dma_start3A_88 : memref<10112x128xf32, #tpu.memory_space<vmem_shared>>) offsets(%dma_start3A_85 : memref<128xi32, #tpu.memory_space<vmem>>) semaphore(%run_scoped3A_78 : memref<!tpu.dma_semaphore, #tpu.memory_space<semaphore_mem>>) {add = true}
        %dma_wait3A_89 = arith.constant 0 : i32
        %dma_wait3A_90 = arith.constant 0 : i32
        %dma_wait3A_91 = tpu.memref_slice %arg7[%run_scoped3A_75, %dma_wait3A_89, %dma_wait3A_90] : memref<2x128x128xf32, #tpu.memory_space<vmem>> -> memref<1x128x128xf32, #tpu.memory_space<vmem>>
        %dma_wait3A_92 = tpu.memref_squeeze %dma_wait3A_91 : memref<1x128x128xf32, #tpu.memory_space<vmem>> -> memref<128x128xf32, #tpu.memory_space<vmem>>
        %dma_wait3A_93 = arith.constant 0 : i32
        %dma_wait3A_94 = tpu.memref_slice %arg6[%run_scoped3A_76, %run_scoped3A_77, %dma_wait3A_93] : memref<2x2x128xi32, #tpu.memory_space<vmem>> -> memref<1x1x128xi32, #tpu.memory_space<vmem>>
        %dma_wait3A_95 = tpu.memref_squeeze %dma_wait3A_94 : memref<1x1x128xi32, #tpu.memory_space<vmem>> -> memref<128xi32, #tpu.memory_space<vmem>>
        %dma_wait3A_96 = arith.constant 0 : i32
        %dma_wait3A_97 = arith.constant 0 : i32
        %dma_wait3A_98 = tpu.memref_slice %arg8[%dma_wait3A_96, %dma_wait3A_97] : memref<10112x128xf32, #tpu.memory_space<vmem_shared>> -> memref<10112x128xf32, #tpu.memory_space<vmem_shared>>
        tpu.wait_indirect_dma semaphore(%run_scoped3A_78 : memref<!tpu.dma_semaphore, #tpu.memory_space<semaphore_mem>>) src(%dma_wait3A_92 : memref<128x128xf32, #tpu.memory_space<vmem>>) dst(%dma_wait3A_98 : memref<10112x128xf32, #tpu.memory_space<vmem_shared>>)
        tpu.yield
      }) : () -> ()
    } else {
    }
    %barrier3A_44 = arith.constant 0 : index
    tpu.barrier barrier_id(%barrier3A_44)
    "tpu.region"() ({
      %run_scoped3A_45 = tpu.sem_alloc : memref<!tpu.dma_semaphore, #tpu.memory_space<semaphore_mem>>
      %dma_start3A_46 = arith.constant 0 : i32
      %dma_start3A_47 = tpu.memref_slice %arg5[%arg0, %mul3A_0, %dma_start3A_46] : memref<2x10112x128xf32, #tpu.memory_space<hbm>> -> memref<1x632x128xf32, #tpu.memory_space<hbm>>
      %dma_start3A_48 = tpu.memref_squeeze %dma_start3A_47 : memref<1x632x128xf32, #tpu.memory_space<hbm>> -> memref<632x128xf32, #tpu.memory_space<hbm>>
      %dma_start3A_49 = arith.constant 0 : i32
      %dma_start3A_50 = tpu.memref_slice %arg8[%mul3A_0, %dma_start3A_49] : memref<10112x128xf32, #tpu.memory_space<vmem_shared>> -> memref<632x128xf32, #tpu.memory_space<vmem_shared>>
      tpu.enqueue_dma source(%dma_start3A_50 : memref<632x128xf32, #tpu.memory_space<vmem_shared>>) target(%dma_start3A_48 : memref<632x128xf32, #tpu.memory_space<hbm>>) target_semaphore(%run_scoped3A_45 : memref<!tpu.dma_semaphore, #tpu.memory_space<semaphore_mem>>)
      %dma_wait3A = arith.constant 0 : i32
      %dma_wait3A_51 = tpu.memref_slice %arg5[%arg0, %mul3A_0, %dma_wait3A] : memref<2x10112x128xf32, #tpu.memory_space<hbm>> -> memref<1x632x128xf32, #tpu.memory_space<hbm>>
      %dma_wait3A_52 = tpu.memref_squeeze %dma_wait3A_51 : memref<1x632x128xf32, #tpu.memory_space<hbm>> -> memref<632x128xf32, #tpu.memory_space<hbm>>
      %dma_wait3A_53 = arith.constant 0 : i32
      %dma_wait3A_54 = tpu.memref_slice %arg8[%mul3A_0, %dma_wait3A_53] : memref<10112x128xf32, #tpu.memory_space<vmem_shared>> -> memref<632x128xf32, #tpu.memory_space<vmem_shared>>
      tpu.wait_dma2 semaphore(%run_scoped3A_45 : memref<!tpu.dma_semaphore, #tpu.memory_space<semaphore_mem>>) src(%dma_wait3A_54 : memref<632x128xf32, #tpu.memory_space<vmem_shared>>) dst(%dma_wait3A_52 : memref<632x128xf32, #tpu.memory_space<hbm>>)
      tpu.yield
    }) : () -> ()
    return
  }
}

module attributes {stable_mosaic.version = 14 : i64} {
  func.func @body(%arg0: i32, %arg1: memref<2x1000x128xf32, #tpu.memory_space<vmem>>, %arg2: memref<1000x128xf32, #tpu.memory_space<vmem>>, %arg3: memref<1000x128xf32, #tpu.memory_space<vmem>>, %arg4: memref<128x256xf32, #tpu.memory_space<vmem>>, %arg5: memref<256xf32, #tpu.memory_space<vmem>>, %arg6: memref<256x128xf32, #tpu.memory_space<vmem>>, %arg7: memref<1000x128xf32, #tpu.memory_space<vmem>>) attributes {dimension_semantics = [#tpu.dimension_semantics<arbitrary>], iteration_bounds = array<i64: 10>, scalar_prefetch = 0 : i64, scratch_operands = 0 : i64, tpu.core_type = #tpu.core_type<tc>, window_params = [{transform_indices = @transform_0, window_bounds = array<i64: 2, 1000, 128>}, {transform_indices = @transform_1, window_bounds = array<i64: 1000, 128>}, {transform_indices = @transform_2, window_bounds = array<i64: 1000, 128>}, {pipeline_mode = #tpu.pipeline_mode<synchronous>, transform_indices = @transform_3, window_bounds = array<i64: 128, 256>}, {pipeline_mode = #tpu.pipeline_mode<synchronous>, transform_indices = @transform_4, window_bounds = array<i64: 256>}, {pipeline_mode = #tpu.pipeline_mode<synchronous>, transform_indices = @transform_5, window_bounds = array<i64: 256, 128>}, {transform_indices = @transform_6, window_bounds = array<i64: 1000, 128>}]} {
    %get3A = arith.constant 0 : index
    %get3A_0 = arith.constant 0 : index
    %get3A_1 = arith.constant 0 : index
    %get3A_2 = vector.load %arg1[%get3A, %get3A_0, %get3A_1] : memref<2x1000x128xf32, #tpu.memory_space<vmem>>, vector<1x1000x128xf32>
    %get3A_3 = vector.shape_cast %get3A_2 : vector<1x1000x128xf32> to vector<1000x128xf32>
    %get3A_4 = arith.constant 1 : index
    %get3A_5 = arith.constant 0 : index
    %get3A_6 = arith.constant 0 : index
    %get3A_7 = vector.load %arg1[%get3A_4, %get3A_5, %get3A_6] : memref<2x1000x128xf32, #tpu.memory_space<vmem>>, vector<1x1000x128xf32>
    %get3A_8 = vector.shape_cast %get3A_7 : vector<1x1000x128xf32> to vector<1000x128xf32>
    %add3A = arith.addf %get3A_3, %get3A_8 : vector<1000x128xf32>
    %get3A_9 = arith.constant 0 : index
    %get3A_10 = arith.constant 0 : index
    %get3A_11 = vector.load %arg2[%get3A_9, %get3A_10] : memref<1000x128xf32, #tpu.memory_space<vmem>>, vector<1000x1xf32>
    %max3A = arith.constant 1.000000e+00 : f32
    %max3A_12 = vector.broadcast %max3A : f32 to vector<1000x1xf32>
    %max3A_13 = arith.maximumf %get3A_11, %max3A_12 : vector<1000x1xf32>
    %rsqrt3A = math.rsqrt %max3A_13 : vector<1000x1xf32>
    %mul3A = vector.broadcast %rsqrt3A : vector<1000x1xf32> to vector<1000x128xf32>
    %mul3A_14 = arith.mulf %add3A, %mul3A : vector<1000x128xf32>
    %get3A_15 = arith.constant 0 : index
    %get3A_16 = arith.constant 0 : index
    %get3A_17 = vector.load %arg4[%get3A_15, %get3A_16] : memref<128x256xf32, #tpu.memory_space<vmem>>, vector<128x256xf32>
    %dot_general3A = arith.constant dense<0.000000e+00> : vector<1000x256xf32>
    %dot_general3A_18 = tpu.matmul %mul3A_14, %get3A_17, %dot_general3A {dimension_numbers = #tpu.dot_dimension_numbers<[1], [0], [0], [1], [0, 0, 1, 1], [], []>, transpose_lhs_hint = false} : vector<1000x128xf32>, vector<128x256xf32>, vector<1000x256xf32> -> vector<1000x256xf32>
    %get3A_19 = arith.constant 0 : index
    %get3A_20 = vector.load %arg5[%get3A_19] : memref<256xf32, #tpu.memory_space<vmem>>, vector<256xf32>
    %broadcast_in_dim3A = vector.shape_cast %get3A_20 : vector<256xf32> to vector<1x256xf32>
    %add3A_21 = vector.broadcast %broadcast_in_dim3A : vector<1x256xf32> to vector<1000x256xf32>
    %add3A_22 = arith.addf %dot_general3A_18, %add3A_21 : vector<1000x256xf32>
    %max3A_23 = arith.constant 0.000000e+00 : f32
    %max3A_24 = vector.broadcast %max3A_23 : f32 to vector<1000x256xf32>
    %max3A_25 = arith.maximumf %add3A_22, %max3A_24 : vector<1000x256xf32>
    %get3A_26 = arith.constant 0 : index
    %get3A_27 = arith.constant 0 : index
    %get3A_28 = vector.load %arg3[%get3A_26, %get3A_27] : memref<1000x128xf32, #tpu.memory_space<vmem>>, vector<1000x1xf32>
    %max3A_29 = arith.constant 1.000000e+00 : f32
    %max3A_30 = vector.broadcast %max3A_29 : f32 to vector<1000x1xf32>
    %max3A_31 = arith.maximumf %get3A_28, %max3A_30 : vector<1000x1xf32>
    %rsqrt3A_32 = math.rsqrt %max3A_31 : vector<1000x1xf32>
    %mul3A_33 = vector.broadcast %rsqrt3A_32 : vector<1000x1xf32> to vector<1000x256xf32>
    %mul3A_34 = arith.mulf %max3A_25, %mul3A_33 : vector<1000x256xf32>
    %get3A_35 = arith.constant 0 : index
    %get3A_36 = arith.constant 0 : index
    %get3A_37 = vector.load %arg6[%get3A_35, %get3A_36] : memref<256x128xf32, #tpu.memory_space<vmem>>, vector<256x128xf32>
    %dot_general3A_38 = arith.constant dense<0.000000e+00> : vector<1000x128xf32>
    %dot_general3A_39 = tpu.matmul %mul3A_34, %get3A_37, %dot_general3A_38 {dimension_numbers = #tpu.dot_dimension_numbers<[1], [0], [0], [1], [0, 0, 1, 1], [], []>, transpose_lhs_hint = false} : vector<1000x256xf32>, vector<256x128xf32>, vector<1000x128xf32> -> vector<1000x128xf32>
    %swap3A = arith.constant 0 : index
    %swap3A_40 = arith.constant 0 : index
    %swap3A_41 = vector.load %arg7[%swap3A, %swap3A_40] : memref<1000x128xf32, #tpu.memory_space<vmem>>, vector<1000x128xf32>
    tpu.vector_store %arg7[%swap3A, %swap3A_40], %dot_general3A_39 {strides = array<i32>} : memref<1000x128xf32, #tpu.memory_space<vmem>>, vector<1000x128xf32>,
    return
  }
  func.func @transform_0(%arg0: i32) -> (i32, i32, i32) {
    %c0_i32 = arith.constant 0 : i32
    %c0_i32_0 = arith.constant 0 : i32
    %c0_i32_1 = arith.constant 0 : i32
    return %c0_i32, %arg0, %c0_i32_0 : i32, i32, i32
  }
  func.func @transform_1(%arg0: i32) -> (i32, i32) {
    %c0_i32 = arith.constant 0 : i32
    %c0_i32_0 = arith.constant 0 : i32
    return %arg0, %c0_i32 : i32, i32
  }
  func.func @transform_2(%arg0: i32) -> (i32, i32) {
    %c0_i32 = arith.constant 0 : i32
    %c0_i32_0 = arith.constant 0 : i32
    return %arg0, %c0_i32 : i32, i32
  }
  func.func @transform_3(%arg0: i32) -> (i32, i32) {
    %c0_i32 = arith.constant 0 : i32
    %c0_i32_0 = arith.constant 0 : i32
    %c0_i32_1 = arith.constant 0 : i32
    return %c0_i32, %c0_i32_0 : i32, i32
  }
  func.func @transform_4(%arg0: i32) -> i32 {
    %c0_i32 = arith.constant 0 : i32
    %c0_i32_0 = arith.constant 0 : i32
    return %c0_i32 : i32
  }
  func.func @transform_5(%arg0: i32) -> (i32, i32) {
    %c0_i32 = arith.constant 0 : i32
    %c0_i32_0 = arith.constant 0 : i32
    %c0_i32_1 = arith.constant 0 : i32
    return %c0_i32, %c0_i32_0 : i32, i32
  }
  func.func @transform_6(%arg0: i32) -> (i32, i32) {
    %c0_i32 = arith.constant 0 : i32
    %c0_i32_0 = arith.constant 0 : i32
    return %arg0, %c0_i32 : i32, i32
  }
}

module attributes {stable_mosaic.version = 14 : i64} {
  func.func @body(%arg0: i32, %arg1: memref<1000x128xf32, #tpu.memory_space<vmem>>, %arg2: memref<1000x128xf32, #tpu.memory_space<vmem>>, %arg3: memref<1000x128xf32, #tpu.memory_space<vmem>>) attributes {dimension_semantics = [#tpu.dimension_semantics<arbitrary>], iteration_bounds = array<i64: 10>, scalar_prefetch = 0 : i64, scratch_operands = 0 : i64, tpu.core_type = #tpu.core_type<tc>, window_params = [{transform_indices = @transform_0, window_bounds = array<i64: 1000, 128>}, {transform_indices = @transform_1, window_bounds = array<i64: 1000, 128>}, {transform_indices = @transform_2, window_bounds = array<i64: 1000, 128>}]} {
    %get3A = arith.constant 0 : index
    %get3A_0 = arith.constant 0 : index
    %get3A_1 = vector.load %arg1[%get3A, %get3A_0] : memref<1000x128xf32, #tpu.memory_space<vmem>>, vector<1000x128xf32>
    %get3A_2 = arith.constant 0 : index
    %get3A_3 = arith.constant 0 : index
    %get3A_4 = vector.load %arg2[%get3A_2, %get3A_3] : memref<1000x128xf32, #tpu.memory_space<vmem>>, vector<1000x1xf32>
    %max3A = arith.constant 1.000000e+00 : f32
    %max3A_5 = vector.broadcast %max3A : f32 to vector<1000x1xf32>
    %max3A_6 = arith.maximumf %get3A_4, %max3A_5 : vector<1000x1xf32>
    %rsqrt3A = math.rsqrt %max3A_6 : vector<1000x1xf32>
    %mul3A = vector.broadcast %rsqrt3A : vector<1000x1xf32> to vector<1000x128xf32>
    %mul3A_7 = arith.mulf %get3A_1, %mul3A : vector<1000x128xf32>
    %swap3A = arith.constant 0 : index
    %swap3A_8 = arith.constant 0 : index
    %swap3A_9 = vector.load %arg3[%swap3A, %swap3A_8] : memref<1000x128xf32, #tpu.memory_space<vmem>>, vector<1000x128xf32>
    tpu.vector_store %arg3[%swap3A, %swap3A_8], %mul3A_7 {strides = array<i32>} : memref<1000x128xf32, #tpu.memory_space<vmem>>, vector<1000x128xf32>,
    return
  }
  func.func @transform_0(%arg0: i32) -> (i32, i32) {
    %c0_i32 = arith.constant 0 : i32
    %c0_i32_0 = arith.constant 0 : i32
    return %arg0, %c0_i32 : i32, i32
  }
  func.func @transform_1(%arg0: i32) -> (i32, i32) {
    %c0_i32 = arith.constant 0 : i32
    %c0_i32_0 = arith.constant 0 : i32
    return %arg0, %c0_i32 : i32, i32
  }
  func.func @transform_2(%arg0: i32) -> (i32, i32) {
    %c0_i32 = arith.constant 0 : i32
    %c0_i32_0 = arith.constant 0 : i32
    return %arg0, %c0_i32 : i32, i32
  }
}

module attributes {stable_mosaic.version = 14 : i64} {
  func.func @body(%arg0: i32, %arg1: memref<2x1000x128xf32, #tpu.memory_space<vmem>>, %arg2: memref<1000x128xf32, #tpu.memory_space<vmem>>, %arg3: memref<128xf32, #tpu.memory_space<vmem>>, %arg4: memref<128x64xf32, #tpu.memory_space<vmem>>, %arg5: memref<64xf32, #tpu.memory_space<vmem>>, %arg6: memref<64x128xf32, #tpu.memory_space<vmem>>, %arg7: memref<128xf32, #tpu.memory_space<vmem>>, %arg8: memref<1000x128xf32, #tpu.memory_space<vmem>>, %arg9: memref<1000x128xf32, #tpu.memory_space<vmem>>) attributes {dimension_semantics = [#tpu.dimension_semantics<arbitrary>], iteration_bounds = array<i64: 10>, scalar_prefetch = 0 : i64, scratch_operands = 0 : i64, tpu.core_type = #tpu.core_type<tc>, window_params = [{transform_indices = @transform_0, window_bounds = array<i64: 2, 1000, 128>}, {transform_indices = @transform_1, window_bounds = array<i64: 1000, 128>}, {pipeline_mode = #tpu.pipeline_mode<synchronous>, transform_indices = @transform_2, window_bounds = array<i64: 128>}, {pipeline_mode = #tpu.pipeline_mode<synchronous>, transform_indices = @transform_3, window_bounds = array<i64: 128, 64>}, {pipeline_mode = #tpu.pipeline_mode<synchronous>, transform_indices = @transform_4, window_bounds = array<i64: 64>}, {pipeline_mode = #tpu.pipeline_mode<synchronous>, transform_indices = @transform_5, window_bounds = array<i64: 64, 128>}, {pipeline_mode = #tpu.pipeline_mode<synchronous>, transform_indices = @transform_6, window_bounds = array<i64: 128>}, {transform_indices = @transform_7, window_bounds = array<i64: 1000, 128>}, {transform_indices = @transform_8, window_bounds = array<i64: 1000, 128>}]} {
    %get3A = arith.constant 0 : index
    %get3A_0 = arith.constant 0 : index
    %get3A_1 = arith.constant 0 : index
    %get3A_2 = vector.load %arg1[%get3A, %get3A_0, %get3A_1] : memref<2x1000x128xf32, #tpu.memory_space<vmem>>, vector<1x1000x128xf32>
    %get3A_3 = vector.shape_cast %get3A_2 : vector<1x1000x128xf32> to vector<1000x128xf32>
    %get3A_4 = arith.constant 1 : index
    %get3A_5 = arith.constant 0 : index
    %get3A_6 = arith.constant 0 : index
    %get3A_7 = vector.load %arg1[%get3A_4, %get3A_5, %get3A_6] : memref<2x1000x128xf32, #tpu.memory_space<vmem>>, vector<1x1000x128xf32>
    %get3A_8 = vector.shape_cast %get3A_7 : vector<1x1000x128xf32> to vector<1000x128xf32>
    %add3A = arith.addf %get3A_3, %get3A_8 : vector<1000x128xf32>
    %get3A_9 = arith.constant 0 : index
    %get3A_10 = arith.constant 0 : index
    %get3A_11 = vector.load %arg2[%get3A_9, %get3A_10] : memref<1000x128xf32, #tpu.memory_space<vmem>>, vector<1000x1xf32>
    %max3A = arith.constant 1.000000e+00 : f32
    %max3A_12 = vector.broadcast %max3A : f32 to vector<1000x1xf32>
    %max3A_13 = arith.maximumf %get3A_11, %max3A_12 : vector<1000x1xf32>
    %rsqrt3A = math.rsqrt %max3A_13 : vector<1000x1xf32>
    %mul3A = vector.broadcast %rsqrt3A : vector<1000x1xf32> to vector<1000x128xf32>
    %mul3A_14 = arith.mulf %add3A, %mul3A : vector<1000x128xf32>
    %get3A_15 = arith.constant 0 : index
    %get3A_16 = vector.load %arg3[%get3A_15] : memref<128xf32, #tpu.memory_space<vmem>>, vector<128xf32>
    %broadcast_in_dim3A = vector.shape_cast %get3A_16 : vector<128xf32> to vector<1x128xf32>
    %add3A_17 = vector.broadcast %broadcast_in_dim3A : vector<1x128xf32> to vector<1000x128xf32>
    %add3A_18 = arith.addf %mul3A_14, %add3A_17 : vector<1000x128xf32>
    %max3A_19 = arith.constant 0.000000e+00 : f32
    %max3A_20 = vector.broadcast %max3A_19 : f32 to vector<1000x128xf32>
    %max3A_21 = arith.maximumf %add3A_18, %max3A_20 : vector<1000x128xf32>
    %swap3A = arith.constant 0 : index
    %swap3A_22 = arith.constant 0 : index
    %swap3A_23 = vector.load %arg9[%swap3A, %swap3A_22] : memref<1000x128xf32, #tpu.memory_space<vmem>>, vector<1000x128xf32>
    tpu.vector_store %arg9[%swap3A, %swap3A_22], %max3A_21 {strides = array<i32>} : memref<1000x128xf32, #tpu.memory_space<vmem>>, vector<1000x128xf32>,
    %get3A_24 = arith.constant 0 : index
    %get3A_25 = arith.constant 0 : index
    %get3A_26 = vector.load %arg4[%get3A_24, %get3A_25] : memref<128x64xf32, #tpu.memory_space<vmem>>, vector<128x64xf32>
    %dot_general3A = arith.constant dense<0.000000e+00> : vector<1000x64xf32>
    %dot_general3A_27 = tpu.matmul %max3A_21, %get3A_26, %dot_general3A {dimension_numbers = #tpu.dot_dimension_numbers<[1], [0], [0], [1], [0, 0, 1, 1], [], []>, transpose_lhs_hint = false} : vector<1000x128xf32>, vector<128x64xf32>, vector<1000x64xf32> -> vector<1000x64xf32>
    %get3A_28 = arith.constant 0 : index
    %get3A_29 = vector.load %arg5[%get3A_28] : memref<64xf32, #tpu.memory_space<vmem>>, vector<64xf32>
    %broadcast_in_dim3A_30 = vector.shape_cast %get3A_29 : vector<64xf32> to vector<1x64xf32>
    %add3A_31 = vector.broadcast %broadcast_in_dim3A_30 : vector<1x64xf32> to vector<1000x64xf32>
    %add3A_32 = arith.addf %dot_general3A_27, %add3A_31 : vector<1000x64xf32>
    %max3A_33 = arith.constant 0.000000e+00 : f32
    %max3A_34 = vector.broadcast %max3A_33 : f32 to vector<1000x64xf32>
    %max3A_35 = arith.maximumf %add3A_32, %max3A_34 : vector<1000x64xf32>
    %get3A_36 = arith.constant 0 : index
    %get3A_37 = arith.constant 0 : index
    %get3A_38 = vector.load %arg6[%get3A_36, %get3A_37] : memref<64x128xf32, #tpu.memory_space<vmem>>, vector<64x128xf32>
    %dot_general3A_39 = arith.constant dense<0.000000e+00> : vector<1000x128xf32>
    %dot_general3A_40 = tpu.matmul %max3A_35, %get3A_38, %dot_general3A_39 {dimension_numbers = #tpu.dot_dimension_numbers<[1], [0], [0], [1], [0, 0, 1, 1], [], []>, transpose_lhs_hint = false} : vector<1000x64xf32>, vector<64x128xf32>, vector<1000x128xf32> -> vector<1000x128xf32>
    %get3A_41 = arith.constant 0 : index
    %get3A_42 = vector.load %arg7[%get3A_41] : memref<128xf32, #tpu.memory_space<vmem>>, vector<128xf32>
    %broadcast_in_dim3A_43 = vector.shape_cast %get3A_42 : vector<128xf32> to vector<1x128xf32>
    %add3A_44 = vector.broadcast %broadcast_in_dim3A_43 : vector<1x128xf32> to vector<1000x128xf32>
    %add3A_45 = arith.addf %dot_general3A_40, %add3A_44 : vector<1000x128xf32>
    %swap3A_46 = arith.constant 0 : index
    %swap3A_47 = arith.constant 0 : index
    %swap3A_48 = vector.load %arg8[%swap3A_46, %swap3A_47] : memref<1000x128xf32, #tpu.memory_space<vmem>>, vector<1000x128xf32>
    tpu.vector_store %arg8[%swap3A_46, %swap3A_47], %add3A_45 {strides = array<i32>} : memref<1000x128xf32, #tpu.memory_space<vmem>>, vector<1000x128xf32>,
    return
  }
  func.func @transform_0(%arg0: i32) -> (i32, i32, i32) {
    %c0_i32 = arith.constant 0 : i32
    %c0_i32_0 = arith.constant 0 : i32
    %c0_i32_1 = arith.constant 0 : i32
    return %c0_i32, %arg0, %c0_i32_0 : i32, i32, i32
  }
  func.func @transform_1(%arg0: i32) -> (i32, i32) {
    %c0_i32 = arith.constant 0 : i32
    %c0_i32_0 = arith.constant 0 : i32
    return %arg0, %c0_i32 : i32, i32
  }
  func.func @transform_2(%arg0: i32) -> i32 {
    %c0_i32 = arith.constant 0 : i32
    %c0_i32_0 = arith.constant 0 : i32
    return %c0_i32 : i32
  }
  func.func @transform_3(%arg0: i32) -> (i32, i32) {
    %c0_i32 = arith.constant 0 : i32
    %c0_i32_0 = arith.constant 0 : i32
    %c0_i32_1 = arith.constant 0 : i32
    return %c0_i32, %c0_i32_0 : i32, i32
  }
  func.func @transform_4(%arg0: i32) -> i32 {
    %c0_i32 = arith.constant 0 : i32
    %c0_i32_0 = arith.constant 0 : i32
    return %c0_i32 : i32
  }
  func.func @transform_5(%arg0: i32) -> (i32, i32) {
    %c0_i32 = arith.constant 0 : i32
    %c0_i32_0 = arith.constant 0 : i32
    %c0_i32_1 = arith.constant 0 : i32
    return %c0_i32, %c0_i32_0 : i32, i32
  }
  func.func @transform_6(%arg0: i32) -> i32 {
    %c0_i32 = arith.constant 0 : i32
    %c0_i32_0 = arith.constant 0 : i32
    return %c0_i32 : i32
  }
  func.func @transform_7(%arg0: i32) -> (i32, i32) {
    %c0_i32 = arith.constant 0 : i32
    %c0_i32_0 = arith.constant 0 : i32
    return %arg0, %c0_i32 : i32, i32
  }
  func.func @transform_8(%arg0: i32) -> (i32, i32) {
    %c0_i32 = arith.constant 0 : i32
    %c0_i32_0 = arith.constant 0 : i32
    return %arg0, %c0_i32 : i32, i32
  }
}

</mosaic_0001>

<sc_bundles>
// kernel: kernel.11.cloned.1.call-start
scs
__scs_entry_jumppad:
0x0: {  	(pc) =	sbr.rel $0x88, $3  }
0x1: {  	(tag) =	ssettag $0x0;
	lr =	simm.s32 $0x1  }
0x2: {  	[smem:$0x3F97] =	sst lr;
	_ =	strace $0xD0000000  }
0x3: {  	_ = 	snop  }
0x4: {  	_ = 	snop  }
0x5: {  	_ = 	snop  }
0x6: {  	_ = 	snop  }
0x7: {  	_ = 	snop  }
__scs_overlays_trampoline_lowered:
0x8: {  	[smem:$0x3FA6] =	sst s0  }
0x9: {  	[smem:$0x3FA7] =	sst s1  }
0xa: {  	[smem:$0x3FA8] =	sst s2  }
0xb: {  	[smem:$0x3FA9] =	sst s3  }
0xc: {  	[smem:$0x3FAA] =	sst s4  }
0xd: {  	[smem:$0x3FAB] =	sst s5  }
0xe: {  	[smem:$0x3FAC] =	sst s6  }
0xf: {  	[smem:$0x3FAD] =	sst s7  }
0x10: {  	[smem:$0x3FAE] =	sst s8  }
0x11: {  	[smem:$0x3FAF] =	sst s9;
	s0 =	simm.s32 @!p0 $0x0  }
0x12: {  	s1 =	sld [smem:$0x3F95];
	s0 =	simm.s32 @p0 $0x1  }
0x13: {  	[smem:$0x3FB0] =	sst s0;
	s0 =	simm.s32 @!p1 $0x0  }
0x14: {  	s2 =	sld [smem:$0x3F94];
	s0 =	simm.s32 @p1 $0x1  }
0x15: {  	[smem:$0x3FB1] =	sst s0;
	s0 =	simm.s32 @!p2 $0x0  }
0x16: {  	s3 =	sld [smem:$0x3FDB];
	s0 =	simm.s32 @p2 $0x1  }
0x17: {  	s4 =	simm.s32 $0x1BF5;
	[smem:$0x3FB3] =	sst s0  }
0x18: {  	s0 =	sld [smem:$0x3F96];
	_ =	swait.ge [sflag:s4], $0x0  }
0x19: {  	s7 =	sld [smem:$0x3F97]  }
0x1a: {  	s8 =	sadd.s32 $0xFFFFE003, lr  }
0x1b: {  	s9 =	sadd.s32 $0xFFFFFEF7, lr;
	s5 =	simm.s32 $0xFFFFFFFF;
	p2 =	slt.u32 s8, $0xFFFFF086  }
0x1c: {  	p1 =	slt.u32 s9, $0xF7A;
	s5 =	simm.s32 @!p2 $0x0  }
0x1d: {  	s5 =	simm.s32 @p1 $0x1;
	p0 =	seq.s32 s7, s2  }
0x1e: {  	s7 =	smul.u32 @!p0 $0xF7A, s2;
	p2 =	seq.s32 @!p0 s5, $0x0  }
0x1f: {  	s9 =	smul.u32 $0xF7A, s1;
	s8 =	simm.s32 @!p0 $0x1BF5;
	p2 =	por !p2, p0  }
0x20: {  	[sflag:s8] =	ssyncset.s32 @!p0 $0xFFFFF086;
	s6 =	sadd.s32 @!p0 s3, s7;
	s7 =	simm.s32 @!p0 $0x108  }
0x21: {  	s3 =	sadd.s32 s3, s9;
	s6 =	sadd.s32 @!p0 $0x88, s6;
	s7 =	simm.s32 @p2 $0x1082  }
0x22: {  	[simem:s7], [sflag:s8] =	dma.local @!p0 [hbm:s6], $0xF7A  }
0x23: {  	s9 =	sor.u32 $0xD0000000, s2;
	s6 =	simm.s32 $0x108;
	_ =	swait.ge @!p0 [sflag:s8], $0x0  }
0x24: {  	s3 =	sadd.s32 $0x88, s3;
	s6 =	simm.s32 @!p1 $0x1082;
	[sflag:s4] =	ssyncset.s32 $0xFFFFF086  }
0x25: {  	[simem:s6], [sflag:s4] =	dma.local [hbm:s3], $0xF7A  }
0x26: {  	[smem:$0x3F97] =	sst s1;
	(tag) =	ssettag s2;
	_ =	strace s9  }
0x27: {  	s1 =	sld [smem:$0x3FA7]  }
0x28: {  	s2 =	sld [smem:$0x3FA8]  }
0x29: {  	s4 =	sld [smem:$0x3FAA]  }
0x2a: {  	p0 =	seq.s32 s5, $0x0;
	s5 =	sld [smem:$0x3FAB]  }
0x2b: {  	s6 =	sld [smem:$0x3FAC]  }
0x2c: {  	s7 =	sld [smem:$0x3FAD]  }
0x2d: {  	s3 =	simm.s32 $0x108;
	s8 =	sld [smem:$0x3FAE]  }
0x2e: {  	s3 =	simm.s32 @!p0 $0x1082;
	s9 =	sld [smem:$0x3FAF]  }
0x2f: {  	lr =	sadd.s32 s0, s3;
	s0 =	sld [smem:$0x3FA6]  }
0x30: {  	s3 =	sld [smem:$0x3FA9]  }
0x31: {  	[smem:$0x3FB2] =	sst s10  }
0x32: {  	s10 =	sld [smem:$0x3FB0];
	_ =	sdelay $0x3  }
0x33: {  	p0 =	seq.s32 s10, $0x1;
	s10 =	sld [smem:$0x3FB2];
	_ =	sdelay $0x3  }
0x34: {  	[smem:$0x3FB2] =	sst s10  }
0x35: {  	s10 =	sld [smem:$0x3FB1];
	_ =	sdelay $0x3  }
0x36: {  	p1 =	seq.s32 s10, $0x1;
	s10 =	sld [smem:$0x3FB2];
	_ =	sdelay $0x3  }
0x37: {  	[smem:$0x3FB2] =	sst s10  }
0x38: {  	s10 =	sld [smem:$0x3FB3]  }
0x39: {  	_ = 	snop;
	(pc) =	sbr.ind lr, $3  }
0x3a: {  	_ = 	snop  }
0x3b: {  	_ = 	snop  }
0x3c: {  	p2 =	seq.s32 s10, $0x1;
	s10 =	sld [smem:$0x3FB2]  }
0x3d: {  	_ =	shalt  }
0x3e: {  	_ =	shalt  }
0x3f: {  	_ =	shalt  }
0x40: {  	_ =	shalt  }
0x41: {  	_ =	shalt  }
0x42: {  	_ =	shalt  }
0x43: {  	_ =	shalt  }
0x44: {  	_ =	shalt  }
0x45: {  	_ =	shalt  }
0x46: {  	_ =	shalt  }
0x47: {  	_ =	shalt  }
0x48: {  	_ =	shalt  }
0x49: {  	_ =	shalt  }
0x4a: {  	_ =	shalt  }
0x4b: {  	_ =	shalt  }
0x4c: {  	_ =	shalt  }
0x4d: {  	_ =	shalt  }
0x4e: {  	_ =	shalt  }
0x4f: {  	_ =	shalt  }
0x50: {  	_ =	shalt  }
0x51: {  	_ =	shalt  }
0x52: {  	_ =	shalt  }
0x53: {  	_ =	shalt  }
0x54: {  	_ =	shalt  }
0x55: {  	_ =	shalt  }
0x56: {  	_ =	shalt  }
0x57: {  	_ =	shalt  }
0x58: {  	_ =	shalt  }
0x59: {  	_ =	shalt  }
0x5a: {  	_ =	shalt  }
0x5b: {  	_ =	shalt  }
0x5c: {  	_ =	shalt  }
0x5d: {  	_ =	shalt  }
0x5e: {  	_ =	shalt  }
0x5f: {  	_ =	shalt  }
0x60: {  	_ =	shalt  }
0x61: {  	_ =	shalt  }
0x62: {  	_ =	shalt  }
0x63: {  	_ =	shalt  }
0x64: {  	_ =	shalt  }
0x65: {  	_ =	shalt  }
0x66: {  	_ =	shalt  }
0x67: {  	_ =	shalt  }
0x68: {  	_ =	shalt  }
0x69: {  	_ =	shalt  }
0x6a: {  	_ =	shalt  }
0x6b: {  	_ =	shalt  }
0x6c: {  	_ =	shalt  }
0x6d: {  	_ =	shalt  }
0x6e: {  	_ =	shalt  }
0x6f: {  	_ =	shalt  }
0x70: {  	_ =	shalt  }
0x71: {  	_ =	shalt  }
0x72: {  	_ =	shalt  }
0x73: {  	_ =	shalt  }
0x74: {  	_ =	shalt  }
0x75: {  	_ =	shalt  }
0x76: {  	_ =	shalt  }
0x77: {  	_ =	shalt  }
0x78: {  	_ =	shalt  }
0x79: {  	_ =	shalt  }
0x7a: {  	_ =	shalt  }
0x7b: {  	_ =	shalt  }
0x7c: {  	_ =	shalt  }
0x7d: {  	_ =	shalt  }
0x7e: {  	_ =	shalt  }
0x7f: {  	_ =	shalt  }
0x80: {  	_ =	shalt  }
0x81: {  	_ =	shalt  }
0x82: {  	_ =	shalt  }
0x83: {  	_ =	shalt  }
0x84: {  	_ =	shalt  }
0x85: {  	_ =	shalt  }
0x86: {  	_ =	shalt  }
0x87: {  	_ =	shalt  }
.Lfunc_end0:
.L_simem_size_0:
called_computation.1_lowered:
.L_overlay_start_0:
0x88: {  	s2 =	sld [smem:$0x3FD9]  }
0x89: {  	s3 =	sld [smem:$0x3FFE];
	_ =	sdelay $0x1  }
0x8a: {  	s1 =	srdreg.scid  }
0x8b: {  	s0 =	sand.u32 $0x1, s1  }
0x8c: {  	s14 =	sshll.u32 s0, $0xA;
	s2 =	sadd.s32 s3, s2  }
0x8d: {  	s2 =	sadd.s32 s2, s14  }
0x8e: {  	[smem:$0x3FBE] =	sst s2  }
0x8f: {  	_ = 	snop  }
0x90: {  	s2 =	sld [smem:$0x3FD0];
	_ =	sdelay $0x2  }
0x91: {  	s4 =	simm.s32 $0xA;
	s5 =	simm.s32 $0x10;
	s15 =	sld [smem:$0x3FC8]  }
0x92: {  	[smem:s5], [sflag:s4] =	dma.local [hbm:s2], $0x1  }
0x93: {  	_ =	swait.eq [sflag:s4], $0x1  }
0x94: {  	[sflag:s4] =	ssyncset.done $0x0  }
0x95: {  	[sflag:s4] =	ssyncadd.s32 $0xFFFFFFFF  }
0x96: {  	s16 =	sld [smem:$0x11];
	(tm) =	ssettm $0x1  }
0x97: {  	s17 =	sld [smem:$0x3FFB];
	_ =	sdelay $0x3  }
0x98: {  	_ =	strace s17  }
0x99: {  	s4 =	sld [smem:$0x3FFC];
	_ =	sdelay $0x3  }
0x9a: {  	_ =	strace s4  }
0x9b: {  	s4 =	sld [smem:$0x3FFD];
	_ =	sdelay $0x3  }
0x9c: {  	_ =	strace s4  }
0x9d: {  	_ =	strace $0x8FFFFFFF  }
0x9e: {  	s18 =	sld [smem:$0x3FDB];
	_ =	sdelay $0x1  }
0x9f: {  	s19 =	simm.s32 $_scs_section_size  }
0xa0: {  	s6 =	simm.s32 $_size__tile_overlayer_lowered;
	s7 =	simm.s32 $_tile_overlayer_lowered  }
0xa1: {  	s22 =	simm.s32 $0x1BFF;
	s21 =	sshll.u32 s7, $0x1;
	s4 =	sadd.s32 s19, s18  }
0xa2: {  	s8 =	simm.s32 $0x0;
	s20 =	sshll.u32 s6, $0x1;
	s6 =	sadd.s32 s21, s4  }
0xa3: {  	[timem:s8], [sflag:s22] =	dma.local [hbm:s6], s20  }
0xa4: {  	_ =	swait.ge [sflag:s22], s20  }
0xa5: {  	s5 =	ssub.s32 $0x0, s20;
	[sflag:s22] =	ssyncset.done $0x0  }
0xa6: {  	[sflag:s22] =	ssyncadd.s32 s5;
	_ =	sdelay $0x1  }
0xa7: {  	s23 =	simm.s32 $0x1B8B  }
0xa8: {  	_ =	swait.ge [sflag:s23], $0x1  }
0xa9: {  	[sflag:s23] =	ssyncset.done $0x0  }
0xaa: {  	s25 =	simm.s32 $0x1B8E;
	s24 =	sld [smem:$0x3FFE];
	[sflag:s23] =	ssyncadd.s32 $0xFFFFFFFF  }
0xab: {  	s26 =	simm.s32 $execute0_lowered;
	[smem:$0x3FD2] =	sst s25  }
0xac: {  	s6 =	sshll.u32 s26, $0x1;
	_ =	strace $0x80000049;
	[dreg:$0x1] =	wrdreg $0xFFFFFFFF  }
0xad: {  	s28 =	simm.s32 $_size_execute0_lowered;
	s4 =	sadd.s32 s4, s6;
	[dreg:$0x0] =	wrdreg $0x0  }
0xae: {  	s6 =	sshll.u32 s28, $0x1;
	[dreg:$0x2] =	wrdreg s4  }
0xaf: {  	[dreg:$0x3] =	wrdreg s6  }
0xb0: {  	[dreg:$0x4] =	wrdreg $0xC0  }
0xb1: {  	_ =	task [dreg:s8], $0x5FFFF  }
0xb2: {  	[dreg:$0x1] =	wrdreg $0xFFFFFFFF  }
0xb3: {  	[dreg:$0x0] =	wrdreg $0x60  }
0xb4: {  	[dreg:$0x2] =	wrdreg s16  }
0xb5: {  	[dreg:$0x3] =	wrdreg s15  }
0xb6: {  	[dreg:$0x4] =	wrdreg s24  }
0xb7: {  	[dreg:$0x5] =	wrdreg $0x82000  }
0xb8: {  	[dreg:$0x6] =	wrdreg $0x9  }
0xb9: {  	_ =	task.clear_ibuf [dreg:s8], $0x7FFFF;
	_ =	strace $0x90000049  }
0xba: {  	s29 =	simm.s32 $0x9;
	_ =	strace $0x8000004B  }
0xbb: {  	_ =	swait.ge [sflag:s29], $0x1  }
0xbc: {  	[sflag:s29] =	ssyncadd.s32 $0xFFFFFFFF  }
0xbd: {  	_ =	strace $0x9000004B  }
0xbe: {  	_ =	sfence  }
0xbf: {  	s30 =	sld [smem:$0x0];
	_ =	sdelay $0x2  }
0xc0: {  	s31 =	sshll.u32 s1, $0xD;
	s1 =	sshrl.u32 s1, $0x2  }
0xc1: {  	s3 =	sand.u32 $0x4000, s31;
	s1 =	sadd.s32 s1, s30  }
0xc2: {  	s0 =	sor.u32 s3, s0;
	s1 =	sshll.u32 s1, $0x11  }
0xc3: {  	s0 =	sor.u32 s1, s0  }
0xc4: {  	s0 =	sadd.s32 $0x8F2B, s0  }
0xc5: {  	[sflag:s0] =	ssyncadd.remote.s32 $0x1  }
0xc6: {  	_ =	sfence.sel $0xFFFF  }
0xc7: {  	[dreg:$0x0] =	wrdreg $0xFFFFFFFF;
	(pc) =	sbr.abs _section_cstart, $3  }
0xc8: {  	[dreg:$0x1] =	wrdreg $0xFFFFFFFF  }
0xc9: {  	_ =	task.clear_ibuf [dreg:s8], $0x2FFFF;
	_ =	strace $0x9FFFFFFF  }
0xca: {  	(tm) =	ssettm $0x7FFFFFFF  }
0xcb: {  	_ =	shalt  }
tec
execute0_lowered:
.L_overlay_start_1:
0x0: {  	(tag) =	ssettag $0x1  }
0x1: {  	s1 =	rddreg [dreg:$0x0]  }
0x2: {  	s7 =	rddreg [dreg:$0x1]  }
0x3: {  	s5 =	rddreg [dreg:$0x2]  }
0x4: {  	s0 =	stileid.u32;
	s2 =	srdreg.scid  }
0x5: {  	s3 =	rddreg [dreg:$0x3];
	s4 =	simm.s32 $0x0;
	s16 =	simm.s32 $0x200  }
0x6: {  	s17 =	simm.s32 $0x100;
	s18 =	simm.s32 $0x4200;
	s19 =	simm.s32 $0x1  }
0x7: {  	s20 =	simm.s32 $0x2;
	s12 =	sand.u32 $0x1, s2;
	s2 =	rddreg [dreg:$0x4]  }
0x8: {  	s21 =	simm.s32 $0x180;
	s6 =	smul.u32 $0x13C00, s0;
	[smem:$0x7FF] =	sst s4  }
0x9: {  	s9 =	smul.u32 $0x4F000, s0;
	s30 =	sshll.u32 s0, $0x5;
	s31 =	sshll.u32 s0, $0x6  }
0xa: {  	s8 =	smul.u32 $0x13C000, s12;
	_ =	strace $0x8000004A;
	s26 =	ssub.s32 $0x2, s12  }
0xb: {  	s11 =	sshll.u32 s12, $0x4;
	s15 =	sadd.s32 s30, s7;
	s12 =	sshll.u32 s12, $0x9  }
0xc: {  	s28 =	sshrl.u32 s26, $0x1;
	s9 =	sshrl.u32 s9, $0x2;
	s22 =	sor.u32 s0, s11  }
0xd: {  	s12 =	sadd.s32 s12, s15;
	s8 =	sadd.s32 s6, s8;
	s6 =	sshrl.u32 s6, $0x3  }
0xe: {  	s13 =	ssub.s32 s26, s28;
	s14 =	sadd.s32 s9, s3;
	s29 =	sshll.u32 s22, $0x5  }
0xf: {  	s9 =	sadd.s32 $0x13800, s15;
	s15 =	simm.s32 $0x80;
	p0 =	sgt.u32 s22, $0x3  }
0x10: {  	s22 =	simm.s32 $0x0;
	s8 =	sshrl.u32 s8, $0x3;
	s6 =	sadd.s32 s6, s5  }
0x11: {  	s11 =	smax.u32 s13, $0x1;
	s13 =	sshrl.u32 s14, $0x3;
	s14 =	simm.s32 $0x3  }
0x12: {  	s10 =	sadd.s32 s8, s5;
	s5 =	sadd.s32 $0x3800, s6;
	s6 =	sadd.s32 s7, s29  }
0x13: {  	s7 =	sor.u32 $0x1C03, s31;
	s8 =	sadd.s32 $0x400, s6;
	s10 =	sadd.s32 $0x7A000, s10  }
.LBB2_1:
0x14: {  	[spmem:s13], [sflag:s7] =	dma.local [hbm:s5], $0x2780  }
0x15: {  	_ =	swait.ge [sflag:s14], $0x2780  }
0x16: {  	[sflag:s14] =	ssyncset.done $0x0  }
0x17: {  	[sflag:s14] =	ssyncadd.s32 $0xFFFFD880  }
0x18: {  	[bflag:$0x0] =	sbarrier.arrive $0xFFFF  }
0x19: {  	[tilespmem:s4], [sflag:$0x3] =	stream.linear.gather [hbm4b:s6+s4], $0x100, $0x38;
	[tilespmem:$0x1BE00] =	vst v63  }
0x1a: {  	_ =	swait.ge [sflag:s14], $0x100  }
0x1b: {  	[sflag:s14] =	ssyncset.done $0x0  }
0x1c: {  	[sflag:s14] =	ssyncadd.s32 $0xFFFFFF00  }
0x1d: {  	[tilespmem:s16], [sflag:$0x1] =	stream.indirect.gather [hbm4b:s1+s15], $0x80, s4, s15, $0xb8;
	[tilespmem:$0x1BE00] =	vst v63  }
0x1e: {  	_ = 	snop  }
0x1f: {  	[tilespmem:s17], [sflag:$0x3] =	stream.linear.gather [hbm4b:s8+s4], $0x100, $0x38;
	[tilespmem:$0x1BE00] =	vst v63  }
0x20: {  	_ =	swait.ge [sflag:s14], $0x100  }
0x21: {  	[sflag:s14] =	ssyncset.done $0x0  }
0x22: {  	[sflag:s14] =	ssyncadd.s32 $0xFFFFFF00  }
0x23: {  	[tilespmem:s18], [sflag:$0x2] =	stream.indirect.gather [hbm4b:s1+s15], $0x80, s17, s15, $0xb8;
	[tilespmem:$0x1BE00] =	vst v63  }
0x24: {  	_ =	swait.ge [sflag:s19], $0x4000  }
0x25: {  	[sflag:s19] =	ssyncset.done $0x0  }
0x26: {  	[sflag:s19] =	ssyncadd.s32 $0xFFFFC000  }
0x27: {  	[spmem:s3] =	stream.indirect.scatter.add.f32 [tilespmem:s16], [sflag:$0x3], $0x80, s15, s15, $0xb8;
	[tilespmem:$0x1BE00] =	vst v63  }
0x28: {  	_ =	swait.ge [sflag:s14], $0x4000  }
0x29: {  	s23 =	sadd.s32 $0xFFFED000, s12;
	[sflag:s14] =	ssyncset.done $0x0  }
0x2a: {  	s24 =	sadd.s32 $0x13800, s23;
	[sflag:s14] =	ssyncadd.s32 $0xFFFFC000  }
0x2b: {  	[tilespmem:s4], [sflag:$0x3] =	stream.linear.gather [hbm4b:s24+s4], $0x100, $0x38;
	[tilespmem:$0x1BE00] =	vst v63  }
0x2c: {  	_ =	swait.ge [sflag:s14], $0x100  }
0x2d: {  	[sflag:s14] =	ssyncset.done $0x0  }
0x2e: {  	[sflag:s14] =	ssyncadd.s32 $0xFFFFFF00  }
0x2f: {  	[tilespmem:s16], [sflag:$0x1] =	stream.indirect.gather [hbm4b:s1+s15], $0x80, s4, s15, $0xb8;
	[tilespmem:$0x1BE00] =	vst v63  }
0x30: {  	_ =	swait.ge [sflag:s20], $0x4000  }
0x31: {  	[sflag:s20] =	ssyncset.done $0x0  }
0x32: {  	[sflag:s20] =	ssyncadd.s32 $0xFFFFC000  }
0x33: {  	[spmem:s3] =	stream.indirect.scatter.add.f32 [tilespmem:s18], [sflag:$0x3], $0x80, s21, s15, $0xb8;
	[tilespmem:$0x1BE00] =	vst v63  }
0x34: {  	_ =	swait.ge [sflag:s14], $0x4000  }
0x35: {  	[sflag:s14] =	ssyncset.done $0x0  }
0x36: {  	s23 =	sadd.s32 $0x13C00, s23;
	[sflag:s14] =	ssyncadd.s32 $0xFFFFC000  }
0x37: {  	[tilespmem:s17], [sflag:$0x3] =	stream.linear.gather [hbm4b:s23+s4], $0x100, $0x38;
	[tilespmem:$0x1BE00] =	vst v63  }
0x38: {  	_ =	swait.ge [sflag:s14], $0x100  }
0x39: {  	[sflag:s14] =	ssyncset.done $0x0  }
0x3a: {  	s23 =	simm.s32 $0xFFFED800;
	[sflag:s14] =	ssyncadd.s32 $0xFFFFFF00  }
.LBB2_2:
0x3b: {  	[tilespmem:s18], [sflag:$0x2] =	stream.indirect.gather [hbm4b:s1+s15], $0x80, s17, s15, $0xb8;
	[tilespmem:$0x1BE00] =	vst v63  }
0x3c: {  	s24 =	smov.u32 s23  }
0x3d: {  	p1 =	sne.s32 s23, $0xFFFFF800;
	s23 =	sadd.s32 $0x800, s23;
	_ =	swait.ge [sflag:s19], $0x4000  }
0x3e: {  	[sflag:s19] =	ssyncset.done $0x0  }
0x3f: {  	[sflag:s19] =	ssyncadd.s32 $0xFFFFC000  }
0x40: {  	[spmem:s3] =	stream.indirect.scatter.add.f32 [tilespmem:s16], [sflag:$0x3], $0x80, s15, s15, $0xb8;
	[tilespmem:$0x1BE00] =	vst v63  }
0x41: {  	_ =	swait.ge [sflag:s14], $0x4000  }
0x42: {  	s24 =	sadd.s32 s24, s12;
	[sflag:s14] =	ssyncset.done $0x0  }
0x43: {  	s25 =	sadd.s32 $0x13800, s24;
	[sflag:s14] =	ssyncadd.s32 $0xFFFFC000  }
0x44: {  	[tilespmem:s4], [sflag:$0x3] =	stream.linear.gather [hbm4b:s25+s4], $0x100, $0x38;
	[tilespmem:$0x1BE00] =	vst v63  }
0x45: {  	_ =	swait.ge [sflag:s14], $0x100  }
0x46: {  	[sflag:s14] =	ssyncset.done $0x0  }
0x47: {  	[sflag:s14] =	ssyncadd.s32 $0xFFFFFF00  }
0x48: {  	[tilespmem:s16], [sflag:$0x1] =	stream.indirect.gather [hbm4b:s1+s15], $0x80, s4, s15, $0xb8;
	[tilespmem:$0x1BE00] =	vst v63  }
0x49: {  	_ =	swait.ge [sflag:s20], $0x4000  }
0x4a: {  	[sflag:s20] =	ssyncset.done $0x0  }
0x4b: {  	[sflag:s20] =	ssyncadd.s32 $0xFFFFC000  }
0x4c: {  	[spmem:s3] =	stream.indirect.scatter.add.f32 [tilespmem:s18], [sflag:$0x3], $0x80, s21, s15, $0xb8;
	[tilespmem:$0x1BE00] =	vst v63  }
0x4d: {  	_ =	swait.ge [sflag:s14], $0x4000  }
0x4e: {  	[sflag:s14] =	ssyncset.done $0x0  }
.Ltmp0:
0x4f: {  	s24 =	sadd.s32 $0x13C00, s24;
	[sflag:s14] =	ssyncadd.s32 $0xFFFFC000;
	(pc) =	sbr.rel @p1 .LBB2_2-.Ltmp0, $4  }
0x50: {  	[tilespmem:s17], [sflag:$0x3] =	stream.linear.gather [hbm4b:s24+s4], $0x100, $0x38;
	[tilespmem:$0x1BE00] =	vst v63  }
0x51: {  	_ =	swait.ge [sflag:s14], $0x100  }
0x52: {  	[sflag:s14] =	ssyncset.done $0x0  }
0x53: {  	[sflag:s14] =	ssyncadd.s32 $0xFFFFFF00  }
0x54: {  	[tilespmem:s18], [sflag:$0x2] =	stream.indirect.gather [hbm4b:s1+s15], $0x80, s17, s15, $0xb8;
	[tilespmem:$0x1BE00] =	vst v63  }
0x55: {  	_ =	swait.ge [sflag:s19], $0x4000  }
0x56: {  	[sflag:s19] =	ssyncset.done $0x0  }
0x57: {  	[sflag:s19] =	ssyncadd.s32 $0xFFFFC000  }
0x58: {  	[spmem:s3] =	stream.indirect.scatter.add.f32 [tilespmem:s16], [sflag:$0x3], $0x80, s15, s15, $0xb8;
	[tilespmem:$0x1BE00] =	vst v63  }
0x59: {  	_ =	swait.ge [sflag:s14], $0x4000  }
0x5a: {  	[sflag:s14] =	ssyncset.done $0x0  }
0x5b: {  	[sflag:s14] =	ssyncadd.s32 $0xFFFFC000  }
0x5c: {  	_ =	swait.ge [sflag:s20], $0x4000  }
0x5d: {  	[sflag:s20] =	ssyncset.done $0x0  }
0x5e: {  	[sflag:s20] =	ssyncadd.s32 $0xFFFFC000  }
0x5f: {  	[spmem:s3] =	stream.indirect.scatter.add.f32 [tilespmem:s18], [sflag:$0x3], $0x80, s21, s15, $0xb8;
	[tilespmem:$0x1BE00] =	vst v63  }
0x60: {  	_ =	swait.ge [sflag:s14], $0x4000  }
0x61: {  	[sflag:s14] =	ssyncset.done $0x0  }
0x62: {  	s23 =	simm.s32 @!p0 $0x0;
	s24 =	simm.s32 @!p0 $0x3;
	[sflag:s14] =	ssyncadd.s32 $0xFFFFC000  }
0x63: {  	[tilespmem:s23], [sflag:$0x3] =	stream.linear.gather @!p0 [hbm4b:s9+s23], $0x100, $0x38;
	[tilespmem:$0x1BE00] =	vst v63  }
0x64: {  	_ =	swait.ge @!p0 [sflag:s24], $0x100  }
0x65: {  	[sflag:s24] =	ssyncset.done @!p0 $0x0  }
0x66: {  	s25 =	simm.s32 @!p0 $0x80;
	s26 =	simm.s32 @!p0 $0x200;
	[sflag:s24] =	ssyncadd.s32 @!p0 $0xFFFFFF00  }
0x67: {  	[tilespmem:s26], [sflag:$0x1] =	stream.indirect.gather @!p0 [hbm4b:s1+s25], $0x80, s23, s25, $0xb8;
	[tilespmem:$0x1BE00] =	vst v63  }
0x68: {  	s23 =	simm.s32 @!p0 $0x1  }
0x69: {  	_ =	swait.ge @!p0 [sflag:s23], $0x4000  }
0x6a: {  	[sflag:s23] =	ssyncset.done @!p0 $0x0  }
0x6b: {  	[sflag:s23] =	ssyncadd.s32 @!p0 $0xFFFFC000  }
0x6c: {  	[spmem:s3] =	stream.indirect.scatter.add.f32 @!p0 [tilespmem:s26], [sflag:$0x3], $0x80, s25, s25, $0xb8;
	[tilespmem:$0x1BE00] =	vst v63  }
0x6d: {  	_ =	swait.ge @!p0 [sflag:s24], $0x4000  }
0x6e: {  	s22 =	sadd.s32 $0x1, s22;
	[sflag:s24] =	ssyncset.done @!p0 $0x0  }
0x6f: {  	p1 =	sne.s32 s22, s11;
	[sflag:s24] =	ssyncadd.s32 @!p0 $0xFFFFC000  }
.Ltmp1:
0x70: {  	[bflag:$0x0] =	sbarrier.arrive $0xFFFF;
	(pc) =	sbr.rel @p1 .LBB2_1-.Ltmp1, $4  }
0x71: {  	[hbm:s10], [sflag:s7] =	dma.local [spmem:s13], $0x2780  }
0x72: {  	_ =	swait.ge [sflag:s14], $0x2780  }
0x73: {  	[sflag:s14] =	ssyncset.done $0x0  }
0x74: {  	[sflag:s14] =	ssyncadd.s32 $0xFFFFD880  }
0x75: {  	_ =	sfence.sel $0x180000  }
0x76: {  	[bflag:$0x0] =	sbarrier.arrive $0xFFFF  }
0x77: {  	p0 =	sne.s32 s0, $0x0;
	_ =	strace $0x9000004A  }
0x78: {  	s0 =	sadd.s32 @!p0 $0x100000, s2;
	[bflag:$0x2] =	sbarrier.arrive $0xFFFF  }
0x79: {  	[sflag:s0] =	ssyncadd.tile.s32 @!p0 $0x1;
	_ =	shalt  }
.Lfunc_end2:
_tile_overlayer_lowered:
.L_overlay_start_2:
0x7a: {  	(tag) =	ssettag $0x2  }
0x7b: {  	s0 =	rddreg [dreg:$0x0];
	s2 =	stileid.u32  }
0x7c: {  	s1 =	rddreg [dreg:$0x1];
	p0 =	sne.s32 s2, $0x0  }
0x7d: {  	s3 =	rddreg [dreg:$0x2];
	[bflag:$0x3] =	sbarrier.arrive $0xFFFF;
	s2 =	simm.s32 @!p0 $0x1C03  }
0x7e: {  	[timem:s3], [sflag:s2] =	dma.local @!p0 [hbm:s0], s1  }
0x7f: {  	s0 =	simm.s32 @!p0 $0x3  }
0x80: {  	_ =	swait.ge @!p0 [sflag:s0], s1  }
0x81: {  	s1 =	ssub.s32 @!p0 $0x0, s1;
	[sflag:s0] =	ssyncset.done @!p0 $0x0  }
0x82: {  	[sflag:s0] =	ssyncadd.s32 @!p0 s1  }
0x83: {  	[bflag:$0x3] =	sbarrier.arrive $0xFFFF  }
0x84: {  	_ =	shalt  }

// kernel: kernel.14.cloned.1.call-start
scs
__scs_entry_jumppad:
0x0: {  	(pc) =	sbr.rel $0x88, $3  }
0x1: {  	(tag) =	ssettag $0x0;
	lr =	simm.s32 $0x1  }
0x2: {  	[smem:$0x3F97] =	sst lr;
	_ =	strace $0xD0000000  }
0x3: {  	_ = 	snop  }
0x4: {  	_ = 	snop  }
0x5: {  	_ = 	snop  }
0x6: {  	_ = 	snop  }
0x7: {  	_ = 	snop  }
__scs_overlays_trampoline_lowered:
0x8: {  	[smem:$0x3FA6] =	sst s0  }
0x9: {  	[smem:$0x3FA7] =	sst s1  }
0xa: {  	[smem:$0x3FA8] =	sst s2  }
0xb: {  	[smem:$0x3FA9] =	sst s3  }
0xc: {  	[smem:$0x3FAA] =	sst s4  }
0xd: {  	[smem:$0x3FAB] =	sst s5  }
0xe: {  	[smem:$0x3FAC] =	sst s6  }
0xf: {  	[smem:$0x3FAD] =	sst s7  }
0x10: {  	[smem:$0x3FAE] =	sst s8  }
0x11: {  	[smem:$0x3FAF] =	sst s9;
	s0 =	simm.s32 @!p0 $0x0  }
0x12: {  	s1 =	sld [smem:$0x3F95];
	s0 =	simm.s32 @p0 $0x1  }
0x13: {  	[smem:$0x3FB0] =	sst s0;
	s0 =	simm.s32 @!p1 $0x0  }
0x14: {  	s2 =	sld [smem:$0x3F94];
	s0 =	simm.s32 @p1 $0x1  }
0x15: {  	[smem:$0x3FB1] =	sst s0;
	s0 =	simm.s32 @!p2 $0x0  }
0x16: {  	s3 =	sld [smem:$0x3FDB];
	s0 =	simm.s32 @p2 $0x1  }
0x17: {  	s4 =	simm.s32 $0x1BF5;
	[smem:$0x3FB3] =	sst s0  }
0x18: {  	s0 =	sld [smem:$0x3F96];
	_ =	swait.ge [sflag:s4], $0x0  }
0x19: {  	s7 =	sld [smem:$0x3F97]  }
0x1a: {  	s8 =	sadd.s32 $0xFFFFE003, lr  }
0x1b: {  	s9 =	sadd.s32 $0xFFFFFEF7, lr;
	s5 =	simm.s32 $0xFFFFFFFF;
	p2 =	slt.u32 s8, $0xFFFFF086  }
0x1c: {  	p1 =	slt.u32 s9, $0xF7A;
	s5 =	simm.s32 @!p2 $0x0  }
0x1d: {  	s5 =	simm.s32 @p1 $0x1;
	p0 =	seq.s32 s7, s2  }
0x1e: {  	s7 =	smul.u32 @!p0 $0xF7A, s2;
	p2 =	seq.s32 @!p0 s5, $0x0  }
0x1f: {  	s9 =	smul.u32 $0xF7A, s1;
	s8 =	simm.s32 @!p0 $0x1BF5;
	p2 =	por !p2, p0  }
0x20: {  	[sflag:s8] =	ssyncset.s32 @!p0 $0xFFFFF086;
	s6 =	sadd.s32 @!p0 s3, s7;
	s7 =	simm.s32 @!p0 $0x108  }
0x21: {  	s3 =	sadd.s32 s3, s9;
	s6 =	sadd.s32 @!p0 $0x88, s6;
	s7 =	simm.s32 @p2 $0x1082  }
0x22: {  	[simem:s7], [sflag:s8] =	dma.local @!p0 [hbm:s6], $0xF7A  }
0x23: {  	s9 =	sor.u32 $0xD0000000, s2;
	s6 =	simm.s32 $0x108;
	_ =	swait.ge @!p0 [sflag:s8], $0x0  }
0x24: {  	s3 =	sadd.s32 $0x88, s3;
	s6 =	simm.s32 @!p1 $0x1082;
	[sflag:s4] =	ssyncset.s32 $0xFFFFF086  }
0x25: {  	[simem:s6], [sflag:s4] =	dma.local [hbm:s3], $0xF7A  }
0x26: {  	[smem:$0x3F97] =	sst s1;
	(tag) =	ssettag s2;
	_ =	strace s9  }
0x27: {  	s1 =	sld [smem:$0x3FA7]  }
0x28: {  	s2 =	sld [smem:$0x3FA8]  }
0x29: {  	s4 =	sld [smem:$0x3FAA]  }
0x2a: {  	p0 =	seq.s32 s5, $0x0;
	s5 =	sld [smem:$0x3FAB]  }
0x2b: {  	s6 =	sld [smem:$0x3FAC]  }
0x2c: {  	s7 =	sld [smem:$0x3FAD]  }
0x2d: {  	s3 =	simm.s32 $0x108;
	s8 =	sld [smem:$0x3FAE]  }
0x2e: {  	s3 =	simm.s32 @!p0 $0x1082;
	s9 =	sld [smem:$0x3FAF]  }
0x2f: {  	lr =	sadd.s32 s0, s3;
	s0 =	sld [smem:$0x3FA6]  }
0x30: {  	s3 =	sld [smem:$0x3FA9]  }
0x31: {  	[smem:$0x3FB2] =	sst s10  }
0x32: {  	s10 =	sld [smem:$0x3FB0];
	_ =	sdelay $0x3  }
0x33: {  	p0 =	seq.s32 s10, $0x1;
	s10 =	sld [smem:$0x3FB2];
	_ =	sdelay $0x3  }
0x34: {  	[smem:$0x3FB2] =	sst s10  }
0x35: {  	s10 =	sld [smem:$0x3FB1];
	_ =	sdelay $0x3  }
0x36: {  	p1 =	seq.s32 s10, $0x1;
	s10 =	sld [smem:$0x3FB2];
	_ =	sdelay $0x3  }
0x37: {  	[smem:$0x3FB2] =	sst s10  }
0x38: {  	s10 =	sld [smem:$0x3FB3]  }
0x39: {  	_ = 	snop;
	(pc) =	sbr.ind lr, $3  }
0x3a: {  	_ = 	snop  }
0x3b: {  	_ = 	snop  }
0x3c: {  	p2 =	seq.s32 s10, $0x1;
	s10 =	sld [smem:$0x3FB2]  }
0x3d: {  	_ =	shalt  }
0x3e: {  	_ =	shalt  }
0x3f: {  	_ =	shalt  }
0x40: {  	_ =	shalt  }
0x41: {  	_ =	shalt  }
0x42: {  	_ =	shalt  }
0x43: {  	_ =	shalt  }
0x44: {  	_ =	shalt  }
0x45: {  	_ =	shalt  }
0x46: {  	_ =	shalt  }
0x47: {  	_ =	shalt  }
0x48: {  	_ =	shalt  }
0x49: {  	_ =	shalt  }
0x4a: {  	_ =	shalt  }
0x4b: {  	_ =	shalt  }
0x4c: {  	_ =	shalt  }
0x4d: {  	_ =	shalt  }
0x4e: {  	_ =	shalt  }
0x4f: {  	_ =	shalt  }
0x50: {  	_ =	shalt  }
0x51: {  	_ =	shalt  }
0x52: {  	_ =	shalt  }
0x53: {  	_ =	shalt  }
0x54: {  	_ =	shalt  }
0x55: {  	_ =	shalt  }
0x56: {  	_ =	shalt  }
0x57: {  	_ =	shalt  }
0x58: {  	_ =	shalt  }
0x59: {  	_ =	shalt  }
0x5a: {  	_ =	shalt  }
0x5b: {  	_ =	shalt  }
0x5c: {  	_ =	shalt  }
0x5d: {  	_ =	shalt  }
0x5e: {  	_ =	shalt  }
0x5f: {  	_ =	shalt  }
0x60: {  	_ =	shalt  }
0x61: {  	_ =	shalt  }
0x62: {  	_ =	shalt  }
0x63: {  	_ =	shalt  }
0x64: {  	_ =	shalt  }
0x65: {  	_ =	shalt  }
0x66: {  	_ =	shalt  }
0x67: {  	_ =	shalt  }
0x68: {  	_ =	shalt  }
0x69: {  	_ =	shalt  }
0x6a: {  	_ =	shalt  }
0x6b: {  	_ =	shalt  }
0x6c: {  	_ =	shalt  }
0x6d: {  	_ =	shalt  }
0x6e: {  	_ =	shalt  }
0x6f: {  	_ =	shalt  }
0x70: {  	_ =	shalt  }
0x71: {  	_ =	shalt  }
0x72: {  	_ =	shalt  }
0x73: {  	_ =	shalt  }
0x74: {  	_ =	shalt  }
0x75: {  	_ =	shalt  }
0x76: {  	_ =	shalt  }
0x77: {  	_ =	shalt  }
0x78: {  	_ =	shalt  }
0x79: {  	_ =	shalt  }
0x7a: {  	_ =	shalt  }
0x7b: {  	_ =	shalt  }
0x7c: {  	_ =	shalt  }
0x7d: {  	_ =	shalt  }
0x7e: {  	_ =	shalt  }
0x7f: {  	_ =	shalt  }
0x80: {  	_ =	shalt  }
0x81: {  	_ =	shalt  }
0x82: {  	_ =	shalt  }
0x83: {  	_ =	shalt  }
0x84: {  	_ =	shalt  }
0x85: {  	_ =	shalt  }
0x86: {  	_ =	shalt  }
0x87: {  	_ =	shalt  }
.Lfunc_end0:
.L_simem_size_0:
called_computation.2_lowered:
.L_overlay_start_0:
0x88: {  	s2 =	sld [smem:$0x3FD9]  }
0x89: {  	s3 =	sld [smem:$0x3FFE];
	_ =	sdelay $0x1  }
0x8a: {  	s1 =	srdreg.scid  }
0x8b: {  	s0 =	sand.u32 $0x1, s1  }
0x8c: {  	s14 =	sshll.u32 s0, $0xA;
	s2 =	sadd.s32 s3, s2  }
0x8d: {  	s2 =	sadd.s32 s2, s14  }
0x8e: {  	[smem:$0x3FBE] =	sst s2  }
0x8f: {  	_ = 	snop  }
0x90: {  	s2 =	sld [smem:$0x3FD0];
	_ =	sdelay $0x2  }
0x91: {  	s4 =	simm.s32 $0xA;
	s5 =	simm.s32 $0x10;
	s15 =	sld [smem:$0x3FC8]  }
0x92: {  	[smem:s5], [sflag:s4] =	dma.local [hbm:s2], $0x1  }
0x93: {  	_ =	swait.eq [sflag:s4], $0x1  }
0x94: {  	[sflag:s4] =	ssyncset.done $0x0  }
0x95: {  	[sflag:s4] =	ssyncadd.s32 $0xFFFFFFFF  }
0x96: {  	s16 =	sld [smem:$0x11];
	(tm) =	ssettm $0x1  }
0x97: {  	s17 =	sld [smem:$0x3FFB];
	_ =	sdelay $0x3  }
0x98: {  	_ =	strace s17  }
0x99: {  	s4 =	sld [smem:$0x3FFC];
	_ =	sdelay $0x3  }
0x9a: {  	_ =	strace s4  }
0x9b: {  	s4 =	sld [smem:$0x3FFD];
	_ =	sdelay $0x3  }
0x9c: {  	_ =	strace s4  }
0x9d: {  	_ =	strace $0x8FFFFFFF  }
0x9e: {  	s18 =	sld [smem:$0x3FDB];
	_ =	sdelay $0x1  }
0x9f: {  	s19 =	simm.s32 $_scs_section_size  }
0xa0: {  	s6 =	simm.s32 $_size__tile_overlayer_lowered;
	s7 =	simm.s32 $_tile_overlayer_lowered  }
0xa1: {  	s22 =	simm.s32 $0x1BFF;
	s21 =	sshll.u32 s7, $0x1;
	s4 =	sadd.s32 s19, s18  }
0xa2: {  	s8 =	simm.s32 $0x0;
	s20 =	sshll.u32 s6, $0x1;
	s6 =	sadd.s32 s21, s4  }
0xa3: {  	[timem:s8], [sflag:s22] =	dma.local [hbm:s6], s20  }
0xa4: {  	_ =	swait.ge [sflag:s22], s20  }
0xa5: {  	s5 =	ssub.s32 $0x0, s20;
	[sflag:s22] =	ssyncset.done $0x0  }
0xa6: {  	[sflag:s22] =	ssyncadd.s32 s5;
	_ =	sdelay $0x1  }
0xa7: {  	s23 =	simm.s32 $0x1B8B  }
0xa8: {  	_ =	swait.ge [sflag:s23], $0x1  }
0xa9: {  	[sflag:s23] =	ssyncset.done $0x0  }
0xaa: {  	s25 =	simm.s32 $0x1B8E;
	s24 =	sld [smem:$0x3FFE];
	[sflag:s23] =	ssyncadd.s32 $0xFFFFFFFF  }
0xab: {  	s26 =	simm.s32 $execute0_lowered;
	[smem:$0x3FD2] =	sst s25  }
0xac: {  	s6 =	sshll.u32 s26, $0x1;
	_ =	strace $0x8000004C;
	[dreg:$0x1] =	wrdreg $0xFFFFFFFF  }
0xad: {  	s28 =	simm.s32 $_size_execute0_lowered;
	s4 =	sadd.s32 s4, s6;
	[dreg:$0x0] =	wrdreg $0x0  }
0xae: {  	s6 =	sshll.u32 s28, $0x1;
	[dreg:$0x2] =	wrdreg s4  }
0xaf: {  	[dreg:$0x3] =	wrdreg s6  }
0xb0: {  	[dreg:$0x4] =	wrdreg $0xC0  }
0xb1: {  	_ =	task [dreg:s8], $0x5FFFF  }
0xb2: {  	[dreg:$0x1] =	wrdreg $0xFFFFFFFF  }
0xb3: {  	[dreg:$0x0] =	wrdreg $0x60  }
0xb4: {  	[dreg:$0x2] =	wrdreg s16  }
0xb5: {  	[dreg:$0x3] =	wrdreg s15  }
0xb6: {  	[dreg:$0x4] =	wrdreg s24  }
0xb7: {  	[dreg:$0x5] =	wrdreg $0x82000  }
0xb8: {  	[dreg:$0x6] =	wrdreg $0x9  }
0xb9: {  	_ =	task.clear_ibuf [dreg:s8], $0x7FFFF;
	_ =	strace $0x9000004C  }
0xba: {  	s29 =	simm.s32 $0x9;
	_ =	strace $0x8000004E  }
0xbb: {  	_ =	swait.ge [sflag:s29], $0x1  }
0xbc: {  	[sflag:s29] =	ssyncadd.s32 $0xFFFFFFFF  }
0xbd: {  	_ =	strace $0x9000004E  }
0xbe: {  	_ =	sfence  }
0xbf: {  	s30 =	sld [smem:$0x0];
	_ =	sdelay $0x2  }
0xc0: {  	s31 =	sshll.u32 s1, $0xD;
	s1 =	sshrl.u32 s1, $0x2  }
0xc1: {  	s3 =	sand.u32 $0x4000, s31;
	s1 =	sadd.s32 s1, s30  }
0xc2: {  	s0 =	sor.u32 s3, s0;
	s1 =	sshll.u32 s1, $0x11  }
0xc3: {  	s0 =	sor.u32 s1, s0  }
0xc4: {  	s0 =	sadd.s32 $0x8F2B, s0  }
0xc5: {  	[sflag:s0] =	ssyncadd.remote.s32 $0x1  }
0xc6: {  	_ =	sfence.sel $0xFFFF  }
0xc7: {  	[dreg:$0x0] =	wrdreg $0xFFFFFFFF;
	(pc) =	sbr.abs _section_cstart, $3  }
0xc8: {  	[dreg:$0x1] =	wrdreg $0xFFFFFFFF  }
0xc9: {  	_ =	task.clear_ibuf [dreg:s8], $0x2FFFF;
	_ =	strace $0x9FFFFFFF  }
0xca: {  	(tm) =	ssettm $0x7FFFFFFF  }
0xcb: {  	_ =	shalt  }
tec
execute0_lowered:
.L_overlay_start_1:
0x0: {  	(tag) =	ssettag $0x1  }
0x1: {  	s1 =	rddreg [dreg:$0x0]  }
0x2: {  	s7 =	rddreg [dreg:$0x1]  }
0x3: {  	s5 =	rddreg [dreg:$0x2]  }
0x4: {  	s0 =	stileid.u32;
	s2 =	srdreg.scid  }
0x5: {  	s3 =	rddreg [dreg:$0x3];
	s4 =	simm.s32 $0x0;
	s16 =	simm.s32 $0x200  }
0x6: {  	s17 =	simm.s32 $0x100;
	s18 =	simm.s32 $0x4200;
	s19 =	simm.s32 $0x1  }
0x7: {  	s20 =	simm.s32 $0x2;
	s12 =	sand.u32 $0x1, s2;
	s2 =	rddreg [dreg:$0x4]  }
0x8: {  	s21 =	simm.s32 $0x180;
	s6 =	smul.u32 $0x13C00, s0;
	[smem:$0x7FF] =	sst s4  }
0x9: {  	s9 =	smul.u32 $0x4F000, s0;
	s30 =	sshll.u32 s0, $0x5;
	s31 =	sshll.u32 s0, $0x6  }
0xa: {  	s8 =	smul.u32 $0x13C000, s12;
	_ =	strace $0x8000004D;
	s26 =	ssub.s32 $0x2, s12  }
0xb: {  	s11 =	sshll.u32 s12, $0x4;
	s15 =	sadd.s32 s30, s7;
	s12 =	sshll.u32 s12, $0x9  }
0xc: {  	s28 =	sshrl.u32 s26, $0x1;
	s9 =	sshrl.u32 s9, $0x2;
	s22 =	sor.u32 s0, s11  }
0xd: {  	s12 =	sadd.s32 s12, s15;
	s8 =	sadd.s32 s6, s8;
	s6 =	sshrl.u32 s6, $0x3  }
0xe: {  	s13 =	ssub.s32 s26, s28;
	s14 =	sadd.s32 s9, s3;
	s29 =	sshll.u32 s22, $0x5  }
0xf: {  	s9 =	sadd.s32 $0x13800, s15;
	s15 =	simm.s32 $0x80;
	p0 =	sgt.u32 s22, $0x3  }
0x10: {  	s22 =	simm.s32 $0x0;
	s8 =	sshrl.u32 s8, $0x3;
	s6 =	sadd.s32 s6, s5  }
0x11: {  	s11 =	smax.u32 s13, $0x1;
	s13 =	sshrl.u32 s14, $0x3;
	s14 =	simm.s32 $0x3  }
0x12: {  	s10 =	sadd.s32 s8, s5;
	s5 =	sadd.s32 $0x3800, s6;
	s6 =	sadd.s32 s7, s29  }
0x13: {  	s7 =	sor.u32 $0x1C03, s31;
	s8 =	sadd.s32 $0x400, s6;
	s10 =	sadd.s32 $0x2B000, s10  }
.LBB2_1:
0x14: {  	[spmem:s13], [sflag:s7] =	dma.local [hbm:s5], $0x2780  }
0x15: {  	_ =	swait.ge [sflag:s14], $0x2780  }
0x16: {  	[sflag:s14] =	ssyncset.done $0x0  }
0x17: {  	[sflag:s14] =	ssyncadd.s32 $0xFFFFD880  }
0x18: {  	[bflag:$0x0] =	sbarrier.arrive $0xFFFF  }
0x19: {  	[tilespmem:s4], [sflag:$0x3] =	stream.linear.gather [hbm4b:s6+s4], $0x100, $0x38;
	[tilespmem:$0x1BE00] =	vst v63  }
0x1a: {  	_ =	swait.ge [sflag:s14], $0x100  }
0x1b: {  	[sflag:s14] =	ssyncset.done $0x0  }
0x1c: {  	[sflag:s14] =	ssyncadd.s32 $0xFFFFFF00  }
0x1d: {  	[tilespmem:s16], [sflag:$0x1] =	stream.indirect.gather [hbm4b:s1+s15], $0x80, s4, s15, $0xb8;
	[tilespmem:$0x1BE00] =	vst v63  }
0x1e: {  	_ = 	snop  }
0x1f: {  	[tilespmem:s17], [sflag:$0x3] =	stream.linear.gather [hbm4b:s8+s4], $0x100, $0x38;
	[tilespmem:$0x1BE00] =	vst v63  }
0x20: {  	_ =	swait.ge [sflag:s14], $0x100  }
0x21: {  	[sflag:s14] =	ssyncset.done $0x0  }
0x22: {  	[sflag:s14] =	ssyncadd.s32 $0xFFFFFF00  }
0x23: {  	[tilespmem:s18], [sflag:$0x2] =	stream.indirect.gather [hbm4b:s1+s15], $0x80, s17, s15, $0xb8;
	[tilespmem:$0x1BE00] =	vst v63  }
0x24: {  	_ =	swait.ge [sflag:s19], $0x4000  }
0x25: {  	[sflag:s19] =	ssyncset.done $0x0  }
0x26: {  	[sflag:s19] =	ssyncadd.s32 $0xFFFFC000  }
0x27: {  	[spmem:s3] =	stream.indirect.scatter.add.f32 [tilespmem:s16], [sflag:$0x3], $0x80, s15, s15, $0xb8;
	[tilespmem:$0x1BE00] =	vst v63  }
0x28: {  	_ =	swait.ge [sflag:s14], $0x4000  }
0x29: {  	s23 =	sadd.s32 $0xFFFED000, s12;
	[sflag:s14] =	ssyncset.done $0x0  }
0x2a: {  	s24 =	sadd.s32 $0x13800, s23;
	[sflag:s14] =	ssyncadd.s32 $0xFFFFC000  }
0x2b: {  	[tilespmem:s4], [sflag:$0x3] =	stream.linear.gather [hbm4b:s24+s4], $0x100, $0x38;
	[tilespmem:$0x1BE00] =	vst v63  }
0x2c: {  	_ =	swait.ge [sflag:s14], $0x100  }
0x2d: {  	[sflag:s14] =	ssyncset.done $0x0  }
0x2e: {  	[sflag:s14] =	ssyncadd.s32 $0xFFFFFF00  }
0x2f: {  	[tilespmem:s16], [sflag:$0x1] =	stream.indirect.gather [hbm4b:s1+s15], $0x80, s4, s15, $0xb8;
	[tilespmem:$0x1BE00] =	vst v63  }
0x30: {  	_ =	swait.ge [sflag:s20], $0x4000  }
0x31: {  	[sflag:s20] =	ssyncset.done $0x0  }
0x32: {  	[sflag:s20] =	ssyncadd.s32 $0xFFFFC000  }
0x33: {  	[spmem:s3] =	stream.indirect.scatter.add.f32 [tilespmem:s18], [sflag:$0x3], $0x80, s21, s15, $0xb8;
	[tilespmem:$0x1BE00] =	vst v63  }
0x34: {  	_ =	swait.ge [sflag:s14], $0x4000  }
0x35: {  	[sflag:s14] =	ssyncset.done $0x0  }
0x36: {  	s23 =	sadd.s32 $0x13C00, s23;
	[sflag:s14] =	ssyncadd.s32 $0xFFFFC000  }
0x37: {  	[tilespmem:s17], [sflag:$0x3] =	stream.linear.gather [hbm4b:s23+s4], $0x100, $0x38;
	[tilespmem:$0x1BE00] =	vst v63  }
0x38: {  	_ =	swait.ge [sflag:s14], $0x100  }
0x39: {  	[sflag:s14] =	ssyncset.done $0x0  }
0x3a: {  	s23 =	simm.s32 $0xFFFED800;
	[sflag:s14] =	ssyncadd.s32 $0xFFFFFF00  }
.LBB2_2:
0x3b: {  	[tilespmem:s18], [sflag:$0x2] =	stream.indirect.gather [hbm4b:s1+s15], $0x80, s17, s15, $0xb8;
	[tilespmem:$0x1BE00] =	vst v63  }
0x3c: {  	s24 =	smov.u32 s23  }
0x3d: {  	p1 =	sne.s32 s23, $0xFFFFF800;
	s23 =	sadd.s32 $0x800, s23;
	_ =	swait.ge [sflag:s19], $0x4000  }
0x3e: {  	[sflag:s19] =	ssyncset.done $0x0  }
0x3f: {  	[sflag:s19] =	ssyncadd.s32 $0xFFFFC000  }
0x40: {  	[spmem:s3] =	stream.indirect.scatter.add.f32 [tilespmem:s16], [sflag:$0x3], $0x80, s15, s15, $0xb8;
	[tilespmem:$0x1BE00] =	vst v63  }
0x41: {  	_ =	swait.ge [sflag:s14], $0x4000  }
0x42: {  	s24 =	sadd.s32 s24, s12;
	[sflag:s14] =	ssyncset.done $0x0  }
0x43: {  	s25 =	sadd.s32 $0x13800, s24;
	[sflag:s14] =	ssyncadd.s32 $0xFFFFC000  }
0x44: {  	[tilespmem:s4], [sflag:$0x3] =	stream.linear.gather [hbm4b:s25+s4], $0x100, $0x38;
	[tilespmem:$0x1BE00] =	vst v63  }
0x45: {  	_ =	swait.ge [sflag:s14], $0x100  }
0x46: {  	[sflag:s14] =	ssyncset.done $0x0  }
0x47: {  	[sflag:s14] =	ssyncadd.s32 $0xFFFFFF00  }
0x48: {  	[tilespmem:s16], [sflag:$0x1] =	stream.indirect.gather [hbm4b:s1+s15], $0x80, s4, s15, $0xb8;
	[tilespmem:$0x1BE00] =	vst v63  }
0x49: {  	_ =	swait.ge [sflag:s20], $0x4000  }
0x4a: {  	[sflag:s20] =	ssyncset.done $0x0  }
0x4b: {  	[sflag:s20] =	ssyncadd.s32 $0xFFFFC000  }
0x4c: {  	[spmem:s3] =	stream.indirect.scatter.add.f32 [tilespmem:s18], [sflag:$0x3], $0x80, s21, s15, $0xb8;
	[tilespmem:$0x1BE00] =	vst v63  }
0x4d: {  	_ =	swait.ge [sflag:s14], $0x4000  }
0x4e: {  	[sflag:s14] =	ssyncset.done $0x0  }
.Ltmp0:
0x4f: {  	s24 =	sadd.s32 $0x13C00, s24;
	[sflag:s14] =	ssyncadd.s32 $0xFFFFC000;
	(pc) =	sbr.rel @p1 .LBB2_2-.Ltmp0, $4  }
0x50: {  	[tilespmem:s17], [sflag:$0x3] =	stream.linear.gather [hbm4b:s24+s4], $0x100, $0x38;
	[tilespmem:$0x1BE00] =	vst v63  }
0x51: {  	_ =	swait.ge [sflag:s14], $0x100  }
0x52: {  	[sflag:s14] =	ssyncset.done $0x0  }
0x53: {  	[sflag:s14] =	ssyncadd.s32 $0xFFFFFF00  }
0x54: {  	[tilespmem:s18], [sflag:$0x2] =	stream.indirect.gather [hbm4b:s1+s15], $0x80, s17, s15, $0xb8;
	[tilespmem:$0x1BE00] =	vst v63  }
0x55: {  	_ =	swait.ge [sflag:s19], $0x4000  }
0x56: {  	[sflag:s19] =	ssyncset.done $0x0  }
0x57: {  	[sflag:s19] =	ssyncadd.s32 $0xFFFFC000  }
0x58: {  	[spmem:s3] =	stream.indirect.scatter.add.f32 [tilespmem:s16], [sflag:$0x3], $0x80, s15, s15, $0xb8;
	[tilespmem:$0x1BE00] =	vst v63  }
0x59: {  	_ =	swait.ge [sflag:s14], $0x4000  }
0x5a: {  	[sflag:s14] =	ssyncset.done $0x0  }
0x5b: {  	[sflag:s14] =	ssyncadd.s32 $0xFFFFC000  }
0x5c: {  	_ =	swait.ge [sflag:s20], $0x4000  }
0x5d: {  	[sflag:s20] =	ssyncset.done $0x0  }
0x5e: {  	[sflag:s20] =	ssyncadd.s32 $0xFFFFC000  }
0x5f: {  	[spmem:s3] =	stream.indirect.scatter.add.f32 [tilespmem:s18], [sflag:$0x3], $0x80, s21, s15, $0xb8;
	[tilespmem:$0x1BE00] =	vst v63  }
0x60: {  	_ =	swait.ge [sflag:s14], $0x4000  }
0x61: {  	[sflag:s14] =	ssyncset.done $0x0  }
0x62: {  	s23 =	simm.s32 @!p0 $0x0;
	s24 =	simm.s32 @!p0 $0x3;
	[sflag:s14] =	ssyncadd.s32 $0xFFFFC000  }
0x63: {  	[tilespmem:s23], [sflag:$0x3] =	stream.linear.gather @!p0 [hbm4b:s9+s23], $0x100, $0x38;
	[tilespmem:$0x1BE00] =	vst v63  }
0x64: {  	_ =	swait.ge @!p0 [sflag:s24], $0x100  }
0x65: {  	[sflag:s24] =	ssyncset.done @!p0 $0x0  }
0x66: {  	s25 =	simm.s32 @!p0 $0x80;
	s26 =	simm.s32 @!p0 $0x200;
	[sflag:s24] =	ssyncadd.s32 @!p0 $0xFFFFFF00  }
0x67: {  	[tilespmem:s26], [sflag:$0x1] =	stream.indirect.gather @!p0 [hbm4b:s1+s25], $0x80, s23, s25, $0xb8;
	[tilespmem:$0x1BE00] =	vst v63  }
0x68: {  	s23 =	simm.s32 @!p0 $0x1  }
0x69: {  	_ =	swait.ge @!p0 [sflag:s23], $0x4000  }
0x6a: {  	[sflag:s23] =	ssyncset.done @!p0 $0x0  }
0x6b: {  	[sflag:s23] =	ssyncadd.s32 @!p0 $0xFFFFC000  }
0x6c: {  	[spmem:s3] =	stream.indirect.scatter.add.f32 @!p0 [tilespmem:s26], [sflag:$0x3], $0x80, s25, s25, $0xb8;
	[tilespmem:$0x1BE00] =	vst v63  }
0x6d: {  	_ =	swait.ge @!p0 [sflag:s24], $0x4000  }
0x6e: {  	s22 =	sadd.s32 $0x1, s22;
	[sflag:s24] =	ssyncset.done @!p0 $0x0  }
0x6f: {  	p1 =	sne.s32 s22, s11;
	[sflag:s24] =	ssyncadd.s32 @!p0 $0xFFFFC000  }
.Ltmp1:
0x70: {  	[bflag:$0x0] =	sbarrier.arrive $0xFFFF;
	(pc) =	sbr.rel @p1 .LBB2_1-.Ltmp1, $4  }
0x71: {  	[hbm:s10], [sflag:s7] =	dma.local [spmem:s13], $0x2780  }
0x72: {  	_ =	swait.ge [sflag:s14], $0x2780  }
0x73: {  	[sflag:s14] =	ssyncset.done $0x0  }
0x74: {  	[sflag:s14] =	ssyncadd.s32 $0xFFFFD880  }
0x75: {  	_ =	sfence.sel $0x180000  }
0x76: {  	[bflag:$0x0] =	sbarrier.arrive $0xFFFF  }
0x77: {  	p0 =	sne.s32 s0, $0x0;
	_ =	strace $0x9000004D  }
0x78: {  	s0 =	sadd.s32 @!p0 $0x100000, s2;
	[bflag:$0x2] =	sbarrier.arrive $0xFFFF  }
0x79: {  	[sflag:s0] =	ssyncadd.tile.s32 @!p0 $0x1;
	_ =	shalt  }
.Lfunc_end2:
_tile_overlayer_lowered:
.L_overlay_start_2:
0x7a: {  	(tag) =	ssettag $0x2  }
0x7b: {  	s0 =	rddreg [dreg:$0x0];
	s2 =	stileid.u32  }
0x7c: {  	s1 =	rddreg [dreg:$0x1];
	p0 =	sne.s32 s2, $0x0  }
0x7d: {  	s3 =	rddreg [dreg:$0x2];
	[bflag:$0x3] =	sbarrier.arrive $0xFFFF;
	s2 =	simm.s32 @!p0 $0x1C03  }
0x7e: {  	[timem:s3], [sflag:s2] =	dma.local @!p0 [hbm:s0], s1  }
0x7f: {  	s0 =	simm.s32 @!p0 $0x3  }
0x80: {  	_ =	swait.ge @!p0 [sflag:s0], s1  }
0x81: {  	s1 =	ssub.s32 @!p0 $0x0, s1;
	[sflag:s0] =	ssyncset.done @!p0 $0x0  }
0x82: {  	[sflag:s0] =	ssyncadd.s32 @!p0 s1  }
0x83: {  	[bflag:$0x3] =	sbarrier.arrive $0xFFFF  }
0x84: {  	_ =	shalt  }

// kernel: kernel.8.cloned.1.call-start
scs
__scs_entry_jumppad:
0x0: {  	(pc) =	sbr.rel $0x88, $3  }
0x1: {  	(tag) =	ssettag $0x0;
	lr =	simm.s32 $0x1  }
0x2: {  	[smem:$0x3F97] =	sst lr;
	_ =	strace $0xD0000000  }
0x3: {  	_ = 	snop  }
0x4: {  	_ = 	snop  }
0x5: {  	_ = 	snop  }
0x6: {  	_ = 	snop  }
0x7: {  	_ = 	snop  }
__scs_overlays_trampoline_lowered:
0x8: {  	[smem:$0x3FA6] =	sst s0  }
0x9: {  	[smem:$0x3FA7] =	sst s1  }
0xa: {  	[smem:$0x3FA8] =	sst s2  }
0xb: {  	[smem:$0x3FA9] =	sst s3  }
0xc: {  	[smem:$0x3FAA] =	sst s4  }
0xd: {  	[smem:$0x3FAB] =	sst s5  }
0xe: {  	[smem:$0x3FAC] =	sst s6  }
0xf: {  	[smem:$0x3FAD] =	sst s7  }
0x10: {  	[smem:$0x3FAE] =	sst s8  }
0x11: {  	[smem:$0x3FAF] =	sst s9;
	s0 =	simm.s32 @!p0 $0x0  }
0x12: {  	s1 =	sld [smem:$0x3F95];
	s0 =	simm.s32 @p0 $0x1  }
0x13: {  	[smem:$0x3FB0] =	sst s0;
	s0 =	simm.s32 @!p1 $0x0  }
0x14: {  	s2 =	sld [smem:$0x3F94];
	s0 =	simm.s32 @p1 $0x1  }
0x15: {  	[smem:$0x3FB1] =	sst s0;
	s0 =	simm.s32 @!p2 $0x0  }
0x16: {  	s3 =	sld [smem:$0x3FDB];
	s0 =	simm.s32 @p2 $0x1  }
0x17: {  	s4 =	simm.s32 $0x1BF5;
	[smem:$0x3FB3] =	sst s0  }
0x18: {  	s0 =	sld [smem:$0x3F96];
	_ =	swait.ge [sflag:s4], $0x0  }
0x19: {  	s7 =	sld [smem:$0x3F97]  }
0x1a: {  	s8 =	sadd.s32 $0xFFFFE003, lr  }
0x1b: {  	s9 =	sadd.s32 $0xFFFFFEF7, lr;
	s5 =	simm.s32 $0xFFFFFFFF;
	p2 =	slt.u32 s8, $0xFFFFF086  }
0x1c: {  	p1 =	slt.u32 s9, $0xF7A;
	s5 =	simm.s32 @!p2 $0x0  }
0x1d: {  	s5 =	simm.s32 @p1 $0x1;
	p0 =	seq.s32 s7, s2  }
0x1e: {  	s7 =	smul.u32 @!p0 $0xF7A, s2;
	p2 =	seq.s32 @!p0 s5, $0x0  }
0x1f: {  	s9 =	smul.u32 $0xF7A, s1;
	s8 =	simm.s32 @!p0 $0x1BF5;
	p2 =	por !p2, p0  }
0x20: {  	[sflag:s8] =	ssyncset.s32 @!p0 $0xFFFFF086;
	s6 =	sadd.s32 @!p0 s3, s7;
	s7 =	simm.s32 @!p0 $0x108  }
0x21: {  	s3 =	sadd.s32 s3, s9;
	s6 =	sadd.s32 @!p0 $0x88, s6;
	s7 =	simm.s32 @p2 $0x1082  }
0x22: {  	[simem:s7], [sflag:s8] =	dma.local @!p0 [hbm:s6], $0xF7A  }
0x23: {  	s9 =	sor.u32 $0xD0000000, s2;
	s6 =	simm.s32 $0x108;
	_ =	swait.ge @!p0 [sflag:s8], $0x0  }
0x24: {  	s3 =	sadd.s32 $0x88, s3;
	s6 =	simm.s32 @!p1 $0x1082;
	[sflag:s4] =	ssyncset.s32 $0xFFFFF086  }
0x25: {  	[simem:s6], [sflag:s4] =	dma.local [hbm:s3], $0xF7A  }
0x26: {  	[smem:$0x3F97] =	sst s1;
	(tag) =	ssettag s2;
	_ =	strace s9  }
0x27: {  	s1 =	sld [smem:$0x3FA7]  }
0x28: {  	s2 =	sld [smem:$0x3FA8]  }
0x29: {  	s4 =	sld [smem:$0x3FAA]  }
0x2a: {  	p0 =	seq.s32 s5, $0x0;
	s5 =	sld [smem:$0x3FAB]  }
0x2b: {  	s6 =	sld [smem:$0x3FAC]  }
0x2c: {  	s7 =	sld [smem:$0x3FAD]  }
0x2d: {  	s3 =	simm.s32 $0x108;
	s8 =	sld [smem:$0x3FAE]  }
0x2e: {  	s3 =	simm.s32 @!p0 $0x1082;
	s9 =	sld [smem:$0x3FAF]  }
0x2f: {  	lr =	sadd.s32 s0, s3;
	s0 =	sld [smem:$0x3FA6]  }
0x30: {  	s3 =	sld [smem:$0x3FA9]  }
0x31: {  	[smem:$0x3FB2] =	sst s10  }
0x32: {  	s10 =	sld [smem:$0x3FB0];
	_ =	sdelay $0x3  }
0x33: {  	p0 =	seq.s32 s10, $0x1;
	s10 =	sld [smem:$0x3FB2];
	_ =	sdelay $0x3  }
0x34: {  	[smem:$0x3FB2] =	sst s10  }
0x35: {  	s10 =	sld [smem:$0x3FB1];
	_ =	sdelay $0x3  }
0x36: {  	p1 =	seq.s32 s10, $0x1;
	s10 =	sld [smem:$0x3FB2];
	_ =	sdelay $0x3  }
0x37: {  	[smem:$0x3FB2] =	sst s10  }
0x38: {  	s10 =	sld [smem:$0x3FB3]  }
0x39: {  	_ = 	snop;
	(pc) =	sbr.ind lr, $3  }
0x3a: {  	_ = 	snop  }
0x3b: {  	_ = 	snop  }
0x3c: {  	p2 =	seq.s32 s10, $0x1;
	s10 =	sld [smem:$0x3FB2]  }
0x3d: {  	_ =	shalt  }
0x3e: {  	_ =	shalt  }
0x3f: {  	_ =	shalt  }
0x40: {  	_ =	shalt  }
0x41: {  	_ =	shalt  }
0x42: {  	_ =	shalt  }
0x43: {  	_ =	shalt  }
0x44: {  	_ =	shalt  }
0x45: {  	_ =	shalt  }
0x46: {  	_ =	shalt  }
0x47: {  	_ =	shalt  }
0x48: {  	_ =	shalt  }
0x49: {  	_ =	shalt  }
0x4a: {  	_ =	shalt  }
0x4b: {  	_ =	shalt  }
0x4c: {  	_ =	shalt  }
0x4d: {  	_ =	shalt  }
0x4e: {  	_ =	shalt  }
0x4f: {  	_ =	shalt  }
0x50: {  	_ =	shalt  }
0x51: {  	_ =	shalt  }
0x52: {  	_ =	shalt  }
0x53: {  	_ =	shalt  }
0x54: {  	_ =	shalt  }
0x55: {  	_ =	shalt  }
0x56: {  	_ =	shalt  }
0x57: {  	_ =	shalt  }
0x58: {  	_ =	shalt  }
0x59: {  	_ =	shalt  }
0x5a: {  	_ =	shalt  }
0x5b: {  	_ =	shalt  }
0x5c: {  	_ =	shalt  }
0x5d: {  	_ =	shalt  }
0x5e: {  	_ =	shalt  }
0x5f: {  	_ =	shalt  }
0x60: {  	_ =	shalt  }
0x61: {  	_ =	shalt  }
0x62: {  	_ =	shalt  }
0x63: {  	_ =	shalt  }
0x64: {  	_ =	shalt  }
0x65: {  	_ =	shalt  }
0x66: {  	_ =	shalt  }
0x67: {  	_ =	shalt  }
0x68: {  	_ =	shalt  }
0x69: {  	_ =	shalt  }
0x6a: {  	_ =	shalt  }
0x6b: {  	_ =	shalt  }
0x6c: {  	_ =	shalt  }
0x6d: {  	_ =	shalt  }
0x6e: {  	_ =	shalt  }
0x6f: {  	_ =	shalt  }
0x70: {  	_ =	shalt  }
0x71: {  	_ =	shalt  }
0x72: {  	_ =	shalt  }
0x73: {  	_ =	shalt  }
0x74: {  	_ =	shalt  }
0x75: {  	_ =	shalt  }
0x76: {  	_ =	shalt  }
0x77: {  	_ =	shalt  }
0x78: {  	_ =	shalt  }
0x79: {  	_ =	shalt  }
0x7a: {  	_ =	shalt  }
0x7b: {  	_ =	shalt  }
0x7c: {  	_ =	shalt  }
0x7d: {  	_ =	shalt  }
0x7e: {  	_ =	shalt  }
0x7f: {  	_ =	shalt  }
0x80: {  	_ =	shalt  }
0x81: {  	_ =	shalt  }
0x82: {  	_ =	shalt  }
0x83: {  	_ =	shalt  }
0x84: {  	_ =	shalt  }
0x85: {  	_ =	shalt  }
0x86: {  	_ =	shalt  }
0x87: {  	_ =	shalt  }
.Lfunc_end0:
.L_simem_size_0:
called_computation_lowered:
.L_overlay_start_0:
0x88: {  	s2 =	sld [smem:$0x3FD9]  }
0x89: {  	s3 =	sld [smem:$0x3FFE];
	_ =	sdelay $0x1  }
0x8a: {  	s1 =	srdreg.scid  }
0x8b: {  	s0 =	sand.u32 $0x1, s1  }
0x8c: {  	s14 =	sshll.u32 s0, $0xA;
	s2 =	sadd.s32 s3, s2  }
0x8d: {  	s2 =	sadd.s32 s2, s14  }
0x8e: {  	[smem:$0x3FBE] =	sst s2  }
0x8f: {  	_ = 	snop  }
0x90: {  	s2 =	sld [smem:$0x3FD0];
	_ =	sdelay $0x2  }
0x91: {  	s4 =	simm.s32 $0xA;
	s5 =	simm.s32 $0x10;
	s15 =	sld [smem:$0x3FC8]  }
0x92: {  	[smem:s5], [sflag:s4] =	dma.local [hbm:s2], $0x1  }
0x93: {  	_ =	swait.eq [sflag:s4], $0x1  }
0x94: {  	[sflag:s4] =	ssyncset.done $0x0  }
0x95: {  	[sflag:s4] =	ssyncadd.s32 $0xFFFFFFFF  }
0x96: {  	s16 =	sld [smem:$0x11];
	(tm) =	ssettm $0x1  }
0x97: {  	s17 =	sld [smem:$0x3FFB];
	_ =	sdelay $0x3  }
0x98: {  	_ =	strace s17  }
0x99: {  	s4 =	sld [smem:$0x3FFC];
	_ =	sdelay $0x3  }
0x9a: {  	_ =	strace s4  }
0x9b: {  	s4 =	sld [smem:$0x3FFD];
	_ =	sdelay $0x3  }
0x9c: {  	_ =	strace s4  }
0x9d: {  	_ =	strace $0x8FFFFFFF  }
0x9e: {  	s18 =	sld [smem:$0x3FDB];
	_ =	sdelay $0x1  }
0x9f: {  	s19 =	simm.s32 $_scs_section_size  }
0xa0: {  	s6 =	simm.s32 $_size__tile_overlayer_lowered;
	s7 =	simm.s32 $_tile_overlayer_lowered  }
0xa1: {  	s22 =	simm.s32 $0x1BFF;
	s21 =	sshll.u32 s7, $0x1;
	s4 =	sadd.s32 s19, s18  }
0xa2: {  	s8 =	simm.s32 $0x0;
	s20 =	sshll.u32 s6, $0x1;
	s6 =	sadd.s32 s21, s4  }
0xa3: {  	[timem:s8], [sflag:s22] =	dma.local [hbm:s6], s20  }
0xa4: {  	_ =	swait.ge [sflag:s22], s20  }
0xa5: {  	s5 =	ssub.s32 $0x0, s20;
	[sflag:s22] =	ssyncset.done $0x0  }
0xa6: {  	[sflag:s22] =	ssyncadd.s32 s5;
	_ =	sdelay $0x1  }
0xa7: {  	s23 =	simm.s32 $0x1B8B  }
0xa8: {  	_ =	swait.ge [sflag:s23], $0x1  }
0xa9: {  	[sflag:s23] =	ssyncset.done $0x0  }
0xaa: {  	s25 =	simm.s32 $0x1B8E;
	s24 =	sld [smem:$0x3FFE];
	[sflag:s23] =	ssyncadd.s32 $0xFFFFFFFF  }
0xab: {  	s26 =	simm.s32 $execute0_lowered;
	[smem:$0x3FD2] =	sst s25  }
0xac: {  	s6 =	sshll.u32 s26, $0x1;
	_ =	strace $0x80000046;
	[dreg:$0x1] =	wrdreg $0xFFFFFFFF  }
0xad: {  	s28 =	simm.s32 $_size_execute0_lowered;
	s4 =	sadd.s32 s4, s6;
	[dreg:$0x0] =	wrdreg $0x0  }
0xae: {  	s6 =	sshll.u32 s28, $0x1;
	[dreg:$0x2] =	wrdreg s4  }
0xaf: {  	[dreg:$0x3] =	wrdreg s6  }
0xb0: {  	[dreg:$0x4] =	wrdreg $0xC0  }
0xb1: {  	_ =	task [dreg:s8], $0x5FFFF  }
0xb2: {  	[dreg:$0x1] =	wrdreg $0xFFFFFFFF  }
0xb3: {  	[dreg:$0x0] =	wrdreg $0x60  }
0xb4: {  	[dreg:$0x2] =	wrdreg s15  }
0xb5: {  	[dreg:$0x3] =	wrdreg s16  }
0xb6: {  	[dreg:$0x4] =	wrdreg s24  }
0xb7: {  	[dreg:$0x5] =	wrdreg $0x44000  }
0xb8: {  	[dreg:$0x6] =	wrdreg $0x9  }
0xb9: {  	_ =	task.clear_ibuf [dreg:s8], $0x7FFFF;
	_ =	strace $0x90000046  }
0xba: {  	s29 =	simm.s32 $0x9;
	_ =	strace $0x80000048  }
0xbb: {  	_ =	swait.ge [sflag:s29], $0x1  }
0xbc: {  	[sflag:s29] =	ssyncadd.s32 $0xFFFFFFFF  }
0xbd: {  	_ =	strace $0x90000048  }
0xbe: {  	_ =	sfence  }
0xbf: {  	s30 =	sld [smem:$0x0];
	_ =	sdelay $0x2  }
0xc0: {  	s31 =	sshll.u32 s1, $0xD;
	s1 =	sshrl.u32 s1, $0x2  }
0xc1: {  	s3 =	sand.u32 $0x4000, s31;
	s1 =	sadd.s32 s1, s30  }
0xc2: {  	s0 =	sor.u32 s3, s0;
	s1 =	sshll.u32 s1, $0x11  }
0xc3: {  	s0 =	sor.u32 s1, s0  }
0xc4: {  	s0 =	sadd.s32 $0x8F2B, s0  }
0xc5: {  	[sflag:s0] =	ssyncadd.remote.s32 $0x1  }
0xc6: {  	_ =	sfence.sel $0xFFFF  }
0xc7: {  	[dreg:$0x0] =	wrdreg $0xFFFFFFFF;
	(pc) =	sbr.abs _section_cstart, $3  }
0xc8: {  	[dreg:$0x1] =	wrdreg $0xFFFFFFFF  }
0xc9: {  	_ =	task.clear_ibuf [dreg:s8], $0x2FFFF;
	_ =	strace $0x9FFFFFFF  }
0xca: {  	(tm) =	ssettm $0x7FFFFFFF  }
0xcb: {  	_ =	shalt  }
tec
execute0_lowered:
.L_overlay_start_1:
0x0: {  	(tag) =	ssettag $0x1  }
0x1: {  	s0 =	rddreg [dreg:$0x0]  }
0x2: {  	s1 =	rddreg [dreg:$0x2]  }
0x3: {  	s3 =	rddreg [dreg:$0x3]  }
0x4: {  	s9 =	stileid.u32;
	s2 =	srdreg.scid  }
0x5: {  	s4 =	simm.s32 $0x0;
	s30 =	simm.s32 $0x400;
	s31 =	simm.s32 $0x11  }
0x6: {  	s28 =	simm.s32 $0x0;
	s5 =	smul.u32 $0x2780, s9;
	s2 =	sand.u32 $0x1, s2  }
0x7: {  	[smem:$0x7FF] =	sst s4;
	s7 =	smul.u32 $0x4F000, s9;
	s26 =	sshll.u32 s9, $0x5  }
0x8: {  	s17 =	sadd.s32 $0x13810, s0;
	p1 =	slt.u32 s9, $0x4;
	p2 =	sgt.u32 s9, $0x3  }
0x9: {  	s9 =	simm.s32 $0x180;
	_ =	strace $0x80000047;
	[dreg:$0x5] =	wrdreg s26  }
0xa: {  	s8 =	sadd.s32 s0, s26;
	[dreg:$0x10] =	wrdreg s17;
	s0 =	sadd.s32 $0x13800, s0  }
0xb: {  	s25 =	sshrl.u32 s7, $0x2;
	s7 =	sadd.s32 $0x10, s8;
	[dreg:$0x16] =	wrdreg s0  }
0xc: {  	s6 =	ssub.s32 $0x2, s2;
	s10 =	sadd.s32 $0x210, s8;
	[dreg:$0x8] =	wrdreg s7  }
0xd: {  	p0 =	sne.s32 s2, $0x0;
	s11 =	sadd.s32 $0x410, s8;
	[dreg:$0x9] =	wrdreg s10  }
0xe: {  	s2 =	simm.s32 $0x100;
	s12 =	sadd.s32 $0x610, s8;
	[dreg:$0xa] =	wrdreg s11  }
0xf: {  	s17 =	simm.s32 $0x8;
	s13 =	sadd.s32 $0x13010, s8;
	[dreg:$0xb] =	wrdreg s12  }
0x10: {  	s1 =	sadd.s32 s5, s1;
	s14 =	sadd.s32 $0x13210, s8;
	[dreg:$0xc] =	wrdreg s13  }
0x11: {  	s24 =	sshrl.u32 s6, $0x1;
	s15 =	sadd.s32 $0x13410, s8;
	[dreg:$0xd] =	wrdreg s14  }
0x12: {  	s16 =	sadd.s32 $0x13610, s8;
	s19 =	sadd.s32 $0x200, s8;
	[dreg:$0xe] =	wrdreg s15  }
0x13: {  	s20 =	sadd.s32 $0x400, s8;
	s21 =	sadd.s32 $0x600, s8;
	[dreg:$0xf] =	wrdreg s16  }
0x14: {  	s22 =	sadd.s32 $0x13000, s8;
	s26 =	sadd.s32 $0x13400, s8;
	[dreg:$0x12] =	wrdreg s19  }
0x15: {  	s0 =	simm.s32 $0x80;
	s5 =	ssub.s32 s6, s24;
	[dreg:$0x13] =	wrdreg s20  }
0x16: {  	s6 =	sadd.s32 s25, s3;
	s29 =	sadd.s32 $0x3800, s1;
	[dreg:$0x14] =	wrdreg s21  }
0x17: {  	s18 =	sadd.s32 $0x52800, s1;
	[dreg:$0x15] =	wrdreg s22;
	s23 =	sadd.s32 $0x2B000, s1  }
0x18: {  	s25 =	sadd.s32 $0x13200, s8;
	[dreg:$0x1a] =	wrdreg s26;
	s10 =	simm.s32 $0x1  }
0x19: {  	s11 =	simm.s32 $0x200;
	s12 =	simm.s32 $0x2;
	[dreg:$0x6] =	wrdreg s6  }
0x1a: {  	s13 =	simm.s32 $0x300;
	s14 =	simm.s32 $0x4;
	[dreg:$0x7] =	wrdreg s29  }
.Ltmp0:
0x1b: {  	s15 =	simm.s32 $0x380;
	[dreg:$0x11] =	wrdreg s18;
	(pc) =	sbr.rel .LBB2_1-.Ltmp0, $4  }
0x1c: {  	s16 =	simm.s32 $0x5;
	s19 =	simm.s32 $0x9;
	[dreg:$0x17] =	wrdreg s23  }
0x1d: {  	s20 =	simm.s32 $0x7;
	s24 =	smax.u32 s5, $0x1;
	[dreg:$0x19] =	wrdreg s25  }
0x1e: {  	s21 =	simm.s32 $0xB;
	s29 =	sadd.s32 $0x13600, s8;
	[dreg:$0x18] =	wrdreg s24  }
0x1f: {  	s18 =	simm.s32 $0xC;
	[dreg:$0x1b] =	wrdreg s29;
	s24 =	simm.s32 $0x10  }
.LBB2_10:
0x20: {  	s7 =	rddreg [dreg:$0x5]  }
0x21: {  	s6 =	sadd.s32 s7, s6  }
0x22: {  	[tilespmem:s4], [sflag:$0x1] =	stream.linear.gather [hbm4b:s6+s4], $0x80, $0x38;
	[tilespmem:$0x18000] =	vst v63  }
0x23: {  	_ =	swait.ge [sflag:s10], $0x80  }
0x24: {  	[sflag:s10] =	ssyncset.done $0x0  }
0x25: {  	[sflag:s10] =	ssyncadd.s32 $0xFFFFFF80  }
0x26: {  	[spmem:s3] =	stream.indirect.scatter.add.f32 [tilespmem:s30], [sflag:$0x9], $0x80, s4, s0, $0xb8;
	[tilespmem:$0x18000] =	vst v63  }
0x27: {  	_ =	swait.ge [sflag:s19], $0x4000  }
0x28: {  	[sflag:s19] =	ssyncset.done $0x0  }
0x29: {  	[sflag:s19] =	ssyncadd.s32 $0xFFFFC000  }
.LBB2_11:
0x2a: {  	[bflag:$0x0] =	sbarrier.arrive $0xFFFF  }
0x2b: {  	[hbm:s1], [sflag:s29] =	dma.local [spmem:s5], $0x2780  }
0x2c: {  	_ =	swait.ge [sflag:s31], $0x2780  }
0x2d: {  	s28 =	sadd.s32 $0x1, s28;
	s29 =	rddreg [dreg:$0x18]  }
0x2e: {  	p3 =	sne.s32 s28, s29  }
.Ltmp1:
0x2f: {  	_ = 	snop;
	(pc) =	sbr.rel @!p3 .LBB2_12-.Ltmp1, $3  }
0x30: {  	_ =	sdelay $0x1  }
0x31: {  	[sflag:s31] =	ssyncset.done $0x0  }
0x32: {  	[sflag:s31] =	ssyncadd.s32 $0xFFFFD880  }
.LBB2_1:
0x33: {  	s1 =	rddreg [dreg:$0x1];
	s23 =	stileid.u32  }
0x34: {  	[tilespmem:s30], [sflag:$0x11] =	stream.linear.gather [hbm4b:s1+s4], $0x4000, $0x38;
	[tilespmem:$0x18000] =	vst v63  }
0x35: {  	s1 =	sshll.u32 s23, $0x6;
	_ =	swait.ge [sflag:s31], $0x4000  }
0x36: {  	s29 =	sor.u32 $0x1C11, s1;
	[sflag:s31] =	ssyncset.done $0x0;
	s25 =	rddreg [dreg:$0x6]  }
0x37: {  	s26 =	rddreg [dreg:$0x7];
	[sflag:s31] =	ssyncadd.s32 $0xFFFFC000;
	s5 =	sshrl.u32 s25, $0x3  }
0x38: {  	[spmem:s5], [sflag:s29] =	dma.local [hbm:s26], $0x2780  }
.Ltmp2:
0x39: {  	_ =	swait.ge [sflag:s31], $0x2780;
	(pc) =	sbr.rel @p0 .LBB2_6-.Ltmp2, $4  }
0x3a: {  	[sflag:s31] =	ssyncset.done $0x0  }
0x3b: {  	[sflag:s31] =	ssyncadd.s32 $0xFFFFD880  }
0x3c: {  	[bflag:$0x0] =	sbarrier.arrive $0xFFFF  }
0x3d: {  	s1 =	simm.s32 $0x0  }
0x3e: {  	[tilespmem:s1], [sflag:$0x1] =	stream.linear.gather [hbm4b:s8+s1], $0x80, $0x38;
	[tilespmem:$0x18000] =	vst v63  }
0x3f: {  	s6 =	rddreg [dreg:$0x12]  }
0x40: {  	[tilespmem:s0], [sflag:$0x2] =	stream.linear.gather [hbm4b:s6+s1], $0x80, $0x38;
	[tilespmem:$0x18000] =	vst v63  }
0x41: {  	s25 =	rddreg [dreg:$0x13]  }
0x42: {  	[tilespmem:s2], [sflag:$0x3] =	stream.linear.gather [hbm4b:s25+s1], $0x80, $0x38;
	[tilespmem:$0x18000] =	vst v63  }
0x43: {  	s26 =	rddreg [dreg:$0x14]  }
0x44: {  	[tilespmem:s9], [sflag:$0x4] =	stream.linear.gather [hbm4b:s26+s1], $0x80, $0x38;
	[tilespmem:$0x18000] =	vst v63  }
.LBB2_3:
0x45: {  	_ =	swait.ge [sflag:s10], $0x80  }
0x46: {  	p3 =	seq.s32 s1, $0x0;
	[sflag:s10] =	ssyncset.done $0x0  }
0x47: {  	s7 =	simm.s32 @!p3 $0xD;
	[sflag:s10] =	ssyncadd.s32 $0xFFFFFF80  }
0x48: {  	[spmem:s3] =	stream.indirect.scatter.add.f32 [tilespmem:s30], [sflag:$0x9], $0x80, s4, s0, $0xb8;
	[tilespmem:$0x18000] =	vst v63  }
0x49: {  	_ =	swait.ge @!p3 [sflag:s7], $0x4000  }
0x4a: {  	s6 =	sadd.s32 s1, s8;
	[sflag:s7] =	ssyncset.done @!p3 $0x0  }
0x4b: {  	s23 =	sadd.s32 $0x800, s6;
	[sflag:s7] =	ssyncadd.s32 @!p3 $0xFFFFC000  }
0x4c: {  	[tilespmem:s11], [sflag:$0x5] =	stream.linear.gather [hbm4b:s23+s4], $0x80, $0x38;
	[tilespmem:$0x18000] =	vst v63  }
0x4d: {  	_ =	swait.ge [sflag:s12], $0x80  }
0x4e: {  	[sflag:s12] =	ssyncset.done $0x0  }
0x4f: {  	s7 =	sadd.s32 @p3 s1, s8;
	[sflag:s12] =	ssyncadd.s32 $0xFFFFFF80  }
0x50: {  	[spmem:s3] =	stream.indirect.scatter.add.f32 [tilespmem:s30], [sflag:$0xA], $0x80, s0, s0, $0xb8;
	[tilespmem:$0x18000] =	vst v63  }
0x51: {  	s25 =	simm.s32 @p3 $0x0;
	s22 =	simm.s32 @p3 $0x280;
	s7 =	sadd.s32 @p3 $0xA00, s7  }
0x52: {  	[tilespmem:s22], [sflag:$0x6] =	stream.linear.gather @p3 [hbm4b:s7+s25], $0x80, $0x38;
	[tilespmem:$0x18000] =	vst v63  }
0x53: {  	s7 =	simm.s32 @p3 $0x3  }
0x54: {  	_ =	swait.ge @p3 [sflag:s7], $0x80  }
0x55: {  	s22 =	simm.s32 @p3 $0x100;
	[sflag:s7] =	ssyncset.done @p3 $0x0  }
0x56: {  	s25 =	simm.s32 @p3 $0x400;
	[sflag:s7] =	ssyncadd.s32 @p3 $0xFFFFFF80;
	s7 =	simm.s32 @p3 $0x80  }
0x57: {  	[spmem:s3] =	stream.indirect.scatter.add.f32 @p3 [tilespmem:s25], [sflag:$0xB], $0x80, s22, s7, $0xb8;
	[tilespmem:$0x18000] =	vst v63  }
0x58: {  	s7 =	simm.s32 @!p3 $0xE  }
0x59: {  	_ =	swait.ge @!p3 [sflag:s7], $0x4000  }
0x5a: {  	[sflag:s7] =	ssyncset.done @!p3 $0x0  }
0x5b: {  	[sflag:s7] =	ssyncadd.s32 @!p3 $0xFFFFC000;
	s7 =	sadd.s32 @!p3 s1, s8  }
0x5c: {  	s22 =	simm.s32 @!p3 $0x0;
	s25 =	simm.s32 @!p3 $0x280;
	s7 =	sadd.s32 @!p3 $0xA00, s7  }
0x5d: {  	[tilespmem:s25], [sflag:$0x6] =	stream.linear.gather @!p3 [hbm4b:s7+s22], $0x80, $0x38;
	[tilespmem:$0x18000] =	vst v63  }
0x5e: {  	s7 =	simm.s32 @!p3 $0x3  }
0x5f: {  	_ =	swait.ge @!p3 [sflag:s7], $0x80  }
0x60: {  	s22 =	simm.s32 @!p3 $0x100;
	[sflag:s7] =	ssyncset.done @!p3 $0x0  }
0x61: {  	s25 =	simm.s32 @!p3 $0x400;
	[sflag:s7] =	ssyncadd.s32 @!p3 $0xFFFFFF80;
	s7 =	simm.s32 @!p3 $0x80  }
0x62: {  	[spmem:s3] =	stream.indirect.scatter.add.f32 @!p3 [tilespmem:s25], [sflag:$0xB], $0x80, s22, s7, $0xb8;
	[tilespmem:$0x18000] =	vst v63  }
0x63: {  	s7 =	simm.s32 @!p3 $0xF  }
0x64: {  	_ =	swait.ge @!p3 [sflag:s7], $0x4000  }
0x65: {  	[sflag:s7] =	ssyncset.done @!p3 $0x0  }
0x66: {  	s25 =	sadd.s32 $0xC00, s6;
	[sflag:s7] =	ssyncadd.s32 @!p3 $0xFFFFC000  }
0x67: {  	[tilespmem:s13], [sflag:$0x7] =	stream.linear.gather [hbm4b:s25+s4], $0x80, $0x38;
	[tilespmem:$0x18000] =	vst v63  }
0x68: {  	_ =	swait.ge [sflag:s14], $0x80  }
0x69: {  	[sflag:s14] =	ssyncset.done $0x0  }
0x6a: {  	s7 =	simm.s32 @!p3 $0x10;
	[sflag:s14] =	ssyncadd.s32 $0xFFFFFF80  }
0x6b: {  	[spmem:s3] =	stream.indirect.scatter.add.f32 [tilespmem:s30], [sflag:$0xC], $0x80, s9, s0, $0xb8;
	[tilespmem:$0x18000] =	vst v63  }
0x6c: {  	_ =	swait.ge @!p3 [sflag:s7], $0x4000  }
0x6d: {  	[sflag:s7] =	ssyncset.done @!p3 $0x0  }
0x6e: {  	s26 =	sadd.s32 $0xE00, s6;
	[sflag:s7] =	ssyncadd.s32 @!p3 $0xFFFFC000  }
0x6f: {  	[tilespmem:s15], [sflag:$0x8] =	stream.linear.gather [hbm4b:s26+s4], $0x80, $0x38;
	[tilespmem:$0x18000] =	vst v63  }
0x70: {  	_ =	swait.ge [sflag:s16], $0x80  }
0x71: {  	[sflag:s16] =	ssyncset.done $0x0  }
0x72: {  	[sflag:s16] =	ssyncadd.s32 $0xFFFFFF80  }
0x73: {  	[spmem:s3] =	stream.indirect.scatter.add.f32 [tilespmem:s30], [sflag:$0xD], $0x80, s11, s0, $0xb8;
	[tilespmem:$0x18000] =	vst v63  }
0x74: {  	_ =	swait.ge [sflag:s19], $0x4000  }
0x75: {  	p3 =	seq.s32 s1, $0x12000;
	[sflag:s19] =	ssyncset.done $0x0  }
0x76: {  	s7 =	simm.s32 @p3 $0x6;
	[sflag:s19] =	ssyncadd.s32 $0xFFFFC000  }
0x77: {  	_ =	swait.ge @p3 [sflag:s7], $0x80  }
0x78: {  	s22 =	simm.s32 @p3 $0x280;
	[sflag:s7] =	ssyncset.done @p3 $0x0  }
0x79: {  	s25 =	simm.s32 @p3 $0x400;
	[sflag:s7] =	ssyncadd.s32 @p3 $0xFFFFFF80;
	s7 =	simm.s32 @p3 $0x80  }
0x7a: {  	[spmem:s3] =	stream.indirect.scatter.add.f32 @p3 [tilespmem:s25], [sflag:$0xE], $0x80, s22, s7, $0xb8;
	[tilespmem:$0x18000] =	vst v63  }
0x7b: {  	s7 =	simm.s32 @p3 $0xA  }
0x7c: {  	_ =	swait.ge @p3 [sflag:s7], $0x4000  }
0x7d: {  	s22 =	sadd.s32 @!p3 s1, s8;
	[sflag:s7] =	ssyncset.done @p3 $0x0  }
0x7e: {  	s25 =	simm.s32 @!p3 $0x0;
	[sflag:s7] =	ssyncadd.s32 @p3 $0xFFFFC000;
	s7 =	sadd.s32 @!p3 $0x1000, s22  }
0x7f: {  	[tilespmem:s25], [sflag:$0x1] =	stream.linear.gather @!p3 [hbm4b:s7+s25], $0x80, $0x38;
	[tilespmem:$0x18000] =	vst v63  }
0x80: {  	s7 =	simm.s32 @!p3 $0x6  }
0x81: {  	_ =	swait.ge @!p3 [sflag:s7], $0x80  }
0x82: {  	s23 =	simm.s32 @!p3 $0x280;
	[sflag:s7] =	ssyncset.done @!p3 $0x0  }
0x83: {  	s26 =	simm.s32 @!p3 $0x400;
	[sflag:s7] =	ssyncadd.s32 @!p3 $0xFFFFFF80;
	s7 =	simm.s32 @!p3 $0x80  }
0x84: {  	[spmem:s3] =	stream.indirect.scatter.add.f32 @!p3 [tilespmem:s26], [sflag:$0xE], $0x80, s23, s7, $0xb8;
	[tilespmem:$0x18000] =	vst v63  }
0x85: {  	s23 =	simm.s32 @!p3 $0xA  }
0x86: {  	_ =	swait.ge @!p3 [sflag:s23], $0x4000  }
0x87: {  	[sflag:s23] =	ssyncset.done @!p3 $0x0  }
0x88: {  	s22 =	sadd.s32 @!p3 $0x1200, s22;
	[sflag:s23] =	ssyncadd.s32 @!p3 $0xFFFFC000  }
0x89: {  	[tilespmem:s7], [sflag:$0x2] =	stream.linear.gather @!p3 [hbm4b:s22+s25], $0x80, $0x38;
	[tilespmem:$0x18000] =	vst v63  }
0x8a: {  	_ =	swait.ge [sflag:s20], $0x80  }
0x8b: {  	[sflag:s20] =	ssyncset.done $0x0  }
.Ltmp3:
0x8c: {  	[sflag:s20] =	ssyncadd.s32 $0xFFFFFF80;
	(pc) =	sbr.rel @p3 .LBB2_5-.Ltmp3, $4  }
0x8d: {  	[spmem:s3] =	stream.indirect.scatter.add.f32 [tilespmem:s30], [sflag:$0xF], $0x80, s13, s0, $0xb8;
	[tilespmem:$0x18000] =	vst v63  }
0x8e: {  	_ =	swait.ge [sflag:s21], $0x4000  }
0x8f: {  	[sflag:s21] =	ssyncset.done $0x0  }
0x90: {  	[sflag:s21] =	ssyncadd.s32 $0xFFFFC000  }
0x91: {  	s7 =	sadd.s32 $0x1400, s6  }
0x92: {  	[tilespmem:s2], [sflag:$0x3] =	stream.linear.gather [hbm4b:s7+s4], $0x80, $0x38;
	[tilespmem:$0x18000] =	vst v63  }
0x93: {  	_ =	swait.ge [sflag:s17], $0x80  }
0x94: {  	[sflag:s17] =	ssyncset.done $0x0  }
0x95: {  	[sflag:s17] =	ssyncadd.s32 $0xFFFFFF80  }
0x96: {  	[spmem:s3] =	stream.indirect.scatter.add.f32 [tilespmem:s30], [sflag:$0x10], $0x80, s15, s0, $0xb8;
	[tilespmem:$0x18000] =	vst v63  }
.Ltmp4:
0x97: {  	_ = 	snop;
	(pc) =	sbr.rel .LBB2_3-.Ltmp4, $4  }
0x98: {  	_ =	swait.ge [sflag:s18], $0x4000  }
0x99: {  	[sflag:s18] =	ssyncset.done $0x0  }
0x9a: {  	s26 =	sadd.s32 $0x1600, s6;
	s1 =	sadd.s32 $0x1000, s1;
	[sflag:s18] =	ssyncadd.s32 $0xFFFFC000  }
0x9b: {  	[tilespmem:s9], [sflag:$0x4] =	stream.linear.gather [hbm4b:s26+s4], $0x80, $0x38;
	[tilespmem:$0x18000] =	vst v63  }
.LBB2_6:
0x9c: {  	s6 =	rddreg [dreg:$0x8]  }
0x9d: {  	[tilespmem:s1], [sflag:$0x1] =	stream.linear.gather [hbm4b:s6+s1], $0x80, $0x38;
	[tilespmem:$0x18000] =	vst v63  }
0x9e: {  	s23 =	rddreg [dreg:$0x9]  }
0x9f: {  	[tilespmem:s0], [sflag:$0x2] =	stream.linear.gather [hbm4b:s23+s1], $0x80, $0x38;
	[tilespmem:$0x18000] =	vst v63  }
0xa0: {  	s25 =	rddreg [dreg:$0xa]  }
0xa1: {  	[tilespmem:s2], [sflag:$0x3] =	stream.linear.gather [hbm4b:s25+s1], $0x80, $0x38;
	[tilespmem:$0x18000] =	vst v63  }
0xa2: {  	s26 =	rddreg [dreg:$0xb]  }
0xa3: {  	[tilespmem:s9], [sflag:$0x4] =	stream.linear.gather [hbm4b:s26+s1], $0x80, $0x38;
	[tilespmem:$0x18000] =	vst v63  }
.LBB2_7:
0xa4: {  	_ =	swait.ge [sflag:s10], $0x80  }
0xa5: {  	p3 =	seq.s32 s1, $0x0;
	[sflag:s10] =	ssyncset.done $0x0  }
0xa6: {  	s7 =	simm.s32 @!p3 $0xD;
	[sflag:s10] =	ssyncadd.s32 $0xFFFFFF80  }
0xa7: {  	[spmem:s3] =	stream.indirect.scatter.add.f32 [tilespmem:s30], [sflag:$0x9], $0x80, s4, s0, $0xb8;
	[tilespmem:$0x18000] =	vst v63  }
0xa8: {  	_ =	swait.ge @!p3 [sflag:s7], $0x4000  }
0xa9: {  	s6 =	sadd.s32 s1, s8;
	[sflag:s7] =	ssyncset.done @!p3 $0x0  }
0xaa: {  	s23 =	sadd.s32 $0x810, s6;
	[sflag:s7] =	ssyncadd.s32 @!p3 $0xFFFFC000  }
0xab: {  	[tilespmem:s11], [sflag:$0x5] =	stream.linear.gather [hbm4b:s23+s4], $0x80, $0x38;
	[tilespmem:$0x18000] =	vst v63  }
0xac: {  	_ =	swait.ge [sflag:s12], $0x80  }
0xad: {  	[sflag:s12] =	ssyncset.done $0x0  }
0xae: {  	s7 =	sadd.s32 @p3 s1, s8;
	[sflag:s12] =	ssyncadd.s32 $0xFFFFFF80  }
0xaf: {  	[spmem:s3] =	stream.indirect.scatter.add.f32 [tilespmem:s30], [sflag:$0xA], $0x80, s0, s0, $0xb8;
	[tilespmem:$0x18000] =	vst v63  }
0xb0: {  	s22 =	simm.s32 @p3 $0x0;
	s7 =	sadd.s32 @p3 $0xA10, s7;
	s23 =	simm.s32 @p3 $0x280  }
0xb1: {  	[tilespmem:s23], [sflag:$0x6] =	stream.linear.gather @p3 [hbm4b:s7+s22], $0x80, $0x38;
	[tilespmem:$0x18000] =	vst v63  }
0xb2: {  	s7 =	simm.s32 @p3 $0x3  }
0xb3: {  	_ =	swait.ge @p3 [sflag:s7], $0x80  }
0xb4: {  	s22 =	simm.s32 @p3 $0x100;
	[sflag:s7] =	ssyncset.done @p3 $0x0  }
0xb5: {  	s23 =	simm.s32 @p3 $0x400;
	[sflag:s7] =	ssyncadd.s32 @p3 $0xFFFFFF80;
	s7 =	simm.s32 @p3 $0x80  }
0xb6: {  	[spmem:s3] =	stream.indirect.scatter.add.f32 @p3 [tilespmem:s23], [sflag:$0xB], $0x80, s22, s7, $0xb8;
	[tilespmem:$0x18000] =	vst v63  }
0xb7: {  	s7 =	simm.s32 @!p3 $0xE  }
0xb8: {  	_ =	swait.ge @!p3 [sflag:s7], $0x4000  }
0xb9: {  	[sflag:s7] =	ssyncset.done @!p3 $0x0  }
0xba: {  	[sflag:s7] =	ssyncadd.s32 @!p3 $0xFFFFC000;
	s7 =	sadd.s32 @!p3 s1, s8  }
0xbb: {  	s22 =	simm.s32 @!p3 $0x0;
	s23 =	simm.s32 @!p3 $0x280;
	s7 =	sadd.s32 @!p3 $0xA10, s7  }
0xbc: {  	[tilespmem:s23], [sflag:$0x6] =	stream.linear.gather @!p3 [hbm4b:s7+s22], $0x80, $0x38;
	[tilespmem:$0x18000] =	vst v63  }
0xbd: {  	s7 =	simm.s32 @!p3 $0x3  }
0xbe: {  	_ =	swait.ge @!p3 [sflag:s7], $0x80  }
0xbf: {  	s22 =	simm.s32 @!p3 $0x100;
	[sflag:s7] =	ssyncset.done @!p3 $0x0  }
0xc0: {  	s23 =	simm.s32 @!p3 $0x400;
	[sflag:s7] =	ssyncadd.s32 @!p3 $0xFFFFFF80;
	s7 =	simm.s32 @!p3 $0x80  }
0xc1: {  	[spmem:s3] =	stream.indirect.scatter.add.f32 @!p3 [tilespmem:s23], [sflag:$0xB], $0x80, s22, s7, $0xb8;
	[tilespmem:$0x18000] =	vst v63  }
0xc2: {  	s7 =	simm.s32 @!p3 $0xF  }
0xc3: {  	_ =	swait.ge @!p3 [sflag:s7], $0x4000  }
0xc4: {  	[sflag:s7] =	ssyncset.done @!p3 $0x0  }
0xc5: {  	s25 =	sadd.s32 $0xC10, s6;
	[sflag:s7] =	ssyncadd.s32 @!p3 $0xFFFFC000  }
0xc6: {  	[tilespmem:s13], [sflag:$0x7] =	stream.linear.gather [hbm4b:s25+s4], $0x80, $0x38;
	[tilespmem:$0x18000] =	vst v63  }
0xc7: {  	_ =	swait.ge [sflag:s14], $0x80  }
0xc8: {  	[sflag:s14] =	ssyncset.done $0x0  }
0xc9: {  	s7 =	simm.s32 @!p3 $0x10;
	[sflag:s14] =	ssyncadd.s32 $0xFFFFFF80  }
0xca: {  	[spmem:s3] =	stream.indirect.scatter.add.f32 [tilespmem:s30], [sflag:$0xC], $0x80, s9, s0, $0xb8;
	[tilespmem:$0x18000] =	vst v63  }
0xcb: {  	_ =	swait.ge @!p3 [sflag:s7], $0x4000  }
0xcc: {  	[sflag:s7] =	ssyncset.done @!p3 $0x0  }
0xcd: {  	s26 =	sadd.s32 $0xE10, s6;
	[sflag:s7] =	ssyncadd.s32 @!p3 $0xFFFFC000  }
0xce: {  	[tilespmem:s15], [sflag:$0x8] =	stream.linear.gather [hbm4b:s26+s4], $0x80, $0x38;
	[tilespmem:$0x18000] =	vst v63  }
0xcf: {  	_ =	swait.ge [sflag:s16], $0x80  }
0xd0: {  	[sflag:s16] =	ssyncset.done $0x0  }
0xd1: {  	[sflag:s16] =	ssyncadd.s32 $0xFFFFFF80  }
0xd2: {  	[spmem:s3] =	stream.indirect.scatter.add.f32 [tilespmem:s30], [sflag:$0xD], $0x80, s11, s0, $0xb8;
	[tilespmem:$0x18000] =	vst v63  }
0xd3: {  	_ =	swait.ge [sflag:s19], $0x4000  }
0xd4: {  	p3 =	seq.s32 s1, $0x12000;
	[sflag:s19] =	ssyncset.done $0x0  }
0xd5: {  	s7 =	simm.s32 @p3 $0x6;
	[sflag:s19] =	ssyncadd.s32 $0xFFFFC000  }
0xd6: {  	_ =	swait.ge @p3 [sflag:s7], $0x80  }
0xd7: {  	s22 =	simm.s32 @p3 $0x280;
	[sflag:s7] =	ssyncset.done @p3 $0x0  }
0xd8: {  	s23 =	simm.s32 @p3 $0x400;
	[sflag:s7] =	ssyncadd.s32 @p3 $0xFFFFFF80;
	s7 =	simm.s32 @p3 $0x80  }
0xd9: {  	[spmem:s3] =	stream.indirect.scatter.add.f32 @p3 [tilespmem:s23], [sflag:$0xE], $0x80, s22, s7, $0xb8;
	[tilespmem:$0x18000] =	vst v63  }
0xda: {  	s7 =	simm.s32 @p3 $0xA  }
0xdb: {  	_ =	swait.ge @p3 [sflag:s7], $0x4000  }
0xdc: {  	s22 =	sadd.s32 @!p3 s1, s8;
	[sflag:s7] =	ssyncset.done @p3 $0x0  }
0xdd: {  	s23 =	simm.s32 @!p3 $0x0;
	[sflag:s7] =	ssyncadd.s32 @p3 $0xFFFFC000;
	s7 =	sadd.s32 @!p3 $0x1010, s22  }
0xde: {  	[tilespmem:s23], [sflag:$0x1] =	stream.linear.gather @!p3 [hbm4b:s7+s23], $0x80, $0x38;
	[tilespmem:$0x18000] =	vst v63  }
0xdf: {  	s7 =	simm.s32 @!p3 $0x6  }
0xe0: {  	_ =	swait.ge @!p3 [sflag:s7], $0x80  }
0xe1: {  	s25 =	simm.s32 @!p3 $0x280;
	[sflag:s7] =	ssyncset.done @!p3 $0x0  }
0xe2: {  	s26 =	simm.s32 @!p3 $0x400;
	[sflag:s7] =	ssyncadd.s32 @!p3 $0xFFFFFF80;
	s7 =	simm.s32 @!p3 $0x80  }
0xe3: {  	[spmem:s3] =	stream.indirect.scatter.add.f32 @!p3 [tilespmem:s26], [sflag:$0xE], $0x80, s25, s7, $0xb8;
	[tilespmem:$0x18000] =	vst v63  }
0xe4: {  	s25 =	simm.s32 @!p3 $0xA  }
0xe5: {  	_ =	swait.ge @!p3 [sflag:s25], $0x4000  }
0xe6: {  	[sflag:s25] =	ssyncset.done @!p3 $0x0  }
0xe7: {  	s22 =	sadd.s32 @!p3 $0x1210, s22;
	[sflag:s25] =	ssyncadd.s32 @!p3 $0xFFFFC000  }
0xe8: {  	[tilespmem:s7], [sflag:$0x2] =	stream.linear.gather @!p3 [hbm4b:s22+s23], $0x80, $0x38;
	[tilespmem:$0x18000] =	vst v63  }
0xe9: {  	_ =	swait.ge [sflag:s20], $0x80  }
0xea: {  	[sflag:s20] =	ssyncset.done $0x0  }
.Ltmp5:
0xeb: {  	[sflag:s20] =	ssyncadd.s32 $0xFFFFFF80;
	(pc) =	sbr.rel @p3 .LBB2_9-.Ltmp5, $4  }
0xec: {  	[spmem:s3] =	stream.indirect.scatter.add.f32 [tilespmem:s30], [sflag:$0xF], $0x80, s13, s0, $0xb8;
	[tilespmem:$0x18000] =	vst v63  }
0xed: {  	_ =	swait.ge [sflag:s21], $0x4000  }
0xee: {  	[sflag:s21] =	ssyncset.done $0x0  }
0xef: {  	[sflag:s21] =	ssyncadd.s32 $0xFFFFC000  }
0xf0: {  	s7 =	sadd.s32 $0x1410, s6  }
0xf1: {  	[tilespmem:s2], [sflag:$0x3] =	stream.linear.gather [hbm4b:s7+s4], $0x80, $0x38;
	[tilespmem:$0x18000] =	vst v63  }
0xf2: {  	_ =	swait.ge [sflag:s17], $0x80  }
0xf3: {  	[sflag:s17] =	ssyncset.done $0x0  }
0xf4: {  	[sflag:s17] =	ssyncadd.s32 $0xFFFFFF80  }
0xf5: {  	[spmem:s3] =	stream.indirect.scatter.add.f32 [tilespmem:s30], [sflag:$0x10], $0x80, s15, s0, $0xb8;
	[tilespmem:$0x18000] =	vst v63  }
.Ltmp6:
0xf6: {  	_ = 	snop;
	(pc) =	sbr.rel .LBB2_7-.Ltmp6, $4  }
0xf7: {  	_ =	swait.ge [sflag:s18], $0x4000  }
0xf8: {  	[sflag:s18] =	ssyncset.done $0x0  }
0xf9: {  	s26 =	sadd.s32 $0x1610, s6;
	s1 =	sadd.s32 $0x1000, s1;
	[sflag:s18] =	ssyncadd.s32 $0xFFFFC000  }
0xfa: {  	[tilespmem:s9], [sflag:$0x4] =	stream.linear.gather [hbm4b:s26+s4], $0x80, $0x38;
	[tilespmem:$0x18000] =	vst v63  }
.LBB2_5:
0xfb: {  	_ =	swait.ge [sflag:s17], $0x80  }
0xfc: {  	[sflag:s17] =	ssyncset.done $0x0  }
0xfd: {  	[sflag:s17] =	ssyncadd.s32 $0xFFFFFF80  }
0xfe: {  	[spmem:s3] =	stream.indirect.scatter.add.f32 [tilespmem:s30], [sflag:$0x10], $0x80, s15, s0, $0xb8;
	[tilespmem:$0x18000] =	vst v63  }
0xff: {  	_ =	swait.ge [sflag:s18], $0x4000  }
0x100: {  	[sflag:s18] =	ssyncset.done $0x0  }
0x101: {  	s1 =	simm.s32 $0xD;
	[sflag:s18] =	ssyncadd.s32 $0xFFFFC000  }
0x102: {  	_ =	swait.ge [sflag:s1], $0x4000  }
0x103: {  	[sflag:s1] =	ssyncset.done $0x0  }
0x104: {  	s6 =	simm.s32 $0xE;
	[sflag:s1] =	ssyncadd.s32 $0xFFFFC000  }
0x105: {  	_ =	swait.ge [sflag:s6], $0x4000  }
0x106: {  	[sflag:s6] =	ssyncset.done $0x0  }
0x107: {  	s7 =	simm.s32 $0xF;
	[sflag:s6] =	ssyncadd.s32 $0xFFFFC000  }
0x108: {  	_ =	swait.ge [sflag:s7], $0x4000  }
0x109: {  	[sflag:s7] =	ssyncset.done $0x0  }
0x10a: {  	[sflag:s7] =	ssyncadd.s32 $0xFFFFC000  }
0x10b: {  	_ =	swait.ge [sflag:s24], $0x4000  }
0x10c: {  	[sflag:s24] =	ssyncset.done $0x0  }
0x10d: {  	s22 =	rddreg [dreg:$0x15];
	[sflag:s24] =	ssyncadd.s32 $0xFFFFC000  }
0x10e: {  	[tilespmem:s4], [sflag:$0x1] =	stream.linear.gather [hbm4b:s22+s4], $0x80, $0x38;
	[tilespmem:$0x18000] =	vst v63  }
0x10f: {  	_ =	swait.ge [sflag:s10], $0x80  }
0x110: {  	[sflag:s10] =	ssyncset.done $0x0  }
0x111: {  	[sflag:s10] =	ssyncadd.s32 $0xFFFFFF80  }
0x112: {  	[spmem:s3] =	stream.indirect.scatter.add.f32 [tilespmem:s30], [sflag:$0x9], $0x80, s4, s0, $0xb8;
	[tilespmem:$0x18000] =	vst v63  }
0x113: {  	_ =	swait.ge [sflag:s19], $0x4000  }
0x114: {  	[sflag:s19] =	ssyncset.done $0x0  }
0x115: {  	s23 =	rddreg [dreg:$0x19];
	[sflag:s19] =	ssyncadd.s32 $0xFFFFC000  }
0x116: {  	[tilespmem:s4], [sflag:$0x1] =	stream.linear.gather [hbm4b:s23+s4], $0x80, $0x38;
	[tilespmem:$0x18000] =	vst v63  }
0x117: {  	_ =	swait.ge [sflag:s10], $0x80  }
0x118: {  	[sflag:s10] =	ssyncset.done $0x0  }
0x119: {  	[sflag:s10] =	ssyncadd.s32 $0xFFFFFF80  }
0x11a: {  	[spmem:s3] =	stream.indirect.scatter.add.f32 [tilespmem:s30], [sflag:$0x9], $0x80, s4, s0, $0xb8;
	[tilespmem:$0x18000] =	vst v63  }
0x11b: {  	_ =	swait.ge [sflag:s19], $0x4000  }
0x11c: {  	[sflag:s19] =	ssyncset.done $0x0  }
0x11d: {  	s25 =	rddreg [dreg:$0x1a];
	[sflag:s19] =	ssyncadd.s32 $0xFFFFC000  }
0x11e: {  	[tilespmem:s4], [sflag:$0x1] =	stream.linear.gather [hbm4b:s25+s4], $0x80, $0x38;
	[tilespmem:$0x18000] =	vst v63  }
0x11f: {  	_ =	swait.ge [sflag:s10], $0x80  }
0x120: {  	[sflag:s10] =	ssyncset.done $0x0  }
0x121: {  	[sflag:s10] =	ssyncadd.s32 $0xFFFFFF80  }
0x122: {  	[spmem:s3] =	stream.indirect.scatter.add.f32 [tilespmem:s30], [sflag:$0x9], $0x80, s4, s0, $0xb8;
	[tilespmem:$0x18000] =	vst v63  }
0x123: {  	_ =	swait.ge [sflag:s19], $0x4000  }
0x124: {  	[sflag:s19] =	ssyncset.done $0x0  }
0x125: {  	s26 =	rddreg [dreg:$0x1b];
	[sflag:s19] =	ssyncadd.s32 $0xFFFFC000  }
0x126: {  	[tilespmem:s4], [sflag:$0x1] =	stream.linear.gather [hbm4b:s26+s4], $0x80, $0x38;
	[tilespmem:$0x18000] =	vst v63  }
0x127: {  	_ =	swait.ge [sflag:s10], $0x80  }
0x128: {  	[sflag:s10] =	ssyncset.done $0x0  }
0x129: {  	[sflag:s10] =	ssyncadd.s32 $0xFFFFFF80  }
0x12a: {  	[spmem:s3] =	stream.indirect.scatter.add.f32 [tilespmem:s30], [sflag:$0x9], $0x80, s4, s0, $0xb8;
	[tilespmem:$0x18000] =	vst v63  }
.Ltmp7:
0x12b: {  	_ = 	snop;
	(pc) =	sbr.rel @p1 .LBB2_10-.Ltmp7, $4  }
.Ltmp8:
0x12c: {  	_ = 	snop;
	(pc) =	sbr.rel @!p1 .LBB2_11-.Ltmp8, $4  }
0x12d: {  	_ =	swait.ge [sflag:s19], $0x4000  }
0x12e: {  	[sflag:s19] =	ssyncset.done $0x0;
	s6 =	rddreg [dreg:$0x16]  }
0x12f: {  	s1 =	rddreg [dreg:$0x17];
	[sflag:s19] =	ssyncadd.s32 $0xFFFFC000  }
0x130: {  	_ = 	snop  }
.LBB2_9:
0x131: {  	_ =	swait.ge [sflag:s17], $0x80  }
0x132: {  	[sflag:s17] =	ssyncset.done $0x0  }
0x133: {  	[sflag:s17] =	ssyncadd.s32 $0xFFFFFF80  }
0x134: {  	[spmem:s3] =	stream.indirect.scatter.add.f32 [tilespmem:s30], [sflag:$0x10], $0x80, s15, s0, $0xb8;
	[tilespmem:$0x18000] =	vst v63  }
0x135: {  	_ =	swait.ge [sflag:s18], $0x4000  }
0x136: {  	[sflag:s18] =	ssyncset.done $0x0  }
0x137: {  	s1 =	simm.s32 $0xD;
	[sflag:s18] =	ssyncadd.s32 $0xFFFFC000  }
0x138: {  	_ =	swait.ge [sflag:s1], $0x4000  }
0x139: {  	[sflag:s1] =	ssyncset.done $0x0  }
0x13a: {  	s6 =	simm.s32 $0xE;
	[sflag:s1] =	ssyncadd.s32 $0xFFFFC000  }
0x13b: {  	_ =	swait.ge [sflag:s6], $0x4000  }
0x13c: {  	[sflag:s6] =	ssyncset.done $0x0  }
0x13d: {  	s7 =	simm.s32 $0xF;
	[sflag:s6] =	ssyncadd.s32 $0xFFFFC000  }
0x13e: {  	_ =	swait.ge [sflag:s7], $0x4000  }
0x13f: {  	[sflag:s7] =	ssyncset.done $0x0  }
0x140: {  	[sflag:s7] =	ssyncadd.s32 $0xFFFFC000  }
0x141: {  	_ =	swait.ge [sflag:s24], $0x4000  }
0x142: {  	[sflag:s24] =	ssyncset.done $0x0  }
0x143: {  	s22 =	rddreg [dreg:$0xc];
	[sflag:s24] =	ssyncadd.s32 $0xFFFFC000  }
0x144: {  	[tilespmem:s4], [sflag:$0x1] =	stream.linear.gather [hbm4b:s22+s4], $0x80, $0x38;
	[tilespmem:$0x18000] =	vst v63  }
0x145: {  	_ =	swait.ge [sflag:s10], $0x80  }
0x146: {  	[sflag:s10] =	ssyncset.done $0x0  }
0x147: {  	[sflag:s10] =	ssyncadd.s32 $0xFFFFFF80  }
0x148: {  	[spmem:s3] =	stream.indirect.scatter.add.f32 [tilespmem:s30], [sflag:$0x9], $0x80, s4, s0, $0xb8;
	[tilespmem:$0x18000] =	vst v63  }
0x149: {  	_ =	swait.ge [sflag:s19], $0x4000  }
0x14a: {  	[sflag:s19] =	ssyncset.done $0x0  }
0x14b: {  	s23 =	rddreg [dreg:$0xd];
	[sflag:s19] =	ssyncadd.s32 $0xFFFFC000  }
0x14c: {  	[tilespmem:s4], [sflag:$0x1] =	stream.linear.gather [hbm4b:s23+s4], $0x80, $0x38;
	[tilespmem:$0x18000] =	vst v63  }
0x14d: {  	_ =	swait.ge [sflag:s10], $0x80  }
0x14e: {  	[sflag:s10] =	ssyncset.done $0x0  }
0x14f: {  	[sflag:s10] =	ssyncadd.s32 $0xFFFFFF80  }
0x150: {  	[spmem:s3] =	stream.indirect.scatter.add.f32 [tilespmem:s30], [sflag:$0x9], $0x80, s4, s0, $0xb8;
	[tilespmem:$0x18000] =	vst v63  }
0x151: {  	_ =	swait.ge [sflag:s19], $0x4000  }
0x152: {  	[sflag:s19] =	ssyncset.done $0x0  }
0x153: {  	s25 =	rddreg [dreg:$0xe];
	[sflag:s19] =	ssyncadd.s32 $0xFFFFC000  }
0x154: {  	[tilespmem:s4], [sflag:$0x1] =	stream.linear.gather [hbm4b:s25+s4], $0x80, $0x38;
	[tilespmem:$0x18000] =	vst v63  }
0x155: {  	_ =	swait.ge [sflag:s10], $0x80  }
0x156: {  	[sflag:s10] =	ssyncset.done $0x0  }
0x157: {  	[sflag:s10] =	ssyncadd.s32 $0xFFFFFF80  }
0x158: {  	[spmem:s3] =	stream.indirect.scatter.add.f32 [tilespmem:s30], [sflag:$0x9], $0x80, s4, s0, $0xb8;
	[tilespmem:$0x18000] =	vst v63  }
0x159: {  	_ =	swait.ge [sflag:s19], $0x4000  }
0x15a: {  	[sflag:s19] =	ssyncset.done $0x0  }
0x15b: {  	s26 =	rddreg [dreg:$0xf];
	[sflag:s19] =	ssyncadd.s32 $0xFFFFC000  }
0x15c: {  	[tilespmem:s4], [sflag:$0x1] =	stream.linear.gather [hbm4b:s26+s4], $0x80, $0x38;
	[tilespmem:$0x18000] =	vst v63  }
0x15d: {  	_ =	swait.ge [sflag:s10], $0x80  }
0x15e: {  	[sflag:s10] =	ssyncset.done $0x0  }
0x15f: {  	[sflag:s10] =	ssyncadd.s32 $0xFFFFFF80  }
0x160: {  	[spmem:s3] =	stream.indirect.scatter.add.f32 [tilespmem:s30], [sflag:$0x9], $0x80, s4, s0, $0xb8;
	[tilespmem:$0x18000] =	vst v63  }
.Ltmp9:
0x161: {  	_ = 	snop;
	(pc) =	sbr.rel @p2 .LBB2_11-.Ltmp9, $4  }
.Ltmp10:
0x162: {  	_ = 	snop;
	(pc) =	sbr.rel @!p2 .LBB2_10-.Ltmp10, $4  }
0x163: {  	_ =	swait.ge [sflag:s19], $0x4000  }
0x164: {  	[sflag:s19] =	ssyncset.done $0x0;
	s6 =	rddreg [dreg:$0x10]  }
0x165: {  	s1 =	rddreg [dreg:$0x11];
	[sflag:s19] =	ssyncadd.s32 $0xFFFFC000  }
0x166: {  	_ = 	snop  }
.LBB2_12:
0x167: {  	_ =	sfence.sel $0x180000  }
0x168: {  	[bflag:$0x0] =	sbarrier.arrive $0xFFFF  }
0x169: {  	_ =	strace $0x90000047  }
0x16a: {  	s0 =	stileid.u32;
	[bflag:$0x2] =	sbarrier.arrive $0xFFFF  }
0x16b: {  	p0 =	sne.s32 s0, $0x0;
	s0 =	rddreg [dreg:$0x4]  }
0x16c: {  	s0 =	sadd.s32 @!p0 $0x100000, s0  }
0x16d: {  	[sflag:s0] =	ssyncadd.tile.s32 @!p0 $0x1;
	_ =	shalt  }
.Lfunc_end2:
_tile_overlayer_lowered:
.L_overlay_start_2:
0x16e: {  	(tag) =	ssettag $0x2  }
0x16f: {  	s0 =	rddreg [dreg:$0x0];
	s2 =	stileid.u32  }
0x170: {  	s1 =	rddreg [dreg:$0x1];
	p0 =	sne.s32 s2, $0x0  }
0x171: {  	s3 =	rddreg [dreg:$0x2];
	[bflag:$0x3] =	sbarrier.arrive $0xFFFF;
	s2 =	simm.s32 @!p0 $0x1C11  }
0x172: {  	[timem:s3], [sflag:s2] =	dma.local @!p0 [hbm:s0], s1  }
0x173: {  	s0 =	simm.s32 @!p0 $0x11  }
0x174: {  	_ =	swait.ge @!p0 [sflag:s0], s1  }
0x175: {  	s1 =	ssub.s32 @!p0 $0x0, s1;
	[sflag:s0] =	ssyncset.done @!p0 $0x0  }
0x176: {  	[sflag:s0] =	ssyncadd.s32 @!p0 s1  }
0x177: {  	[bflag:$0x3] =	sbarrier.arrive $0xFFFF  }
0x178: {  	_ =	shalt  }

</sc_bundles>
